<compile_context>
chip_gen: v7x
topology: tpu7x:2x2x1
jax: 0.10.2.dev20260603
libtpu: 0.0.44.dev20260713+nightly
codegen_flags: <defaults>
</compile_context>

<pallas_src>
import functools

import jax
import jax.numpy as jnp
from jax import lax
from jax.experimental import pallas as pl
from jax.experimental.pallas import tpu as pltpu
from jax.experimental.pallas import tpu_sc as plsc

N = 10000
E = 320000
D = 128
B = 64
C = 10

_NC = 2
_NS = 16
_NW = _NC * _NS
_EPW = E // _NW
_KS = 80
_RS = 4
_NBLK_S = _EPW // _KS
_KG = 80
_RV = 2
_RI = 4
_NBLK_G = _EPW // _KG
_PF = 2
_NOUT_S = (_NBLK_S + _PF + _RS - 1) // _RS
_NOUT_G = (_NBLK_G + 1 + _RI - 1) // _RI
_RPT = 624
_TAIL0 = _RPT * _NS
_TAIL = N - _TAIL0


def _rows_copy(src_ref, dst_ref, s):
    r0 = s * _RPT
    pltpu.sync_copy(src_ref.at[pl.ds(r0, _RPT)], dst_ref.at[pl.ds(r0, _RPT)])

    @pl.when(s == _NS - 1)
    def _():
        pltpu.sync_copy(src_ref.at[pl.ds(_TAIL0, _TAIL)],
                        dst_ref.at[pl.ds(_TAIL0, _TAIL)])


_ZR = 48


def _zero_acc(zb, acc, s):

    def zrow(r, carry):
        for c8 in range(D // 16):
            zb[r, pl.ds(c8 * 16, 16)] = jnp.zeros((16,), jnp.float32)
        return carry

    lax.fori_loop(0, _ZR, zrow, 0)
    r0 = s * _RPT
    for j in range(_RPT // _ZR):
        pltpu.sync_copy(zb, acc.at[pl.ds(r0 + j * _ZR, _ZR)])

    @pl.when(s == _NS - 1)
    def _():
        pltpu.sync_copy(zb.at[pl.ds(0, _TAIL)], acc.at[pl.ds(_TAIL0, _TAIL)])



_EBLK = 6400


def _edge_body(relu, ea_ref, w_ref, c_ref, out_ref):
    a = ea_ref[...].astype(jnp.bfloat16)
    w = w_ref[...].astype(jnp.bfloat16)
    dn = (((0,), (0,)), ((), ()))
    t = lax.dot_general(a, w, dn, preferred_element_type=jnp.float32)
    t = t + c_ref[...]
    out_ref[...] = jnp.maximum(t, 0.0) if relu else t


def _edge_embed(ea_t, w, c, relu):
    return pl.pallas_call(
        functools.partial(_edge_body, relu),
        grid=(E // _EBLK,),
        in_specs=[
            pl.BlockSpec((7, _EBLK), lambda i: (0, i)),
            pl.BlockSpec((7, D), lambda i: (0, 0)),
            pl.BlockSpec((1, D), lambda i: (0, 0)),
        ],
        out_specs=pl.BlockSpec((_EBLK, D), lambda i: (i, 0)),
        out_shape=jax.ShapeDtypeStruct((E, D), jnp.float32),
    )(ea_t, w, c)



def _sc_scatter_add(vals, dst):
    mesh = plsc.VectorSubcoreMesh(core_axis_name="c", subcore_axis_name="s")
    scratch = ([pltpu.VMEM((_KS, D), jnp.float32)] * _RS +
               [pltpu.VMEM((_KS,), jnp.int32)] * _RS +
               [pltpu.VMEM((_ZR, D), jnp.float32)] +
               [pltpu.VMEM_SHARED((N, D), jnp.float32)] +
               [pltpu.SemaphoreType.DMA] * (3 * _RS))

    @functools.partial(
        pl.kernel,
        mesh=mesh,
        out_type=jax.ShapeDtypeStruct((_NC, N, D), jnp.float32),
        scratch_types=scratch,
    )
    def k(vals_hbm, dst_hbm, out_hbm, *sc):
        vb = sc[0:_RS]
        ib = sc[_RS:2 * _RS]
        zb = sc[2 * _RS]
        acc = sc[2 * _RS + 1]
        sv = sc[2 * _RS + 2:3 * _RS + 2]
        si = sc[3 * _RS + 2:4 * _RS + 2]
        sw = sc[4 * _RS + 2:5 * _RS + 2]
        c = lax.axis_index("c")
        s = lax.axis_index("s")
        wid = s * _NC + c
        _zero_acc(zb, acc, s)
        plsc.subcore_barrier()
        e0 = wid * _EPW

        def loads(b, e):
            pltpu.async_copy(vals_hbm.at[pl.ds(e, _KS)], vb[b], sv[b])
            pltpu.async_copy(dst_hbm.at[pl.ds(e, _KS)], ib[b], si[b])

        for b in range(_PF):
            loads(b, e0 + b * _KS)

        def outer(o, carry):
            for b in range(_RS):
                j = o * _RS + b
                bf = (b + _PF) % _RS

                @pl.when(jnp.logical_and(j >= _PF, j < _NBLK_S + _PF))
                def _(bf=bf):
                    pltpu.make_async_copy(vb[bf], acc.at[ib[bf]],
                                          sw[bf]).wait()

                @pl.when(j + _PF < _NBLK_S)
                def _(bf=bf, j=j):
                    loads(bf, e0 + (j + _PF) * _KS)

                @pl.when(j < _NBLK_S)
                def _(b=b):
                    pltpu.make_async_copy(
                        vals_hbm.at[pl.ds(0, _KS)], vb[b], sv[b]).wait()
                    pltpu.make_async_copy(
                        dst_hbm.at[pl.ds(0, _KS)], ib[b], si[b]).wait()
                    pltpu.async_copy(vb[b], acc.at[ib[b]], sw[b], add=True)
            return carry

        lax.fori_loop(0, _NOUT_S, outer, 0)
        plsc.subcore_barrier()
        _rows_copy(acc, out_hbm.at[c], s)

    return k(vals, dst)


def _sc_gather_msg_scatter(h, eemb, src, dst):
    mesh = plsc.VectorSubcoreMesh(core_axis_name="c", subcore_axis_name="s")
    scratch = ([pltpu.VMEM((_KG, D), jnp.float32)] * (2 * _RV) +
               [pltpu.VMEM((_KG,), jnp.int32)] * (2 * _RI) +
               [pltpu.VMEM((_ZR, D), jnp.float32)] +
               [pltpu.VMEM_SHARED((N, D), jnp.float32)] +
               [pltpu.SemaphoreType.DMA] * (3 * _RV + 2 * _RI))

    @functools.partial(
        pl.kernel,
        mesh=mesh,
        out_type=jax.ShapeDtypeStruct((_NC, N, D), jnp.float32),
        scratch_types=scratch,
    )
    def k(h_hbm, eemb_hbm, src_hbm, dst_hbm, out_hbm, *sc):
        eb = sc[0:_RV]
        gb = sc[_RV:2 * _RV]
        isb = sc[2 * _RV:2 * _RV + _RI]
        idb = sc[2 * _RV + _RI:2 * _RV + 2 * _RI]
        zb = sc[2 * _RV + 2 * _RI]
        acc = sc[2 * _RV + 2 * _RI + 1]
        p = 2 * _RV + 2 * _RI + 2
        se = sc[p:p + _RV]
        sg = sc[p + _RV:p + 2 * _RV]
        sw = sc[p + 2 * _RV:p + 3 * _RV]
        ss = sc[p + 3 * _RV:p + 3 * _RV + _RI]
        sd = sc[p + 3 * _RV + _RI:p + 3 * _RV + 2 * _RI]
        c = lax.axis_index("c")
        s = lax.axis_index("s")
        wid = s * _NC + c
        _zero_acc(zb, acc, s)
        plsc.subcore_barrier()
        e0 = wid * _EPW

        def idx_loads(q, e):
            pltpu.async_copy(src_hbm.at[pl.ds(e, _KG)], isb[q], ss[q])
            pltpu.async_copy(dst_hbm.at[pl.ds(e, _KG)], idb[q], sd[q])

        idx_loads(0, e0)
        idx_loads(1, e0 + _KG)
        pltpu.async_copy(eemb_hbm.at[pl.ds(e0, _KG)], eb[0], se[0])
        pltpu.make_async_copy(src_hbm.at[pl.ds(0, _KG)], isb[0], ss[0]).wait()
        pltpu.async_copy(h_hbm.at[isb[0]], gb[0], sg[0])

        def outer(o, carry):
            for b4 in range(_RI):
                j = o * _RI + b4
                b = b4 % _RV
                bn = (b + 1) % _RV
                q = b4
                q1 = (b4 + 1) % _RI
                q2 = (b4 + 2) % _RI
                q3 = (b4 + 3) % _RI

                @pl.when(jnp.logical_and(j >= 1, j < _NBLK_G + 1))
                def _(bn=bn, q3=q3):
                    pltpu.make_async_copy(eb[bn], acc.at[idb[q3]],
                                          sw[bn]).wait()

                @pl.when(j + 1 < _NBLK_G)
                def _(bn=bn, q1=q1, j=j):
                    pltpu.make_async_copy(
                        src_hbm.at[pl.ds(0, _KG)], isb[q1], ss[q1]).wait()
                    pltpu.async_copy(h_hbm.at[isb[q1]], gb[bn], sg[bn])
                    pltpu.async_copy(
                        eemb_hbm.at[pl.ds(e0 + (j + 1) * _KG, _KG)],
                        eb[bn], se[bn])

                @pl.when(j + 2 < _NBLK_G)
                def _(q2=q2, j=j):
                    idx_loads(q2, e0 + (j + 2) * _KG)

                @pl.when(j < _NBLK_G)
                def _(b=b, q=q):
                    pltpu.make_async_copy(
                        eemb_hbm.at[pl.ds(0, _KG)], eb[b], se[b]).wait()
                    pltpu.make_async_copy(
                        h_hbm.at[isb[q]], gb[b], sg[b]).wait()

                    @plsc.parallel_loop(0, _KG, unroll=4)
                    def row(r, b=b):
                        for c8 in range(D // 16):
                            sl = pl.ds(c8 * 16, 16)
                            eb[b][r, sl] = jnp.maximum(
                                eb[b][r, sl] + gb[b][r, sl], 0.0)

                    pltpu.make_async_copy(
                        dst_hbm.at[pl.ds(0, _KG)], idb[q], sd[q]).wait()
                    pltpu.async_copy(eb[b], acc.at[idb[q]], sw[b], add=True)
            return carry

        lax.fori_loop(0, _NOUT_G, outer, 0)
        plsc.subcore_barrier()
        _rows_copy(acc, out_hbm.at[c], s)

    return k(h, eemb, src, dst)



def _bn_tc(t, g, b):
    m = jnp.mean(t, axis=0, keepdims=True)
    d = t - m
    v = jnp.mean(d * d, axis=0, keepdims=True)
    return d * jax.lax.rsqrt(v + 1e-5) * g + b


def _mlp_body(final_relu, agg_ref, h_ref, sc_ref, w1_ref, b1_ref, g1_ref,
              t1_ref, w2_ref, b2_ref, g2_ref, t2_ref, out_ref):
    pre = (agg_ref[0] + agg_ref[1]) + sc_ref[0, 0] * h_ref[...]
    t = jnp.dot(pre, w1_ref[...], preferred_element_type=jnp.float32)
    t = jnp.maximum(_bn_tc(t + b1_ref[...], g1_ref[...], t1_ref[...]), 0.0)
    t = jnp.dot(t, w2_ref[...], preferred_element_type=jnp.float32)
    t = _bn_tc(t + b2_ref[...], g2_ref[...], t2_ref[...])
    if final_relu:
        t = jnp.maximum(t, 0.0)
    out_ref[...] = t


def _mlp(agg, h, scale, w1, b1, g1, t1, w2, b2, g2, t2, final_relu):
    nsmem = pl.BlockSpec(memory_space=pltpu.SMEM)
    args = (agg, h, scale, w1, b1, g1, t1, w2, b2, g2, t2)
    in_specs = [nsmem if a is scale else pl.BlockSpec(a.shape, None)
                for a in args]
    return pl.pallas_call(
        functools.partial(_mlp_body, final_relu),
        in_specs=in_specs,
        out_shape=jax.ShapeDtypeStruct((N, D), jnp.float32),
    )(*args)


def _mlp_pool_body(agg_ref, h_ref, sc_ref, w1_ref, b1_ref, g1_ref, t1_ref,
                   w2_ref, b2_ref, g2_ref, t2_ref, batch_ref, wp1_ref,
                   bp1_ref, wp_ref, bp_ref, out_ref, g_ref, hn_ref):
    pre = (agg_ref[0] + agg_ref[1]) + sc_ref[0, 0] * h_ref[...]
    t = jnp.dot(pre, w1_ref[...], preferred_element_type=jnp.float32)
    t = jnp.maximum(_bn_tc(t + b1_ref[...], g1_ref[...], t1_ref[...]), 0.0)
    t = jnp.dot(t, w2_ref[...], preferred_element_type=jnp.float32)
    hn = _bn_tc(t + b2_ref[...], g2_ref[...], t2_ref[...])
    hn_ref[...] = hn
    iota = lax.broadcasted_iota(jnp.int32, (N, B), 1)
    oh = (batch_ref[...] == iota).astype(jnp.float32)
    dn = (((0,), (0,)), ((), ()))
    sums = lax.dot_general(oh, hn, dn, preferred_element_type=jnp.float32)
    cnt = lax.dot_general(oh, jnp.ones((N, 1), jnp.float32), dn,
                          preferred_element_type=jnp.float32)
    hg = sums / jnp.maximum(cnt, 1.0)
    gg = jnp.maximum(hg, 0.0)
    gg = jnp.dot(gg, wp1_ref[...], preferred_element_type=jnp.float32)
    gg = jnp.maximum(gg + bp1_ref[...], 0.0)
    g_ref[...] = gg
    out = jnp.dot(gg, wp_ref[...], preferred_element_type=jnp.float32)
    out_ref[...] = out + bp_ref[...]


def _mlp_pool(agg, h, scale, w1, b1, g1, t1, w2, b2, g2, t2,
              batch2d, wp1, bp1, wp, bp):
    nsmem = pl.BlockSpec(memory_space=pltpu.SMEM)
    args = (agg, h, scale, w1, b1, g1, t1, w2, b2, g2, t2,
            batch2d, wp1, bp1, wp, bp)
    in_specs = [nsmem if a is scale else pl.BlockSpec(a.shape, None)
                for a in args]
    return pl.pallas_call(
        _mlp_pool_body,
        in_specs=in_specs,
        out_shape=[
            jax.ShapeDtypeStruct((B, C), jnp.float32),
            jax.ShapeDtypeStruct((B, D), jnp.float32),
            jax.ShapeDtypeStruct((N, D), jnp.float32),
        ],
    )(*args)



def kernel(x, edge_index, edge_attr, batch, node_table, We, be, eps,
           W1, b1, g1, bt1, W2, b2, g2, bt2, Wp1, bp1, Wp, bp):
    f32 = jnp.float32
    src = edge_index[0].astype(jnp.int32)
    dst = edge_index[1].astype(jnp.int32)
    w0 = We[0]
    w1e = We[1]
    c0 = node_table + be[0][None, :]
    c1 = be[1][None, :]
    batch2d = batch.astype(jnp.int32)[:, None]

    ea_t = edge_attr.T
    msg0 = _edge_embed(ea_t, w0, c0, relu=True)
    agg0 = _sc_scatter_add(msg0, dst)
    eemb1 = _edge_embed(ea_t, w1e, c1, relu=False)
    sc0 = (1.0 + eps[0]).astype(f32).reshape(1, 1)
    h1 = _mlp(agg0, node_table, sc0, W1[0], b1[0][None], g1[0][None],
              bt1[0][None], W2[0], b2[0][None], g2[0][None], bt2[0][None],
              final_relu=True)
    agg1 = _sc_gather_msg_scatter(h1, eemb1, src, dst)
    sc1 = (1.0 + eps[1]).astype(f32).reshape(1, 1)
    out, g, h_node = _mlp_pool(
        agg1, h1, sc1, W1[1], b1[1][None], g1[1][None], bt1[1][None],
        W2[1], b2[1][None], g2[1][None], bt2[1][None],
        batch2d, Wp1, bp1[None], Wp, bp[None])
    return out, g, h_node

# --- scband reference (transcript-rebuilt; emitter-appended) ---
"""Pipeline reference for scband-gnn-34402688041506 (READ-ONLY COPY).

The authoritative reference and input builder live on the scoring server;
editing this copy changes nothing except your own understanding.
"""

import jax, jax.numpy as jnp
import numpy as np

N = 10000
E = 320000
D = 128
L = 2
B = 64
C = 10


def _bn(x, g, b):
    m = jnp.mean(x, axis=0)
    v = jnp.var(x, axis=0)
    return (x - m) / jnp.sqrt(v + 1e-5) * g + b


def setup_inputs(seed: int = 0):
    key = jax.random.key(seed)
    ks = jax.random.split(key, 12)
    inp = {}
    inp["x"] = jax.random.randint(ks[0], (N,), 0, 1)
    inp["edge_index"] = jax.random.randint(ks[1], (2, E), 0, N)
    inp["edge_attr"] = jax.random.uniform(ks[2], (E, 7), dtype=jnp.float32)
    inp["batch"] = jnp.sort(jax.random.randint(ks[3], (N,), 0, B))
    inp["node_table"] = jax.random.normal(ks[4], (1, D), dtype=jnp.float32) * 0.02
    inp["We"] = jax.random.normal(ks[5], (L, 7, D), dtype=jnp.float32) * (1.0 / np.sqrt(7.0))
    inp["be"] = jnp.zeros((L, D), jnp.float32)
    inp["eps"] = jnp.zeros((L,), jnp.float32)
    inp["W1"] = jax.random.normal(ks[6], (L, D, D), dtype=jnp.float32) * (1.0 / np.sqrt(D))
    inp["b1"] = jnp.zeros((L, D), jnp.float32)
    inp["g1"] = jnp.ones((L, D), jnp.float32)
    inp["bt1"] = jnp.zeros((L, D), jnp.float32)
    inp["W2"] = jax.random.normal(ks[7], (L, D, D), dtype=jnp.float32) * (1.0 / np.sqrt(D))
    inp["b2"] = jnp.zeros((L, D), jnp.float32)
    inp["g2"] = jnp.ones((L, D), jnp.float32)
    inp["bt2"] = jnp.zeros((L, D), jnp.float32)
    inp["Wp1"] = jax.random.normal(ks[8], (D, D), dtype=jnp.float32) * (1.0 / np.sqrt(D))
    inp["bp1"] = jnp.zeros((D,), jnp.float32)
    inp["Wp"] = jax.random.normal(ks[9], (D, C), dtype=jnp.float32) * (1.0 / np.sqrt(D))
    inp["bp"] = jnp.zeros((C,), jnp.float32)
    return inp


def _forward(x, edge_index, edge_attr, batch, node_table, We, be, eps, W1, b1, g1, bt1, W2, b2, g2, bt2, Wp1, bp1, Wp, bp):
    src = edge_index[0]
    dst = edge_index[1]
    h = node_table[x]
    for l in range(L):
        edge_emb = edge_attr @ We[l] + be[l]
        msg = jax.nn.relu(h[src] + edge_emb)
        agg = jax.ops.segment_sum(msg, dst, num_segments=N)
        pre = (1.0 + eps[l]) * h + agg
        t = pre @ W1[l] + b1[l]
        t = jax.nn.relu(_bn(t, g1[l], bt1[l]))
        t = t @ W2[l] + b2[l]
        h = _bn(t, g2[l], bt2[l])
        if l < L - 1:
            h = jax.nn.relu(h)
    h_node = h
    sums = jax.ops.segment_sum(h_node, batch, num_segments=B)
    cnt = jax.ops.segment_sum(jnp.ones((N,), jnp.float32), batch, num_segments=B)
    h_graph = sums / jnp.maximum(cnt, 1.0)[:, None]
    g = jax.nn.relu(h_graph)
    g = jax.nn.relu(g @ Wp1 + bp1)
    out = g @ Wp + bp
    return (out, g, h_node)


def reference(x, edge_index, edge_attr, batch, node_table, We, be, eps, W1, b1, g1, bt1, W2, b2, g2, bt2, Wp1, bp1, Wp, bp):
    return _forward(x, edge_index, edge_attr, batch, node_table, We, be, eps, W1, b1, g1, bt1, W2, b2, g2, bt2, Wp1, bp1, Wp, bp)

if __name__ == "__main__":
    import jax
    _d = setup_inputs()
    print(jax.jit(kernel)(*tuple(_d.values())))

</pallas_src>

<mosaic_0001>
#map = affine_map<(d0, d1) -> (0, 0)>
#map1 = affine_map<(d0, d1) -> (0)>
#map2 = affine_map<(d0, d1) -> (0, 0, 0)>
module attributes {stable_mosaic.version = 14 : i64} {
  func.func @k(%arg0: i32, %arg1: i32, %arg2: memref<320000x128xf32, #tpu.memory_space<hbm>>, %arg3: memref<320000xi32, #tpu.memory_space<hbm>>, %arg4: memref<2x10000x128xf32, #tpu.memory_space<hbm>>, %arg5: memref<80x128xf32, #tpu.memory_space<vmem>>, %arg6: memref<80x128xf32, #tpu.memory_space<vmem>>, %arg7: memref<80x128xf32, #tpu.memory_space<vmem>>, %arg8: memref<80x128xf32, #tpu.memory_space<vmem>>, %arg9: memref<80xi32, #tpu.memory_space<vmem>>, %arg10: memref<80xi32, #tpu.memory_space<vmem>>, %arg11: memref<80xi32, #tpu.memory_space<vmem>>, %arg12: memref<80xi32, #tpu.memory_space<vmem>>, %arg13: memref<48x128xf32, #tpu.memory_space<vmem>>, %arg14: memref<10000x128xf32, #tpu.memory_space<vmem_shared>>, %arg15: memref<!tpu.dma_semaphore, #tpu.memory_space<semaphore_mem>>, %arg16: memref<!tpu.dma_semaphore, #tpu.memory_space<semaphore_mem>>, %arg17: memref<!tpu.dma_semaphore, #tpu.memory_space<semaphore_mem>>, %arg18: memref<!tpu.dma_semaphore, #tpu.memory_space<semaphore_mem>>, %arg19: memref<!tpu.dma_semaphore, #tpu.memory_space<semaphore_mem>>, %arg20: memref<!tpu.dma_semaphore, #tpu.memory_space<semaphore_mem>>, %arg21: memref<!tpu.dma_semaphore, #tpu.memory_space<semaphore_mem>>, %arg22: memref<!tpu.dma_semaphore, #tpu.memory_space<semaphore_mem>>, %arg23: memref<!tpu.dma_semaphore, #tpu.memory_space<semaphore_mem>>, %arg24: memref<!tpu.dma_semaphore, #tpu.memory_space<semaphore_mem>>, %arg25: memref<!tpu.dma_semaphore, #tpu.memory_space<semaphore_mem>>, %arg26: memref<!tpu.dma_semaphore, #tpu.memory_space<semaphore_mem>>) attributes {dimension_semantics = [#tpu.dimension_semantics<core_parallel>, #tpu.dimension_semantics<subcore_parallel>], iteration_bounds = array<i64: 2, 16>, scalar_prefetch = 0 : i64, scratch_operands = 22 : i64, tpu.core_type = #tpu.core_type<sc_vector_subcore>, window_params = [{transform_indices = #map}, {transform_indices = #map1}, {transform_indices = #map2}]} {
    %mul3A = arith.constant 2 : i32
    %mul3A_0 = arith.muli %arg1, %mul3A : i32
    %add3A = arith.addi %mul3A_0, %arg0 : i32
    %scan3A = arith.constant 0 : i32
    %scan3A_1 = arith.constant 0 : i32
    %scan3A_2 = arith.constant 48 : i32
    %scan3A_3 = arith.addi %scan3A_1, %scan3A_2 : i32
    %scan3A_4 = arith.constant 1 : i32
    scf.for %scan3A_67 = %scan3A_1 to %scan3A_3 step %scan3A_4  : i32 {
      %broadcast_in_dim3A = arith.constant 0.000000e+00 : f32
      %broadcast_in_dim3A_68 = vector.broadcast %broadcast_in_dim3A : f32 to vector<16xf32>
      %swap3A = arith.index_cast %scan3A_67 : i32 to index
      %swap3A_69 = arith.constant 0 : index
      %swap3A_70 = tpu.vector_load %arg13[%swap3A, %swap3A_69] {strides = array<i32>} : memref<48x128xf32, #tpu.memory_space<vmem>>, vector<1x16xf32>,
      %swap3A_71 = vector.shape_cast %swap3A_70 : vector<1x16xf32> to vector<16xf32>
      %swap3A_72 = vector.shape_cast %broadcast_in_dim3A_68 : vector<16xf32> to vector<1x16xf32>
      tpu.vector_store %arg13[%swap3A, %swap3A_69], %swap3A_72 {strides = array<i32>} : memref<48x128xf32, #tpu.memory_space<vmem>>, vector<1x16xf32>,
      %broadcast_in_dim3A_73 = arith.constant 0.000000e+00 : f32
      %broadcast_in_dim3A_74 = vector.broadcast %broadcast_in_dim3A_73 : f32 to vector<16xf32>
      %swap3A_75 = arith.index_cast %scan3A_67 : i32 to index
      %swap3A_76 = arith.constant 16 : index
      %swap3A_77 = tpu.vector_load %arg13[%swap3A_75, %swap3A_76] {strides = array<i32>} : memref<48x128xf32, #tpu.memory_space<vmem>>, vector<1x16xf32>,
      %swap3A_78 = vector.shape_cast %swap3A_77 : vector<1x16xf32> to vector<16xf32>
      %swap3A_79 = vector.shape_cast %broadcast_in_dim3A_74 : vector<16xf32> to vector<1x16xf32>
      tpu.vector_store %arg13[%swap3A_75, %swap3A_76], %swap3A_79 {strides = array<i32>} : memref<48x128xf32, #tpu.memory_space<vmem>>, vector<1x16xf32>,
      %broadcast_in_dim3A_80 = arith.constant 0.000000e+00 : f32
      %broadcast_in_dim3A_81 = vector.broadcast %broadcast_in_dim3A_80 : f32 to vector<16xf32>
      %swap3A_82 = arith.index_cast %scan3A_67 : i32 to index
      %swap3A_83 = arith.constant 32 : index
      %swap3A_84 = tpu.vector_load %arg13[%swap3A_82, %swap3A_83] {strides = array<i32>} : memref<48x128xf32, #tpu.memory_space<vmem>>, vector<1x16xf32>,
      %swap3A_85 = vector.shape_cast %swap3A_84 : vector<1x16xf32> to vector<16xf32>
      %swap3A_86 = vector.shape_cast %broadcast_in_dim3A_81 : vector<16xf32> to vector<1x16xf32>
      tpu.vector_store %arg13[%swap3A_82, %swap3A_83], %swap3A_86 {strides = array<i32>} : memref<48x128xf32, #tpu.memory_space<vmem>>, vector<1x16xf32>,
      %broadcast_in_dim3A_87 = arith.constant 0.000000e+00 : f32
      %broadcast_in_dim3A_88 = vector.broadcast %broadcast_in_dim3A_87 : f32 to vector<16xf32>
      %swap3A_89 = arith.index_cast %scan3A_67 : i32 to index
      %swap3A_90 = arith.constant 48 : index
      %swap3A_91 = tpu.vector_load %arg13[%swap3A_89, %swap3A_90] {strides = array<i32>} : memref<48x128xf32, #tpu.memory_space<vmem>>, vector<1x16xf32>,
      %swap3A_92 = vector.shape_cast %swap3A_91 : vector<1x16xf32> to vector<16xf32>
      %swap3A_93 = vector.shape_cast %broadcast_in_dim3A_88 : vector<16xf32> to vector<1x16xf32>
      tpu.vector_store %arg13[%swap3A_89, %swap3A_90], %swap3A_93 {strides = array<i32>} : memref<48x128xf32, #tpu.memory_space<vmem>>, vector<1x16xf32>,
      %broadcast_in_dim3A_94 = arith.constant 0.000000e+00 : f32
      %broadcast_in_dim3A_95 = vector.broadcast %broadcast_in_dim3A_94 : f32 to vector<16xf32>
      %swap3A_96 = arith.index_cast %scan3A_67 : i32 to index
      %swap3A_97 = arith.constant 64 : index
      %swap3A_98 = tpu.vector_load %arg13[%swap3A_96, %swap3A_97] {strides = array<i32>} : memref<48x128xf32, #tpu.memory_space<vmem>>, vector<1x16xf32>,
      %swap3A_99 = vector.shape_cast %swap3A_98 : vector<1x16xf32> to vector<16xf32>
      %swap3A_100 = vector.shape_cast %broadcast_in_dim3A_95 : vector<16xf32> to vector<1x16xf32>
      tpu.vector_store %arg13[%swap3A_96, %swap3A_97], %swap3A_100 {strides = array<i32>} : memref<48x128xf32, #tpu.memory_space<vmem>>, vector<1x16xf32>,
      %broadcast_in_dim3A_101 = arith.constant 0.000000e+00 : f32
      %broadcast_in_dim3A_102 = vector.broadcast %broadcast_in_dim3A_101 : f32 to vector<16xf32>
      %swap3A_103 = arith.index_cast %scan3A_67 : i32 to index
      %swap3A_104 = arith.constant 80 : index
      %swap3A_105 = tpu.vector_load %arg13[%swap3A_103, %swap3A_104] {strides = array<i32>} : memref<48x128xf32, #tpu.memory_space<vmem>>, vector<1x16xf32>,
      %swap3A_106 = vector.shape_cast %swap3A_105 : vector<1x16xf32> to vector<16xf32>
      %swap3A_107 = vector.shape_cast %broadcast_in_dim3A_102 : vector<16xf32> to vector<1x16xf32>
      tpu.vector_store %arg13[%swap3A_103, %swap3A_104], %swap3A_107 {strides = array<i32>} : memref<48x128xf32, #tpu.memory_space<vmem>>, vector<1x16xf32>,
      %broadcast_in_dim3A_108 = arith.constant 0.000000e+00 : f32
      %broadcast_in_dim3A_109 = vector.broadcast %broadcast_in_dim3A_108 : f32 to vector<16xf32>
      %swap3A_110 = arith.index_cast %scan3A_67 : i32 to index
      %swap3A_111 = arith.constant 96 : index
      %swap3A_112 = tpu.vector_load %arg13[%swap3A_110, %swap3A_111] {strides = array<i32>} : memref<48x128xf32, #tpu.memory_space<vmem>>, vector<1x16xf32>,
      %swap3A_113 = vector.shape_cast %swap3A_112 : vector<1x16xf32> to vector<16xf32>
      %swap3A_114 = vector.shape_cast %broadcast_in_dim3A_109 : vector<16xf32> to vector<1x16xf32>
      tpu.vector_store %arg13[%swap3A_110, %swap3A_111], %swap3A_114 {strides = array<i32>} : memref<48x128xf32, #tpu.memory_space<vmem>>, vector<1x16xf32>,
      %broadcast_in_dim3A_115 = arith.constant 0.000000e+00 : f32
      %broadcast_in_dim3A_116 = vector.broadcast %broadcast_in_dim3A_115 : f32 to vector<16xf32>
      %swap3A_117 = arith.index_cast %scan3A_67 : i32 to index
      %swap3A_118 = arith.constant 112 : index
      %swap3A_119 = tpu.vector_load %arg13[%swap3A_117, %swap3A_118] {strides = array<i32>} : memref<48x128xf32, #tpu.memory_space<vmem>>, vector<1x16xf32>,
      %swap3A_120 = vector.shape_cast %swap3A_119 : vector<1x16xf32> to vector<16xf32>
      %swap3A_121 = vector.shape_cast %broadcast_in_dim3A_116 : vector<16xf32> to vector<1x16xf32>
      tpu.vector_store %arg13[%swap3A_117, %swap3A_118], %swap3A_121 {strides = array<i32>} : memref<48x128xf32, #tpu.memory_space<vmem>>, vector<1x16xf32>,
    }
    %scan3A_5 = arith.constant 48 : i32
    %mul3A_6 = arith.constant 624 : i32
    %mul3A_7 = arith.muli %arg1, %mul3A_6 : i32
    %add3A_8 = arith.constant 0 : i32
    %add3A_9 = arith.addi %mul3A_7, %add3A_8 : i32
    "tpu.region"() ({
      %run_scoped3A = tpu.sem_alloc : memref<!tpu.dma_semaphore, #tpu.memory_space<semaphore_mem>>
      %dma_start3A_67 = arith.constant 0 : i32
      %dma_start3A_68 = tpu.memref_slice %arg14[%add3A_9, %dma_start3A_67] : memref<10000x128xf32, #tpu.memory_space<vmem_shared>> -> memref<48x128xf32, #tpu.memory_space<vmem_shared>>
      %dma_start3A_69 = arith.constant 0 : i32
      %dma_start3A_70 = tpu.memref_slice %arg14[%add3A_9, %dma_start3A_69] : memref<10000x128xf32, #tpu.memory_space<vmem_shared>> -> memref<48x128xf32, #tpu.memory_space<vmem_shared>>
      tpu.enqueue_dma source(%arg13 : memref<48x128xf32, #tpu.memory_space<vmem>>) target(%dma_start3A_70 : memref<48x128xf32, #tpu.memory_space<vmem_shared>>) target_semaphore(%run_scoped3A : memref<!tpu.dma_semaphore, #tpu.memory_space<semaphore_mem>>)
      %dma_wait3A = arith.constant 0 : i32
      %dma_wait3A_71 = tpu.memref_slice %arg14[%add3A_9, %dma_wait3A] : memref<10000x128xf32, #tpu.memory_space<vmem_shared>> -> memref<48x128xf32, #tpu.memory_space<vmem_shared>>
      %dma_wait3A_72 = arith.constant 0 : i32
      %dma_wait3A_73 = tpu.memref_slice %arg14[%add3A_9, %dma_wait3A_72] : memref<10000x128xf32, #tpu.memory_space<vmem_shared>> -> memref<48x128xf32, #tpu.memory_space<vmem_shared>>
      tpu.wait_dma2 semaphore(%run_scoped3A : memref<!tpu.dma_semaphore, #tpu.memory_space<semaphore_mem>>) src(%arg13 : memref<48x128xf32, #tpu.memory_space<vmem>>) dst(%dma_wait3A_73 : memref<48x128xf32, #tpu.memory_space<vmem_shared>>)
      tpu.yield
    }) : () -> ()
    %add3A_10 = arith.constant 48 : i32
    %add3A_11 = arith.addi %mul3A_7, %add3A_10 : i32
    "tpu.region"() ({
      %run_scoped3A = tpu.sem_alloc : memref<!tpu.dma_semaphore, #tpu.memory_space<semaphore_mem>>
      %dma_start3A_67 = arith.constant 0 : i32
      %dma_start3A_68 = tpu.memref_slice %arg14[%add3A_11, %dma_start3A_67] : memref<10000x128xf32, #tpu.memory_space<vmem_shared>> -> memref<48x128xf32, #tpu.memory_space<vmem_shared>>
      %dma_start3A_69 = arith.constant 0 : i32
      %dma_start3A_70 = tpu.memref_slice %arg14[%add3A_11, %dma_start3A_69] : memref<10000x128xf32, #tpu.memory_space<vmem_shared>> -> memref<48x128xf32, #tpu.memory_space<vmem_shared>>
      tpu.enqueue_dma source(%arg13 : memref<48x128xf32, #tpu.memory_space<vmem>>) target(%dma_start3A_70 : memref<48x128xf32, #tpu.memory_space<vmem_shared>>) target_semaphore(%run_scoped3A : memref<!tpu.dma_semaphore, #tpu.memory_space<semaphore_mem>>)
      %dma_wait3A = arith.constant 0 : i32
      %dma_wait3A_71 = tpu.memref_slice %arg14[%add3A_11, %dma_wait3A] : memref<10000x128xf32, #tpu.memory_space<vmem_shared>> -> memref<48x128xf32, #tpu.memory_space<vmem_shared>>
      %dma_wait3A_72 = arith.constant 0 : i32
      %dma_wait3A_73 = tpu.memref_slice %arg14[%add3A_11, %dma_wait3A_72] : memref<10000x128xf32, #tpu.memory_space<vmem_shared>> -> memref<48x128xf32, #tpu.memory_space<vmem_shared>>
      tpu.wait_dma2 semaphore(%run_scoped3A : memref<!tpu.dma_semaphore, #tpu.memory_space<semaphore_mem>>) src(%arg13 : memref<48x128xf32, #tpu.memory_space<vmem>>) dst(%dma_wait3A_73 : memref<48x128xf32, #tpu.memory_space<vmem_shared>>)
      tpu.yield
    }) : () -> ()
    %add3A_12 = arith.constant 96 : i32
    %add3A_13 = arith.addi %mul3A_7, %add3A_12 : i32
    "tpu.region"() ({
      %run_scoped3A = tpu.sem_alloc : memref<!tpu.dma_semaphore, #tpu.memory_space<semaphore_mem>>
      %dma_start3A_67 = arith.constant 0 : i32
      %dma_start3A_68 = tpu.memref_slice %arg14[%add3A_13, %dma_start3A_67] : memref<10000x128xf32, #tpu.memory_space<vmem_shared>> -> memref<48x128xf32, #tpu.memory_space<vmem_shared>>
      %dma_start3A_69 = arith.constant 0 : i32
      %dma_start3A_70 = tpu.memref_slice %arg14[%add3A_13, %dma_start3A_69] : memref<10000x128xf32, #tpu.memory_space<vmem_shared>> -> memref<48x128xf32, #tpu.memory_space<vmem_shared>>
      tpu.enqueue_dma source(%arg13 : memref<48x128xf32, #tpu.memory_space<vmem>>) target(%dma_start3A_70 : memref<48x128xf32, #tpu.memory_space<vmem_shared>>) target_semaphore(%run_scoped3A : memref<!tpu.dma_semaphore, #tpu.memory_space<semaphore_mem>>)
      %dma_wait3A = arith.constant 0 : i32
      %dma_wait3A_71 = tpu.memref_slice %arg14[%add3A_13, %dma_wait3A] : memref<10000x128xf32, #tpu.memory_space<vmem_shared>> -> memref<48x128xf32, #tpu.memory_space<vmem_shared>>
      %dma_wait3A_72 = arith.constant 0 : i32
      %dma_wait3A_73 = tpu.memref_slice %arg14[%add3A_13, %dma_wait3A_72] : memref<10000x128xf32, #tpu.memory_space<vmem_shared>> -> memref<48x128xf32, #tpu.memory_space<vmem_shared>>
      tpu.wait_dma2 semaphore(%run_scoped3A : memref<!tpu.dma_semaphore, #tpu.memory_space<semaphore_mem>>) src(%arg13 : memref<48x128xf32, #tpu.memory_space<vmem>>) dst(%dma_wait3A_73 : memref<48x128xf32, #tpu.memory_space<vmem_shared>>)
      tpu.yield
    }) : () -> ()
    %add3A_14 = arith.constant 144 : i32
    %add3A_15 = arith.addi %mul3A_7, %add3A_14 : i32
    "tpu.region"() ({
      %run_scoped3A = tpu.sem_alloc : memref<!tpu.dma_semaphore, #tpu.memory_space<semaphore_mem>>
      %dma_start3A_67 = arith.constant 0 : i32
      %dma_start3A_68 = tpu.memref_slice %arg14[%add3A_15, %dma_start3A_67] : memref<10000x128xf32, #tpu.memory_space<vmem_shared>> -> memref<48x128xf32, #tpu.memory_space<vmem_shared>>
      %dma_start3A_69 = arith.constant 0 : i32
      %dma_start3A_70 = tpu.memref_slice %arg14[%add3A_15, %dma_start3A_69] : memref<10000x128xf32, #tpu.memory_space<vmem_shared>> -> memref<48x128xf32, #tpu.memory_space<vmem_shared>>
      tpu.enqueue_dma source(%arg13 : memref<48x128xf32, #tpu.memory_space<vmem>>) target(%dma_start3A_70 : memref<48x128xf32, #tpu.memory_space<vmem_shared>>) target_semaphore(%run_scoped3A : memref<!tpu.dma_semaphore, #tpu.memory_space<semaphore_mem>>)
      %dma_wait3A = arith.constant 0 : i32
      %dma_wait3A_71 = tpu.memref_slice %arg14[%add3A_15, %dma_wait3A] : memref<10000x128xf32, #tpu.memory_space<vmem_shared>> -> memref<48x128xf32, #tpu.memory_space<vmem_shared>>
      %dma_wait3A_72 = arith.constant 0 : i32
      %dma_wait3A_73 = tpu.memref_slice %arg14[%add3A_15, %dma_wait3A_72] : memref<10000x128xf32, #tpu.memory_space<vmem_shared>> -> memref<48x128xf32, #tpu.memory_space<vmem_shared>>
      tpu.wait_dma2 semaphore(%run_scoped3A : memref<!tpu.dma_semaphore, #tpu.memory_space<semaphore_mem>>) src(%arg13 : memref<48x128xf32, #tpu.memory_space<vmem>>) dst(%dma_wait3A_73 : memref<48x128xf32, #tpu.memory_space<vmem_shared>>)
      tpu.yield
    }) : () -> ()
    %add3A_16 = arith.constant 192 : i32
    %add3A_17 = arith.addi %mul3A_7, %add3A_16 : i32
    "tpu.region"() ({
      %run_scoped3A = tpu.sem_alloc : memref<!tpu.dma_semaphore, #tpu.memory_space<semaphore_mem>>
      %dma_start3A_67 = arith.constant 0 : i32
      %dma_start3A_68 = tpu.memref_slice %arg14[%add3A_17, %dma_start3A_67] : memref<10000x128xf32, #tpu.memory_space<vmem_shared>> -> memref<48x128xf32, #tpu.memory_space<vmem_shared>>
      %dma_start3A_69 = arith.constant 0 : i32
      %dma_start3A_70 = tpu.memref_slice %arg14[%add3A_17, %dma_start3A_69] : memref<10000x128xf32, #tpu.memory_space<vmem_shared>> -> memref<48x128xf32, #tpu.memory_space<vmem_shared>>
      tpu.enqueue_dma source(%arg13 : memref<48x128xf32, #tpu.memory_space<vmem>>) target(%dma_start3A_70 : memref<48x128xf32, #tpu.memory_space<vmem_shared>>) target_semaphore(%run_scoped3A : memref<!tpu.dma_semaphore, #tpu.memory_space<semaphore_mem>>)
      %dma_wait3A = arith.constant 0 : i32
      %dma_wait3A_71 = tpu.memref_slice %arg14[%add3A_17, %dma_wait3A] : memref<10000x128xf32, #tpu.memory_space<vmem_shared>> -> memref<48x128xf32, #tpu.memory_space<vmem_shared>>
      %dma_wait3A_72 = arith.constant 0 : i32
      %dma_wait3A_73 = tpu.memref_slice %arg14[%add3A_17, %dma_wait3A_72] : memref<10000x128xf32, #tpu.memory_space<vmem_shared>> -> memref<48x128xf32, #tpu.memory_space<vmem_shared>>
      tpu.wait_dma2 semaphore(%run_scoped3A : memref<!tpu.dma_semaphore, #tpu.memory_space<semaphore_mem>>) src(%arg13 : memref<48x128xf32, #tpu.memory_space<vmem>>) dst(%dma_wait3A_73 : memref<48x128xf32, #tpu.memory_space<vmem_shared>>)
      tpu.yield
    }) : () -> ()
    %add3A_18 = arith.constant 240 : i32
    %add3A_19 = arith.addi %mul3A_7, %add3A_18 : i32
    "tpu.region"() ({
      %run_scoped3A = tpu.sem_alloc : memref<!tpu.dma_semaphore, #tpu.memory_space<semaphore_mem>>
      %dma_start3A_67 = arith.constant 0 : i32
      %dma_start3A_68 = tpu.memref_slice %arg14[%add3A_19, %dma_start3A_67] : memref<10000x128xf32, #tpu.memory_space<vmem_shared>> -> memref<48x128xf32, #tpu.memory_space<vmem_shared>>
      %dma_start3A_69 = arith.constant 0 : i32
      %dma_start3A_70 = tpu.memref_slice %arg14[%add3A_19, %dma_start3A_69] : memref<10000x128xf32, #tpu.memory_space<vmem_shared>> -> memref<48x128xf32, #tpu.memory_space<vmem_shared>>
      tpu.enqueue_dma source(%arg13 : memref<48x128xf32, #tpu.memory_space<vmem>>) target(%dma_start3A_70 : memref<48x128xf32, #tpu.memory_space<vmem_shared>>) target_semaphore(%run_scoped3A : memref<!tpu.dma_semaphore, #tpu.memory_space<semaphore_mem>>)
      %dma_wait3A = arith.constant 0 : i32
      %dma_wait3A_71 = tpu.memref_slice %arg14[%add3A_19, %dma_wait3A] : memref<10000x128xf32, #tpu.memory_space<vmem_shared>> -> memref<48x128xf32, #tpu.memory_space<vmem_shared>>
      %dma_wait3A_72 = arith.constant 0 : i32
      %dma_wait3A_73 = tpu.memref_slice %arg14[%add3A_19, %dma_wait3A_72] : memref<10000x128xf32, #tpu.memory_space<vmem_shared>> -> memref<48x128xf32, #tpu.memory_space<vmem_shared>>
      tpu.wait_dma2 semaphore(%run_scoped3A : memref<!tpu.dma_semaphore, #tpu.memory_space<semaphore_mem>>) src(%arg13 : memref<48x128xf32, #tpu.memory_space<vmem>>) dst(%dma_wait3A_73 : memref<48x128xf32, #tpu.memory_space<vmem_shared>>)
      tpu.yield
    }) : () -> ()
    %add3A_20 = arith.constant 288 : i32
    %add3A_21 = arith.addi %mul3A_7, %add3A_20 : i32
    "tpu.region"() ({
      %run_scoped3A = tpu.sem_alloc : memref<!tpu.dma_semaphore, #tpu.memory_space<semaphore_mem>>
      %dma_start3A_67 = arith.constant 0 : i32
      %dma_start3A_68 = tpu.memref_slice %arg14[%add3A_21, %dma_start3A_67] : memref<10000x128xf32, #tpu.memory_space<vmem_shared>> -> memref<48x128xf32, #tpu.memory_space<vmem_shared>>
      %dma_start3A_69 = arith.constant 0 : i32
      %dma_start3A_70 = tpu.memref_slice %arg14[%add3A_21, %dma_start3A_69] : memref<10000x128xf32, #tpu.memory_space<vmem_shared>> -> memref<48x128xf32, #tpu.memory_space<vmem_shared>>
      tpu.enqueue_dma source(%arg13 : memref<48x128xf32, #tpu.memory_space<vmem>>) target(%dma_start3A_70 : memref<48x128xf32, #tpu.memory_space<vmem_shared>>) target_semaphore(%run_scoped3A : memref<!tpu.dma_semaphore, #tpu.memory_space<semaphore_mem>>)
      %dma_wait3A = arith.constant 0 : i32
      %dma_wait3A_71 = tpu.memref_slice %arg14[%add3A_21, %dma_wait3A] : memref<10000x128xf32, #tpu.memory_space<vmem_shared>> -> memref<48x128xf32, #tpu.memory_space<vmem_shared>>
      %dma_wait3A_72 = arith.constant 0 : i32
      %dma_wait3A_73 = tpu.memref_slice %arg14[%add3A_21, %dma_wait3A_72] : memref<10000x128xf32, #tpu.memory_space<vmem_shared>> -> memref<48x128xf32, #tpu.memory_space<vmem_shared>>
      tpu.wait_dma2 semaphore(%run_scoped3A : memref<!tpu.dma_semaphore, #tpu.memory_space<semaphore_mem>>) src(%arg13 : memref<48x128xf32, #tpu.memory_space<vmem>>) dst(%dma_wait3A_73 : memref<48x128xf32, #tpu.memory_space<vmem_shared>>)
      tpu.yield
    }) : () -> ()
    %add3A_22 = arith.constant 336 : i32
    %add3A_23 = arith.addi %mul3A_7, %add3A_22 : i32
    "tpu.region"() ({
      %run_scoped3A = tpu.sem_alloc : memref<!tpu.dma_semaphore, #tpu.memory_space<semaphore_mem>>
      %dma_start3A_67 = arith.constant 0 : i32
      %dma_start3A_68 = tpu.memref_slice %arg14[%add3A_23, %dma_start3A_67] : memref<10000x128xf32, #tpu.memory_space<vmem_shared>> -> memref<48x128xf32, #tpu.memory_space<vmem_shared>>
      %dma_start3A_69 = arith.constant 0 : i32
      %dma_start3A_70 = tpu.memref_slice %arg14[%add3A_23, %dma_start3A_69] : memref<10000x128xf32, #tpu.memory_space<vmem_shared>> -> memref<48x128xf32, #tpu.memory_space<vmem_shared>>
      tpu.enqueue_dma source(%arg13 : memref<48x128xf32, #tpu.memory_space<vmem>>) target(%dma_start3A_70 : memref<48x128xf32, #tpu.memory_space<vmem_shared>>) target_semaphore(%run_scoped3A : memref<!tpu.dma_semaphore, #tpu.memory_space<semaphore_mem>>)
      %dma_wait3A = arith.constant 0 : i32
      %dma_wait3A_71 = tpu.memref_slice %arg14[%add3A_23, %dma_wait3A] : memref<10000x128xf32, #tpu.memory_space<vmem_shared>> -> memref<48x128xf32, #tpu.memory_space<vmem_shared>>
      %dma_wait3A_72 = arith.constant 0 : i32
      %dma_wait3A_73 = tpu.memref_slice %arg14[%add3A_23, %dma_wait3A_72] : memref<10000x128xf32, #tpu.memory_space<vmem_shared>> -> memref<48x128xf32, #tpu.memory_space<vmem_shared>>
      tpu.wait_dma2 semaphore(%run_scoped3A : memref<!tpu.dma_semaphore, #tpu.memory_space<semaphore_mem>>) src(%arg13 : memref<48x128xf32, #tpu.memory_space<vmem>>) dst(%dma_wait3A_73 : memref<48x128xf32, #tpu.memory_space<vmem_shared>>)
      tpu.yield
    }) : () -> ()
    %add3A_24 = arith.constant 384 : i32
    %add3A_25 = arith.addi %mul3A_7, %add3A_24 : i32
    "tpu.region"() ({
      %run_scoped3A = tpu.sem_alloc : memref<!tpu.dma_semaphore, #tpu.memory_space<semaphore_mem>>
      %dma_start3A_67 = arith.constant 0 : i32
      %dma_start3A_68 = tpu.memref_slice %arg14[%add3A_25, %dma_start3A_67] : memref<10000x128xf32, #tpu.memory_space<vmem_shared>> -> memref<48x128xf32, #tpu.memory_space<vmem_shared>>
      %dma_start3A_69 = arith.constant 0 : i32
      %dma_start3A_70 = tpu.memref_slice %arg14[%add3A_25, %dma_start3A_69] : memref<10000x128xf32, #tpu.memory_space<vmem_shared>> -> memref<48x128xf32, #tpu.memory_space<vmem_shared>>
      tpu.enqueue_dma source(%arg13 : memref<48x128xf32, #tpu.memory_space<vmem>>) target(%dma_start3A_70 : memref<48x128xf32, #tpu.memory_space<vmem_shared>>) target_semaphore(%run_scoped3A : memref<!tpu.dma_semaphore, #tpu.memory_space<semaphore_mem>>)
      %dma_wait3A = arith.constant 0 : i32
      %dma_wait3A_71 = tpu.memref_slice %arg14[%add3A_25, %dma_wait3A] : memref<10000x128xf32, #tpu.memory_space<vmem_shared>> -> memref<48x128xf32, #tpu.memory_space<vmem_shared>>
      %dma_wait3A_72 = arith.constant 0 : i32
      %dma_wait3A_73 = tpu.memref_slice %arg14[%add3A_25, %dma_wait3A_72] : memref<10000x128xf32, #tpu.memory_space<vmem_shared>> -> memref<48x128xf32, #tpu.memory_space<vmem_shared>>
      tpu.wait_dma2 semaphore(%run_scoped3A : memref<!tpu.dma_semaphore, #tpu.memory_space<semaphore_mem>>) src(%arg13 : memref<48x128xf32, #tpu.memory_space<vmem>>) dst(%dma_wait3A_73 : memref<48x128xf32, #tpu.memory_space<vmem_shared>>)
      tpu.yield
    }) : () -> ()
    %add3A_26 = arith.constant 432 : i32
    %add3A_27 = arith.addi %mul3A_7, %add3A_26 : i32
    "tpu.region"() ({
      %run_scoped3A = tpu.sem_alloc : memref<!tpu.dma_semaphore, #tpu.memory_space<semaphore_mem>>
      %dma_start3A_67 = arith.constant 0 : i32
      %dma_start3A_68 = tpu.memref_slice %arg14[%add3A_27, %dma_start3A_67] : memref<10000x128xf32, #tpu.memory_space<vmem_shared>> -> memref<48x128xf32, #tpu.memory_space<vmem_shared>>
      %dma_start3A_69 = arith.constant 0 : i32
      %dma_start3A_70 = tpu.memref_slice %arg14[%add3A_27, %dma_start3A_69] : memref<10000x128xf32, #tpu.memory_space<vmem_shared>> -> memref<48x128xf32, #tpu.memory_space<vmem_shared>>
      tpu.enqueue_dma source(%arg13 : memref<48x128xf32, #tpu.memory_space<vmem>>) target(%dma_start3A_70 : memref<48x128xf32, #tpu.memory_space<vmem_shared>>) target_semaphore(%run_scoped3A : memref<!tpu.dma_semaphore, #tpu.memory_space<semaphore_mem>>)
      %dma_wait3A = arith.constant 0 : i32
      %dma_wait3A_71 = tpu.memref_slice %arg14[%add3A_27, %dma_wait3A] : memref<10000x128xf32, #tpu.memory_space<vmem_shared>> -> memref<48x128xf32, #tpu.memory_space<vmem_shared>>
      %dma_wait3A_72 = arith.constant 0 : i32
      %dma_wait3A_73 = tpu.memref_slice %arg14[%add3A_27, %dma_wait3A_72] : memref<10000x128xf32, #tpu.memory_space<vmem_shared>> -> memref<48x128xf32, #tpu.memory_space<vmem_shared>>
      tpu.wait_dma2 semaphore(%run_scoped3A : memref<!tpu.dma_semaphore, #tpu.memory_space<semaphore_mem>>) src(%arg13 : memref<48x128xf32, #tpu.memory_space<vmem>>) dst(%dma_wait3A_73 : memref<48x128xf32, #tpu.memory_space<vmem_shared>>)
      tpu.yield
    }) : () -> ()
    %add3A_28 = arith.constant 480 : i32
    %add3A_29 = arith.addi %mul3A_7, %add3A_28 : i32
    "tpu.region"() ({
      %run_scoped3A = tpu.sem_alloc : memref<!tpu.dma_semaphore, #tpu.memory_space<semaphore_mem>>
      %dma_start3A_67 = arith.constant 0 : i32
      %dma_start3A_68 = tpu.memref_slice %arg14[%add3A_29, %dma_start3A_67] : memref<10000x128xf32, #tpu.memory_space<vmem_shared>> -> memref<48x128xf32, #tpu.memory_space<vmem_shared>>
      %dma_start3A_69 = arith.constant 0 : i32
      %dma_start3A_70 = tpu.memref_slice %arg14[%add3A_29, %dma_start3A_69] : memref<10000x128xf32, #tpu.memory_space<vmem_shared>> -> memref<48x128xf32, #tpu.memory_space<vmem_shared>>
      tpu.enqueue_dma source(%arg13 : memref<48x128xf32, #tpu.memory_space<vmem>>) target(%dma_start3A_70 : memref<48x128xf32, #tpu.memory_space<vmem_shared>>) target_semaphore(%run_scoped3A : memref<!tpu.dma_semaphore, #tpu.memory_space<semaphore_mem>>)
      %dma_wait3A = arith.constant 0 : i32
      %dma_wait3A_71 = tpu.memref_slice %arg14[%add3A_29, %dma_wait3A] : memref<10000x128xf32, #tpu.memory_space<vmem_shared>> -> memref<48x128xf32, #tpu.memory_space<vmem_shared>>
      %dma_wait3A_72 = arith.constant 0 : i32
      %dma_wait3A_73 = tpu.memref_slice %arg14[%add3A_29, %dma_wait3A_72] : memref<10000x128xf32, #tpu.memory_space<vmem_shared>> -> memref<48x128xf32, #tpu.memory_space<vmem_shared>>
      tpu.wait_dma2 semaphore(%run_scoped3A : memref<!tpu.dma_semaphore, #tpu.memory_space<semaphore_mem>>) src(%arg13 : memref<48x128xf32, #tpu.memory_space<vmem>>) dst(%dma_wait3A_73 : memref<48x128xf32, #tpu.memory_space<vmem_shared>>)
      tpu.yield
    }) : () -> ()
    %add3A_30 = arith.constant 528 : i32
    %add3A_31 = arith.addi %mul3A_7, %add3A_30 : i32
    "tpu.region"() ({
      %run_scoped3A = tpu.sem_alloc : memref<!tpu.dma_semaphore, #tpu.memory_space<semaphore_mem>>
      %dma_start3A_67 = arith.constant 0 : i32
      %dma_start3A_68 = tpu.memref_slice %arg14[%add3A_31, %dma_start3A_67] : memref<10000x128xf32, #tpu.memory_space<vmem_shared>> -> memref<48x128xf32, #tpu.memory_space<vmem_shared>>
      %dma_start3A_69 = arith.constant 0 : i32
      %dma_start3A_70 = tpu.memref_slice %arg14[%add3A_31, %dma_start3A_69] : memref<10000x128xf32, #tpu.memory_space<vmem_shared>> -> memref<48x128xf32, #tpu.memory_space<vmem_shared>>
      tpu.enqueue_dma source(%arg13 : memref<48x128xf32, #tpu.memory_space<vmem>>) target(%dma_start3A_70 : memref<48x128xf32, #tpu.memory_space<vmem_shared>>) target_semaphore(%run_scoped3A : memref<!tpu.dma_semaphore, #tpu.memory_space<semaphore_mem>>)
      %dma_wait3A = arith.constant 0 : i32
      %dma_wait3A_71 = tpu.memref_slice %arg14[%add3A_31, %dma_wait3A] : memref<10000x128xf32, #tpu.memory_space<vmem_shared>> -> memref<48x128xf32, #tpu.memory_space<vmem_shared>>
      %dma_wait3A_72 = arith.constant 0 : i32
      %dma_wait3A_73 = tpu.memref_slice %arg14[%add3A_31, %dma_wait3A_72] : memref<10000x128xf32, #tpu.memory_space<vmem_shared>> -> memref<48x128xf32, #tpu.memory_space<vmem_shared>>
      tpu.wait_dma2 semaphore(%run_scoped3A : memref<!tpu.dma_semaphore, #tpu.memory_space<semaphore_mem>>) src(%arg13 : memref<48x128xf32, #tpu.memory_space<vmem>>) dst(%dma_wait3A_73 : memref<48x128xf32, #tpu.memory_space<vmem_shared>>)
      tpu.yield
    }) : () -> ()
    %add3A_32 = arith.constant 576 : i32
    %add3A_33 = arith.addi %mul3A_7, %add3A_32 : i32
    "tpu.region"() ({
      %run_scoped3A = tpu.sem_alloc : memref<!tpu.dma_semaphore, #tpu.memory_space<semaphore_mem>>
      %dma_start3A_67 = arith.constant 0 : i32
      %dma_start3A_68 = tpu.memref_slice %arg14[%add3A_33, %dma_start3A_67] : memref<10000x128xf32, #tpu.memory_space<vmem_shared>> -> memref<48x128xf32, #tpu.memory_space<vmem_shared>>
      %dma_start3A_69 = arith.constant 0 : i32
      %dma_start3A_70 = tpu.memref_slice %arg14[%add3A_33, %dma_start3A_69] : memref<10000x128xf32, #tpu.memory_space<vmem_shared>> -> memref<48x128xf32, #tpu.memory_space<vmem_shared>>
      tpu.enqueue_dma source(%arg13 : memref<48x128xf32, #tpu.memory_space<vmem>>) target(%dma_start3A_70 : memref<48x128xf32, #tpu.memory_space<vmem_shared>>) target_semaphore(%run_scoped3A : memref<!tpu.dma_semaphore, #tpu.memory_space<semaphore_mem>>)
      %dma_wait3A = arith.constant 0 : i32
      %dma_wait3A_71 = tpu.memref_slice %arg14[%add3A_33, %dma_wait3A] : memref<10000x128xf32, #tpu.memory_space<vmem_shared>> -> memref<48x128xf32, #tpu.memory_space<vmem_shared>>
      %dma_wait3A_72 = arith.constant 0 : i32
      %dma_wait3A_73 = tpu.memref_slice %arg14[%add3A_33, %dma_wait3A_72] : memref<10000x128xf32, #tpu.memory_space<vmem_shared>> -> memref<48x128xf32, #tpu.memory_space<vmem_shared>>
      tpu.wait_dma2 semaphore(%run_scoped3A : memref<!tpu.dma_semaphore, #tpu.memory_space<semaphore_mem>>) src(%arg13 : memref<48x128xf32, #tpu.memory_space<vmem>>) dst(%dma_wait3A_73 : memref<48x128xf32, #tpu.memory_space<vmem_shared>>)
      tpu.yield
    }) : () -> ()
    %eq3A = arith.constant 15 : i32
    %eq3A_34 = arith.cmpi eq, %arg1, %eq3A : i32
    %convert_element_type3A = arith.extui %eq3A_34 : i1 to i32
    %cond3A = arith.constant 0 : i32
    %cond3A_35 = arith.cmpi ne, %convert_element_type3A, %cond3A : i32
    scf.if %cond3A_35 {
      "tpu.region"() ({
        %run_scoped3A = tpu.sem_alloc : memref<!tpu.dma_semaphore, #tpu.memory_space<semaphore_mem>>
        %dma_start3A_67 = arith.constant 0 : i32
        %dma_start3A_68 = arith.constant 0 : i32
        %dma_start3A_69 = tpu.memref_slice %arg13[%dma_start3A_67, %dma_start3A_68] : memref<48x128xf32, #tpu.memory_space<vmem>> -> memref<16x128xf32, #tpu.memory_space<vmem>>
        %dma_start3A_70 = arith.constant 9984 : i32
        %dma_start3A_71 = arith.constant 0 : i32
        %dma_start3A_72 = tpu.memref_slice %arg14[%dma_start3A_70, %dma_start3A_71] : memref<10000x128xf32, #tpu.memory_space<vmem_shared>> -> memref<16x128xf32, #tpu.memory_space<vmem_shared>>
        %dma_start3A_73 = arith.constant 9984 : i32
        %dma_start3A_74 = arith.constant 0 : i32
        %dma_start3A_75 = tpu.memref_slice %arg14[%dma_start3A_73, %dma_start3A_74] : memref<10000x128xf32, #tpu.memory_space<vmem_shared>> -> memref<16x128xf32, #tpu.memory_space<vmem_shared>>
        %dma_start3A_76 = arith.constant 0 : i32
        %dma_start3A_77 = arith.constant 0 : i32
        %dma_start3A_78 = tpu.memref_slice %arg13[%dma_start3A_76, %dma_start3A_77] : memref<48x128xf32, #tpu.memory_space<vmem>> -> memref<16x128xf32, #tpu.memory_space<vmem>>
        tpu.enqueue_dma source(%dma_start3A_78 : memref<16x128xf32, #tpu.memory_space<vmem>>) target(%dma_start3A_75 : memref<16x128xf32, #tpu.memory_space<vmem_shared>>) target_semaphore(%run_scoped3A : memref<!tpu.dma_semaphore, #tpu.memory_space<semaphore_mem>>)
        %dma_wait3A = arith.constant 0 : i32
        %dma_wait3A_79 = arith.constant 0 : i32
        %dma_wait3A_80 = tpu.memref_slice %arg13[%dma_wait3A, %dma_wait3A_79] : memref<48x128xf32, #tpu.memory_space<vmem>> -> memref<16x128xf32, #tpu.memory_space<vmem>>
        %dma_wait3A_81 = arith.constant 9984 : i32
        %dma_wait3A_82 = arith.constant 0 : i32
        %dma_wait3A_83 = tpu.memref_slice %arg14[%dma_wait3A_81, %dma_wait3A_82] : memref<10000x128xf32, #tpu.memory_space<vmem_shared>> -> memref<16x128xf32, #tpu.memory_space<vmem_shared>>
        %dma_wait3A_84 = arith.constant 9984 : i32
        %dma_wait3A_85 = arith.constant 0 : i32
        %dma_wait3A_86 = tpu.memref_slice %arg14[%dma_wait3A_84, %dma_wait3A_85] : memref<10000x128xf32, #tpu.memory_space<vmem_shared>> -> memref<16x128xf32, #tpu.memory_space<vmem_shared>>
        %dma_wait3A_87 = arith.constant 0 : i32
        %dma_wait3A_88 = arith.constant 0 : i32
        %dma_wait3A_89 = tpu.memref_slice %arg13[%dma_wait3A_87, %dma_wait3A_88] : memref<48x128xf32, #tpu.memory_space<vmem>> -> memref<16x128xf32, #tpu.memory_space<vmem>>
        tpu.wait_dma2 semaphore(%run_scoped3A : memref<!tpu.dma_semaphore, #tpu.memory_space<semaphore_mem>>) src(%dma_wait3A_89 : memref<16x128xf32, #tpu.memory_space<vmem>>) dst(%dma_wait3A_86 : memref<16x128xf32, #tpu.memory_space<vmem_shared>>)
        tpu.yield
      }) : () -> ()
    } else {
    }
    %barrier3A = arith.constant 0 : index
    tpu.barrier barrier_id(%barrier3A)
    %mul3A_36 = arith.constant 10000 : i32
    %mul3A_37 = arith.muli %add3A, %mul3A_36 : i32
    %add3A_38 = arith.constant 0 : i32
    %add3A_39 = arith.addi %mul3A_37, %add3A_38 : i32
    %dma_start3A = arith.constant 0 : i32
    %dma_start3A_40 = tpu.memref_slice %arg2[%add3A_39, %dma_start3A] : memref<320000x128xf32, #tpu.memory_space<hbm>> -> memref<80x128xf32, #tpu.memory_space<hbm>>
    %dma_start3A_41 = arith.constant 0 : i32
    %dma_start3A_42 = tpu.memref_slice %arg2[%add3A_39, %dma_start3A_41] : memref<320000x128xf32, #tpu.memory_space<hbm>> -> memref<80x128xf32, #tpu.memory_space<hbm>>
    tpu.enqueue_dma source(%dma_start3A_42 : memref<80x128xf32, #tpu.memory_space<hbm>>) target(%arg5 : memref<80x128xf32, #tpu.memory_space<vmem>>) target_semaphore(%arg15 : memref<!tpu.dma_semaphore, #tpu.memory_space<semaphore_mem>>)
    %dma_start3A_43 = tpu.memref_slice %arg3[%add3A_39] : memref<320000xi32, #tpu.memory_space<hbm>> -> memref<80xi32, #tpu.memory_space<hbm>>
    %dma_start3A_44 = tpu.memref_slice %arg3[%add3A_39] : memref<320000xi32, #tpu.memory_space<hbm>> -> memref<80xi32, #tpu.memory_space<hbm>>
    tpu.enqueue_dma source(%dma_start3A_44 : memref<80xi32, #tpu.memory_space<hbm>>) target(%arg9 : memref<80xi32, #tpu.memory_space<vmem>>) target_semaphore(%arg19 : memref<!tpu.dma_semaphore, #tpu.memory_space<semaphore_mem>>)
    %add3A_45 = arith.constant 80 : i32
    %add3A_46 = arith.addi %mul3A_37, %add3A_45 : i32
    %dma_start3A_47 = arith.constant 0 : i32
    %dma_start3A_48 = tpu.memref_slice %arg2[%add3A_46, %dma_start3A_47] : memref<320000x128xf32, #tpu.memory_space<hbm>> -> memref<80x128xf32, #tpu.memory_space<hbm>>
    %dma_start3A_49 = arith.constant 0 : i32
    %dma_start3A_50 = tpu.memref_slice %arg2[%add3A_46, %dma_start3A_49] : memref<320000x128xf32, #tpu.memory_space<hbm>> -> memref<80x128xf32, #tpu.memory_space<hbm>>
    tpu.enqueue_dma source(%dma_start3A_50 : memref<80x128xf32, #tpu.memory_space<hbm>>) target(%arg6 : memref<80x128xf32, #tpu.memory_space<vmem>>) target_semaphore(%arg16 : memref<!tpu.dma_semaphore, #tpu.memory_space<semaphore_mem>>)
    %dma_start3A_51 = tpu.memref_slice %arg3[%add3A_46] : memref<320000xi32, #tpu.memory_space<hbm>> -> memref<80xi32, #tpu.memory_space<hbm>>
    %dma_start3A_52 = tpu.memref_slice %arg3[%add3A_46] : memref<320000xi32, #tpu.memory_space<hbm>> -> memref<80xi32, #tpu.memory_space<hbm>>
    tpu.enqueue_dma source(%dma_start3A_52 : memref<80xi32, #tpu.memory_space<hbm>>) target(%arg10 : memref<80xi32, #tpu.memory_space<vmem>>) target_semaphore(%arg20 : memref<!tpu.dma_semaphore, #tpu.memory_space<semaphore_mem>>)
    %scan3A_53 = arith.constant 0 : i32
    %scan3A_54 = arith.constant 0 : i32
    %scan3A_55 = arith.constant 32 : i32
    %scan3A_56 = arith.addi %scan3A_54, %scan3A_55 : i32
    %scan3A_57 = arith.constant 1 : i32
    scf.for %scan3A_67 = %scan3A_54 to %scan3A_56 step %scan3A_57  : i32 {
      %mul3A_68 = arith.constant 4 : i32
      %mul3A_69 = arith.muli %scan3A_67, %mul3A_68 : i32
      %add3A_70 = arith.constant 0 : i32
      %add3A_71 = arith.addi %mul3A_69, %add3A_70 : i32
      %ge3A = arith.constant 2 : i32
      %ge3A_72 = arith.cmpi sge, %add3A_71, %ge3A : i32
      %lt3A = arith.constant 127 : i32
      %lt3A_73 = arith.cmpi slt, %add3A_71, %lt3A : i32
      %and3A = arith.andi %ge3A_72, %lt3A_73 : i1
      %convert_element_type3A_74 = arith.extui %and3A : i1 to i32
      %cond3A_75 = arith.constant 0 : i32
      %cond3A_76 = arith.cmpi ne, %convert_element_type3A_74, %cond3A_75 : i32
      scf.if %cond3A_76 {
        %dma_wait3A = arith.constant 0 : i32
        %dma_wait3A_161 = arith.constant 0 : i32
        %dma_wait3A_162 = tpu.memref_slice %arg14[%dma_wait3A, %dma_wait3A_161] : memref<10000x128xf32, #tpu.memory_space<vmem_shared>> -> memref<10000x128xf32, #tpu.memory_space<vmem_shared>>
        tpu.wait_indirect_dma semaphore(%arg25 : memref<!tpu.dma_semaphore, #tpu.memory_space<semaphore_mem>>) src(%arg7 : memref<80x128xf32, #tpu.memory_space<vmem>>) dst(%dma_wait3A_162 : memref<10000x128xf32, #tpu.memory_space<vmem_shared>>)
      } else {
      }
      %add3A_77 = arith.constant 2 : i32
      %add3A_78 = arith.addi %add3A_71, %add3A_77 : i32
      %lt3A_79 = arith.constant 125 : i32
      %lt3A_80 = arith.cmpi slt, %add3A_78, %lt3A_79 : i32
      %convert_element_type3A_81 = arith.extui %lt3A_80 : i1 to i32
      %cond3A_82 = arith.constant 0 : i32
      %cond3A_83 = arith.cmpi ne, %convert_element_type3A_81, %cond3A_82 : i32
      scf.if %cond3A_83 {
        %add3A_161 = arith.constant 2 : i32
        %add3A_162 = arith.addi %add3A_71, %add3A_161 : i32
        %mul3A_163 = arith.constant 80 : i32
        %mul3A_164 = arith.muli %add3A_162, %mul3A_163 : i32
        %add3A_165 = arith.addi %mul3A_37, %mul3A_164 : i32
        %dma_start3A_166 = arith.constant 0 : i32
        %dma_start3A_167 = tpu.memref_slice %arg2[%add3A_165, %dma_start3A_166] : memref<320000x128xf32, #tpu.memory_space<hbm>> -> memref<80x128xf32, #tpu.memory_space<hbm>>
        %dma_start3A_168 = arith.constant 0 : i32
        %dma_start3A_169 = tpu.memref_slice %arg2[%add3A_165, %dma_start3A_168] : memref<320000x128xf32, #tpu.memory_space<hbm>> -> memref<80x128xf32, #tpu.memory_space<hbm>>
        tpu.enqueue_dma source(%dma_start3A_169 : memref<80x128xf32, #tpu.memory_space<hbm>>) target(%arg7 : memref<80x128xf32, #tpu.memory_space<vmem>>) target_semaphore(%arg17 : memref<!tpu.dma_semaphore, #tpu.memory_space<semaphore_mem>>)
        %dma_start3A_170 = tpu.memref_slice %arg3[%add3A_165] : memref<320000xi32, #tpu.memory_space<hbm>> -> memref<80xi32, #tpu.memory_space<hbm>>
        %dma_start3A_171 = tpu.memref_slice %arg3[%add3A_165] : memref<320000xi32, #tpu.memory_space<hbm>> -> memref<80xi32, #tpu.memory_space<hbm>>
        tpu.enqueue_dma source(%dma_start3A_171 : memref<80xi32, #tpu.memory_space<hbm>>) target(%arg11 : memref<80xi32, #tpu.memory_space<vmem>>) target_semaphore(%arg21 : memref<!tpu.dma_semaphore, #tpu.memory_space<semaphore_mem>>)
      } else {
      }
      %lt3A_84 = arith.constant 125 : i32
      %lt3A_85 = arith.cmpi slt, %add3A_71, %lt3A_84 : i32
      %convert_element_type3A_86 = arith.extui %lt3A_85 : i1 to i32
      %cond3A_87 = arith.constant 0 : i32
      %cond3A_88 = arith.cmpi ne, %convert_element_type3A_86, %cond3A_87 : i32
      scf.if %cond3A_88 {
        %dma_wait3A = arith.constant 0 : i32
        %dma_wait3A_161 = arith.constant 0 : i32
        %dma_wait3A_162 = tpu.memref_slice %arg2[%dma_wait3A, %dma_wait3A_161] : memref<320000x128xf32, #tpu.memory_space<hbm>> -> memref<80x128xf32, #tpu.memory_space<hbm>>
        %dma_wait3A_163 = arith.constant 0 : i32
        %dma_wait3A_164 = arith.constant 0 : i32
        %dma_wait3A_165 = tpu.memref_slice %arg2[%dma_wait3A_163, %dma_wait3A_164] : memref<320000x128xf32, #tpu.memory_space<hbm>> -> memref<80x128xf32, #tpu.memory_space<hbm>>
        tpu.wait_dma2 semaphore(%arg15 : memref<!tpu.dma_semaphore, #tpu.memory_space<semaphore_mem>>) src(%dma_wait3A_165 : memref<80x128xf32, #tpu.memory_space<hbm>>) dst(%arg5 : memref<80x128xf32, #tpu.memory_space<vmem>>)
        %dma_wait3A_166 = arith.constant 0 : i32
        %dma_wait3A_167 = tpu.memref_slice %arg3[%dma_wait3A_166] : memref<320000xi32, #tpu.memory_space<hbm>> -> memref<80xi32, #tpu.memory_space<hbm>>
        %dma_wait3A_168 = arith.constant 0 : i32
        %dma_wait3A_169 = tpu.memref_slice %arg3[%dma_wait3A_168] : memref<320000xi32, #tpu.memory_space<hbm>> -> memref<80xi32, #tpu.memory_space<hbm>>
        tpu.wait_dma2 semaphore(%arg19 : memref<!tpu.dma_semaphore, #tpu.memory_space<semaphore_mem>>) src(%dma_wait3A_169 : memref<80xi32, #tpu.memory_space<hbm>>) dst(%arg9 : memref<80xi32, #tpu.memory_space<vmem>>)
        %dma_start3A_170 = arith.constant 0 : i32
        %dma_start3A_171 = arith.constant 0 : i32
        %dma_start3A_172 = tpu.memref_slice %arg14[%dma_start3A_170, %dma_start3A_171] : memref<10000x128xf32, #tpu.memory_space<vmem_shared>> -> memref<10000x128xf32, #tpu.memory_space<vmem_shared>>
        tpu.enqueue_indirect_dma source(%arg5 : memref<80x128xf32, #tpu.memory_space<vmem>>) target(%dma_start3A_172 : memref<10000x128xf32, #tpu.memory_space<vmem_shared>>) offsets(%arg9 : memref<80xi32, #tpu.memory_space<vmem>>) semaphore(%arg23 : memref<!tpu.dma_semaphore, #tpu.memory_space<semaphore_mem>>) {add = true}
      } else {
      }
      %mul3A_89 = arith.constant 4 : i32
      %mul3A_90 = arith.muli %scan3A_67, %mul3A_89 : i32
      %add3A_91 = arith.constant 1 : i32
      %add3A_92 = arith.addi %mul3A_90, %add3A_91 : i32
      %ge3A_93 = arith.constant 2 : i32
      %ge3A_94 = arith.cmpi sge, %add3A_92, %ge3A_93 : i32
      %lt3A_95 = arith.constant 127 : i32
      %lt3A_96 = arith.cmpi slt, %add3A_92, %lt3A_95 : i32
      %and3A_97 = arith.andi %ge3A_94, %lt3A_96 : i1
      %convert_element_type3A_98 = arith.extui %and3A_97 : i1 to i32
      %cond3A_99 = arith.constant 0 : i32
      %cond3A_100 = arith.cmpi ne, %convert_element_type3A_98, %cond3A_99 : i32
      scf.if %cond3A_100 {
        %dma_wait3A = arith.constant 0 : i32
        %dma_wait3A_161 = arith.constant 0 : i32
        %dma_wait3A_162 = tpu.memref_slice %arg14[%dma_wait3A, %dma_wait3A_161] : memref<10000x128xf32, #tpu.memory_space<vmem_shared>> -> memref<10000x128xf32, #tpu.memory_space<vmem_shared>>
        tpu.wait_indirect_dma semaphore(%arg26 : memref<!tpu.dma_semaphore, #tpu.memory_space<semaphore_mem>>) src(%arg8 : memref<80x128xf32, #tpu.memory_space<vmem>>) dst(%dma_wait3A_162 : memref<10000x128xf32, #tpu.memory_space<vmem_shared>>)
      } else {
      }
      %add3A_101 = arith.constant 2 : i32
      %add3A_102 = arith.addi %add3A_92, %add3A_101 : i32
      %lt3A_103 = arith.constant 125 : i32
      %lt3A_104 = arith.cmpi slt, %add3A_102, %lt3A_103 : i32
      %convert_element_type3A_105 = arith.extui %lt3A_104 : i1 to i32
      %cond3A_106 = arith.constant 0 : i32
      %cond3A_107 = arith.cmpi ne, %convert_element_type3A_105, %cond3A_106 : i32
      scf.if %cond3A_107 {
        %add3A_161 = arith.constant 2 : i32
        %add3A_162 = arith.addi %add3A_92, %add3A_161 : i32
        %mul3A_163 = arith.constant 80 : i32
        %mul3A_164 = arith.muli %add3A_162, %mul3A_163 : i32
        %add3A_165 = arith.addi %mul3A_37, %mul3A_164 : i32
        %dma_start3A_166 = arith.constant 0 : i32
        %dma_start3A_167 = tpu.memref_slice %arg2[%add3A_165, %dma_start3A_166] : memref<320000x128xf32, #tpu.memory_space<hbm>> -> memref<80x128xf32, #tpu.memory_space<hbm>>
        %dma_start3A_168 = arith.constant 0 : i32
        %dma_start3A_169 = tpu.memref_slice %arg2[%add3A_165, %dma_start3A_168] : memref<320000x128xf32, #tpu.memory_space<hbm>> -> memref<80x128xf32, #tpu.memory_space<hbm>>
        tpu.enqueue_dma source(%dma_start3A_169 : memref<80x128xf32, #tpu.memory_space<hbm>>) target(%arg8 : memref<80x128xf32, #tpu.memory_space<vmem>>) target_semaphore(%arg18 : memref<!tpu.dma_semaphore, #tpu.memory_space<semaphore_mem>>)
        %dma_start3A_170 = tpu.memref_slice %arg3[%add3A_165] : memref<320000xi32, #tpu.memory_space<hbm>> -> memref<80xi32, #tpu.memory_space<hbm>>
        %dma_start3A_171 = tpu.memref_slice %arg3[%add3A_165] : memref<320000xi32, #tpu.memory_space<hbm>> -> memref<80xi32, #tpu.memory_space<hbm>>
        tpu.enqueue_dma source(%dma_start3A_171 : memref<80xi32, #tpu.memory_space<hbm>>) target(%arg12 : memref<80xi32, #tpu.memory_space<vmem>>) target_semaphore(%arg22 : memref<!tpu.dma_semaphore, #tpu.memory_space<semaphore_mem>>)
      } else {
      }
      %lt3A_108 = arith.constant 125 : i32
      %lt3A_109 = arith.cmpi slt, %add3A_92, %lt3A_108 : i32
      %convert_element_type3A_110 = arith.extui %lt3A_109 : i1 to i32
      %cond3A_111 = arith.constant 0 : i32
      %cond3A_112 = arith.cmpi ne, %convert_element_type3A_110, %cond3A_111 : i32
      scf.if %cond3A_112 {
        %dma_wait3A = arith.constant 0 : i32
        %dma_wait3A_161 = arith.constant 0 : i32
        %dma_wait3A_162 = tpu.memref_slice %arg2[%dma_wait3A, %dma_wait3A_161] : memref<320000x128xf32, #tpu.memory_space<hbm>> -> memref<80x128xf32, #tpu.memory_space<hbm>>
        %dma_wait3A_163 = arith.constant 0 : i32
        %dma_wait3A_164 = arith.constant 0 : i32
        %dma_wait3A_165 = tpu.memref_slice %arg2[%dma_wait3A_163, %dma_wait3A_164] : memref<320000x128xf32, #tpu.memory_space<hbm>> -> memref<80x128xf32, #tpu.memory_space<hbm>>
        tpu.wait_dma2 semaphore(%arg16 : memref<!tpu.dma_semaphore, #tpu.memory_space<semaphore_mem>>) src(%dma_wait3A_165 : memref<80x128xf32, #tpu.memory_space<hbm>>) dst(%arg6 : memref<80x128xf32, #tpu.memory_space<vmem>>)
        %dma_wait3A_166 = arith.constant 0 : i32
        %dma_wait3A_167 = tpu.memref_slice %arg3[%dma_wait3A_166] : memref<320000xi32, #tpu.memory_space<hbm>> -> memref<80xi32, #tpu.memory_space<hbm>>
        %dma_wait3A_168 = arith.constant 0 : i32
        %dma_wait3A_169 = tpu.memref_slice %arg3[%dma_wait3A_168] : memref<320000xi32, #tpu.memory_space<hbm>> -> memref<80xi32, #tpu.memory_space<hbm>>
        tpu.wait_dma2 semaphore(%arg20 : memref<!tpu.dma_semaphore, #tpu.memory_space<semaphore_mem>>) src(%dma_wait3A_169 : memref<80xi32, #tpu.memory_space<hbm>>) dst(%arg10 : memref<80xi32, #tpu.memory_space<vmem>>)
        %dma_start3A_170 = arith.constant 0 : i32
        %dma_start3A_171 = arith.constant 0 : i32
        %dma_start3A_172 = tpu.memref_slice %arg14[%dma_start3A_170, %dma_start3A_171] : memref<10000x128xf32, #tpu.memory_space<vmem_shared>> -> memref<10000x128xf32, #tpu.memory_space<vmem_shared>>
        tpu.enqueue_indirect_dma source(%arg6 : memref<80x128xf32, #tpu.memory_space<vmem>>) target(%dma_start3A_172 : memref<10000x128xf32, #tpu.memory_space<vmem_shared>>) offsets(%arg10 : memref<80xi32, #tpu.memory_space<vmem>>) semaphore(%arg24 : memref<!tpu.dma_semaphore, #tpu.memory_space<semaphore_mem>>) {add = true}
      } else {
      }
      %mul3A_113 = arith.constant 4 : i32
      %mul3A_114 = arith.muli %scan3A_67, %mul3A_113 : i32
      %add3A_115 = arith.constant 2 : i32
      %add3A_116 = arith.addi %mul3A_114, %add3A_115 : i32
      %ge3A_117 = arith.constant 2 : i32
      %ge3A_118 = arith.cmpi sge, %add3A_116, %ge3A_117 : i32
      %lt3A_119 = arith.constant 127 : i32
      %lt3A_120 = arith.cmpi slt, %add3A_116, %lt3A_119 : i32
      %and3A_121 = arith.andi %ge3A_118, %lt3A_120 : i1
      %convert_element_type3A_122 = arith.extui %and3A_121 : i1 to i32
      %cond3A_123 = arith.constant 0 : i32
      %cond3A_124 = arith.cmpi ne, %convert_element_type3A_122, %cond3A_123 : i32
      scf.if %cond3A_124 {
        %dma_wait3A = arith.constant 0 : i32
        %dma_wait3A_161 = arith.constant 0 : i32
        %dma_wait3A_162 = tpu.memref_slice %arg14[%dma_wait3A, %dma_wait3A_161] : memref<10000x128xf32, #tpu.memory_space<vmem_shared>> -> memref<10000x128xf32, #tpu.memory_space<vmem_shared>>
        tpu.wait_indirect_dma semaphore(%arg23 : memref<!tpu.dma_semaphore, #tpu.memory_space<semaphore_mem>>) src(%arg5 : memref<80x128xf32, #tpu.memory_space<vmem>>) dst(%dma_wait3A_162 : memref<10000x128xf32, #tpu.memory_space<vmem_shared>>)
      } else {
      }
      %add3A_125 = arith.constant 2 : i32
      %add3A_126 = arith.addi %add3A_116, %add3A_125 : i32
      %lt3A_127 = arith.constant 125 : i32
      %lt3A_128 = arith.cmpi slt, %add3A_126, %lt3A_127 : i32
      %convert_element_type3A_129 = arith.extui %lt3A_128 : i1 to i32
      %cond3A_130 = arith.constant 0 : i32
      %cond3A_131 = arith.cmpi ne, %convert_element_type3A_129, %cond3A_130 : i32
      scf.if %cond3A_131 {
        %add3A_161 = arith.constant 2 : i32
        %add3A_162 = arith.addi %add3A_116, %add3A_161 : i32
        %mul3A_163 = arith.constant 80 : i32
        %mul3A_164 = arith.muli %add3A_162, %mul3A_163 : i32
        %add3A_165 = arith.addi %mul3A_37, %mul3A_164 : i32
        %dma_start3A_166 = arith.constant 0 : i32
        %dma_start3A_167 = tpu.memref_slice %arg2[%add3A_165, %dma_start3A_166] : memref<320000x128xf32, #tpu.memory_space<hbm>> -> memref<80x128xf32, #tpu.memory_space<hbm>>
        %dma_start3A_168 = arith.constant 0 : i32
        %dma_start3A_169 = tpu.memref_slice %arg2[%add3A_165, %dma_start3A_168] : memref<320000x128xf32, #tpu.memory_space<hbm>> -> memref<80x128xf32, #tpu.memory_space<hbm>>
        tpu.enqueue_dma source(%dma_start3A_169 : memref<80x128xf32, #tpu.memory_space<hbm>>) target(%arg5 : memref<80x128xf32, #tpu.memory_space<vmem>>) target_semaphore(%arg15 : memref<!tpu.dma_semaphore, #tpu.memory_space<semaphore_mem>>)
        %dma_start3A_170 = tpu.memref_slice %arg3[%add3A_165] : memref<320000xi32, #tpu.memory_space<hbm>> -> memref<80xi32, #tpu.memory_space<hbm>>
        %dma_start3A_171 = tpu.memref_slice %arg3[%add3A_165] : memref<320000xi32, #tpu.memory_space<hbm>> -> memref<80xi32, #tpu.memory_space<hbm>>
        tpu.enqueue_dma source(%dma_start3A_171 : memref<80xi32, #tpu.memory_space<hbm>>) target(%arg9 : memref<80xi32, #tpu.memory_space<vmem>>) target_semaphore(%arg19 : memref<!tpu.dma_semaphore, #tpu.memory_space<semaphore_mem>>)
      } else {
      }
      %lt3A_132 = arith.constant 125 : i32
      %lt3A_133 = arith.cmpi slt, %add3A_116, %lt3A_132 : i32
      %convert_element_type3A_134 = arith.extui %lt3A_133 : i1 to i32
      %cond3A_135 = arith.constant 0 : i32
      %cond3A_136 = arith.cmpi ne, %convert_element_type3A_134, %cond3A_135 : i32
      scf.if %cond3A_136 {
        %dma_wait3A = arith.constant 0 : i32
        %dma_wait3A_161 = arith.constant 0 : i32
        %dma_wait3A_162 = tpu.memref_slice %arg2[%dma_wait3A, %dma_wait3A_161] : memref<320000x128xf32, #tpu.memory_space<hbm>> -> memref<80x128xf32, #tpu.memory_space<hbm>>
        %dma_wait3A_163 = arith.constant 0 : i32
        %dma_wait3A_164 = arith.constant 0 : i32
        %dma_wait3A_165 = tpu.memref_slice %arg2[%dma_wait3A_163, %dma_wait3A_164] : memref<320000x128xf32, #tpu.memory_space<hbm>> -> memref<80x128xf32, #tpu.memory_space<hbm>>
        tpu.wait_dma2 semaphore(%arg17 : memref<!tpu.dma_semaphore, #tpu.memory_space<semaphore_mem>>) src(%dma_wait3A_165 : memref<80x128xf32, #tpu.memory_space<hbm>>) dst(%arg7 : memref<80x128xf32, #tpu.memory_space<vmem>>)
        %dma_wait3A_166 = arith.constant 0 : i32
        %dma_wait3A_167 = tpu.memref_slice %arg3[%dma_wait3A_166] : memref<320000xi32, #tpu.memory_space<hbm>> -> memref<80xi32, #tpu.memory_space<hbm>>
        %dma_wait3A_168 = arith.constant 0 : i32
        %dma_wait3A_169 = tpu.memref_slice %arg3[%dma_wait3A_168] : memref<320000xi32, #tpu.memory_space<hbm>> -> memref<80xi32, #tpu.memory_space<hbm>>
        tpu.wait_dma2 semaphore(%arg21 : memref<!tpu.dma_semaphore, #tpu.memory_space<semaphore_mem>>) src(%dma_wait3A_169 : memref<80xi32, #tpu.memory_space<hbm>>) dst(%arg11 : memref<80xi32, #tpu.memory_space<vmem>>)
        %dma_start3A_170 = arith.constant 0 : i32
        %dma_start3A_171 = arith.constant 0 : i32
        %dma_start3A_172 = tpu.memref_slice %arg14[%dma_start3A_170, %dma_start3A_171] : memref<10000x128xf32, #tpu.memory_space<vmem_shared>> -> memref<10000x128xf32, #tpu.memory_space<vmem_shared>>
        tpu.enqueue_indirect_dma source(%arg7 : memref<80x128xf32, #tpu.memory_space<vmem>>) target(%dma_start3A_172 : memref<10000x128xf32, #tpu.memory_space<vmem_shared>>) offsets(%arg11 : memref<80xi32, #tpu.memory_space<vmem>>) semaphore(%arg25 : memref<!tpu.dma_semaphore, #tpu.memory_space<semaphore_mem>>) {add = true}
      } else {
      }
      %mul3A_137 = arith.constant 4 : i32
      %mul3A_138 = arith.muli %scan3A_67, %mul3A_137 : i32
      %add3A_139 = arith.constant 3 : i32
      %add3A_140 = arith.addi %mul3A_138, %add3A_139 : i32
      %ge3A_141 = arith.constant 2 : i32
      %ge3A_142 = arith.cmpi sge, %add3A_140, %ge3A_141 : i32
      %lt3A_143 = arith.constant 127 : i32
      %lt3A_144 = arith.cmpi slt, %add3A_140, %lt3A_143 : i32
      %and3A_145 = arith.andi %ge3A_142, %lt3A_144 : i1
      %convert_element_type3A_146 = arith.extui %and3A_145 : i1 to i32
      %cond3A_147 = arith.constant 0 : i32
      %cond3A_148 = arith.cmpi ne, %convert_element_type3A_146, %cond3A_147 : i32
      scf.if %cond3A_148 {
        %dma_wait3A = arith.constant 0 : i32
        %dma_wait3A_161 = arith.constant 0 : i32
        %dma_wait3A_162 = tpu.memref_slice %arg14[%dma_wait3A, %dma_wait3A_161] : memref<10000x128xf32, #tpu.memory_space<vmem_shared>> -> memref<10000x128xf32, #tpu.memory_space<vmem_shared>>
        tpu.wait_indirect_dma semaphore(%arg24 : memref<!tpu.dma_semaphore, #tpu.memory_space<semaphore_mem>>) src(%arg6 : memref<80x128xf32, #tpu.memory_space<vmem>>) dst(%dma_wait3A_162 : memref<10000x128xf32, #tpu.memory_space<vmem_shared>>)
      } else {
      }
      %add3A_149 = arith.constant 2 : i32
      %add3A_150 = arith.addi %add3A_140, %add3A_149 : i32
      %lt3A_151 = arith.constant 125 : i32
      %lt3A_152 = arith.cmpi slt, %add3A_150, %lt3A_151 : i32
      %convert_element_type3A_153 = arith.extui %lt3A_152 : i1 to i32
      %cond3A_154 = arith.constant 0 : i32
      %cond3A_155 = arith.cmpi ne, %convert_element_type3A_153, %cond3A_154 : i32
      scf.if %cond3A_155 {
        %add3A_161 = arith.constant 2 : i32
        %add3A_162 = arith.addi %add3A_140, %add3A_161 : i32
        %mul3A_163 = arith.constant 80 : i32
        %mul3A_164 = arith.muli %add3A_162, %mul3A_163 : i32
        %add3A_165 = arith.addi %mul3A_37, %mul3A_164 : i32
        %dma_start3A_166 = arith.constant 0 : i32
        %dma_start3A_167 = tpu.memref_slice %arg2[%add3A_165, %dma_start3A_166] : memref<320000x128xf32, #tpu.memory_space<hbm>> -> memref<80x128xf32, #tpu.memory_space<hbm>>
        %dma_start3A_168 = arith.constant 0 : i32
        %dma_start3A_169 = tpu.memref_slice %arg2[%add3A_165, %dma_start3A_168] : memref<320000x128xf32, #tpu.memory_space<hbm>> -> memref<80x128xf32, #tpu.memory_space<hbm>>
        tpu.enqueue_dma source(%dma_start3A_169 : memref<80x128xf32, #tpu.memory_space<hbm>>) target(%arg6 : memref<80x128xf32, #tpu.memory_space<vmem>>) target_semaphore(%arg16 : memref<!tpu.dma_semaphore, #tpu.memory_space<semaphore_mem>>)
        %dma_start3A_170 = tpu.memref_slice %arg3[%add3A_165] : memref<320000xi32, #tpu.memory_space<hbm>> -> memref<80xi32, #tpu.memory_space<hbm>>
        %dma_start3A_171 = tpu.memref_slice %arg3[%add3A_165] : memref<320000xi32, #tpu.memory_space<hbm>> -> memref<80xi32, #tpu.memory_space<hbm>>
        tpu.enqueue_dma source(%dma_start3A_171 : memref<80xi32, #tpu.memory_space<hbm>>) target(%arg10 : memref<80xi32, #tpu.memory_space<vmem>>) target_semaphore(%arg20 : memref<!tpu.dma_semaphore, #tpu.memory_space<semaphore_mem>>)
      } else {
      }
      %lt3A_156 = arith.constant 125 : i32
      %lt3A_157 = arith.cmpi slt, %add3A_140, %lt3A_156 : i32
      %convert_element_type3A_158 = arith.extui %lt3A_157 : i1 to i32
      %cond3A_159 = arith.constant 0 : i32
      %cond3A_160 = arith.cmpi ne, %convert_element_type3A_158, %cond3A_159 : i32
      scf.if %cond3A_160 {
        %dma_wait3A = arith.constant 0 : i32
        %dma_wait3A_161 = arith.constant 0 : i32
        %dma_wait3A_162 = tpu.memref_slice %arg2[%dma_wait3A, %dma_wait3A_161] : memref<320000x128xf32, #tpu.memory_space<hbm>> -> memref<80x128xf32, #tpu.memory_space<hbm>>
        %dma_wait3A_163 = arith.constant 0 : i32
        %dma_wait3A_164 = arith.constant 0 : i32
        %dma_wait3A_165 = tpu.memref_slice %arg2[%dma_wait3A_163, %dma_wait3A_164] : memref<320000x128xf32, #tpu.memory_space<hbm>> -> memref<80x128xf32, #tpu.memory_space<hbm>>
        tpu.wait_dma2 semaphore(%arg18 : memref<!tpu.dma_semaphore, #tpu.memory_space<semaphore_mem>>) src(%dma_wait3A_165 : memref<80x128xf32, #tpu.memory_space<hbm>>) dst(%arg8 : memref<80x128xf32, #tpu.memory_space<vmem>>)
        %dma_wait3A_166 = arith.constant 0 : i32
        %dma_wait3A_167 = tpu.memref_slice %arg3[%dma_wait3A_166] : memref<320000xi32, #tpu.memory_space<hbm>> -> memref<80xi32, #tpu.memory_space<hbm>>
        %dma_wait3A_168 = arith.constant 0 : i32
        %dma_wait3A_169 = tpu.memref_slice %arg3[%dma_wait3A_168] : memref<320000xi32, #tpu.memory_space<hbm>> -> memref<80xi32, #tpu.memory_space<hbm>>
        tpu.wait_dma2 semaphore(%arg22 : memref<!tpu.dma_semaphore, #tpu.memory_space<semaphore_mem>>) src(%dma_wait3A_169 : memref<80xi32, #tpu.memory_space<hbm>>) dst(%arg12 : memref<80xi32, #tpu.memory_space<vmem>>)
        %dma_start3A_170 = arith.constant 0 : i32
        %dma_start3A_171 = arith.constant 0 : i32
        %dma_start3A_172 = tpu.memref_slice %arg14[%dma_start3A_170, %dma_start3A_171] : memref<10000x128xf32, #tpu.memory_space<vmem_shared>> -> memref<10000x128xf32, #tpu.memory_space<vmem_shared>>
        tpu.enqueue_indirect_dma source(%arg8 : memref<80x128xf32, #tpu.memory_space<vmem>>) target(%dma_start3A_172 : memref<10000x128xf32, #tpu.memory_space<vmem_shared>>) offsets(%arg12 : memref<80xi32, #tpu.memory_space<vmem>>) semaphore(%arg26 : memref<!tpu.dma_semaphore, #tpu.memory_space<semaphore_mem>>) {add = true}
      } else {
      }
    }
    %scan3A_58 = arith.constant 32 : i32
    %barrier3A_59 = arith.constant 0 : index
    tpu.barrier barrier_id(%barrier3A_59)
    %mul3A_60 = arith.constant 624 : i32
    %mul3A_61 = arith.muli %arg1, %mul3A_60 : i32
    "tpu.region"() ({
      %run_scoped3A = tpu.sem_alloc : memref<!tpu.dma_semaphore, #tpu.memory_space<semaphore_mem>>
      %dma_start3A_67 = arith.constant 0 : i32
      %dma_start3A_68 = arith.constant 0 : i32
      %dma_start3A_69 = tpu.memref_slice %arg4[%arg0, %dma_start3A_67, %dma_start3A_68] : memref<2x10000x128xf32, #tpu.memory_space<hbm>> -> memref<1x10000x128xf32, #tpu.memory_space<hbm>>
      %dma_start3A_70 = tpu.memref_squeeze %dma_start3A_69 : memref<1x10000x128xf32, #tpu.memory_space<hbm>> -> memref<10000x128xf32, #tpu.memory_space<hbm>>
      %dma_start3A_71 = arith.constant 0 : i32
      %dma_start3A_72 = tpu.memref_slice %dma_start3A_70[%mul3A_61, %dma_start3A_71] : memref<10000x128xf32, #tpu.memory_space<hbm>> -> memref<624x128xf32, #tpu.memory_space<hbm>>
      %dma_start3A_73 = arith.constant 0 : i32
      %dma_start3A_74 = tpu.memref_slice %arg14[%mul3A_61, %dma_start3A_73] : memref<10000x128xf32, #tpu.memory_space<vmem_shared>> -> memref<624x128xf32, #tpu.memory_space<vmem_shared>>
      tpu.enqueue_dma source(%dma_start3A_74 : memref<624x128xf32, #tpu.memory_space<vmem_shared>>) target(%dma_start3A_72 : memref<624x128xf32, #tpu.memory_space<hbm>>) target_semaphore(%run_scoped3A : memref<!tpu.dma_semaphore, #tpu.memory_space<semaphore_mem>>)
      %dma_wait3A = arith.constant 0 : i32
      %dma_wait3A_75 = arith.constant 0 : i32
      %dma_wait3A_76 = tpu.memref_slice %arg4[%arg0, %dma_wait3A, %dma_wait3A_75] : memref<2x10000x128xf32, #tpu.memory_space<hbm>> -> memref<1x10000x128xf32, #tpu.memory_space<hbm>>
      %dma_wait3A_77 = tpu.memref_squeeze %dma_wait3A_76 : memref<1x10000x128xf32, #tpu.memory_space<hbm>> -> memref<10000x128xf32, #tpu.memory_space<hbm>>
      %dma_wait3A_78 = arith.constant 0 : i32
      %dma_wait3A_79 = tpu.memref_slice %dma_wait3A_77[%mul3A_61, %dma_wait3A_78] : memref<10000x128xf32, #tpu.memory_space<hbm>> -> memref<624x128xf32, #tpu.memory_space<hbm>>
      %dma_wait3A_80 = arith.constant 0 : i32
      %dma_wait3A_81 = tpu.memref_slice %arg14[%mul3A_61, %dma_wait3A_80] : memref<10000x128xf32, #tpu.memory_space<vmem_shared>> -> memref<624x128xf32, #tpu.memory_space<vmem_shared>>
      tpu.wait_dma2 semaphore(%run_scoped3A : memref<!tpu.dma_semaphore, #tpu.memory_space<semaphore_mem>>) src(%dma_wait3A_81 : memref<624x128xf32, #tpu.memory_space<vmem_shared>>) dst(%dma_wait3A_79 : memref<624x128xf32, #tpu.memory_space<hbm>>)
      tpu.yield
    }) : () -> ()
    %eq3A_62 = arith.constant 15 : i32
    %eq3A_63 = arith.cmpi eq, %arg1, %eq3A_62 : i32
    %convert_element_type3A_64 = arith.extui %eq3A_63 : i1 to i32
    %cond3A_65 = arith.constant 0 : i32
    %cond3A_66 = arith.cmpi ne, %convert_element_type3A_64, %cond3A_65 : i32
    scf.if %cond3A_66 {
      "tpu.region"() ({
        %run_scoped3A = tpu.sem_alloc : memref<!tpu.dma_semaphore, #tpu.memory_space<semaphore_mem>>
        %dma_start3A_67 = arith.constant 0 : i32
        %dma_start3A_68 = arith.constant 0 : i32
        %dma_start3A_69 = tpu.memref_slice %arg4[%arg0, %dma_start3A_67, %dma_start3A_68] : memref<2x10000x128xf32, #tpu.memory_space<hbm>> -> memref<1x10000x128xf32, #tpu.memory_space<hbm>>
        %dma_start3A_70 = tpu.memref_squeeze %dma_start3A_69 : memref<1x10000x128xf32, #tpu.memory_space<hbm>> -> memref<10000x128xf32, #tpu.memory_space<hbm>>
        %dma_start3A_71 = arith.constant 9984 : i32
        %dma_start3A_72 = arith.constant 0 : i32
        %dma_start3A_73 = tpu.memref_slice %dma_start3A_70[%dma_start3A_71, %dma_start3A_72] : memref<10000x128xf32, #tpu.memory_space<hbm>> -> memref<16x128xf32, #tpu.memory_space<hbm>>
        %dma_start3A_74 = arith.constant 9984 : i32
        %dma_start3A_75 = arith.constant 0 : i32
        %dma_start3A_76 = tpu.memref_slice %arg14[%dma_start3A_74, %dma_start3A_75] : memref<10000x128xf32, #tpu.memory_space<vmem_shared>> -> memref<16x128xf32, #tpu.memory_space<vmem_shared>>
        tpu.enqueue_dma source(%dma_start3A_76 : memref<16x128xf32, #tpu.memory_space<vmem_shared>>) target(%dma_start3A_73 : memref<16x128xf32, #tpu.memory_space<hbm>>) target_semaphore(%run_scoped3A : memref<!tpu.dma_semaphore, #tpu.memory_space<semaphore_mem>>)
        %dma_wait3A = arith.constant 0 : i32
        %dma_wait3A_77 = arith.constant 0 : i32
        %dma_wait3A_78 = tpu.memref_slice %arg4[%arg0, %dma_wait3A, %dma_wait3A_77] : memref<2x10000x128xf32, #tpu.memory_space<hbm>> -> memref<1x10000x128xf32, #tpu.memory_space<hbm>>
        %dma_wait3A_79 = tpu.memref_squeeze %dma_wait3A_78 : memref<1x10000x128xf32, #tpu.memory_space<hbm>> -> memref<10000x128xf32, #tpu.memory_space<hbm>>
        %dma_wait3A_80 = arith.constant 9984 : i32
        %dma_wait3A_81 = arith.constant 0 : i32
        %dma_wait3A_82 = tpu.memref_slice %dma_wait3A_79[%dma_wait3A_80, %dma_wait3A_81] : memref<10000x128xf32, #tpu.memory_space<hbm>> -> memref<16x128xf32, #tpu.memory_space<hbm>>
        %dma_wait3A_83 = arith.constant 9984 : i32
        %dma_wait3A_84 = arith.constant 0 : i32
        %dma_wait3A_85 = tpu.memref_slice %arg14[%dma_wait3A_83, %dma_wait3A_84] : memref<10000x128xf32, #tpu.memory_space<vmem_shared>> -> memref<16x128xf32, #tpu.memory_space<vmem_shared>>
        tpu.wait_dma2 semaphore(%run_scoped3A : memref<!tpu.dma_semaphore, #tpu.memory_space<semaphore_mem>>) src(%dma_wait3A_85 : memref<16x128xf32, #tpu.memory_space<vmem_shared>>) dst(%dma_wait3A_82 : memref<16x128xf32, #tpu.memory_space<hbm>>)
        tpu.yield
      }) : () -> ()
    } else {
    }
    return
  }
}

#map = affine_map<(d0, d1) -> (0, 0)>
#map1 = affine_map<(d0, d1) -> (0)>
#map2 = affine_map<(d0, d1) -> (0, 0, 0)>
module attributes {stable_mosaic.version = 14 : i64} {
  func.func @k(%arg0: i32, %arg1: i32, %arg2: memref<10000x128xf32, #tpu.memory_space<hbm>>, %arg3: memref<320000x128xf32, #tpu.memory_space<hbm>>, %arg4: memref<320000xi32, #tpu.memory_space<hbm>>, %arg5: memref<320000xi32, #tpu.memory_space<hbm>>, %arg6: memref<2x10000x128xf32, #tpu.memory_space<hbm>>, %arg7: memref<80x128xf32, #tpu.memory_space<vmem>>, %arg8: memref<80x128xf32, #tpu.memory_space<vmem>>, %arg9: memref<80x128xf32, #tpu.memory_space<vmem>>, %arg10: memref<80x128xf32, #tpu.memory_space<vmem>>, %arg11: memref<80xi32, #tpu.memory_space<vmem>>, %arg12: memref<80xi32, #tpu.memory_space<vmem>>, %arg13: memref<80xi32, #tpu.memory_space<vmem>>, %arg14: memref<80xi32, #tpu.memory_space<vmem>>, %arg15: memref<80xi32, #tpu.memory_space<vmem>>, %arg16: memref<80xi32, #tpu.memory_space<vmem>>, %arg17: memref<80xi32, #tpu.memory_space<vmem>>, %arg18: memref<80xi32, #tpu.memory_space<vmem>>, %arg19: memref<48x128xf32, #tpu.memory_space<vmem>>, %arg20: memref<10000x128xf32, #tpu.memory_space<vmem_shared>>, %arg21: memref<!tpu.dma_semaphore, #tpu.memory_space<semaphore_mem>>, %arg22: memref<!tpu.dma_semaphore, #tpu.memory_space<semaphore_mem>>, %arg23: memref<!tpu.dma_semaphore, #tpu.memory_space<semaphore_mem>>, %arg24: memref<!tpu.dma_semaphore, #tpu.memory_space<semaphore_mem>>, %arg25: memref<!tpu.dma_semaphore, #tpu.memory_space<semaphore_mem>>, %arg26: memref<!tpu.dma_semaphore, #tpu.memory_space<semaphore_mem>>, %arg27: memref<!tpu.dma_semaphore, #tpu.memory_space<semaphore_mem>>, %arg28: memref<!tpu.dma_semaphore, #tpu.memory_space<semaphore_mem>>, %arg29: memref<!tpu.dma_semaphore, #tpu.memory_space<semaphore_mem>>, %arg30: memref<!tpu.dma_semaphore, #tpu.memory_space<semaphore_mem>>, %arg31: memref<!tpu.dma_semaphore, #tpu.memory_space<semaphore_mem>>, %arg32: memref<!tpu.dma_semaphore, #tpu.memory_space<semaphore_mem>>, %arg33: memref<!tpu.dma_semaphore, #tpu.memory_space<semaphore_mem>>, %arg34: memref<!tpu.dma_semaphore, #tpu.memory_space<semaphore_mem>>) attributes {dimension_semantics = [#tpu.dimension_semantics<core_parallel>, #tpu.dimension_semantics<subcore_parallel>], iteration_bounds = array<i64: 2, 16>, scalar_prefetch = 0 : i64, scratch_operands = 28 : i64, tpu.core_type = #tpu.core_type<sc_vector_subcore>, window_params = [{transform_indices = #map}, {transform_indices = #map}, {transform_indices = #map1}, {transform_indices = #map1}, {transform_indices = #map2}]} {
    %mul3A = arith.constant 2 : i32
    %mul3A_0 = arith.muli %arg1, %mul3A : i32
    %add3A = arith.addi %mul3A_0, %arg0 : i32
    %scan3A = arith.constant 0 : i32
    %scan3A_1 = arith.constant 0 : i32
    %scan3A_2 = arith.constant 48 : i32
    %scan3A_3 = arith.addi %scan3A_1, %scan3A_2 : i32
    %scan3A_4 = arith.constant 1 : i32
    scf.for %scan3A_71 = %scan3A_1 to %scan3A_3 step %scan3A_4  : i32 {
      %broadcast_in_dim3A = arith.constant 0.000000e+00 : f32
      %broadcast_in_dim3A_72 = vector.broadcast %broadcast_in_dim3A : f32 to vector<16xf32>
      %swap3A = arith.index_cast %scan3A_71 : i32 to index
      %swap3A_73 = arith.constant 0 : index
      %swap3A_74 = tpu.vector_load %arg19[%swap3A, %swap3A_73] {strides = array<i32>} : memref<48x128xf32, #tpu.memory_space<vmem>>, vector<1x16xf32>,
      %swap3A_75 = vector.shape_cast %swap3A_74 : vector<1x16xf32> to vector<16xf32>
      %swap3A_76 = vector.shape_cast %broadcast_in_dim3A_72 : vector<16xf32> to vector<1x16xf32>
      tpu.vector_store %arg19[%swap3A, %swap3A_73], %swap3A_76 {strides = array<i32>} : memref<48x128xf32, #tpu.memory_space<vmem>>, vector<1x16xf32>,
      %broadcast_in_dim3A_77 = arith.constant 0.000000e+00 : f32
      %broadcast_in_dim3A_78 = vector.broadcast %broadcast_in_dim3A_77 : f32 to vector<16xf32>
      %swap3A_79 = arith.index_cast %scan3A_71 : i32 to index
      %swap3A_80 = arith.constant 16 : index
      %swap3A_81 = tpu.vector_load %arg19[%swap3A_79, %swap3A_80] {strides = array<i32>} : memref<48x128xf32, #tpu.memory_space<vmem>>, vector<1x16xf32>,
      %swap3A_82 = vector.shape_cast %swap3A_81 : vector<1x16xf32> to vector<16xf32>
      %swap3A_83 = vector.shape_cast %broadcast_in_dim3A_78 : vector<16xf32> to vector<1x16xf32>
      tpu.vector_store %arg19[%swap3A_79, %swap3A_80], %swap3A_83 {strides = array<i32>} : memref<48x128xf32, #tpu.memory_space<vmem>>, vector<1x16xf32>,
      %broadcast_in_dim3A_84 = arith.constant 0.000000e+00 : f32
      %broadcast_in_dim3A_85 = vector.broadcast %broadcast_in_dim3A_84 : f32 to vector<16xf32>
      %swap3A_86 = arith.index_cast %scan3A_71 : i32 to index
      %swap3A_87 = arith.constant 32 : index
      %swap3A_88 = tpu.vector_load %arg19[%swap3A_86, %swap3A_87] {strides = array<i32>} : memref<48x128xf32, #tpu.memory_space<vmem>>, vector<1x16xf32>,
      %swap3A_89 = vector.shape_cast %swap3A_88 : vector<1x16xf32> to vector<16xf32>
      %swap3A_90 = vector.shape_cast %broadcast_in_dim3A_85 : vector<16xf32> to vector<1x16xf32>
      tpu.vector_store %arg19[%swap3A_86, %swap3A_87], %swap3A_90 {strides = array<i32>} : memref<48x128xf32, #tpu.memory_space<vmem>>, vector<1x16xf32>,
      %broadcast_in_dim3A_91 = arith.constant 0.000000e+00 : f32
      %broadcast_in_dim3A_92 = vector.broadcast %broadcast_in_dim3A_91 : f32 to vector<16xf32>
      %swap3A_93 = arith.index_cast %scan3A_71 : i32 to index
      %swap3A_94 = arith.constant 48 : index
      %swap3A_95 = tpu.vector_load %arg19[%swap3A_93, %swap3A_94] {strides = array<i32>} : memref<48x128xf32, #tpu.memory_space<vmem>>, vector<1x16xf32>,
      %swap3A_96 = vector.shape_cast %swap3A_95 : vector<1x16xf32> to vector<16xf32>
      %swap3A_97 = vector.shape_cast %broadcast_in_dim3A_92 : vector<16xf32> to vector<1x16xf32>
      tpu.vector_store %arg19[%swap3A_93, %swap3A_94], %swap3A_97 {strides = array<i32>} : memref<48x128xf32, #tpu.memory_space<vmem>>, vector<1x16xf32>,
      %broadcast_in_dim3A_98 = arith.constant 0.000000e+00 : f32
      %broadcast_in_dim3A_99 = vector.broadcast %broadcast_in_dim3A_98 : f32 to vector<16xf32>
      %swap3A_100 = arith.index_cast %scan3A_71 : i32 to index
      %swap3A_101 = arith.constant 64 : index
      %swap3A_102 = tpu.vector_load %arg19[%swap3A_100, %swap3A_101] {strides = array<i32>} : memref<48x128xf32, #tpu.memory_space<vmem>>, vector<1x16xf32>,
      %swap3A_103 = vector.shape_cast %swap3A_102 : vector<1x16xf32> to vector<16xf32>
      %swap3A_104 = vector.shape_cast %broadcast_in_dim3A_99 : vector<16xf32> to vector<1x16xf32>
      tpu.vector_store %arg19[%swap3A_100, %swap3A_101], %swap3A_104 {strides = array<i32>} : memref<48x128xf32, #tpu.memory_space<vmem>>, vector<1x16xf32>,
      %broadcast_in_dim3A_105 = arith.constant 0.000000e+00 : f32
      %broadcast_in_dim3A_106 = vector.broadcast %broadcast_in_dim3A_105 : f32 to vector<16xf32>
      %swap3A_107 = arith.index_cast %scan3A_71 : i32 to index
      %swap3A_108 = arith.constant 80 : index
      %swap3A_109 = tpu.vector_load %arg19[%swap3A_107, %swap3A_108] {strides = array<i32>} : memref<48x128xf32, #tpu.memory_space<vmem>>, vector<1x16xf32>,
      %swap3A_110 = vector.shape_cast %swap3A_109 : vector<1x16xf32> to vector<16xf32>
      %swap3A_111 = vector.shape_cast %broadcast_in_dim3A_106 : vector<16xf32> to vector<1x16xf32>
      tpu.vector_store %arg19[%swap3A_107, %swap3A_108], %swap3A_111 {strides = array<i32>} : memref<48x128xf32, #tpu.memory_space<vmem>>, vector<1x16xf32>,
      %broadcast_in_dim3A_112 = arith.constant 0.000000e+00 : f32
      %broadcast_in_dim3A_113 = vector.broadcast %broadcast_in_dim3A_112 : f32 to vector<16xf32>
      %swap3A_114 = arith.index_cast %scan3A_71 : i32 to index
      %swap3A_115 = arith.constant 96 : index
      %swap3A_116 = tpu.vector_load %arg19[%swap3A_114, %swap3A_115] {strides = array<i32>} : memref<48x128xf32, #tpu.memory_space<vmem>>, vector<1x16xf32>,
      %swap3A_117 = vector.shape_cast %swap3A_116 : vector<1x16xf32> to vector<16xf32>
      %swap3A_118 = vector.shape_cast %broadcast_in_dim3A_113 : vector<16xf32> to vector<1x16xf32>
      tpu.vector_store %arg19[%swap3A_114, %swap3A_115], %swap3A_118 {strides = array<i32>} : memref<48x128xf32, #tpu.memory_space<vmem>>, vector<1x16xf32>,
      %broadcast_in_dim3A_119 = arith.constant 0.000000e+00 : f32
      %broadcast_in_dim3A_120 = vector.broadcast %broadcast_in_dim3A_119 : f32 to vector<16xf32>
      %swap3A_121 = arith.index_cast %scan3A_71 : i32 to index
      %swap3A_122 = arith.constant 112 : index
      %swap3A_123 = tpu.vector_load %arg19[%swap3A_121, %swap3A_122] {strides = array<i32>} : memref<48x128xf32, #tpu.memory_space<vmem>>, vector<1x16xf32>,
      %swap3A_124 = vector.shape_cast %swap3A_123 : vector<1x16xf32> to vector<16xf32>
      %swap3A_125 = vector.shape_cast %broadcast_in_dim3A_120 : vector<16xf32> to vector<1x16xf32>
      tpu.vector_store %arg19[%swap3A_121, %swap3A_122], %swap3A_125 {strides = array<i32>} : memref<48x128xf32, #tpu.memory_space<vmem>>, vector<1x16xf32>,
    }
    %scan3A_5 = arith.constant 48 : i32
    %mul3A_6 = arith.constant 624 : i32
    %mul3A_7 = arith.muli %arg1, %mul3A_6 : i32
    %add3A_8 = arith.constant 0 : i32
    %add3A_9 = arith.addi %mul3A_7, %add3A_8 : i32
    "tpu.region"() ({
      %run_scoped3A = tpu.sem_alloc : memref<!tpu.dma_semaphore, #tpu.memory_space<semaphore_mem>>
      %dma_start3A_71 = arith.constant 0 : i32
      %dma_start3A_72 = tpu.memref_slice %arg20[%add3A_9, %dma_start3A_71] : memref<10000x128xf32, #tpu.memory_space<vmem_shared>> -> memref<48x128xf32, #tpu.memory_space<vmem_shared>>
      %dma_start3A_73 = arith.constant 0 : i32
      %dma_start3A_74 = tpu.memref_slice %arg20[%add3A_9, %dma_start3A_73] : memref<10000x128xf32, #tpu.memory_space<vmem_shared>> -> memref<48x128xf32, #tpu.memory_space<vmem_shared>>
      tpu.enqueue_dma source(%arg19 : memref<48x128xf32, #tpu.memory_space<vmem>>) target(%dma_start3A_74 : memref<48x128xf32, #tpu.memory_space<vmem_shared>>) target_semaphore(%run_scoped3A : memref<!tpu.dma_semaphore, #tpu.memory_space<semaphore_mem>>)
      %dma_wait3A_75 = arith.constant 0 : i32
      %dma_wait3A_76 = tpu.memref_slice %arg20[%add3A_9, %dma_wait3A_75] : memref<10000x128xf32, #tpu.memory_space<vmem_shared>> -> memref<48x128xf32, #tpu.memory_space<vmem_shared>>
      %dma_wait3A_77 = arith.constant 0 : i32
      %dma_wait3A_78 = tpu.memref_slice %arg20[%add3A_9, %dma_wait3A_77] : memref<10000x128xf32, #tpu.memory_space<vmem_shared>> -> memref<48x128xf32, #tpu.memory_space<vmem_shared>>
      tpu.wait_dma2 semaphore(%run_scoped3A : memref<!tpu.dma_semaphore, #tpu.memory_space<semaphore_mem>>) src(%arg19 : memref<48x128xf32, #tpu.memory_space<vmem>>) dst(%dma_wait3A_78 : memref<48x128xf32, #tpu.memory_space<vmem_shared>>)
      tpu.yield
    }) : () -> ()
    %add3A_10 = arith.constant 48 : i32
    %add3A_11 = arith.addi %mul3A_7, %add3A_10 : i32
    "tpu.region"() ({
      %run_scoped3A = tpu.sem_alloc : memref<!tpu.dma_semaphore, #tpu.memory_space<semaphore_mem>>
      %dma_start3A_71 = arith.constant 0 : i32
      %dma_start3A_72 = tpu.memref_slice %arg20[%add3A_11, %dma_start3A_71] : memref<10000x128xf32, #tpu.memory_space<vmem_shared>> -> memref<48x128xf32, #tpu.memory_space<vmem_shared>>
      %dma_start3A_73 = arith.constant 0 : i32
      %dma_start3A_74 = tpu.memref_slice %arg20[%add3A_11, %dma_start3A_73] : memref<10000x128xf32, #tpu.memory_space<vmem_shared>> -> memref<48x128xf32, #tpu.memory_space<vmem_shared>>
      tpu.enqueue_dma source(%arg19 : memref<48x128xf32, #tpu.memory_space<vmem>>) target(%dma_start3A_74 : memref<48x128xf32, #tpu.memory_space<vmem_shared>>) target_semaphore(%run_scoped3A : memref<!tpu.dma_semaphore, #tpu.memory_space<semaphore_mem>>)
      %dma_wait3A_75 = arith.constant 0 : i32
      %dma_wait3A_76 = tpu.memref_slice %arg20[%add3A_11, %dma_wait3A_75] : memref<10000x128xf32, #tpu.memory_space<vmem_shared>> -> memref<48x128xf32, #tpu.memory_space<vmem_shared>>
      %dma_wait3A_77 = arith.constant 0 : i32
      %dma_wait3A_78 = tpu.memref_slice %arg20[%add3A_11, %dma_wait3A_77] : memref<10000x128xf32, #tpu.memory_space<vmem_shared>> -> memref<48x128xf32, #tpu.memory_space<vmem_shared>>
      tpu.wait_dma2 semaphore(%run_scoped3A : memref<!tpu.dma_semaphore, #tpu.memory_space<semaphore_mem>>) src(%arg19 : memref<48x128xf32, #tpu.memory_space<vmem>>) dst(%dma_wait3A_78 : memref<48x128xf32, #tpu.memory_space<vmem_shared>>)
      tpu.yield
    }) : () -> ()
    %add3A_12 = arith.constant 96 : i32
    %add3A_13 = arith.addi %mul3A_7, %add3A_12 : i32
    "tpu.region"() ({
      %run_scoped3A = tpu.sem_alloc : memref<!tpu.dma_semaphore, #tpu.memory_space<semaphore_mem>>
      %dma_start3A_71 = arith.constant 0 : i32
      %dma_start3A_72 = tpu.memref_slice %arg20[%add3A_13, %dma_start3A_71] : memref<10000x128xf32, #tpu.memory_space<vmem_shared>> -> memref<48x128xf32, #tpu.memory_space<vmem_shared>>
      %dma_start3A_73 = arith.constant 0 : i32
      %dma_start3A_74 = tpu.memref_slice %arg20[%add3A_13, %dma_start3A_73] : memref<10000x128xf32, #tpu.memory_space<vmem_shared>> -> memref<48x128xf32, #tpu.memory_space<vmem_shared>>
      tpu.enqueue_dma source(%arg19 : memref<48x128xf32, #tpu.memory_space<vmem>>) target(%dma_start3A_74 : memref<48x128xf32, #tpu.memory_space<vmem_shared>>) target_semaphore(%run_scoped3A : memref<!tpu.dma_semaphore, #tpu.memory_space<semaphore_mem>>)
      %dma_wait3A_75 = arith.constant 0 : i32
      %dma_wait3A_76 = tpu.memref_slice %arg20[%add3A_13, %dma_wait3A_75] : memref<10000x128xf32, #tpu.memory_space<vmem_shared>> -> memref<48x128xf32, #tpu.memory_space<vmem_shared>>
      %dma_wait3A_77 = arith.constant 0 : i32
      %dma_wait3A_78 = tpu.memref_slice %arg20[%add3A_13, %dma_wait3A_77] : memref<10000x128xf32, #tpu.memory_space<vmem_shared>> -> memref<48x128xf32, #tpu.memory_space<vmem_shared>>
      tpu.wait_dma2 semaphore(%run_scoped3A : memref<!tpu.dma_semaphore, #tpu.memory_space<semaphore_mem>>) src(%arg19 : memref<48x128xf32, #tpu.memory_space<vmem>>) dst(%dma_wait3A_78 : memref<48x128xf32, #tpu.memory_space<vmem_shared>>)
      tpu.yield
    }) : () -> ()
    %add3A_14 = arith.constant 144 : i32
    %add3A_15 = arith.addi %mul3A_7, %add3A_14 : i32
    "tpu.region"() ({
      %run_scoped3A = tpu.sem_alloc : memref<!tpu.dma_semaphore, #tpu.memory_space<semaphore_mem>>
      %dma_start3A_71 = arith.constant 0 : i32
      %dma_start3A_72 = tpu.memref_slice %arg20[%add3A_15, %dma_start3A_71] : memref<10000x128xf32, #tpu.memory_space<vmem_shared>> -> memref<48x128xf32, #tpu.memory_space<vmem_shared>>
      %dma_start3A_73 = arith.constant 0 : i32
      %dma_start3A_74 = tpu.memref_slice %arg20[%add3A_15, %dma_start3A_73] : memref<10000x128xf32, #tpu.memory_space<vmem_shared>> -> memref<48x128xf32, #tpu.memory_space<vmem_shared>>
      tpu.enqueue_dma source(%arg19 : memref<48x128xf32, #tpu.memory_space<vmem>>) target(%dma_start3A_74 : memref<48x128xf32, #tpu.memory_space<vmem_shared>>) target_semaphore(%run_scoped3A : memref<!tpu.dma_semaphore, #tpu.memory_space<semaphore_mem>>)
      %dma_wait3A_75 = arith.constant 0 : i32
      %dma_wait3A_76 = tpu.memref_slice %arg20[%add3A_15, %dma_wait3A_75] : memref<10000x128xf32, #tpu.memory_space<vmem_shared>> -> memref<48x128xf32, #tpu.memory_space<vmem_shared>>
      %dma_wait3A_77 = arith.constant 0 : i32
      %dma_wait3A_78 = tpu.memref_slice %arg20[%add3A_15, %dma_wait3A_77] : memref<10000x128xf32, #tpu.memory_space<vmem_shared>> -> memref<48x128xf32, #tpu.memory_space<vmem_shared>>
      tpu.wait_dma2 semaphore(%run_scoped3A : memref<!tpu.dma_semaphore, #tpu.memory_space<semaphore_mem>>) src(%arg19 : memref<48x128xf32, #tpu.memory_space<vmem>>) dst(%dma_wait3A_78 : memref<48x128xf32, #tpu.memory_space<vmem_shared>>)
      tpu.yield
    }) : () -> ()
    %add3A_16 = arith.constant 192 : i32
    %add3A_17 = arith.addi %mul3A_7, %add3A_16 : i32
    "tpu.region"() ({
      %run_scoped3A = tpu.sem_alloc : memref<!tpu.dma_semaphore, #tpu.memory_space<semaphore_mem>>
      %dma_start3A_71 = arith.constant 0 : i32
      %dma_start3A_72 = tpu.memref_slice %arg20[%add3A_17, %dma_start3A_71] : memref<10000x128xf32, #tpu.memory_space<vmem_shared>> -> memref<48x128xf32, #tpu.memory_space<vmem_shared>>
      %dma_start3A_73 = arith.constant 0 : i32
      %dma_start3A_74 = tpu.memref_slice %arg20[%add3A_17, %dma_start3A_73] : memref<10000x128xf32, #tpu.memory_space<vmem_shared>> -> memref<48x128xf32, #tpu.memory_space<vmem_shared>>
      tpu.enqueue_dma source(%arg19 : memref<48x128xf32, #tpu.memory_space<vmem>>) target(%dma_start3A_74 : memref<48x128xf32, #tpu.memory_space<vmem_shared>>) target_semaphore(%run_scoped3A : memref<!tpu.dma_semaphore, #tpu.memory_space<semaphore_mem>>)
      %dma_wait3A_75 = arith.constant 0 : i32
      %dma_wait3A_76 = tpu.memref_slice %arg20[%add3A_17, %dma_wait3A_75] : memref<10000x128xf32, #tpu.memory_space<vmem_shared>> -> memref<48x128xf32, #tpu.memory_space<vmem_shared>>
      %dma_wait3A_77 = arith.constant 0 : i32
      %dma_wait3A_78 = tpu.memref_slice %arg20[%add3A_17, %dma_wait3A_77] : memref<10000x128xf32, #tpu.memory_space<vmem_shared>> -> memref<48x128xf32, #tpu.memory_space<vmem_shared>>
      tpu.wait_dma2 semaphore(%run_scoped3A : memref<!tpu.dma_semaphore, #tpu.memory_space<semaphore_mem>>) src(%arg19 : memref<48x128xf32, #tpu.memory_space<vmem>>) dst(%dma_wait3A_78 : memref<48x128xf32, #tpu.memory_space<vmem_shared>>)
      tpu.yield
    }) : () -> ()
    %add3A_18 = arith.constant 240 : i32
    %add3A_19 = arith.addi %mul3A_7, %add3A_18 : i32
    "tpu.region"() ({
      %run_scoped3A = tpu.sem_alloc : memref<!tpu.dma_semaphore, #tpu.memory_space<semaphore_mem>>
      %dma_start3A_71 = arith.constant 0 : i32
      %dma_start3A_72 = tpu.memref_slice %arg20[%add3A_19, %dma_start3A_71] : memref<10000x128xf32, #tpu.memory_space<vmem_shared>> -> memref<48x128xf32, #tpu.memory_space<vmem_shared>>
      %dma_start3A_73 = arith.constant 0 : i32
      %dma_start3A_74 = tpu.memref_slice %arg20[%add3A_19, %dma_start3A_73] : memref<10000x128xf32, #tpu.memory_space<vmem_shared>> -> memref<48x128xf32, #tpu.memory_space<vmem_shared>>
      tpu.enqueue_dma source(%arg19 : memref<48x128xf32, #tpu.memory_space<vmem>>) target(%dma_start3A_74 : memref<48x128xf32, #tpu.memory_space<vmem_shared>>) target_semaphore(%run_scoped3A : memref<!tpu.dma_semaphore, #tpu.memory_space<semaphore_mem>>)
      %dma_wait3A_75 = arith.constant 0 : i32
      %dma_wait3A_76 = tpu.memref_slice %arg20[%add3A_19, %dma_wait3A_75] : memref<10000x128xf32, #tpu.memory_space<vmem_shared>> -> memref<48x128xf32, #tpu.memory_space<vmem_shared>>
      %dma_wait3A_77 = arith.constant 0 : i32
      %dma_wait3A_78 = tpu.memref_slice %arg20[%add3A_19, %dma_wait3A_77] : memref<10000x128xf32, #tpu.memory_space<vmem_shared>> -> memref<48x128xf32, #tpu.memory_space<vmem_shared>>
      tpu.wait_dma2 semaphore(%run_scoped3A : memref<!tpu.dma_semaphore, #tpu.memory_space<semaphore_mem>>) src(%arg19 : memref<48x128xf32, #tpu.memory_space<vmem>>) dst(%dma_wait3A_78 : memref<48x128xf32, #tpu.memory_space<vmem_shared>>)
      tpu.yield
    }) : () -> ()
    %add3A_20 = arith.constant 288 : i32
    %add3A_21 = arith.addi %mul3A_7, %add3A_20 : i32
    "tpu.region"() ({
      %run_scoped3A = tpu.sem_alloc : memref<!tpu.dma_semaphore, #tpu.memory_space<semaphore_mem>>
      %dma_start3A_71 = arith.constant 0 : i32
      %dma_start3A_72 = tpu.memref_slice %arg20[%add3A_21, %dma_start3A_71] : memref<10000x128xf32, #tpu.memory_space<vmem_shared>> -> memref<48x128xf32, #tpu.memory_space<vmem_shared>>
      %dma_start3A_73 = arith.constant 0 : i32
      %dma_start3A_74 = tpu.memref_slice %arg20[%add3A_21, %dma_start3A_73] : memref<10000x128xf32, #tpu.memory_space<vmem_shared>> -> memref<48x128xf32, #tpu.memory_space<vmem_shared>>
      tpu.enqueue_dma source(%arg19 : memref<48x128xf32, #tpu.memory_space<vmem>>) target(%dma_start3A_74 : memref<48x128xf32, #tpu.memory_space<vmem_shared>>) target_semaphore(%run_scoped3A : memref<!tpu.dma_semaphore, #tpu.memory_space<semaphore_mem>>)
      %dma_wait3A_75 = arith.constant 0 : i32
      %dma_wait3A_76 = tpu.memref_slice %arg20[%add3A_21, %dma_wait3A_75] : memref<10000x128xf32, #tpu.memory_space<vmem_shared>> -> memref<48x128xf32, #tpu.memory_space<vmem_shared>>
      %dma_wait3A_77 = arith.constant 0 : i32
      %dma_wait3A_78 = tpu.memref_slice %arg20[%add3A_21, %dma_wait3A_77] : memref<10000x128xf32, #tpu.memory_space<vmem_shared>> -> memref<48x128xf32, #tpu.memory_space<vmem_shared>>
      tpu.wait_dma2 semaphore(%run_scoped3A : memref<!tpu.dma_semaphore, #tpu.memory_space<semaphore_mem>>) src(%arg19 : memref<48x128xf32, #tpu.memory_space<vmem>>) dst(%dma_wait3A_78 : memref<48x128xf32, #tpu.memory_space<vmem_shared>>)
      tpu.yield
    }) : () -> ()
    %add3A_22 = arith.constant 336 : i32
    %add3A_23 = arith.addi %mul3A_7, %add3A_22 : i32
    "tpu.region"() ({
      %run_scoped3A = tpu.sem_alloc : memref<!tpu.dma_semaphore, #tpu.memory_space<semaphore_mem>>
      %dma_start3A_71 = arith.constant 0 : i32
      %dma_start3A_72 = tpu.memref_slice %arg20[%add3A_23, %dma_start3A_71] : memref<10000x128xf32, #tpu.memory_space<vmem_shared>> -> memref<48x128xf32, #tpu.memory_space<vmem_shared>>
      %dma_start3A_73 = arith.constant 0 : i32
      %dma_start3A_74 = tpu.memref_slice %arg20[%add3A_23, %dma_start3A_73] : memref<10000x128xf32, #tpu.memory_space<vmem_shared>> -> memref<48x128xf32, #tpu.memory_space<vmem_shared>>
      tpu.enqueue_dma source(%arg19 : memref<48x128xf32, #tpu.memory_space<vmem>>) target(%dma_start3A_74 : memref<48x128xf32, #tpu.memory_space<vmem_shared>>) target_semaphore(%run_scoped3A : memref<!tpu.dma_semaphore, #tpu.memory_space<semaphore_mem>>)
      %dma_wait3A_75 = arith.constant 0 : i32
      %dma_wait3A_76 = tpu.memref_slice %arg20[%add3A_23, %dma_wait3A_75] : memref<10000x128xf32, #tpu.memory_space<vmem_shared>> -> memref<48x128xf32, #tpu.memory_space<vmem_shared>>
      %dma_wait3A_77 = arith.constant 0 : i32
      %dma_wait3A_78 = tpu.memref_slice %arg20[%add3A_23, %dma_wait3A_77] : memref<10000x128xf32, #tpu.memory_space<vmem_shared>> -> memref<48x128xf32, #tpu.memory_space<vmem_shared>>
      tpu.wait_dma2 semaphore(%run_scoped3A : memref<!tpu.dma_semaphore, #tpu.memory_space<semaphore_mem>>) src(%arg19 : memref<48x128xf32, #tpu.memory_space<vmem>>) dst(%dma_wait3A_78 : memref<48x128xf32, #tpu.memory_space<vmem_shared>>)
      tpu.yield
    }) : () -> ()
    %add3A_24 = arith.constant 384 : i32
    %add3A_25 = arith.addi %mul3A_7, %add3A_24 : i32
    "tpu.region"() ({
      %run_scoped3A = tpu.sem_alloc : memref<!tpu.dma_semaphore, #tpu.memory_space<semaphore_mem>>
      %dma_start3A_71 = arith.constant 0 : i32
      %dma_start3A_72 = tpu.memref_slice %arg20[%add3A_25, %dma_start3A_71] : memref<10000x128xf32, #tpu.memory_space<vmem_shared>> -> memref<48x128xf32, #tpu.memory_space<vmem_shared>>
      %dma_start3A_73 = arith.constant 0 : i32
      %dma_start3A_74 = tpu.memref_slice %arg20[%add3A_25, %dma_start3A_73] : memref<10000x128xf32, #tpu.memory_space<vmem_shared>> -> memref<48x128xf32, #tpu.memory_space<vmem_shared>>
      tpu.enqueue_dma source(%arg19 : memref<48x128xf32, #tpu.memory_space<vmem>>) target(%dma_start3A_74 : memref<48x128xf32, #tpu.memory_space<vmem_shared>>) target_semaphore(%run_scoped3A : memref<!tpu.dma_semaphore, #tpu.memory_space<semaphore_mem>>)
      %dma_wait3A_75 = arith.constant 0 : i32
      %dma_wait3A_76 = tpu.memref_slice %arg20[%add3A_25, %dma_wait3A_75] : memref<10000x128xf32, #tpu.memory_space<vmem_shared>> -> memref<48x128xf32, #tpu.memory_space<vmem_shared>>
      %dma_wait3A_77 = arith.constant 0 : i32
      %dma_wait3A_78 = tpu.memref_slice %arg20[%add3A_25, %dma_wait3A_77] : memref<10000x128xf32, #tpu.memory_space<vmem_shared>> -> memref<48x128xf32, #tpu.memory_space<vmem_shared>>
      tpu.wait_dma2 semaphore(%run_scoped3A : memref<!tpu.dma_semaphore, #tpu.memory_space<semaphore_mem>>) src(%arg19 : memref<48x128xf32, #tpu.memory_space<vmem>>) dst(%dma_wait3A_78 : memref<48x128xf32, #tpu.memory_space<vmem_shared>>)
      tpu.yield
    }) : () -> ()
    %add3A_26 = arith.constant 432 : i32
    %add3A_27 = arith.addi %mul3A_7, %add3A_26 : i32
    "tpu.region"() ({
      %run_scoped3A = tpu.sem_alloc : memref<!tpu.dma_semaphore, #tpu.memory_space<semaphore_mem>>
      %dma_start3A_71 = arith.constant 0 : i32
      %dma_start3A_72 = tpu.memref_slice %arg20[%add3A_27, %dma_start3A_71] : memref<10000x128xf32, #tpu.memory_space<vmem_shared>> -> memref<48x128xf32, #tpu.memory_space<vmem_shared>>
      %dma_start3A_73 = arith.constant 0 : i32
      %dma_start3A_74 = tpu.memref_slice %arg20[%add3A_27, %dma_start3A_73] : memref<10000x128xf32, #tpu.memory_space<vmem_shared>> -> memref<48x128xf32, #tpu.memory_space<vmem_shared>>
      tpu.enqueue_dma source(%arg19 : memref<48x128xf32, #tpu.memory_space<vmem>>) target(%dma_start3A_74 : memref<48x128xf32, #tpu.memory_space<vmem_shared>>) target_semaphore(%run_scoped3A : memref<!tpu.dma_semaphore, #tpu.memory_space<semaphore_mem>>)
      %dma_wait3A_75 = arith.constant 0 : i32
      %dma_wait3A_76 = tpu.memref_slice %arg20[%add3A_27, %dma_wait3A_75] : memref<10000x128xf32, #tpu.memory_space<vmem_shared>> -> memref<48x128xf32, #tpu.memory_space<vmem_shared>>
      %dma_wait3A_77 = arith.constant 0 : i32
      %dma_wait3A_78 = tpu.memref_slice %arg20[%add3A_27, %dma_wait3A_77] : memref<10000x128xf32, #tpu.memory_space<vmem_shared>> -> memref<48x128xf32, #tpu.memory_space<vmem_shared>>
      tpu.wait_dma2 semaphore(%run_scoped3A : memref<!tpu.dma_semaphore, #tpu.memory_space<semaphore_mem>>) src(%arg19 : memref<48x128xf32, #tpu.memory_space<vmem>>) dst(%dma_wait3A_78 : memref<48x128xf32, #tpu.memory_space<vmem_shared>>)
      tpu.yield
    }) : () -> ()
    %add3A_28 = arith.constant 480 : i32
    %add3A_29 = arith.addi %mul3A_7, %add3A_28 : i32
    "tpu.region"() ({
      %run_scoped3A = tpu.sem_alloc : memref<!tpu.dma_semaphore, #tpu.memory_space<semaphore_mem>>
      %dma_start3A_71 = arith.constant 0 : i32
      %dma_start3A_72 = tpu.memref_slice %arg20[%add3A_29, %dma_start3A_71] : memref<10000x128xf32, #tpu.memory_space<vmem_shared>> -> memref<48x128xf32, #tpu.memory_space<vmem_shared>>
      %dma_start3A_73 = arith.constant 0 : i32
      %dma_start3A_74 = tpu.memref_slice %arg20[%add3A_29, %dma_start3A_73] : memref<10000x128xf32, #tpu.memory_space<vmem_shared>> -> memref<48x128xf32, #tpu.memory_space<vmem_shared>>
      tpu.enqueue_dma source(%arg19 : memref<48x128xf32, #tpu.memory_space<vmem>>) target(%dma_start3A_74 : memref<48x128xf32, #tpu.memory_space<vmem_shared>>) target_semaphore(%run_scoped3A : memref<!tpu.dma_semaphore, #tpu.memory_space<semaphore_mem>>)
      %dma_wait3A_75 = arith.constant 0 : i32
      %dma_wait3A_76 = tpu.memref_slice %arg20[%add3A_29, %dma_wait3A_75] : memref<10000x128xf32, #tpu.memory_space<vmem_shared>> -> memref<48x128xf32, #tpu.memory_space<vmem_shared>>
      %dma_wait3A_77 = arith.constant 0 : i32
      %dma_wait3A_78 = tpu.memref_slice %arg20[%add3A_29, %dma_wait3A_77] : memref<10000x128xf32, #tpu.memory_space<vmem_shared>> -> memref<48x128xf32, #tpu.memory_space<vmem_shared>>
      tpu.wait_dma2 semaphore(%run_scoped3A : memref<!tpu.dma_semaphore, #tpu.memory_space<semaphore_mem>>) src(%arg19 : memref<48x128xf32, #tpu.memory_space<vmem>>) dst(%dma_wait3A_78 : memref<48x128xf32, #tpu.memory_space<vmem_shared>>)
      tpu.yield
    }) : () -> ()
    %add3A_30 = arith.constant 528 : i32
    %add3A_31 = arith.addi %mul3A_7, %add3A_30 : i32
    "tpu.region"() ({
      %run_scoped3A = tpu.sem_alloc : memref<!tpu.dma_semaphore, #tpu.memory_space<semaphore_mem>>
      %dma_start3A_71 = arith.constant 0 : i32
      %dma_start3A_72 = tpu.memref_slice %arg20[%add3A_31, %dma_start3A_71] : memref<10000x128xf32, #tpu.memory_space<vmem_shared>> -> memref<48x128xf32, #tpu.memory_space<vmem_shared>>
      %dma_start3A_73 = arith.constant 0 : i32
      %dma_start3A_74 = tpu.memref_slice %arg20[%add3A_31, %dma_start3A_73] : memref<10000x128xf32, #tpu.memory_space<vmem_shared>> -> memref<48x128xf32, #tpu.memory_space<vmem_shared>>
      tpu.enqueue_dma source(%arg19 : memref<48x128xf32, #tpu.memory_space<vmem>>) target(%dma_start3A_74 : memref<48x128xf32, #tpu.memory_space<vmem_shared>>) target_semaphore(%run_scoped3A : memref<!tpu.dma_semaphore, #tpu.memory_space<semaphore_mem>>)
      %dma_wait3A_75 = arith.constant 0 : i32
      %dma_wait3A_76 = tpu.memref_slice %arg20[%add3A_31, %dma_wait3A_75] : memref<10000x128xf32, #tpu.memory_space<vmem_shared>> -> memref<48x128xf32, #tpu.memory_space<vmem_shared>>
      %dma_wait3A_77 = arith.constant 0 : i32
      %dma_wait3A_78 = tpu.memref_slice %arg20[%add3A_31, %dma_wait3A_77] : memref<10000x128xf32, #tpu.memory_space<vmem_shared>> -> memref<48x128xf32, #tpu.memory_space<vmem_shared>>
      tpu.wait_dma2 semaphore(%run_scoped3A : memref<!tpu.dma_semaphore, #tpu.memory_space<semaphore_mem>>) src(%arg19 : memref<48x128xf32, #tpu.memory_space<vmem>>) dst(%dma_wait3A_78 : memref<48x128xf32, #tpu.memory_space<vmem_shared>>)
      tpu.yield
    }) : () -> ()
    %add3A_32 = arith.constant 576 : i32
    %add3A_33 = arith.addi %mul3A_7, %add3A_32 : i32
    "tpu.region"() ({
      %run_scoped3A = tpu.sem_alloc : memref<!tpu.dma_semaphore, #tpu.memory_space<semaphore_mem>>
      %dma_start3A_71 = arith.constant 0 : i32
      %dma_start3A_72 = tpu.memref_slice %arg20[%add3A_33, %dma_start3A_71] : memref<10000x128xf32, #tpu.memory_space<vmem_shared>> -> memref<48x128xf32, #tpu.memory_space<vmem_shared>>
      %dma_start3A_73 = arith.constant 0 : i32
      %dma_start3A_74 = tpu.memref_slice %arg20[%add3A_33, %dma_start3A_73] : memref<10000x128xf32, #tpu.memory_space<vmem_shared>> -> memref<48x128xf32, #tpu.memory_space<vmem_shared>>
      tpu.enqueue_dma source(%arg19 : memref<48x128xf32, #tpu.memory_space<vmem>>) target(%dma_start3A_74 : memref<48x128xf32, #tpu.memory_space<vmem_shared>>) target_semaphore(%run_scoped3A : memref<!tpu.dma_semaphore, #tpu.memory_space<semaphore_mem>>)
      %dma_wait3A_75 = arith.constant 0 : i32
      %dma_wait3A_76 = tpu.memref_slice %arg20[%add3A_33, %dma_wait3A_75] : memref<10000x128xf32, #tpu.memory_space<vmem_shared>> -> memref<48x128xf32, #tpu.memory_space<vmem_shared>>
      %dma_wait3A_77 = arith.constant 0 : i32
      %dma_wait3A_78 = tpu.memref_slice %arg20[%add3A_33, %dma_wait3A_77] : memref<10000x128xf32, #tpu.memory_space<vmem_shared>> -> memref<48x128xf32, #tpu.memory_space<vmem_shared>>
      tpu.wait_dma2 semaphore(%run_scoped3A : memref<!tpu.dma_semaphore, #tpu.memory_space<semaphore_mem>>) src(%arg19 : memref<48x128xf32, #tpu.memory_space<vmem>>) dst(%dma_wait3A_78 : memref<48x128xf32, #tpu.memory_space<vmem_shared>>)
      tpu.yield
    }) : () -> ()
    %eq3A = arith.constant 15 : i32
    %eq3A_34 = arith.cmpi eq, %arg1, %eq3A : i32
    %convert_element_type3A = arith.extui %eq3A_34 : i1 to i32
    %cond3A = arith.constant 0 : i32
    %cond3A_35 = arith.cmpi ne, %convert_element_type3A, %cond3A : i32
    scf.if %cond3A_35 {
      "tpu.region"() ({
        %run_scoped3A = tpu.sem_alloc : memref<!tpu.dma_semaphore, #tpu.memory_space<semaphore_mem>>
        %dma_start3A_71 = arith.constant 0 : i32
        %dma_start3A_72 = arith.constant 0 : i32
        %dma_start3A_73 = tpu.memref_slice %arg19[%dma_start3A_71, %dma_start3A_72] : memref<48x128xf32, #tpu.memory_space<vmem>> -> memref<16x128xf32, #tpu.memory_space<vmem>>
        %dma_start3A_74 = arith.constant 9984 : i32
        %dma_start3A_75 = arith.constant 0 : i32
        %dma_start3A_76 = tpu.memref_slice %arg20[%dma_start3A_74, %dma_start3A_75] : memref<10000x128xf32, #tpu.memory_space<vmem_shared>> -> memref<16x128xf32, #tpu.memory_space<vmem_shared>>
        %dma_start3A_77 = arith.constant 9984 : i32
        %dma_start3A_78 = arith.constant 0 : i32
        %dma_start3A_79 = tpu.memref_slice %arg20[%dma_start3A_77, %dma_start3A_78] : memref<10000x128xf32, #tpu.memory_space<vmem_shared>> -> memref<16x128xf32, #tpu.memory_space<vmem_shared>>
        %dma_start3A_80 = arith.constant 0 : i32
        %dma_start3A_81 = arith.constant 0 : i32
        %dma_start3A_82 = tpu.memref_slice %arg19[%dma_start3A_80, %dma_start3A_81] : memref<48x128xf32, #tpu.memory_space<vmem>> -> memref<16x128xf32, #tpu.memory_space<vmem>>
        tpu.enqueue_dma source(%dma_start3A_82 : memref<16x128xf32, #tpu.memory_space<vmem>>) target(%dma_start3A_79 : memref<16x128xf32, #tpu.memory_space<vmem_shared>>) target_semaphore(%run_scoped3A : memref<!tpu.dma_semaphore, #tpu.memory_space<semaphore_mem>>)
        %dma_wait3A_83 = arith.constant 0 : i32
        %dma_wait3A_84 = arith.constant 0 : i32
        %dma_wait3A_85 = tpu.memref_slice %arg19[%dma_wait3A_83, %dma_wait3A_84] : memref<48x128xf32, #tpu.memory_space<vmem>> -> memref<16x128xf32, #tpu.memory_space<vmem>>
        %dma_wait3A_86 = arith.constant 9984 : i32
        %dma_wait3A_87 = arith.constant 0 : i32
        %dma_wait3A_88 = tpu.memref_slice %arg20[%dma_wait3A_86, %dma_wait3A_87] : memref<10000x128xf32, #tpu.memory_space<vmem_shared>> -> memref<16x128xf32, #tpu.memory_space<vmem_shared>>
        %dma_wait3A_89 = arith.constant 9984 : i32
        %dma_wait3A_90 = arith.constant 0 : i32
        %dma_wait3A_91 = tpu.memref_slice %arg20[%dma_wait3A_89, %dma_wait3A_90] : memref<10000x128xf32, #tpu.memory_space<vmem_shared>> -> memref<16x128xf32, #tpu.memory_space<vmem_shared>>
        %dma_wait3A_92 = arith.constant 0 : i32
        %dma_wait3A_93 = arith.constant 0 : i32
        %dma_wait3A_94 = tpu.memref_slice %arg19[%dma_wait3A_92, %dma_wait3A_93] : memref<48x128xf32, #tpu.memory_space<vmem>> -> memref<16x128xf32, #tpu.memory_space<vmem>>
        tpu.wait_dma2 semaphore(%run_scoped3A : memref<!tpu.dma_semaphore, #tpu.memory_space<semaphore_mem>>) src(%dma_wait3A_94 : memref<16x128xf32, #tpu.memory_space<vmem>>) dst(%dma_wait3A_91 : memref<16x128xf32, #tpu.memory_space<vmem_shared>>)
        tpu.yield
      }) : () -> ()
    } else {
    }
    %barrier3A = arith.constant 0 : index
    tpu.barrier barrier_id(%barrier3A)
    %mul3A_36 = arith.constant 10000 : i32
    %mul3A_37 = arith.muli %add3A, %mul3A_36 : i32
    %dma_start3A = tpu.memref_slice %arg4[%mul3A_37] : memref<320000xi32, #tpu.memory_space<hbm>> -> memref<80xi32, #tpu.memory_space<hbm>>
    %dma_start3A_38 = tpu.memref_slice %arg4[%mul3A_37] : memref<320000xi32, #tpu.memory_space<hbm>> -> memref<80xi32, #tpu.memory_space<hbm>>
    tpu.enqueue_dma source(%dma_start3A_38 : memref<80xi32, #tpu.memory_space<hbm>>) target(%arg11 : memref<80xi32, #tpu.memory_space<vmem>>) target_semaphore(%arg27 : memref<!tpu.dma_semaphore, #tpu.memory_space<semaphore_mem>>)
    %dma_start3A_39 = tpu.memref_slice %arg5[%mul3A_37] : memref<320000xi32, #tpu.memory_space<hbm>> -> memref<80xi32, #tpu.memory_space<hbm>>
    %dma_start3A_40 = tpu.memref_slice %arg5[%mul3A_37] : memref<320000xi32, #tpu.memory_space<hbm>> -> memref<80xi32, #tpu.memory_space<hbm>>
    tpu.enqueue_dma source(%dma_start3A_40 : memref<80xi32, #tpu.memory_space<hbm>>) target(%arg15 : memref<80xi32, #tpu.memory_space<vmem>>) target_semaphore(%arg31 : memref<!tpu.dma_semaphore, #tpu.memory_space<semaphore_mem>>)
    %add3A_41 = arith.constant 80 : i32
    %add3A_42 = arith.addi %mul3A_37, %add3A_41 : i32
    %dma_start3A_43 = tpu.memref_slice %arg4[%add3A_42] : memref<320000xi32, #tpu.memory_space<hbm>> -> memref<80xi32, #tpu.memory_space<hbm>>
    %dma_start3A_44 = tpu.memref_slice %arg4[%add3A_42] : memref<320000xi32, #tpu.memory_space<hbm>> -> memref<80xi32, #tpu.memory_space<hbm>>
    tpu.enqueue_dma source(%dma_start3A_44 : memref<80xi32, #tpu.memory_space<hbm>>) target(%arg12 : memref<80xi32, #tpu.memory_space<vmem>>) target_semaphore(%arg28 : memref<!tpu.dma_semaphore, #tpu.memory_space<semaphore_mem>>)
    %dma_start3A_45 = tpu.memref_slice %arg5[%add3A_42] : memref<320000xi32, #tpu.memory_space<hbm>> -> memref<80xi32, #tpu.memory_space<hbm>>
    %dma_start3A_46 = tpu.memref_slice %arg5[%add3A_42] : memref<320000xi32, #tpu.memory_space<hbm>> -> memref<80xi32, #tpu.memory_space<hbm>>
    tpu.enqueue_dma source(%dma_start3A_46 : memref<80xi32, #tpu.memory_space<hbm>>) target(%arg16 : memref<80xi32, #tpu.memory_space<vmem>>) target_semaphore(%arg32 : memref<!tpu.dma_semaphore, #tpu.memory_space<semaphore_mem>>)
    %dma_start3A_47 = arith.constant 0 : i32
    %dma_start3A_48 = tpu.memref_slice %arg3[%mul3A_37, %dma_start3A_47] : memref<320000x128xf32, #tpu.memory_space<hbm>> -> memref<80x128xf32, #tpu.memory_space<hbm>>
    %dma_start3A_49 = arith.constant 0 : i32
    %dma_start3A_50 = tpu.memref_slice %arg3[%mul3A_37, %dma_start3A_49] : memref<320000x128xf32, #tpu.memory_space<hbm>> -> memref<80x128xf32, #tpu.memory_space<hbm>>
    tpu.enqueue_dma source(%dma_start3A_50 : memref<80x128xf32, #tpu.memory_space<hbm>>) target(%arg7 : memref<80x128xf32, #tpu.memory_space<vmem>>) target_semaphore(%arg21 : memref<!tpu.dma_semaphore, #tpu.memory_space<semaphore_mem>>)
    %dma_wait3A = arith.constant 0 : i32
    %dma_wait3A_51 = tpu.memref_slice %arg4[%dma_wait3A] : memref<320000xi32, #tpu.memory_space<hbm>> -> memref<80xi32, #tpu.memory_space<hbm>>
    %dma_wait3A_52 = arith.constant 0 : i32
    %dma_wait3A_53 = tpu.memref_slice %arg4[%dma_wait3A_52] : memref<320000xi32, #tpu.memory_space<hbm>> -> memref<80xi32, #tpu.memory_space<hbm>>
    tpu.wait_dma2 semaphore(%arg27 : memref<!tpu.dma_semaphore, #tpu.memory_space<semaphore_mem>>) src(%dma_wait3A_53 : memref<80xi32, #tpu.memory_space<hbm>>) dst(%arg11 : memref<80xi32, #tpu.memory_space<vmem>>)
    %dma_start3A_54 = arith.constant 0 : i32
    %dma_start3A_55 = arith.constant 0 : i32
    %dma_start3A_56 = tpu.memref_slice %arg2[%dma_start3A_54, %dma_start3A_55] : memref<10000x128xf32, #tpu.memory_space<hbm>> -> memref<10000x128xf32, #tpu.memory_space<hbm>>
    tpu.enqueue_indirect_dma source(%dma_start3A_56 : memref<10000x128xf32, #tpu.memory_space<hbm>>) target(%arg9 : memref<80x128xf32, #tpu.memory_space<vmem>>) offsets(%arg11 : memref<80xi32, #tpu.memory_space<vmem>>) semaphore(%arg23 : memref<!tpu.dma_semaphore, #tpu.memory_space<semaphore_mem>>)
    %scan3A_57 = arith.constant 0 : i32
    %scan3A_58 = arith.constant 0 : i32
    %scan3A_59 = arith.constant 32 : i32
    %scan3A_60 = arith.addi %scan3A_58, %scan3A_59 : i32
    %scan3A_61 = arith.constant 1 : i32
    scf.for %scan3A_71 = %scan3A_58 to %scan3A_60 step %scan3A_61  : i32 {
      %mul3A_72 = arith.constant 4 : i32
      %mul3A_73 = arith.muli %scan3A_71, %mul3A_72 : i32
      %add3A_74 = arith.constant 0 : i32
      %add3A_75 = arith.addi %mul3A_73, %add3A_74 : i32
      %ge3A = arith.constant 1 : i32
      %ge3A_76 = arith.cmpi sge, %add3A_75, %ge3A : i32
      %lt3A = arith.constant 126 : i32
      %lt3A_77 = arith.cmpi slt, %add3A_75, %lt3A : i32
      %and3A = arith.andi %ge3A_76, %lt3A_77 : i1
      %convert_element_type3A_78 = arith.extui %and3A : i1 to i32
      %cond3A_79 = arith.constant 0 : i32
      %cond3A_80 = arith.cmpi ne, %convert_element_type3A_78, %cond3A_79 : i32
      scf.if %cond3A_80 {
        %dma_wait3A_193 = arith.constant 0 : i32
        %dma_wait3A_194 = arith.constant 0 : i32
        %dma_wait3A_195 = tpu.memref_slice %arg20[%dma_wait3A_193, %dma_wait3A_194] : memref<10000x128xf32, #tpu.memory_space<vmem_shared>> -> memref<10000x128xf32, #tpu.memory_space<vmem_shared>>
        tpu.wait_indirect_dma semaphore(%arg26 : memref<!tpu.dma_semaphore, #tpu.memory_space<semaphore_mem>>) src(%arg8 : memref<80x128xf32, #tpu.memory_space<vmem>>) dst(%dma_wait3A_195 : memref<10000x128xf32, #tpu.memory_space<vmem_shared>>)
      } else {
      }
      %add3A_81 = arith.constant 1 : i32
      %add3A_82 = arith.addi %add3A_75, %add3A_81 : i32
      %lt3A_83 = arith.constant 125 : i32
      %lt3A_84 = arith.cmpi slt, %add3A_82, %lt3A_83 : i32
      %convert_element_type3A_85 = arith.extui %lt3A_84 : i1 to i32
      %cond3A_86 = arith.constant 0 : i32
      %cond3A_87 = arith.cmpi ne, %convert_element_type3A_85, %cond3A_86 : i32
      scf.if %cond3A_87 {
        %dma_wait3A_193 = arith.constant 0 : i32
        %dma_wait3A_194 = tpu.memref_slice %arg4[%dma_wait3A_193] : memref<320000xi32, #tpu.memory_space<hbm>> -> memref<80xi32, #tpu.memory_space<hbm>>
        %dma_wait3A_195 = arith.constant 0 : i32
        %dma_wait3A_196 = tpu.memref_slice %arg4[%dma_wait3A_195] : memref<320000xi32, #tpu.memory_space<hbm>> -> memref<80xi32, #tpu.memory_space<hbm>>
        tpu.wait_dma2 semaphore(%arg28 : memref<!tpu.dma_semaphore, #tpu.memory_space<semaphore_mem>>) src(%dma_wait3A_196 : memref<80xi32, #tpu.memory_space<hbm>>) dst(%arg12 : memref<80xi32, #tpu.memory_space<vmem>>)
        %dma_start3A_197 = arith.constant 0 : i32
        %dma_start3A_198 = arith.constant 0 : i32
        %dma_start3A_199 = tpu.memref_slice %arg2[%dma_start3A_197, %dma_start3A_198] : memref<10000x128xf32, #tpu.memory_space<hbm>> -> memref<10000x128xf32, #tpu.memory_space<hbm>>
        tpu.enqueue_indirect_dma source(%dma_start3A_199 : memref<10000x128xf32, #tpu.memory_space<hbm>>) target(%arg10 : memref<80x128xf32, #tpu.memory_space<vmem>>) offsets(%arg12 : memref<80xi32, #tpu.memory_space<vmem>>) semaphore(%arg24 : memref<!tpu.dma_semaphore, #tpu.memory_space<semaphore_mem>>)
        %add3A_200 = arith.constant 1 : i32
        %add3A_201 = arith.addi %add3A_75, %add3A_200 : i32
        %mul3A_202 = arith.constant 80 : i32
        %mul3A_203 = arith.muli %add3A_201, %mul3A_202 : i32
        %add3A_204 = arith.addi %mul3A_37, %mul3A_203 : i32
        %dma_start3A_205 = arith.constant 0 : i32
        %dma_start3A_206 = tpu.memref_slice %arg3[%add3A_204, %dma_start3A_205] : memref<320000x128xf32, #tpu.memory_space<hbm>> -> memref<80x128xf32, #tpu.memory_space<hbm>>
        %dma_start3A_207 = arith.constant 0 : i32
        %dma_start3A_208 = tpu.memref_slice %arg3[%add3A_204, %dma_start3A_207] : memref<320000x128xf32, #tpu.memory_space<hbm>> -> memref<80x128xf32, #tpu.memory_space<hbm>>
        tpu.enqueue_dma source(%dma_start3A_208 : memref<80x128xf32, #tpu.memory_space<hbm>>) target(%arg8 : memref<80x128xf32, #tpu.memory_space<vmem>>) target_semaphore(%arg22 : memref<!tpu.dma_semaphore, #tpu.memory_space<semaphore_mem>>)
      } else {
      }
      %add3A_88 = arith.constant 2 : i32
      %add3A_89 = arith.addi %add3A_75, %add3A_88 : i32
      %lt3A_90 = arith.constant 125 : i32
      %lt3A_91 = arith.cmpi slt, %add3A_89, %lt3A_90 : i32
      %convert_element_type3A_92 = arith.extui %lt3A_91 : i1 to i32
      %cond3A_93 = arith.constant 0 : i32
      %cond3A_94 = arith.cmpi ne, %convert_element_type3A_92, %cond3A_93 : i32
      scf.if %cond3A_94 {
        %add3A_193 = arith.constant 2 : i32
        %add3A_194 = arith.addi %add3A_75, %add3A_193 : i32
        %mul3A_195 = arith.constant 80 : i32
        %mul3A_196 = arith.muli %add3A_194, %mul3A_195 : i32
        %add3A_197 = arith.addi %mul3A_37, %mul3A_196 : i32
        %dma_start3A_198 = tpu.memref_slice %arg4[%add3A_197] : memref<320000xi32, #tpu.memory_space<hbm>> -> memref<80xi32, #tpu.memory_space<hbm>>
        %dma_start3A_199 = tpu.memref_slice %arg4[%add3A_197] : memref<320000xi32, #tpu.memory_space<hbm>> -> memref<80xi32, #tpu.memory_space<hbm>>
        tpu.enqueue_dma source(%dma_start3A_199 : memref<80xi32, #tpu.memory_space<hbm>>) target(%arg13 : memref<80xi32, #tpu.memory_space<vmem>>) target_semaphore(%arg29 : memref<!tpu.dma_semaphore, #tpu.memory_space<semaphore_mem>>)
        %dma_start3A_200 = tpu.memref_slice %arg5[%add3A_197] : memref<320000xi32, #tpu.memory_space<hbm>> -> memref<80xi32, #tpu.memory_space<hbm>>
        %dma_start3A_201 = tpu.memref_slice %arg5[%add3A_197] : memref<320000xi32, #tpu.memory_space<hbm>> -> memref<80xi32, #tpu.memory_space<hbm>>
        tpu.enqueue_dma source(%dma_start3A_201 : memref<80xi32, #tpu.memory_space<hbm>>) target(%arg17 : memref<80xi32, #tpu.memory_space<vmem>>) target_semaphore(%arg33 : memref<!tpu.dma_semaphore, #tpu.memory_space<semaphore_mem>>)
      } else {
      }
      %lt3A_95 = arith.constant 125 : i32
      %lt3A_96 = arith.cmpi slt, %add3A_75, %lt3A_95 : i32
      %convert_element_type3A_97 = arith.extui %lt3A_96 : i1 to i32
      %cond3A_98 = arith.constant 0 : i32
      %cond3A_99 = arith.cmpi ne, %convert_element_type3A_97, %cond3A_98 : i32
      scf.if %cond3A_99 {
        %dma_wait3A_193 = arith.constant 0 : i32
        %dma_wait3A_194 = arith.constant 0 : i32
        %dma_wait3A_195 = tpu.memref_slice %arg3[%dma_wait3A_193, %dma_wait3A_194] : memref<320000x128xf32, #tpu.memory_space<hbm>> -> memref<80x128xf32, #tpu.memory_space<hbm>>
        %dma_wait3A_196 = arith.constant 0 : i32
        %dma_wait3A_197 = arith.constant 0 : i32
        %dma_wait3A_198 = tpu.memref_slice %arg3[%dma_wait3A_196, %dma_wait3A_197] : memref<320000x128xf32, #tpu.memory_space<hbm>> -> memref<80x128xf32, #tpu.memory_space<hbm>>
        tpu.wait_dma2 semaphore(%arg21 : memref<!tpu.dma_semaphore, #tpu.memory_space<semaphore_mem>>) src(%dma_wait3A_198 : memref<80x128xf32, #tpu.memory_space<hbm>>) dst(%arg7 : memref<80x128xf32, #tpu.memory_space<vmem>>)
        %dma_wait3A_199 = arith.constant 0 : i32
        %dma_wait3A_200 = arith.constant 0 : i32
        %dma_wait3A_201 = tpu.memref_slice %arg2[%dma_wait3A_199, %dma_wait3A_200] : memref<10000x128xf32, #tpu.memory_space<hbm>> -> memref<10000x128xf32, #tpu.memory_space<hbm>>
        tpu.wait_indirect_dma semaphore(%arg23 : memref<!tpu.dma_semaphore, #tpu.memory_space<semaphore_mem>>) src(%dma_wait3A_201 : memref<10000x128xf32, #tpu.memory_space<hbm>>) dst(%arg9 : memref<80x128xf32, #tpu.memory_space<vmem>>)
        %parallel_loop3A = arith.constant 0 : i32
        %parallel_loop3A_202 = arith.constant 80 : i32
        %parallel_loop3A_203 = arith.constant 1 : i32
        scf.for %parallel_loop3A_211 = %parallel_loop3A to %parallel_loop3A_202 step %parallel_loop3A_203  : i32 {
          %parallel_loop3A_212 = arith.index_cast %parallel_loop3A_211 : i32 to index
          %parallel_loop3A_213 = arith.constant 0 : index
          %parallel_loop3A_214 = tpu.vector_load %arg7[%parallel_loop3A_212, %parallel_loop3A_213] {strides = array<i32>} : memref<80x128xf32, #tpu.memory_space<vmem>>, vector<1x16xf32>,
          %parallel_loop3A_215 = vector.shape_cast %parallel_loop3A_214 : vector<1x16xf32> to vector<16xf32>
          %parallel_loop3A_216 = arith.index_cast %parallel_loop3A_211 : i32 to index
          %parallel_loop3A_217 = arith.constant 0 : index
          %parallel_loop3A_218 = tpu.vector_load %arg9[%parallel_loop3A_216, %parallel_loop3A_217] {strides = array<i32>} : memref<80x128xf32, #tpu.memory_space<vmem>>, vector<1x16xf32>,
          %parallel_loop3A_219 = vector.shape_cast %parallel_loop3A_218 : vector<1x16xf32> to vector<16xf32>
          %parallel_loop3A_220 = arith.addf %parallel_loop3A_215, %parallel_loop3A_219 : vector<16xf32>
          %parallel_loop3A_221 = arith.constant 0.000000e+00 : f32
          %parallel_loop3A_222 = vector.broadcast %parallel_loop3A_221 : f32 to vector<16xf32>
          %parallel_loop3A_223 = arith.maximumf %parallel_loop3A_220, %parallel_loop3A_222 : vector<16xf32>
          %parallel_loop3A_224 = arith.index_cast %parallel_loop3A_211 : i32 to index
          %parallel_loop3A_225 = arith.constant 0 : index
          %parallel_loop3A_226 = tpu.vector_load %arg7[%parallel_loop3A_224, %parallel_loop3A_225] {strides = array<i32>} : memref<80x128xf32, #tpu.memory_space<vmem>>, vector<1x16xf32>,
          %parallel_loop3A_227 = vector.shape_cast %parallel_loop3A_226 : vector<1x16xf32> to vector<16xf32>
          %parallel_loop3A_228 = vector.shape_cast %parallel_loop3A_223 : vector<16xf32> to vector<1x16xf32>
          tpu.vector_store %arg7[%parallel_loop3A_224, %parallel_loop3A_225], %parallel_loop3A_228 {strides = array<i32>} : memref<80x128xf32, #tpu.memory_space<vmem>>, vector<1x16xf32>,
          %parallel_loop3A_229 = arith.index_cast %parallel_loop3A_211 : i32 to index
          %parallel_loop3A_230 = arith.constant 16 : index
          %parallel_loop3A_231 = tpu.vector_load %arg7[%parallel_loop3A_229, %parallel_loop3A_230] {strides = array<i32>} : memref<80x128xf32, #tpu.memory_space<vmem>>, vector<1x16xf32>,
          %parallel_loop3A_232 = vector.shape_cast %parallel_loop3A_231 : vector<1x16xf32> to vector<16xf32>
          %parallel_loop3A_233 = arith.index_cast %parallel_loop3A_211 : i32 to index
          %parallel_loop3A_234 = arith.constant 16 : index
          %parallel_loop3A_235 = tpu.vector_load %arg9[%parallel_loop3A_233, %parallel_loop3A_234] {strides = array<i32>} : memref<80x128xf32, #tpu.memory_space<vmem>>, vector<1x16xf32>,
          %parallel_loop3A_236 = vector.shape_cast %parallel_loop3A_235 : vector<1x16xf32> to vector<16xf32>
          %parallel_loop3A_237 = arith.addf %parallel_loop3A_232, %parallel_loop3A_236 : vector<16xf32>
          %parallel_loop3A_238 = arith.constant 0.000000e+00 : f32
          %parallel_loop3A_239 = vector.broadcast %parallel_loop3A_238 : f32 to vector<16xf32>
          %parallel_loop3A_240 = arith.maximumf %parallel_loop3A_237, %parallel_loop3A_239 : vector<16xf32>
          %parallel_loop3A_241 = arith.index_cast %parallel_loop3A_211 : i32 to index
          %parallel_loop3A_242 = arith.constant 16 : index
          %parallel_loop3A_243 = tpu.vector_load %arg7[%parallel_loop3A_241, %parallel_loop3A_242] {strides = array<i32>} : memref<80x128xf32, #tpu.memory_space<vmem>>, vector<1x16xf32>,
          %parallel_loop3A_244 = vector.shape_cast %parallel_loop3A_243 : vector<1x16xf32> to vector<16xf32>
          %parallel_loop3A_245 = vector.shape_cast %parallel_loop3A_240 : vector<16xf32> to vector<1x16xf32>
          tpu.vector_store %arg7[%parallel_loop3A_241, %parallel_loop3A_242], %parallel_loop3A_245 {strides = array<i32>} : memref<80x128xf32, #tpu.memory_space<vmem>>, vector<1x16xf32>,
          %parallel_loop3A_246 = arith.index_cast %parallel_loop3A_211 : i32 to index
          %parallel_loop3A_247 = arith.constant 32 : index
          %parallel_loop3A_248 = tpu.vector_load %arg7[%parallel_loop3A_246, %parallel_loop3A_247] {strides = array<i32>} : memref<80x128xf32, #tpu.memory_space<vmem>>, vector<1x16xf32>,
          %parallel_loop3A_249 = vector.shape_cast %parallel_loop3A_248 : vector<1x16xf32> to vector<16xf32>
          %parallel_loop3A_250 = arith.index_cast %parallel_loop3A_211 : i32 to index
          %parallel_loop3A_251 = arith.constant 32 : index
          %parallel_loop3A_252 = tpu.vector_load %arg9[%parallel_loop3A_250, %parallel_loop3A_251] {strides = array<i32>} : memref<80x128xf32, #tpu.memory_space<vmem>>, vector<1x16xf32>,
          %parallel_loop3A_253 = vector.shape_cast %parallel_loop3A_252 : vector<1x16xf32> to vector<16xf32>
          %parallel_loop3A_254 = arith.addf %parallel_loop3A_249, %parallel_loop3A_253 : vector<16xf32>
          %parallel_loop3A_255 = arith.constant 0.000000e+00 : f32
          %parallel_loop3A_256 = vector.broadcast %parallel_loop3A_255 : f32 to vector<16xf32>
          %parallel_loop3A_257 = arith.maximumf %parallel_loop3A_254, %parallel_loop3A_256 : vector<16xf32>
          %parallel_loop3A_258 = arith.index_cast %parallel_loop3A_211 : i32 to index
          %parallel_loop3A_259 = arith.constant 32 : index
          %parallel_loop3A_260 = tpu.vector_load %arg7[%parallel_loop3A_258, %parallel_loop3A_259] {strides = array<i32>} : memref<80x128xf32, #tpu.memory_space<vmem>>, vector<1x16xf32>,
          %parallel_loop3A_261 = vector.shape_cast %parallel_loop3A_260 : vector<1x16xf32> to vector<16xf32>
          %parallel_loop3A_262 = vector.shape_cast %parallel_loop3A_257 : vector<16xf32> to vector<1x16xf32>
          tpu.vector_store %arg7[%parallel_loop3A_258, %parallel_loop3A_259], %parallel_loop3A_262 {strides = array<i32>} : memref<80x128xf32, #tpu.memory_space<vmem>>, vector<1x16xf32>,
          %parallel_loop3A_263 = arith.index_cast %parallel_loop3A_211 : i32 to index
          %parallel_loop3A_264 = arith.constant 48 : index
          %parallel_loop3A_265 = tpu.vector_load %arg7[%parallel_loop3A_263, %parallel_loop3A_264] {strides = array<i32>} : memref<80x128xf32, #tpu.memory_space<vmem>>, vector<1x16xf32>,
          %parallel_loop3A_266 = vector.shape_cast %parallel_loop3A_265 : vector<1x16xf32> to vector<16xf32>
          %parallel_loop3A_267 = arith.index_cast %parallel_loop3A_211 : i32 to index
          %parallel_loop3A_268 = arith.constant 48 : index
          %parallel_loop3A_269 = tpu.vector_load %arg9[%parallel_loop3A_267, %parallel_loop3A_268] {strides = array<i32>} : memref<80x128xf32, #tpu.memory_space<vmem>>, vector<1x16xf32>,
          %parallel_loop3A_270 = vector.shape_cast %parallel_loop3A_269 : vector<1x16xf32> to vector<16xf32>
          %parallel_loop3A_271 = arith.addf %parallel_loop3A_266, %parallel_loop3A_270 : vector<16xf32>
          %parallel_loop3A_272 = arith.constant 0.000000e+00 : f32
          %parallel_loop3A_273 = vector.broadcast %parallel_loop3A_272 : f32 to vector<16xf32>
          %parallel_loop3A_274 = arith.maximumf %parallel_loop3A_271, %parallel_loop3A_273 : vector<16xf32>
          %parallel_loop3A_275 = arith.index_cast %parallel_loop3A_211 : i32 to index
          %parallel_loop3A_276 = arith.constant 48 : index
          %parallel_loop3A_277 = tpu.vector_load %arg7[%parallel_loop3A_275, %parallel_loop3A_276] {strides = array<i32>} : memref<80x128xf32, #tpu.memory_space<vmem>>, vector<1x16xf32>,
          %parallel_loop3A_278 = vector.shape_cast %parallel_loop3A_277 : vector<1x16xf32> to vector<16xf32>
          %parallel_loop3A_279 = vector.shape_cast %parallel_loop3A_274 : vector<16xf32> to vector<1x16xf32>
          tpu.vector_store %arg7[%parallel_loop3A_275, %parallel_loop3A_276], %parallel_loop3A_279 {strides = array<i32>} : memref<80x128xf32, #tpu.memory_space<vmem>>, vector<1x16xf32>,
          %parallel_loop3A_280 = arith.index_cast %parallel_loop3A_211 : i32 to index
          %parallel_loop3A_281 = arith.constant 64 : index
          %parallel_loop3A_282 = tpu.vector_load %arg7[%parallel_loop3A_280, %parallel_loop3A_281] {strides = array<i32>} : memref<80x128xf32, #tpu.memory_space<vmem>>, vector<1x16xf32>,
          %parallel_loop3A_283 = vector.shape_cast %parallel_loop3A_282 : vector<1x16xf32> to vector<16xf32>
          %parallel_loop3A_284 = arith.index_cast %parallel_loop3A_211 : i32 to index
          %parallel_loop3A_285 = arith.constant 64 : index
          %parallel_loop3A_286 = tpu.vector_load %arg9[%parallel_loop3A_284, %parallel_loop3A_285] {strides = array<i32>} : memref<80x128xf32, #tpu.memory_space<vmem>>, vector<1x16xf32>,
          %parallel_loop3A_287 = vector.shape_cast %parallel_loop3A_286 : vector<1x16xf32> to vector<16xf32>
          %parallel_loop3A_288 = arith.addf %parallel_loop3A_283, %parallel_loop3A_287 : vector<16xf32>
          %parallel_loop3A_289 = arith.constant 0.000000e+00 : f32
          %parallel_loop3A_290 = vector.broadcast %parallel_loop3A_289 : f32 to vector<16xf32>
          %parallel_loop3A_291 = arith.maximumf %parallel_loop3A_288, %parallel_loop3A_290 : vector<16xf32>
          %parallel_loop3A_292 = arith.index_cast %parallel_loop3A_211 : i32 to index
          %parallel_loop3A_293 = arith.constant 64 : index
          %parallel_loop3A_294 = tpu.vector_load %arg7[%parallel_loop3A_292, %parallel_loop3A_293] {strides = array<i32>} : memref<80x128xf32, #tpu.memory_space<vmem>>, vector<1x16xf32>,
          %parallel_loop3A_295 = vector.shape_cast %parallel_loop3A_294 : vector<1x16xf32> to vector<16xf32>
          %parallel_loop3A_296 = vector.shape_cast %parallel_loop3A_291 : vector<16xf32> to vector<1x16xf32>
          tpu.vector_store %arg7[%parallel_loop3A_292, %parallel_loop3A_293], %parallel_loop3A_296 {strides = array<i32>} : memref<80x128xf32, #tpu.memory_space<vmem>>, vector<1x16xf32>,
          %parallel_loop3A_297 = arith.index_cast %parallel_loop3A_211 : i32 to index
          %parallel_loop3A_298 = arith.constant 80 : index
          %parallel_loop3A_299 = tpu.vector_load %arg7[%parallel_loop3A_297, %parallel_loop3A_298] {strides = array<i32>} : memref<80x128xf32, #tpu.memory_space<vmem>>, vector<1x16xf32>,
          %parallel_loop3A_300 = vector.shape_cast %parallel_loop3A_299 : vector<1x16xf32> to vector<16xf32>
          %parallel_loop3A_301 = arith.index_cast %parallel_loop3A_211 : i32 to index
          %parallel_loop3A_302 = arith.constant 80 : index
          %parallel_loop3A_303 = tpu.vector_load %arg9[%parallel_loop3A_301, %parallel_loop3A_302] {strides = array<i32>} : memref<80x128xf32, #tpu.memory_space<vmem>>, vector<1x16xf32>,
          %parallel_loop3A_304 = vector.shape_cast %parallel_loop3A_303 : vector<1x16xf32> to vector<16xf32>
          %parallel_loop3A_305 = arith.addf %parallel_loop3A_300, %parallel_loop3A_304 : vector<16xf32>
          %parallel_loop3A_306 = arith.constant 0.000000e+00 : f32
          %parallel_loop3A_307 = vector.broadcast %parallel_loop3A_306 : f32 to vector<16xf32>
          %parallel_loop3A_308 = arith.maximumf %parallel_loop3A_305, %parallel_loop3A_307 : vector<16xf32>
          %parallel_loop3A_309 = arith.index_cast %parallel_loop3A_211 : i32 to index
          %parallel_loop3A_310 = arith.constant 80 : index
          %parallel_loop3A_311 = tpu.vector_load %arg7[%parallel_loop3A_309, %parallel_loop3A_310] {strides = array<i32>} : memref<80x128xf32, #tpu.memory_space<vmem>>, vector<1x16xf32>,
          %parallel_loop3A_312 = vector.shape_cast %parallel_loop3A_311 : vector<1x16xf32> to vector<16xf32>
          %parallel_loop3A_313 = vector.shape_cast %parallel_loop3A_308 : vector<16xf32> to vector<1x16xf32>
          tpu.vector_store %arg7[%parallel_loop3A_309, %parallel_loop3A_310], %parallel_loop3A_313 {strides = array<i32>} : memref<80x128xf32, #tpu.memory_space<vmem>>, vector<1x16xf32>,
          %parallel_loop3A_314 = arith.index_cast %parallel_loop3A_211 : i32 to index
          %parallel_loop3A_315 = arith.constant 96 : index
          %parallel_loop3A_316 = tpu.vector_load %arg7[%parallel_loop3A_314, %parallel_loop3A_315] {strides = array<i32>} : memref<80x128xf32, #tpu.memory_space<vmem>>, vector<1x16xf32>,
          %parallel_loop3A_317 = vector.shape_cast %parallel_loop3A_316 : vector<1x16xf32> to vector<16xf32>
          %parallel_loop3A_318 = arith.index_cast %parallel_loop3A_211 : i32 to index
          %parallel_loop3A_319 = arith.constant 96 : index
          %parallel_loop3A_320 = tpu.vector_load %arg9[%parallel_loop3A_318, %parallel_loop3A_319] {strides = array<i32>} : memref<80x128xf32, #tpu.memory_space<vmem>>, vector<1x16xf32>,
          %parallel_loop3A_321 = vector.shape_cast %parallel_loop3A_320 : vector<1x16xf32> to vector<16xf32>
          %parallel_loop3A_322 = arith.addf %parallel_loop3A_317, %parallel_loop3A_321 : vector<16xf32>
          %parallel_loop3A_323 = arith.constant 0.000000e+00 : f32
          %parallel_loop3A_324 = vector.broadcast %parallel_loop3A_323 : f32 to vector<16xf32>
          %parallel_loop3A_325 = arith.maximumf %parallel_loop3A_322, %parallel_loop3A_324 : vector<16xf32>
          %parallel_loop3A_326 = arith.index_cast %parallel_loop3A_211 : i32 to index
          %parallel_loop3A_327 = arith.constant 96 : index
          %parallel_loop3A_328 = tpu.vector_load %arg7[%parallel_loop3A_326, %parallel_loop3A_327] {strides = array<i32>} : memref<80x128xf32, #tpu.memory_space<vmem>>, vector<1x16xf32>,
          %parallel_loop3A_329 = vector.shape_cast %parallel_loop3A_328 : vector<1x16xf32> to vector<16xf32>
          %parallel_loop3A_330 = vector.shape_cast %parallel_loop3A_325 : vector<16xf32> to vector<1x16xf32>
          tpu.vector_store %arg7[%parallel_loop3A_326, %parallel_loop3A_327], %parallel_loop3A_330 {strides = array<i32>} : memref<80x128xf32, #tpu.memory_space<vmem>>, vector<1x16xf32>,
          %parallel_loop3A_331 = arith.index_cast %parallel_loop3A_211 : i32 to index
          %parallel_loop3A_332 = arith.constant 112 : index
          %parallel_loop3A_333 = tpu.vector_load %arg7[%parallel_loop3A_331, %parallel_loop3A_332] {strides = array<i32>} : memref<80x128xf32, #tpu.memory_space<vmem>>, vector<1x16xf32>,
          %parallel_loop3A_334 = vector.shape_cast %parallel_loop3A_333 : vector<1x16xf32> to vector<16xf32>
          %parallel_loop3A_335 = arith.index_cast %parallel_loop3A_211 : i32 to index
          %parallel_loop3A_336 = arith.constant 112 : index
          %parallel_loop3A_337 = tpu.vector_load %arg9[%parallel_loop3A_335, %parallel_loop3A_336] {strides = array<i32>} : memref<80x128xf32, #tpu.memory_space<vmem>>, vector<1x16xf32>,
          %parallel_loop3A_338 = vector.shape_cast %parallel_loop3A_337 : vector<1x16xf32> to vector<16xf32>
          %parallel_loop3A_339 = arith.addf %parallel_loop3A_334, %parallel_loop3A_338 : vector<16xf32>
          %parallel_loop3A_340 = arith.constant 0.000000e+00 : f32
          %parallel_loop3A_341 = vector.broadcast %parallel_loop3A_340 : f32 to vector<16xf32>
          %parallel_loop3A_342 = arith.maximumf %parallel_loop3A_339, %parallel_loop3A_341 : vector<16xf32>
          %parallel_loop3A_343 = arith.index_cast %parallel_loop3A_211 : i32 to index
          %parallel_loop3A_344 = arith.constant 112 : index
          %parallel_loop3A_345 = tpu.vector_load %arg7[%parallel_loop3A_343, %parallel_loop3A_344] {strides = array<i32>} : memref<80x128xf32, #tpu.memory_space<vmem>>, vector<1x16xf32>,
          %parallel_loop3A_346 = vector.shape_cast %parallel_loop3A_345 : vector<1x16xf32> to vector<16xf32>
          %parallel_loop3A_347 = vector.shape_cast %parallel_loop3A_342 : vector<16xf32> to vector<1x16xf32>
          tpu.vector_store %arg7[%parallel_loop3A_343, %parallel_loop3A_344], %parallel_loop3A_347 {strides = array<i32>} : memref<80x128xf32, #tpu.memory_space<vmem>>, vector<1x16xf32>,
        } {sc.loop_unroll_factor = 4 : i64, sc.parallel_access}
        %dma_wait3A_204 = arith.constant 0 : i32
        %dma_wait3A_205 = tpu.memref_slice %arg5[%dma_wait3A_204] : memref<320000xi32, #tpu.memory_space<hbm>> -> memref<80xi32, #tpu.memory_space<hbm>>
        %dma_wait3A_206 = arith.constant 0 : i32
        %dma_wait3A_207 = tpu.memref_slice %arg5[%dma_wait3A_206] : memref<320000xi32, #tpu.memory_space<hbm>> -> memref<80xi32, #tpu.memory_space<hbm>>
        tpu.wait_dma2 semaphore(%arg31 : memref<!tpu.dma_semaphore, #tpu.memory_space<semaphore_mem>>) src(%dma_wait3A_207 : memref<80xi32, #tpu.memory_space<hbm>>) dst(%arg15 : memref<80xi32, #tpu.memory_space<vmem>>)
        %dma_start3A_208 = arith.constant 0 : i32
        %dma_start3A_209 = arith.constant 0 : i32
        %dma_start3A_210 = tpu.memref_slice %arg20[%dma_start3A_208, %dma_start3A_209] : memref<10000x128xf32, #tpu.memory_space<vmem_shared>> -> memref<10000x128xf32, #tpu.memory_space<vmem_shared>>
        tpu.enqueue_indirect_dma source(%arg7 : memref<80x128xf32, #tpu.memory_space<vmem>>) target(%dma_start3A_210 : memref<10000x128xf32, #tpu.memory_space<vmem_shared>>) offsets(%arg15 : memref<80xi32, #tpu.memory_space<vmem>>) semaphore(%arg25 : memref<!tpu.dma_semaphore, #tpu.memory_space<semaphore_mem>>) {add = true}
      } else {
      }
      %mul3A_100 = arith.constant 4 : i32
      %mul3A_101 = arith.muli %scan3A_71, %mul3A_100 : i32
      %add3A_102 = arith.constant 1 : i32
      %add3A_103 = arith.addi %mul3A_101, %add3A_102 : i32
      %ge3A_104 = arith.constant 1 : i32
      %ge3A_105 = arith.cmpi sge, %add3A_103, %ge3A_104 : i32
      %lt3A_106 = arith.constant 126 : i32
      %lt3A_107 = arith.cmpi slt, %add3A_103, %lt3A_106 : i32
      %and3A_108 = arith.andi %ge3A_105, %lt3A_107 : i1
      %convert_element_type3A_109 = arith.extui %and3A_108 : i1 to i32
      %cond3A_110 = arith.constant 0 : i32
      %cond3A_111 = arith.cmpi ne, %convert_element_type3A_109, %cond3A_110 : i32
      scf.if %cond3A_111 {
        %dma_wait3A_193 = arith.constant 0 : i32
        %dma_wait3A_194 = arith.constant 0 : i32
        %dma_wait3A_195 = tpu.memref_slice %arg20[%dma_wait3A_193, %dma_wait3A_194] : memref<10000x128xf32, #tpu.memory_space<vmem_shared>> -> memref<10000x128xf32, #tpu.memory_space<vmem_shared>>
        tpu.wait_indirect_dma semaphore(%arg25 : memref<!tpu.dma_semaphore, #tpu.memory_space<semaphore_mem>>) src(%arg7 : memref<80x128xf32, #tpu.memory_space<vmem>>) dst(%dma_wait3A_195 : memref<10000x128xf32, #tpu.memory_space<vmem_shared>>)
      } else {
      }
      %add3A_112 = arith.constant 1 : i32
      %add3A_113 = arith.addi %add3A_103, %add3A_112 : i32
      %lt3A_114 = arith.constant 125 : i32
      %lt3A_115 = arith.cmpi slt, %add3A_113, %lt3A_114 : i32
      %convert_element_type3A_116 = arith.extui %lt3A_115 : i1 to i32
      %cond3A_117 = arith.constant 0 : i32
      %cond3A_118 = arith.cmpi ne, %convert_element_type3A_116, %cond3A_117 : i32
      scf.if %cond3A_118 {
        %dma_wait3A_193 = arith.constant 0 : i32
        %dma_wait3A_194 = tpu.memref_slice %arg4[%dma_wait3A_193] : memref<320000xi32, #tpu.memory_space<hbm>> -> memref<80xi32, #tpu.memory_space<hbm>>
        %dma_wait3A_195 = arith.constant 0 : i32
        %dma_wait3A_196 = tpu.memref_slice %arg4[%dma_wait3A_195] : memref<320000xi32, #tpu.memory_space<hbm>> -> memref<80xi32, #tpu.memory_space<hbm>>
        tpu.wait_dma2 semaphore(%arg29 : memref<!tpu.dma_semaphore, #tpu.memory_space<semaphore_mem>>) src(%dma_wait3A_196 : memref<80xi32, #tpu.memory_space<hbm>>) dst(%arg13 : memref<80xi32, #tpu.memory_space<vmem>>)
        %dma_start3A_197 = arith.constant 0 : i32
        %dma_start3A_198 = arith.constant 0 : i32
        %dma_start3A_199 = tpu.memref_slice %arg2[%dma_start3A_197, %dma_start3A_198] : memref<10000x128xf32, #tpu.memory_space<hbm>> -> memref<10000x128xf32, #tpu.memory_space<hbm>>
        tpu.enqueue_indirect_dma source(%dma_start3A_199 : memref<10000x128xf32, #tpu.memory_space<hbm>>) target(%arg9 : memref<80x128xf32, #tpu.memory_space<vmem>>) offsets(%arg13 : memref<80xi32, #tpu.memory_space<vmem>>) semaphore(%arg23 : memref<!tpu.dma_semaphore, #tpu.memory_space<semaphore_mem>>)
        %add3A_200 = arith.constant 1 : i32
        %add3A_201 = arith.addi %add3A_103, %add3A_200 : i32
        %mul3A_202 = arith.constant 80 : i32
        %mul3A_203 = arith.muli %add3A_201, %mul3A_202 : i32
        %add3A_204 = arith.addi %mul3A_37, %mul3A_203 : i32
        %dma_start3A_205 = arith.constant 0 : i32
        %dma_start3A_206 = tpu.memref_slice %arg3[%add3A_204, %dma_start3A_205] : memref<320000x128xf32, #tpu.memory_space<hbm>> -> memref<80x128xf32, #tpu.memory_space<hbm>>
        %dma_start3A_207 = arith.constant 0 : i32
        %dma_start3A_208 = tpu.memref_slice %arg3[%add3A_204, %dma_start3A_207] : memref<320000x128xf32, #tpu.memory_space<hbm>> -> memref<80x128xf32, #tpu.memory_space<hbm>>
        tpu.enqueue_dma source(%dma_start3A_208 : memref<80x128xf32, #tpu.memory_space<hbm>>) target(%arg7 : memref<80x128xf32, #tpu.memory_space<vmem>>) target_semaphore(%arg21 : memref<!tpu.dma_semaphore, #tpu.memory_space<semaphore_mem>>)
      } else {
      }
      %add3A_119 = arith.constant 2 : i32
      %add3A_120 = arith.addi %add3A_103, %add3A_119 : i32
      %lt3A_121 = arith.constant 125 : i32
      %lt3A_122 = arith.cmpi slt, %add3A_120, %lt3A_121 : i32
      %convert_element_type3A_123 = arith.extui %lt3A_122 : i1 to i32
      %cond3A_124 = arith.constant 0 : i32
      %cond3A_125 = arith.cmpi ne, %convert_element_type3A_123, %cond3A_124 : i32
      scf.if %cond3A_125 {
        %add3A_193 = arith.constant 2 : i32
        %add3A_194 = arith.addi %add3A_103, %add3A_193 : i32
        %mul3A_195 = arith.constant 80 : i32
        %mul3A_196 = arith.muli %add3A_194, %mul3A_195 : i32
        %add3A_197 = arith.addi %mul3A_37, %mul3A_196 : i32
        %dma_start3A_198 = tpu.memref_slice %arg4[%add3A_197] : memref<320000xi32, #tpu.memory_space<hbm>> -> memref<80xi32, #tpu.memory_space<hbm>>
        %dma_start3A_199 = tpu.memref_slice %arg4[%add3A_197] : memref<320000xi32, #tpu.memory_space<hbm>> -> memref<80xi32, #tpu.memory_space<hbm>>
        tpu.enqueue_dma source(%dma_start3A_199 : memref<80xi32, #tpu.memory_space<hbm>>) target(%arg14 : memref<80xi32, #tpu.memory_space<vmem>>) target_semaphore(%arg30 : memref<!tpu.dma_semaphore, #tpu.memory_space<semaphore_mem>>)
        %dma_start3A_200 = tpu.memref_slice %arg5[%add3A_197] : memref<320000xi32, #tpu.memory_space<hbm>> -> memref<80xi32, #tpu.memory_space<hbm>>
        %dma_start3A_201 = tpu.memref_slice %arg5[%add3A_197] : memref<320000xi32, #tpu.memory_space<hbm>> -> memref<80xi32, #tpu.memory_space<hbm>>
        tpu.enqueue_dma source(%dma_start3A_201 : memref<80xi32, #tpu.memory_space<hbm>>) target(%arg18 : memref<80xi32, #tpu.memory_space<vmem>>) target_semaphore(%arg34 : memref<!tpu.dma_semaphore, #tpu.memory_space<semaphore_mem>>)
      } else {
      }
      %lt3A_126 = arith.constant 125 : i32
      %lt3A_127 = arith.cmpi slt, %add3A_103, %lt3A_126 : i32
      %convert_element_type3A_128 = arith.extui %lt3A_127 : i1 to i32
      %cond3A_129 = arith.constant 0 : i32
      %cond3A_130 = arith.cmpi ne, %convert_element_type3A_128, %cond3A_129 : i32
      scf.if %cond3A_130 {
        %dma_wait3A_193 = arith.constant 0 : i32
        %dma_wait3A_194 = arith.constant 0 : i32
        %dma_wait3A_195 = tpu.memref_slice %arg3[%dma_wait3A_193, %dma_wait3A_194] : memref<320000x128xf32, #tpu.memory_space<hbm>> -> memref<80x128xf32, #tpu.memory_space<hbm>>
        %dma_wait3A_196 = arith.constant 0 : i32
        %dma_wait3A_197 = arith.constant 0 : i32
        %dma_wait3A_198 = tpu.memref_slice %arg3[%dma_wait3A_196, %dma_wait3A_197] : memref<320000x128xf32, #tpu.memory_space<hbm>> -> memref<80x128xf32, #tpu.memory_space<hbm>>
        tpu.wait_dma2 semaphore(%arg22 : memref<!tpu.dma_semaphore, #tpu.memory_space<semaphore_mem>>) src(%dma_wait3A_198 : memref<80x128xf32, #tpu.memory_space<hbm>>) dst(%arg8 : memref<80x128xf32, #tpu.memory_space<vmem>>)
        %dma_wait3A_199 = arith.constant 0 : i32
        %dma_wait3A_200 = arith.constant 0 : i32
        %dma_wait3A_201 = tpu.memref_slice %arg2[%dma_wait3A_199, %dma_wait3A_200] : memref<10000x128xf32, #tpu.memory_space<hbm>> -> memref<10000x128xf32, #tpu.memory_space<hbm>>
        tpu.wait_indirect_dma semaphore(%arg24 : memref<!tpu.dma_semaphore, #tpu.memory_space<semaphore_mem>>) src(%dma_wait3A_201 : memref<10000x128xf32, #tpu.memory_space<hbm>>) dst(%arg10 : memref<80x128xf32, #tpu.memory_space<vmem>>)
        %parallel_loop3A = arith.constant 0 : i32
        %parallel_loop3A_202 = arith.constant 80 : i32
        %parallel_loop3A_203 = arith.constant 1 : i32
        scf.for %parallel_loop3A_211 = %parallel_loop3A to %parallel_loop3A_202 step %parallel_loop3A_203  : i32 {
          %parallel_loop3A_212 = arith.index_cast %parallel_loop3A_211 : i32 to index
          %parallel_loop3A_213 = arith.constant 0 : index
          %parallel_loop3A_214 = tpu.vector_load %arg8[%parallel_loop3A_212, %parallel_loop3A_213] {strides = array<i32>} : memref<80x128xf32, #tpu.memory_space<vmem>>, vector<1x16xf32>,
          %parallel_loop3A_215 = vector.shape_cast %parallel_loop3A_214 : vector<1x16xf32> to vector<16xf32>
          %parallel_loop3A_216 = arith.index_cast %parallel_loop3A_211 : i32 to index
          %parallel_loop3A_217 = arith.constant 0 : index
          %parallel_loop3A_218 = tpu.vector_load %arg10[%parallel_loop3A_216, %parallel_loop3A_217] {strides = array<i32>} : memref<80x128xf32, #tpu.memory_space<vmem>>, vector<1x16xf32>,
          %parallel_loop3A_219 = vector.shape_cast %parallel_loop3A_218 : vector<1x16xf32> to vector<16xf32>
          %parallel_loop3A_220 = arith.addf %parallel_loop3A_215, %parallel_loop3A_219 : vector<16xf32>
          %parallel_loop3A_221 = arith.constant 0.000000e+00 : f32
          %parallel_loop3A_222 = vector.broadcast %parallel_loop3A_221 : f32 to vector<16xf32>
          %parallel_loop3A_223 = arith.maximumf %parallel_loop3A_220, %parallel_loop3A_222 : vector<16xf32>
          %parallel_loop3A_224 = arith.index_cast %parallel_loop3A_211 : i32 to index
          %parallel_loop3A_225 = arith.constant 0 : index
          %parallel_loop3A_226 = tpu.vector_load %arg8[%parallel_loop3A_224, %parallel_loop3A_225] {strides = array<i32>} : memref<80x128xf32, #tpu.memory_space<vmem>>, vector<1x16xf32>,
          %parallel_loop3A_227 = vector.shape_cast %parallel_loop3A_226 : vector<1x16xf32> to vector<16xf32>
          %parallel_loop3A_228 = vector.shape_cast %parallel_loop3A_223 : vector<16xf32> to vector<1x16xf32>
          tpu.vector_store %arg8[%parallel_loop3A_224, %parallel_loop3A_225], %parallel_loop3A_228 {strides = array<i32>} : memref<80x128xf32, #tpu.memory_space<vmem>>, vector<1x16xf32>,
          %parallel_loop3A_229 = arith.index_cast %parallel_loop3A_211 : i32 to index
          %parallel_loop3A_230 = arith.constant 16 : index
          %parallel_loop3A_231 = tpu.vector_load %arg8[%parallel_loop3A_229, %parallel_loop3A_230] {strides = array<i32>} : memref<80x128xf32, #tpu.memory_space<vmem>>, vector<1x16xf32>,
          %parallel_loop3A_232 = vector.shape_cast %parallel_loop3A_231 : vector<1x16xf32> to vector<16xf32>
          %parallel_loop3A_233 = arith.index_cast %parallel_loop3A_211 : i32 to index
          %parallel_loop3A_234 = arith.constant 16 : index
          %parallel_loop3A_235 = tpu.vector_load %arg10[%parallel_loop3A_233, %parallel_loop3A_234] {strides = array<i32>} : memref<80x128xf32, #tpu.memory_space<vmem>>, vector<1x16xf32>,
          %parallel_loop3A_236 = vector.shape_cast %parallel_loop3A_235 : vector<1x16xf32> to vector<16xf32>
          %parallel_loop3A_237 = arith.addf %parallel_loop3A_232, %parallel_loop3A_236 : vector<16xf32>
          %parallel_loop3A_238 = arith.constant 0.000000e+00 : f32
          %parallel_loop3A_239 = vector.broadcast %parallel_loop3A_238 : f32 to vector<16xf32>
          %parallel_loop3A_240 = arith.maximumf %parallel_loop3A_237, %parallel_loop3A_239 : vector<16xf32>
          %parallel_loop3A_241 = arith.index_cast %parallel_loop3A_211 : i32 to index
          %parallel_loop3A_242 = arith.constant 16 : index
          %parallel_loop3A_243 = tpu.vector_load %arg8[%parallel_loop3A_241, %parallel_loop3A_242] {strides = array<i32>} : memref<80x128xf32, #tpu.memory_space<vmem>>, vector<1x16xf32>,
          %parallel_loop3A_244 = vector.shape_cast %parallel_loop3A_243 : vector<1x16xf32> to vector<16xf32>
          %parallel_loop3A_245 = vector.shape_cast %parallel_loop3A_240 : vector<16xf32> to vector<1x16xf32>
          tpu.vector_store %arg8[%parallel_loop3A_241, %parallel_loop3A_242], %parallel_loop3A_245 {strides = array<i32>} : memref<80x128xf32, #tpu.memory_space<vmem>>, vector<1x16xf32>,
          %parallel_loop3A_246 = arith.index_cast %parallel_loop3A_211 : i32 to index
          %parallel_loop3A_247 = arith.constant 32 : index
          %parallel_loop3A_248 = tpu.vector_load %arg8[%parallel_loop3A_246, %parallel_loop3A_247] {strides = array<i32>} : memref<80x128xf32, #tpu.memory_space<vmem>>, vector<1x16xf32>,
          %parallel_loop3A_249 = vector.shape_cast %parallel_loop3A_248 : vector<1x16xf32> to vector<16xf32>
          %parallel_loop3A_250 = arith.index_cast %parallel_loop3A_211 : i32 to index
          %parallel_loop3A_251 = arith.constant 32 : index
          %parallel_loop3A_252 = tpu.vector_load %arg10[%parallel_loop3A_250, %parallel_loop3A_251] {strides = array<i32>} : memref<80x128xf32, #tpu.memory_space<vmem>>, vector<1x16xf32>,
          %parallel_loop3A_253 = vector.shape_cast %parallel_loop3A_252 : vector<1x16xf32> to vector<16xf32>
          %parallel_loop3A_254 = arith.addf %parallel_loop3A_249, %parallel_loop3A_253 : vector<16xf32>
          %parallel_loop3A_255 = arith.constant 0.000000e+00 : f32
          %parallel_loop3A_256 = vector.broadcast %parallel_loop3A_255 : f32 to vector<16xf32>
          %parallel_loop3A_257 = arith.maximumf %parallel_loop3A_254, %parallel_loop3A_256 : vector<16xf32>
          %parallel_loop3A_258 = arith.index_cast %parallel_loop3A_211 : i32 to index
          %parallel_loop3A_259 = arith.constant 32 : index
          %parallel_loop3A_260 = tpu.vector_load %arg8[%parallel_loop3A_258, %parallel_loop3A_259] {strides = array<i32>} : memref<80x128xf32, #tpu.memory_space<vmem>>, vector<1x16xf32>,
          %parallel_loop3A_261 = vector.shape_cast %parallel_loop3A_260 : vector<1x16xf32> to vector<16xf32>
          %parallel_loop3A_262 = vector.shape_cast %parallel_loop3A_257 : vector<16xf32> to vector<1x16xf32>
          tpu.vector_store %arg8[%parallel_loop3A_258, %parallel_loop3A_259], %parallel_loop3A_262 {strides = array<i32>} : memref<80x128xf32, #tpu.memory_space<vmem>>, vector<1x16xf32>,
          %parallel_loop3A_263 = arith.index_cast %parallel_loop3A_211 : i32 to index
          %parallel_loop3A_264 = arith.constant 48 : index
          %parallel_loop3A_265 = tpu.vector_load %arg8[%parallel_loop3A_263, %parallel_loop3A_264] {strides = array<i32>} : memref<80x128xf32, #tpu.memory_space<vmem>>, vector<1x16xf32>,
          %parallel_loop3A_266 = vector.shape_cast %parallel_loop3A_265 : vector<1x16xf32> to vector<16xf32>
          %parallel_loop3A_267 = arith.index_cast %parallel_loop3A_211 : i32 to index
          %parallel_loop3A_268 = arith.constant 48 : index
          %parallel_loop3A_269 = tpu.vector_load %arg10[%parallel_loop3A_267, %parallel_loop3A_268] {strides = array<i32>} : memref<80x128xf32, #tpu.memory_space<vmem>>, vector<1x16xf32>,
          %parallel_loop3A_270 = vector.shape_cast %parallel_loop3A_269 : vector<1x16xf32> to vector<16xf32>
          %parallel_loop3A_271 = arith.addf %parallel_loop3A_266, %parallel_loop3A_270 : vector<16xf32>
          %parallel_loop3A_272 = arith.constant 0.000000e+00 : f32
          %parallel_loop3A_273 = vector.broadcast %parallel_loop3A_272 : f32 to vector<16xf32>
          %parallel_loop3A_274 = arith.maximumf %parallel_loop3A_271, %parallel_loop3A_273 : vector<16xf32>
          %parallel_loop3A_275 = arith.index_cast %parallel_loop3A_211 : i32 to index
          %parallel_loop3A_276 = arith.constant 48 : index
          %parallel_loop3A_277 = tpu.vector_load %arg8[%parallel_loop3A_275, %parallel_loop3A_276] {strides = array<i32>} : memref<80x128xf32, #tpu.memory_space<vmem>>, vector<1x16xf32>,
          %parallel_loop3A_278 = vector.shape_cast %parallel_loop3A_277 : vector<1x16xf32> to vector<16xf32>
          %parallel_loop3A_279 = vector.shape_cast %parallel_loop3A_274 : vector<16xf32> to vector<1x16xf32>
          tpu.vector_store %arg8[%parallel_loop3A_275, %parallel_loop3A_276], %parallel_loop3A_279 {strides = array<i32>} : memref<80x128xf32, #tpu.memory_space<vmem>>, vector<1x16xf32>,
          %parallel_loop3A_280 = arith.index_cast %parallel_loop3A_211 : i32 to index
          %parallel_loop3A_281 = arith.constant 64 : index
          %parallel_loop3A_282 = tpu.vector_load %arg8[%parallel_loop3A_280, %parallel_loop3A_281] {strides = array<i32>} : memref<80x128xf32, #tpu.memory_space<vmem>>, vector<1x16xf32>,
          %parallel_loop3A_283 = vector.shape_cast %parallel_loop3A_282 : vector<1x16xf32> to vector<16xf32>
          %parallel_loop3A_284 = arith.index_cast %parallel_loop3A_211 : i32 to index
          %parallel_loop3A_285 = arith.constant 64 : index
          %parallel_loop3A_286 = tpu.vector_load %arg10[%parallel_loop3A_284, %parallel_loop3A_285] {strides = array<i32>} : memref<80x128xf32, #tpu.memory_space<vmem>>, vector<1x16xf32>,
          %parallel_loop3A_287 = vector.shape_cast %parallel_loop3A_286 : vector<1x16xf32> to vector<16xf32>
          %parallel_loop3A_288 = arith.addf %parallel_loop3A_283, %parallel_loop3A_287 : vector<16xf32>
          %parallel_loop3A_289 = arith.constant 0.000000e+00 : f32
          %parallel_loop3A_290 = vector.broadcast %parallel_loop3A_289 : f32 to vector<16xf32>
          %parallel_loop3A_291 = arith.maximumf %parallel_loop3A_288, %parallel_loop3A_290 : vector<16xf32>
          %parallel_loop3A_292 = arith.index_cast %parallel_loop3A_211 : i32 to index
          %parallel_loop3A_293 = arith.constant 64 : index
          %parallel_loop3A_294 = tpu.vector_load %arg8[%parallel_loop3A_292, %parallel_loop3A_293] {strides = array<i32>} : memref<80x128xf32, #tpu.memory_space<vmem>>, vector<1x16xf32>,
          %parallel_loop3A_295 = vector.shape_cast %parallel_loop3A_294 : vector<1x16xf32> to vector<16xf32>
          %parallel_loop3A_296 = vector.shape_cast %parallel_loop3A_291 : vector<16xf32> to vector<1x16xf32>
          tpu.vector_store %arg8[%parallel_loop3A_292, %parallel_loop3A_293], %parallel_loop3A_296 {strides = array<i32>} : memref<80x128xf32, #tpu.memory_space<vmem>>, vector<1x16xf32>,
          %parallel_loop3A_297 = arith.index_cast %parallel_loop3A_211 : i32 to index
          %parallel_loop3A_298 = arith.constant 80 : index
          %parallel_loop3A_299 = tpu.vector_load %arg8[%parallel_loop3A_297, %parallel_loop3A_298] {strides = array<i32>} : memref<80x128xf32, #tpu.memory_space<vmem>>, vector<1x16xf32>,
          %parallel_loop3A_300 = vector.shape_cast %parallel_loop3A_299 : vector<1x16xf32> to vector<16xf32>
          %parallel_loop3A_301 = arith.index_cast %parallel_loop3A_211 : i32 to index
          %parallel_loop3A_302 = arith.constant 80 : index
          %parallel_loop3A_303 = tpu.vector_load %arg10[%parallel_loop3A_301, %parallel_loop3A_302] {strides = array<i32>} : memref<80x128xf32, #tpu.memory_space<vmem>>, vector<1x16xf32>,
          %parallel_loop3A_304 = vector.shape_cast %parallel_loop3A_303 : vector<1x16xf32> to vector<16xf32>
          %parallel_loop3A_305 = arith.addf %parallel_loop3A_300, %parallel_loop3A_304 : vector<16xf32>
          %parallel_loop3A_306 = arith.constant 0.000000e+00 : f32
          %parallel_loop3A_307 = vector.broadcast %parallel_loop3A_306 : f32 to vector<16xf32>
          %parallel_loop3A_308 = arith.maximumf %parallel_loop3A_305, %parallel_loop3A_307 : vector<16xf32>
          %parallel_loop3A_309 = arith.index_cast %parallel_loop3A_211 : i32 to index
          %parallel_loop3A_310 = arith.constant 80 : index
          %parallel_loop3A_311 = tpu.vector_load %arg8[%parallel_loop3A_309, %parallel_loop3A_310] {strides = array<i32>} : memref<80x128xf32, #tpu.memory_space<vmem>>, vector<1x16xf32>,
          %parallel_loop3A_312 = vector.shape_cast %parallel_loop3A_311 : vector<1x16xf32> to vector<16xf32>
          %parallel_loop3A_313 = vector.shape_cast %parallel_loop3A_308 : vector<16xf32> to vector<1x16xf32>
          tpu.vector_store %arg8[%parallel_loop3A_309, %parallel_loop3A_310], %parallel_loop3A_313 {strides = array<i32>} : memref<80x128xf32, #tpu.memory_space<vmem>>, vector<1x16xf32>,
          %parallel_loop3A_314 = arith.index_cast %parallel_loop3A_211 : i32 to index
          %parallel_loop3A_315 = arith.constant 96 : index
          %parallel_loop3A_316 = tpu.vector_load %arg8[%parallel_loop3A_314, %parallel_loop3A_315] {strides = array<i32>} : memref<80x128xf32, #tpu.memory_space<vmem>>, vector<1x16xf32>,
          %parallel_loop3A_317 = vector.shape_cast %parallel_loop3A_316 : vector<1x16xf32> to vector<16xf32>
          %parallel_loop3A_318 = arith.index_cast %parallel_loop3A_211 : i32 to index
          %parallel_loop3A_319 = arith.constant 96 : index
          %parallel_loop3A_320 = tpu.vector_load %arg10[%parallel_loop3A_318, %parallel_loop3A_319] {strides = array<i32>} : memref<80x128xf32, #tpu.memory_space<vmem>>, vector<1x16xf32>,
          %parallel_loop3A_321 = vector.shape_cast %parallel_loop3A_320 : vector<1x16xf32> to vector<16xf32>
          %parallel_loop3A_322 = arith.addf %parallel_loop3A_317, %parallel_loop3A_321 : vector<16xf32>
          %parallel_loop3A_323 = arith.constant 0.000000e+00 : f32
          %parallel_loop3A_324 = vector.broadcast %parallel_loop3A_323 : f32 to vector<16xf32>
          %parallel_loop3A_325 = arith.maximumf %parallel_loop3A_322, %parallel_loop3A_324 : vector<16xf32>
          %parallel_loop3A_326 = arith.index_cast %parallel_loop3A_211 : i32 to index
          %parallel_loop3A_327 = arith.constant 96 : index
          %parallel_loop3A_328 = tpu.vector_load %arg8[%parallel_loop3A_326, %parallel_loop3A_327] {strides = array<i32>} : memref<80x128xf32, #tpu.memory_space<vmem>>, vector<1x16xf32>,
          %parallel_loop3A_329 = vector.shape_cast %parallel_loop3A_328 : vector<1x16xf32> to vector<16xf32>
          %parallel_loop3A_330 = vector.shape_cast %parallel_loop3A_325 : vector<16xf32> to vector<1x16xf32>
          tpu.vector_store %arg8[%parallel_loop3A_326, %parallel_loop3A_327], %parallel_loop3A_330 {strides = array<i32>} : memref<80x128xf32, #tpu.memory_space<vmem>>, vector<1x16xf32>,
          %parallel_loop3A_331 = arith.index_cast %parallel_loop3A_211 : i32 to index
          %parallel_loop3A_332 = arith.constant 112 : index
          %parallel_loop3A_333 = tpu.vector_load %arg8[%parallel_loop3A_331, %parallel_loop3A_332] {strides = array<i32>} : memref<80x128xf32, #tpu.memory_space<vmem>>, vector<1x16xf32>,
          %parallel_loop3A_334 = vector.shape_cast %parallel_loop3A_333 : vector<1x16xf32> to vector<16xf32>
          %parallel_loop3A_335 = arith.index_cast %parallel_loop3A_211 : i32 to index
          %parallel_loop3A_336 = arith.constant 112 : index
          %parallel_loop3A_337 = tpu.vector_load %arg10[%parallel_loop3A_335, %parallel_loop3A_336] {strides = array<i32>} : memref<80x128xf32, #tpu.memory_space<vmem>>, vector<1x16xf32>,
          %parallel_loop3A_338 = vector.shape_cast %parallel_loop3A_337 : vector<1x16xf32> to vector<16xf32>
          %parallel_loop3A_339 = arith.addf %parallel_loop3A_334, %parallel_loop3A_338 : vector<16xf32>
          %parallel_loop3A_340 = arith.constant 0.000000e+00 : f32
          %parallel_loop3A_341 = vector.broadcast %parallel_loop3A_340 : f32 to vector<16xf32>
          %parallel_loop3A_342 = arith.maximumf %parallel_loop3A_339, %parallel_loop3A_341 : vector<16xf32>
          %parallel_loop3A_343 = arith.index_cast %parallel_loop3A_211 : i32 to index
          %parallel_loop3A_344 = arith.constant 112 : index
          %parallel_loop3A_345 = tpu.vector_load %arg8[%parallel_loop3A_343, %parallel_loop3A_344] {strides = array<i32>} : memref<80x128xf32, #tpu.memory_space<vmem>>, vector<1x16xf32>,
          %parallel_loop3A_346 = vector.shape_cast %parallel_loop3A_345 : vector<1x16xf32> to vector<16xf32>
          %parallel_loop3A_347 = vector.shape_cast %parallel_loop3A_342 : vector<16xf32> to vector<1x16xf32>
          tpu.vector_store %arg8[%parallel_loop3A_343, %parallel_loop3A_344], %parallel_loop3A_347 {strides = array<i32>} : memref<80x128xf32, #tpu.memory_space<vmem>>, vector<1x16xf32>,
        } {sc.loop_unroll_factor = 4 : i64, sc.parallel_access}
        %dma_wait3A_204 = arith.constant 0 : i32
        %dma_wait3A_205 = tpu.memref_slice %arg5[%dma_wait3A_204] : memref<320000xi32, #tpu.memory_space<hbm>> -> memref<80xi32, #tpu.memory_space<hbm>>
        %dma_wait3A_206 = arith.constant 0 : i32
        %dma_wait3A_207 = tpu.memref_slice %arg5[%dma_wait3A_206] : memref<320000xi32, #tpu.memory_space<hbm>> -> memref<80xi32, #tpu.memory_space<hbm>>
        tpu.wait_dma2 semaphore(%arg32 : memref<!tpu.dma_semaphore, #tpu.memory_space<semaphore_mem>>) src(%dma_wait3A_207 : memref<80xi32, #tpu.memory_space<hbm>>) dst(%arg16 : memref<80xi32, #tpu.memory_space<vmem>>)
        %dma_start3A_208 = arith.constant 0 : i32
        %dma_start3A_209 = arith.constant 0 : i32
        %dma_start3A_210 = tpu.memref_slice %arg20[%dma_start3A_208, %dma_start3A_209] : memref<10000x128xf32, #tpu.memory_space<vmem_shared>> -> memref<10000x128xf32, #tpu.memory_space<vmem_shared>>
        tpu.enqueue_indirect_dma source(%arg8 : memref<80x128xf32, #tpu.memory_space<vmem>>) target(%dma_start3A_210 : memref<10000x128xf32, #tpu.memory_space<vmem_shared>>) offsets(%arg16 : memref<80xi32, #tpu.memory_space<vmem>>) semaphore(%arg26 : memref<!tpu.dma_semaphore, #tpu.memory_space<semaphore_mem>>) {add = true}
      } else {
      }
      %mul3A_131 = arith.constant 4 : i32
      %mul3A_132 = arith.muli %scan3A_71, %mul3A_131 : i32
      %add3A_133 = arith.constant 2 : i32
      %add3A_134 = arith.addi %mul3A_132, %add3A_133 : i32
      %ge3A_135 = arith.constant 1 : i32
      %ge3A_136 = arith.cmpi sge, %add3A_134, %ge3A_135 : i32
      %lt3A_137 = arith.constant 126 : i32
      %lt3A_138 = arith.cmpi slt, %add3A_134, %lt3A_137 : i32
      %and3A_139 = arith.andi %ge3A_136, %lt3A_138 : i1
      %convert_element_type3A_140 = arith.extui %and3A_139 : i1 to i32
      %cond3A_141 = arith.constant 0 : i32
      %cond3A_142 = arith.cmpi ne, %convert_element_type3A_140, %cond3A_141 : i32
      scf.if %cond3A_142 {
        %dma_wait3A_193 = arith.constant 0 : i32
        %dma_wait3A_194 = arith.constant 0 : i32
        %dma_wait3A_195 = tpu.memref_slice %arg20[%dma_wait3A_193, %dma_wait3A_194] : memref<10000x128xf32, #tpu.memory_space<vmem_shared>> -> memref<10000x128xf32, #tpu.memory_space<vmem_shared>>
        tpu.wait_indirect_dma semaphore(%arg26 : memref<!tpu.dma_semaphore, #tpu.memory_space<semaphore_mem>>) src(%arg8 : memref<80x128xf32, #tpu.memory_space<vmem>>) dst(%dma_wait3A_195 : memref<10000x128xf32, #tpu.memory_space<vmem_shared>>)
      } else {
      }
      %add3A_143 = arith.constant 1 : i32
      %add3A_144 = arith.addi %add3A_134, %add3A_143 : i32
      %lt3A_145 = arith.constant 125 : i32
      %lt3A_146 = arith.cmpi slt, %add3A_144, %lt3A_145 : i32
      %convert_element_type3A_147 = arith.extui %lt3A_146 : i1 to i32
      %cond3A_148 = arith.constant 0 : i32
      %cond3A_149 = arith.cmpi ne, %convert_element_type3A_147, %cond3A_148 : i32
      scf.if %cond3A_149 {
        %dma_wait3A_193 = arith.constant 0 : i32
        %dma_wait3A_194 = tpu.memref_slice %arg4[%dma_wait3A_193] : memref<320000xi32, #tpu.memory_space<hbm>> -> memref<80xi32, #tpu.memory_space<hbm>>
        %dma_wait3A_195 = arith.constant 0 : i32
        %dma_wait3A_196 = tpu.memref_slice %arg4[%dma_wait3A_195] : memref<320000xi32, #tpu.memory_space<hbm>> -> memref<80xi32, #tpu.memory_space<hbm>>
        tpu.wait_dma2 semaphore(%arg30 : memref<!tpu.dma_semaphore, #tpu.memory_space<semaphore_mem>>) src(%dma_wait3A_196 : memref<80xi32, #tpu.memory_space<hbm>>) dst(%arg14 : memref<80xi32, #tpu.memory_space<vmem>>)
        %dma_start3A_197 = arith.constant 0 : i32
        %dma_start3A_198 = arith.constant 0 : i32
        %dma_start3A_199 = tpu.memref_slice %arg2[%dma_start3A_197, %dma_start3A_198] : memref<10000x128xf32, #tpu.memory_space<hbm>> -> memref<10000x128xf32, #tpu.memory_space<hbm>>
        tpu.enqueue_indirect_dma source(%dma_start3A_199 : memref<10000x128xf32, #tpu.memory_space<hbm>>) target(%arg10 : memref<80x128xf32, #tpu.memory_space<vmem>>) offsets(%arg14 : memref<80xi32, #tpu.memory_space<vmem>>) semaphore(%arg24 : memref<!tpu.dma_semaphore, #tpu.memory_space<semaphore_mem>>)
        %add3A_200 = arith.constant 1 : i32
        %add3A_201 = arith.addi %add3A_134, %add3A_200 : i32
        %mul3A_202 = arith.constant 80 : i32
        %mul3A_203 = arith.muli %add3A_201, %mul3A_202 : i32
        %add3A_204 = arith.addi %mul3A_37, %mul3A_203 : i32
        %dma_start3A_205 = arith.constant 0 : i32
        %dma_start3A_206 = tpu.memref_slice %arg3[%add3A_204, %dma_start3A_205] : memref<320000x128xf32, #tpu.memory_space<hbm>> -> memref<80x128xf32, #tpu.memory_space<hbm>>
        %dma_start3A_207 = arith.constant 0 : i32
        %dma_start3A_208 = tpu.memref_slice %arg3[%add3A_204, %dma_start3A_207] : memref<320000x128xf32, #tpu.memory_space<hbm>> -> memref<80x128xf32, #tpu.memory_space<hbm>>
        tpu.enqueue_dma source(%dma_start3A_208 : memref<80x128xf32, #tpu.memory_space<hbm>>) target(%arg8 : memref<80x128xf32, #tpu.memory_space<vmem>>) target_semaphore(%arg22 : memref<!tpu.dma_semaphore, #tpu.memory_space<semaphore_mem>>)
      } else {
      }
      %add3A_150 = arith.constant 2 : i32
      %add3A_151 = arith.addi %add3A_134, %add3A_150 : i32
      %lt3A_152 = arith.constant 125 : i32
      %lt3A_153 = arith.cmpi slt, %add3A_151, %lt3A_152 : i32
      %convert_element_type3A_154 = arith.extui %lt3A_153 : i1 to i32
      %cond3A_155 = arith.constant 0 : i32
      %cond3A_156 = arith.cmpi ne, %convert_element_type3A_154, %cond3A_155 : i32
      scf.if %cond3A_156 {
        %add3A_193 = arith.constant 2 : i32
        %add3A_194 = arith.addi %add3A_134, %add3A_193 : i32
        %mul3A_195 = arith.constant 80 : i32
        %mul3A_196 = arith.muli %add3A_194, %mul3A_195 : i32
        %add3A_197 = arith.addi %mul3A_37, %mul3A_196 : i32
        %dma_start3A_198 = tpu.memref_slice %arg4[%add3A_197] : memref<320000xi32, #tpu.memory_space<hbm>> -> memref<80xi32, #tpu.memory_space<hbm>>
        %dma_start3A_199 = tpu.memref_slice %arg4[%add3A_197] : memref<320000xi32, #tpu.memory_space<hbm>> -> memref<80xi32, #tpu.memory_space<hbm>>
        tpu.enqueue_dma source(%dma_start3A_199 : memref<80xi32, #tpu.memory_space<hbm>>) target(%arg11 : memref<80xi32, #tpu.memory_space<vmem>>) target_semaphore(%arg27 : memref<!tpu.dma_semaphore, #tpu.memory_space<semaphore_mem>>)
        %dma_start3A_200 = tpu.memref_slice %arg5[%add3A_197] : memref<320000xi32, #tpu.memory_space<hbm>> -> memref<80xi32, #tpu.memory_space<hbm>>
        %dma_start3A_201 = tpu.memref_slice %arg5[%add3A_197] : memref<320000xi32, #tpu.memory_space<hbm>> -> memref<80xi32, #tpu.memory_space<hbm>>
        tpu.enqueue_dma source(%dma_start3A_201 : memref<80xi32, #tpu.memory_space<hbm>>) target(%arg15 : memref<80xi32, #tpu.memory_space<vmem>>) target_semaphore(%arg31 : memref<!tpu.dma_semaphore, #tpu.memory_space<semaphore_mem>>)
      } else {
      }
      %lt3A_157 = arith.constant 125 : i32
      %lt3A_158 = arith.cmpi slt, %add3A_134, %lt3A_157 : i32
      %convert_element_type3A_159 = arith.extui %lt3A_158 : i1 to i32
      %cond3A_160 = arith.constant 0 : i32
      %cond3A_161 = arith.cmpi ne, %convert_element_type3A_159, %cond3A_160 : i32
      scf.if %cond3A_161 {
        %dma_wait3A_193 = arith.constant 0 : i32
        %dma_wait3A_194 = arith.constant 0 : i32
        %dma_wait3A_195 = tpu.memref_slice %arg3[%dma_wait3A_193, %dma_wait3A_194] : memref<320000x128xf32, #tpu.memory_space<hbm>> -> memref<80x128xf32, #tpu.memory_space<hbm>>
        %dma_wait3A_196 = arith.constant 0 : i32
        %dma_wait3A_197 = arith.constant 0 : i32
        %dma_wait3A_198 = tpu.memref_slice %arg3[%dma_wait3A_196, %dma_wait3A_197] : memref<320000x128xf32, #tpu.memory_space<hbm>> -> memref<80x128xf32, #tpu.memory_space<hbm>>
        tpu.wait_dma2 semaphore(%arg21 : memref<!tpu.dma_semaphore, #tpu.memory_space<semaphore_mem>>) src(%dma_wait3A_198 : memref<80x128xf32, #tpu.memory_space<hbm>>) dst(%arg7 : memref<80x128xf32, #tpu.memory_space<vmem>>)
        %dma_wait3A_199 = arith.constant 0 : i32
        %dma_wait3A_200 = arith.constant 0 : i32
        %dma_wait3A_201 = tpu.memref_slice %arg2[%dma_wait3A_199, %dma_wait3A_200] : memref<10000x128xf32, #tpu.memory_space<hbm>> -> memref<10000x128xf32, #tpu.memory_space<hbm>>
        tpu.wait_indirect_dma semaphore(%arg23 : memref<!tpu.dma_semaphore, #tpu.memory_space<semaphore_mem>>) src(%dma_wait3A_201 : memref<10000x128xf32, #tpu.memory_space<hbm>>) dst(%arg9 : memref<80x128xf32, #tpu.memory_space<vmem>>)
        %parallel_loop3A = arith.constant 0 : i32
        %parallel_loop3A_202 = arith.constant 80 : i32
        %parallel_loop3A_203 = arith.constant 1 : i32
        scf.for %parallel_loop3A_211 = %parallel_loop3A to %parallel_loop3A_202 step %parallel_loop3A_203  : i32 {
          %parallel_loop3A_212 = arith.index_cast %parallel_loop3A_211 : i32 to index
          %parallel_loop3A_213 = arith.constant 0 : index
          %parallel_loop3A_214 = tpu.vector_load %arg7[%parallel_loop3A_212, %parallel_loop3A_213] {strides = array<i32>} : memref<80x128xf32, #tpu.memory_space<vmem>>, vector<1x16xf32>,
          %parallel_loop3A_215 = vector.shape_cast %parallel_loop3A_214 : vector<1x16xf32> to vector<16xf32>
          %parallel_loop3A_216 = arith.index_cast %parallel_loop3A_211 : i32 to index
          %parallel_loop3A_217 = arith.constant 0 : index
          %parallel_loop3A_218 = tpu.vector_load %arg9[%parallel_loop3A_216, %parallel_loop3A_217] {strides = array<i32>} : memref<80x128xf32, #tpu.memory_space<vmem>>, vector<1x16xf32>,
          %parallel_loop3A_219 = vector.shape_cast %parallel_loop3A_218 : vector<1x16xf32> to vector<16xf32>
          %parallel_loop3A_220 = arith.addf %parallel_loop3A_215, %parallel_loop3A_219 : vector<16xf32>
          %parallel_loop3A_221 = arith.constant 0.000000e+00 : f32
          %parallel_loop3A_222 = vector.broadcast %parallel_loop3A_221 : f32 to vector<16xf32>
          %parallel_loop3A_223 = arith.maximumf %parallel_loop3A_220, %parallel_loop3A_222 : vector<16xf32>
          %parallel_loop3A_224 = arith.index_cast %parallel_loop3A_211 : i32 to index
          %parallel_loop3A_225 = arith.constant 0 : index
          %parallel_loop3A_226 = tpu.vector_load %arg7[%parallel_loop3A_224, %parallel_loop3A_225] {strides = array<i32>} : memref<80x128xf32, #tpu.memory_space<vmem>>, vector<1x16xf32>,
          %parallel_loop3A_227 = vector.shape_cast %parallel_loop3A_226 : vector<1x16xf32> to vector<16xf32>
          %parallel_loop3A_228 = vector.shape_cast %parallel_loop3A_223 : vector<16xf32> to vector<1x16xf32>
          tpu.vector_store %arg7[%parallel_loop3A_224, %parallel_loop3A_225], %parallel_loop3A_228 {strides = array<i32>} : memref<80x128xf32, #tpu.memory_space<vmem>>, vector<1x16xf32>,
          %parallel_loop3A_229 = arith.index_cast %parallel_loop3A_211 : i32 to index
          %parallel_loop3A_230 = arith.constant 16 : index
          %parallel_loop3A_231 = tpu.vector_load %arg7[%parallel_loop3A_229, %parallel_loop3A_230] {strides = array<i32>} : memref<80x128xf32, #tpu.memory_space<vmem>>, vector<1x16xf32>,
          %parallel_loop3A_232 = vector.shape_cast %parallel_loop3A_231 : vector<1x16xf32> to vector<16xf32>
          %parallel_loop3A_233 = arith.index_cast %parallel_loop3A_211 : i32 to index
          %parallel_loop3A_234 = arith.constant 16 : index
          %parallel_loop3A_235 = tpu.vector_load %arg9[%parallel_loop3A_233, %parallel_loop3A_234] {strides = array<i32>} : memref<80x128xf32, #tpu.memory_space<vmem>>, vector<1x16xf32>,
          %parallel_loop3A_236 = vector.shape_cast %parallel_loop3A_235 : vector<1x16xf32> to vector<16xf32>
          %parallel_loop3A_237 = arith.addf %parallel_loop3A_232, %parallel_loop3A_236 : vector<16xf32>
          %parallel_loop3A_238 = arith.constant 0.000000e+00 : f32
          %parallel_loop3A_239 = vector.broadcast %parallel_loop3A_238 : f32 to vector<16xf32>
          %parallel_loop3A_240 = arith.maximumf %parallel_loop3A_237, %parallel_loop3A_239 : vector<16xf32>
          %parallel_loop3A_241 = arith.index_cast %parallel_loop3A_211 : i32 to index
          %parallel_loop3A_242 = arith.constant 16 : index
          %parallel_loop3A_243 = tpu.vector_load %arg7[%parallel_loop3A_241, %parallel_loop3A_242] {strides = array<i32>} : memref<80x128xf32, #tpu.memory_space<vmem>>, vector<1x16xf32>,
          %parallel_loop3A_244 = vector.shape_cast %parallel_loop3A_243 : vector<1x16xf32> to vector<16xf32>
          %parallel_loop3A_245 = vector.shape_cast %parallel_loop3A_240 : vector<16xf32> to vector<1x16xf32>
          tpu.vector_store %arg7[%parallel_loop3A_241, %parallel_loop3A_242], %parallel_loop3A_245 {strides = array<i32>} : memref<80x128xf32, #tpu.memory_space<vmem>>, vector<1x16xf32>,
          %parallel_loop3A_246 = arith.index_cast %parallel_loop3A_211 : i32 to index
          %parallel_loop3A_247 = arith.constant 32 : index
          %parallel_loop3A_248 = tpu.vector_load %arg7[%parallel_loop3A_246, %parallel_loop3A_247] {strides = array<i32>} : memref<80x128xf32, #tpu.memory_space<vmem>>, vector<1x16xf32>,
          %parallel_loop3A_249 = vector.shape_cast %parallel_loop3A_248 : vector<1x16xf32> to vector<16xf32>
          %parallel_loop3A_250 = arith.index_cast %parallel_loop3A_211 : i32 to index
          %parallel_loop3A_251 = arith.constant 32 : index
          %parallel_loop3A_252 = tpu.vector_load %arg9[%parallel_loop3A_250, %parallel_loop3A_251] {strides = array<i32>} : memref<80x128xf32, #tpu.memory_space<vmem>>, vector<1x16xf32>,
          %parallel_loop3A_253 = vector.shape_cast %parallel_loop3A_252 : vector<1x16xf32> to vector<16xf32>
          %parallel_loop3A_254 = arith.addf %parallel_loop3A_249, %parallel_loop3A_253 : vector<16xf32>
          %parallel_loop3A_255 = arith.constant 0.000000e+00 : f32
          %parallel_loop3A_256 = vector.broadcast %parallel_loop3A_255 : f32 to vector<16xf32>
          %parallel_loop3A_257 = arith.maximumf %parallel_loop3A_254, %parallel_loop3A_256 : vector<16xf32>
          %parallel_loop3A_258 = arith.index_cast %parallel_loop3A_211 : i32 to index
          %parallel_loop3A_259 = arith.constant 32 : index
          %parallel_loop3A_260 = tpu.vector_load %arg7[%parallel_loop3A_258, %parallel_loop3A_259] {strides = array<i32>} : memref<80x128xf32, #tpu.memory_space<vmem>>, vector<1x16xf32>,
          %parallel_loop3A_261 = vector.shape_cast %parallel_loop3A_260 : vector<1x16xf32> to vector<16xf32>
          %parallel_loop3A_262 = vector.shape_cast %parallel_loop3A_257 : vector<16xf32> to vector<1x16xf32>
          tpu.vector_store %arg7[%parallel_loop3A_258, %parallel_loop3A_259], %parallel_loop3A_262 {strides = array<i32>} : memref<80x128xf32, #tpu.memory_space<vmem>>, vector<1x16xf32>,
          %parallel_loop3A_263 = arith.index_cast %parallel_loop3A_211 : i32 to index
          %parallel_loop3A_264 = arith.constant 48 : index
          %parallel_loop3A_265 = tpu.vector_load %arg7[%parallel_loop3A_263, %parallel_loop3A_264] {strides = array<i32>} : memref<80x128xf32, #tpu.memory_space<vmem>>, vector<1x16xf32>,
          %parallel_loop3A_266 = vector.shape_cast %parallel_loop3A_265 : vector<1x16xf32> to vector<16xf32>
          %parallel_loop3A_267 = arith.index_cast %parallel_loop3A_211 : i32 to index
          %parallel_loop3A_268 = arith.constant 48 : index
          %parallel_loop3A_269 = tpu.vector_load %arg9[%parallel_loop3A_267, %parallel_loop3A_268] {strides = array<i32>} : memref<80x128xf32, #tpu.memory_space<vmem>>, vector<1x16xf32>,
          %parallel_loop3A_270 = vector.shape_cast %parallel_loop3A_269 : vector<1x16xf32> to vector<16xf32>
          %parallel_loop3A_271 = arith.addf %parallel_loop3A_266, %parallel_loop3A_270 : vector<16xf32>
          %parallel_loop3A_272 = arith.constant 0.000000e+00 : f32
          %parallel_loop3A_273 = vector.broadcast %parallel_loop3A_272 : f32 to vector<16xf32>
          %parallel_loop3A_274 = arith.maximumf %parallel_loop3A_271, %parallel_loop3A_273 : vector<16xf32>
          %parallel_loop3A_275 = arith.index_cast %parallel_loop3A_211 : i32 to index
          %parallel_loop3A_276 = arith.constant 48 : index
          %parallel_loop3A_277 = tpu.vector_load %arg7[%parallel_loop3A_275, %parallel_loop3A_276] {strides = array<i32>} : memref<80x128xf32, #tpu.memory_space<vmem>>, vector<1x16xf32>,
          %parallel_loop3A_278 = vector.shape_cast %parallel_loop3A_277 : vector<1x16xf32> to vector<16xf32>
          %parallel_loop3A_279 = vector.shape_cast %parallel_loop3A_274 : vector<16xf32> to vector<1x16xf32>
          tpu.vector_store %arg7[%parallel_loop3A_275, %parallel_loop3A_276], %parallel_loop3A_279 {strides = array<i32>} : memref<80x128xf32, #tpu.memory_space<vmem>>, vector<1x16xf32>,
          %parallel_loop3A_280 = arith.index_cast %parallel_loop3A_211 : i32 to index
          %parallel_loop3A_281 = arith.constant 64 : index
          %parallel_loop3A_282 = tpu.vector_load %arg7[%parallel_loop3A_280, %parallel_loop3A_281] {strides = array<i32>} : memref<80x128xf32, #tpu.memory_space<vmem>>, vector<1x16xf32>,
          %parallel_loop3A_283 = vector.shape_cast %parallel_loop3A_282 : vector<1x16xf32> to vector<16xf32>
          %parallel_loop3A_284 = arith.index_cast %parallel_loop3A_211 : i32 to index
          %parallel_loop3A_285 = arith.constant 64 : index
          %parallel_loop3A_286 = tpu.vector_load %arg9[%parallel_loop3A_284, %parallel_loop3A_285] {strides = array<i32>} : memref<80x128xf32, #tpu.memory_space<vmem>>, vector<1x16xf32>,
          %parallel_loop3A_287 = vector.shape_cast %parallel_loop3A_286 : vector<1x16xf32> to vector<16xf32>
          %parallel_loop3A_288 = arith.addf %parallel_loop3A_283, %parallel_loop3A_287 : vector<16xf32>
          %parallel_loop3A_289 = arith.constant 0.000000e+00 : f32
          %parallel_loop3A_290 = vector.broadcast %parallel_loop3A_289 : f32 to vector<16xf32>
          %parallel_loop3A_291 = arith.maximumf %parallel_loop3A_288, %parallel_loop3A_290 : vector<16xf32>
          %parallel_loop3A_292 = arith.index_cast %parallel_loop3A_211 : i32 to index
          %parallel_loop3A_293 = arith.constant 64 : index
          %parallel_loop3A_294 = tpu.vector_load %arg7[%parallel_loop3A_292, %parallel_loop3A_293] {strides = array<i32>} : memref<80x128xf32, #tpu.memory_space<vmem>>, vector<1x16xf32>,
          %parallel_loop3A_295 = vector.shape_cast %parallel_loop3A_294 : vector<1x16xf32> to vector<16xf32>
          %parallel_loop3A_296 = vector.shape_cast %parallel_loop3A_291 : vector<16xf32> to vector<1x16xf32>
          tpu.vector_store %arg7[%parallel_loop3A_292, %parallel_loop3A_293], %parallel_loop3A_296 {strides = array<i32>} : memref<80x128xf32, #tpu.memory_space<vmem>>, vector<1x16xf32>,
          %parallel_loop3A_297 = arith.index_cast %parallel_loop3A_211 : i32 to index
          %parallel_loop3A_298 = arith.constant 80 : index
          %parallel_loop3A_299 = tpu.vector_load %arg7[%parallel_loop3A_297, %parallel_loop3A_298] {strides = array<i32>} : memref<80x128xf32, #tpu.memory_space<vmem>>, vector<1x16xf32>,
          %parallel_loop3A_300 = vector.shape_cast %parallel_loop3A_299 : vector<1x16xf32> to vector<16xf32>
          %parallel_loop3A_301 = arith.index_cast %parallel_loop3A_211 : i32 to index
          %parallel_loop3A_302 = arith.constant 80 : index
          %parallel_loop3A_303 = tpu.vector_load %arg9[%parallel_loop3A_301, %parallel_loop3A_302] {strides = array<i32>} : memref<80x128xf32, #tpu.memory_space<vmem>>, vector<1x16xf32>,
          %parallel_loop3A_304 = vector.shape_cast %parallel_loop3A_303 : vector<1x16xf32> to vector<16xf32>
          %parallel_loop3A_305 = arith.addf %parallel_loop3A_300, %parallel_loop3A_304 : vector<16xf32>
          %parallel_loop3A_306 = arith.constant 0.000000e+00 : f32
          %parallel_loop3A_307 = vector.broadcast %parallel_loop3A_306 : f32 to vector<16xf32>
          %parallel_loop3A_308 = arith.maximumf %parallel_loop3A_305, %parallel_loop3A_307 : vector<16xf32>
          %parallel_loop3A_309 = arith.index_cast %parallel_loop3A_211 : i32 to index
          %parallel_loop3A_310 = arith.constant 80 : index
          %parallel_loop3A_311 = tpu.vector_load %arg7[%parallel_loop3A_309, %parallel_loop3A_310] {strides = array<i32>} : memref<80x128xf32, #tpu.memory_space<vmem>>, vector<1x16xf32>,
          %parallel_loop3A_312 = vector.shape_cast %parallel_loop3A_311 : vector<1x16xf32> to vector<16xf32>
          %parallel_loop3A_313 = vector.shape_cast %parallel_loop3A_308 : vector<16xf32> to vector<1x16xf32>
          tpu.vector_store %arg7[%parallel_loop3A_309, %parallel_loop3A_310], %parallel_loop3A_313 {strides = array<i32>} : memref<80x128xf32, #tpu.memory_space<vmem>>, vector<1x16xf32>,
          %parallel_loop3A_314 = arith.index_cast %parallel_loop3A_211 : i32 to index
          %parallel_loop3A_315 = arith.constant 96 : index
          %parallel_loop3A_316 = tpu.vector_load %arg7[%parallel_loop3A_314, %parallel_loop3A_315] {strides = array<i32>} : memref<80x128xf32, #tpu.memory_space<vmem>>, vector<1x16xf32>,
          %parallel_loop3A_317 = vector.shape_cast %parallel_loop3A_316 : vector<1x16xf32> to vector<16xf32>
          %parallel_loop3A_318 = arith.index_cast %parallel_loop3A_211 : i32 to index
          %parallel_loop3A_319 = arith.constant 96 : index
          %parallel_loop3A_320 = tpu.vector_load %arg9[%parallel_loop3A_318, %parallel_loop3A_319] {strides = array<i32>} : memref<80x128xf32, #tpu.memory_space<vmem>>, vector<1x16xf32>,
          %parallel_loop3A_321 = vector.shape_cast %parallel_loop3A_320 : vector<1x16xf32> to vector<16xf32>
          %parallel_loop3A_322 = arith.addf %parallel_loop3A_317, %parallel_loop3A_321 : vector<16xf32>
          %parallel_loop3A_323 = arith.constant 0.000000e+00 : f32
          %parallel_loop3A_324 = vector.broadcast %parallel_loop3A_323 : f32 to vector<16xf32>
          %parallel_loop3A_325 = arith.maximumf %parallel_loop3A_322, %parallel_loop3A_324 : vector<16xf32>
          %parallel_loop3A_326 = arith.index_cast %parallel_loop3A_211 : i32 to index
          %parallel_loop3A_327 = arith.constant 96 : index
          %parallel_loop3A_328 = tpu.vector_load %arg7[%parallel_loop3A_326, %parallel_loop3A_327] {strides = array<i32>} : memref<80x128xf32, #tpu.memory_space<vmem>>, vector<1x16xf32>,
          %parallel_loop3A_329 = vector.shape_cast %parallel_loop3A_328 : vector<1x16xf32> to vector<16xf32>
          %parallel_loop3A_330 = vector.shape_cast %parallel_loop3A_325 : vector<16xf32> to vector<1x16xf32>
          tpu.vector_store %arg7[%parallel_loop3A_326, %parallel_loop3A_327], %parallel_loop3A_330 {strides = array<i32>} : memref<80x128xf32, #tpu.memory_space<vmem>>, vector<1x16xf32>,
          %parallel_loop3A_331 = arith.index_cast %parallel_loop3A_211 : i32 to index
          %parallel_loop3A_332 = arith.constant 112 : index
          %parallel_loop3A_333 = tpu.vector_load %arg7[%parallel_loop3A_331, %parallel_loop3A_332] {strides = array<i32>} : memref<80x128xf32, #tpu.memory_space<vmem>>, vector<1x16xf32>,
          %parallel_loop3A_334 = vector.shape_cast %parallel_loop3A_333 : vector<1x16xf32> to vector<16xf32>
          %parallel_loop3A_335 = arith.index_cast %parallel_loop3A_211 : i32 to index
          %parallel_loop3A_336 = arith.constant 112 : index
          %parallel_loop3A_337 = tpu.vector_load %arg9[%parallel_loop3A_335, %parallel_loop3A_336] {strides = array<i32>} : memref<80x128xf32, #tpu.memory_space<vmem>>, vector<1x16xf32>,
          %parallel_loop3A_338 = vector.shape_cast %parallel_loop3A_337 : vector<1x16xf32> to vector<16xf32>
          %parallel_loop3A_339 = arith.addf %parallel_loop3A_334, %parallel_loop3A_338 : vector<16xf32>
          %parallel_loop3A_340 = arith.constant 0.000000e+00 : f32
          %parallel_loop3A_341 = vector.broadcast %parallel_loop3A_340 : f32 to vector<16xf32>
          %parallel_loop3A_342 = arith.maximumf %parallel_loop3A_339, %parallel_loop3A_341 : vector<16xf32>
          %parallel_loop3A_343 = arith.index_cast %parallel_loop3A_211 : i32 to index
          %parallel_loop3A_344 = arith.constant 112 : index
          %parallel_loop3A_345 = tpu.vector_load %arg7[%parallel_loop3A_343, %parallel_loop3A_344] {strides = array<i32>} : memref<80x128xf32, #tpu.memory_space<vmem>>, vector<1x16xf32>,
          %parallel_loop3A_346 = vector.shape_cast %parallel_loop3A_345 : vector<1x16xf32> to vector<16xf32>
          %parallel_loop3A_347 = vector.shape_cast %parallel_loop3A_342 : vector<16xf32> to vector<1x16xf32>
          tpu.vector_store %arg7[%parallel_loop3A_343, %parallel_loop3A_344], %parallel_loop3A_347 {strides = array<i32>} : memref<80x128xf32, #tpu.memory_space<vmem>>, vector<1x16xf32>,
        } {sc.loop_unroll_factor = 4 : i64, sc.parallel_access}
        %dma_wait3A_204 = arith.constant 0 : i32
        %dma_wait3A_205 = tpu.memref_slice %arg5[%dma_wait3A_204] : memref<320000xi32, #tpu.memory_space<hbm>> -> memref<80xi32, #tpu.memory_space<hbm>>
        %dma_wait3A_206 = arith.constant 0 : i32
        %dma_wait3A_207 = tpu.memref_slice %arg5[%dma_wait3A_206] : memref<320000xi32, #tpu.memory_space<hbm>> -> memref<80xi32, #tpu.memory_space<hbm>>
        tpu.wait_dma2 semaphore(%arg33 : memref<!tpu.dma_semaphore, #tpu.memory_space<semaphore_mem>>) src(%dma_wait3A_207 : memref<80xi32, #tpu.memory_space<hbm>>) dst(%arg17 : memref<80xi32, #tpu.memory_space<vmem>>)
        %dma_start3A_208 = arith.constant 0 : i32
        %dma_start3A_209 = arith.constant 0 : i32
        %dma_start3A_210 = tpu.memref_slice %arg20[%dma_start3A_208, %dma_start3A_209] : memref<10000x128xf32, #tpu.memory_space<vmem_shared>> -> memref<10000x128xf32, #tpu.memory_space<vmem_shared>>
        tpu.enqueue_indirect_dma source(%arg7 : memref<80x128xf32, #tpu.memory_space<vmem>>) target(%dma_start3A_210 : memref<10000x128xf32, #tpu.memory_space<vmem_shared>>) offsets(%arg17 : memref<80xi32, #tpu.memory_space<vmem>>) semaphore(%arg25 : memref<!tpu.dma_semaphore, #tpu.memory_space<semaphore_mem>>) {add = true}
      } else {
      }
      %mul3A_162 = arith.constant 4 : i32
      %mul3A_163 = arith.muli %scan3A_71, %mul3A_162 : i32
      %add3A_164 = arith.constant 3 : i32
      %add3A_165 = arith.addi %mul3A_163, %add3A_164 : i32
      %ge3A_166 = arith.constant 1 : i32
      %ge3A_167 = arith.cmpi sge, %add3A_165, %ge3A_166 : i32
      %lt3A_168 = arith.constant 126 : i32
      %lt3A_169 = arith.cmpi slt, %add3A_165, %lt3A_168 : i32
      %and3A_170 = arith.andi %ge3A_167, %lt3A_169 : i1
      %convert_element_type3A_171 = arith.extui %and3A_170 : i1 to i32
      %cond3A_172 = arith.constant 0 : i32
      %cond3A_173 = arith.cmpi ne, %convert_element_type3A_171, %cond3A_172 : i32
      scf.if %cond3A_173 {
        %dma_wait3A_193 = arith.constant 0 : i32
        %dma_wait3A_194 = arith.constant 0 : i32
        %dma_wait3A_195 = tpu.memref_slice %arg20[%dma_wait3A_193, %dma_wait3A_194] : memref<10000x128xf32, #tpu.memory_space<vmem_shared>> -> memref<10000x128xf32, #tpu.memory_space<vmem_shared>>
        tpu.wait_indirect_dma semaphore(%arg25 : memref<!tpu.dma_semaphore, #tpu.memory_space<semaphore_mem>>) src(%arg7 : memref<80x128xf32, #tpu.memory_space<vmem>>) dst(%dma_wait3A_195 : memref<10000x128xf32, #tpu.memory_space<vmem_shared>>)
      } else {
      }
      %add3A_174 = arith.constant 1 : i32
      %add3A_175 = arith.addi %add3A_165, %add3A_174 : i32
      %lt3A_176 = arith.constant 125 : i32
      %lt3A_177 = arith.cmpi slt, %add3A_175, %lt3A_176 : i32
      %convert_element_type3A_178 = arith.extui %lt3A_177 : i1 to i32
      %cond3A_179 = arith.constant 0 : i32
      %cond3A_180 = arith.cmpi ne, %convert_element_type3A_178, %cond3A_179 : i32
      scf.if %cond3A_180 {
        %dma_wait3A_193 = arith.constant 0 : i32
        %dma_wait3A_194 = tpu.memref_slice %arg4[%dma_wait3A_193] : memref<320000xi32, #tpu.memory_space<hbm>> -> memref<80xi32, #tpu.memory_space<hbm>>
        %dma_wait3A_195 = arith.constant 0 : i32
        %dma_wait3A_196 = tpu.memref_slice %arg4[%dma_wait3A_195] : memref<320000xi32, #tpu.memory_space<hbm>> -> memref<80xi32, #tpu.memory_space<hbm>>
        tpu.wait_dma2 semaphore(%arg27 : memref<!tpu.dma_semaphore, #tpu.memory_space<semaphore_mem>>) src(%dma_wait3A_196 : memref<80xi32, #tpu.memory_space<hbm>>) dst(%arg11 : memref<80xi32, #tpu.memory_space<vmem>>)
        %dma_start3A_197 = arith.constant 0 : i32
        %dma_start3A_198 = arith.constant 0 : i32
        %dma_start3A_199 = tpu.memref_slice %arg2[%dma_start3A_197, %dma_start3A_198] : memref<10000x128xf32, #tpu.memory_space<hbm>> -> memref<10000x128xf32, #tpu.memory_space<hbm>>
        tpu.enqueue_indirect_dma source(%dma_start3A_199 : memref<10000x128xf32, #tpu.memory_space<hbm>>) target(%arg9 : memref<80x128xf32, #tpu.memory_space<vmem>>) offsets(%arg11 : memref<80xi32, #tpu.memory_space<vmem>>) semaphore(%arg23 : memref<!tpu.dma_semaphore, #tpu.memory_space<semaphore_mem>>)
        %add3A_200 = arith.constant 1 : i32
        %add3A_201 = arith.addi %add3A_165, %add3A_200 : i32
        %mul3A_202 = arith.constant 80 : i32
        %mul3A_203 = arith.muli %add3A_201, %mul3A_202 : i32
        %add3A_204 = arith.addi %mul3A_37, %mul3A_203 : i32
        %dma_start3A_205 = arith.constant 0 : i32
        %dma_start3A_206 = tpu.memref_slice %arg3[%add3A_204, %dma_start3A_205] : memref<320000x128xf32, #tpu.memory_space<hbm>> -> memref<80x128xf32, #tpu.memory_space<hbm>>
        %dma_start3A_207 = arith.constant 0 : i32
        %dma_start3A_208 = tpu.memref_slice %arg3[%add3A_204, %dma_start3A_207] : memref<320000x128xf32, #tpu.memory_space<hbm>> -> memref<80x128xf32, #tpu.memory_space<hbm>>
        tpu.enqueue_dma source(%dma_start3A_208 : memref<80x128xf32, #tpu.memory_space<hbm>>) target(%arg7 : memref<80x128xf32, #tpu.memory_space<vmem>>) target_semaphore(%arg21 : memref<!tpu.dma_semaphore, #tpu.memory_space<semaphore_mem>>)
      } else {
      }
      %add3A_181 = arith.constant 2 : i32
      %add3A_182 = arith.addi %add3A_165, %add3A_181 : i32
      %lt3A_183 = arith.constant 125 : i32
      %lt3A_184 = arith.cmpi slt, %add3A_182, %lt3A_183 : i32
      %convert_element_type3A_185 = arith.extui %lt3A_184 : i1 to i32
      %cond3A_186 = arith.constant 0 : i32
      %cond3A_187 = arith.cmpi ne, %convert_element_type3A_185, %cond3A_186 : i32
      scf.if %cond3A_187 {
        %add3A_193 = arith.constant 2 : i32
        %add3A_194 = arith.addi %add3A_165, %add3A_193 : i32
        %mul3A_195 = arith.constant 80 : i32
        %mul3A_196 = arith.muli %add3A_194, %mul3A_195 : i32
        %add3A_197 = arith.addi %mul3A_37, %mul3A_196 : i32
        %dma_start3A_198 = tpu.memref_slice %arg4[%add3A_197] : memref<320000xi32, #tpu.memory_space<hbm>> -> memref<80xi32, #tpu.memory_space<hbm>>
        %dma_start3A_199 = tpu.memref_slice %arg4[%add3A_197] : memref<320000xi32, #tpu.memory_space<hbm>> -> memref<80xi32, #tpu.memory_space<hbm>>
        tpu.enqueue_dma source(%dma_start3A_199 : memref<80xi32, #tpu.memory_space<hbm>>) target(%arg12 : memref<80xi32, #tpu.memory_space<vmem>>) target_semaphore(%arg28 : memref<!tpu.dma_semaphore, #tpu.memory_space<semaphore_mem>>)
        %dma_start3A_200 = tpu.memref_slice %arg5[%add3A_197] : memref<320000xi32, #tpu.memory_space<hbm>> -> memref<80xi32, #tpu.memory_space<hbm>>
        %dma_start3A_201 = tpu.memref_slice %arg5[%add3A_197] : memref<320000xi32, #tpu.memory_space<hbm>> -> memref<80xi32, #tpu.memory_space<hbm>>
        tpu.enqueue_dma source(%dma_start3A_201 : memref<80xi32, #tpu.memory_space<hbm>>) target(%arg16 : memref<80xi32, #tpu.memory_space<vmem>>) target_semaphore(%arg32 : memref<!tpu.dma_semaphore, #tpu.memory_space<semaphore_mem>>)
      } else {
      }
      %lt3A_188 = arith.constant 125 : i32
      %lt3A_189 = arith.cmpi slt, %add3A_165, %lt3A_188 : i32
      %convert_element_type3A_190 = arith.extui %lt3A_189 : i1 to i32
      %cond3A_191 = arith.constant 0 : i32
      %cond3A_192 = arith.cmpi ne, %convert_element_type3A_190, %cond3A_191 : i32
      scf.if %cond3A_192 {
        %dma_wait3A_193 = arith.constant 0 : i32
        %dma_wait3A_194 = arith.constant 0 : i32
        %dma_wait3A_195 = tpu.memref_slice %arg3[%dma_wait3A_193, %dma_wait3A_194] : memref<320000x128xf32, #tpu.memory_space<hbm>> -> memref<80x128xf32, #tpu.memory_space<hbm>>
        %dma_wait3A_196 = arith.constant 0 : i32
        %dma_wait3A_197 = arith.constant 0 : i32
        %dma_wait3A_198 = tpu.memref_slice %arg3[%dma_wait3A_196, %dma_wait3A_197] : memref<320000x128xf32, #tpu.memory_space<hbm>> -> memref<80x128xf32, #tpu.memory_space<hbm>>
        tpu.wait_dma2 semaphore(%arg22 : memref<!tpu.dma_semaphore, #tpu.memory_space<semaphore_mem>>) src(%dma_wait3A_198 : memref<80x128xf32, #tpu.memory_space<hbm>>) dst(%arg8 : memref<80x128xf32, #tpu.memory_space<vmem>>)
        %dma_wait3A_199 = arith.constant 0 : i32
        %dma_wait3A_200 = arith.constant 0 : i32
        %dma_wait3A_201 = tpu.memref_slice %arg2[%dma_wait3A_199, %dma_wait3A_200] : memref<10000x128xf32, #tpu.memory_space<hbm>> -> memref<10000x128xf32, #tpu.memory_space<hbm>>
        tpu.wait_indirect_dma semaphore(%arg24 : memref<!tpu.dma_semaphore, #tpu.memory_space<semaphore_mem>>) src(%dma_wait3A_201 : memref<10000x128xf32, #tpu.memory_space<hbm>>) dst(%arg10 : memref<80x128xf32, #tpu.memory_space<vmem>>)
        %parallel_loop3A = arith.constant 0 : i32
        %parallel_loop3A_202 = arith.constant 80 : i32
        %parallel_loop3A_203 = arith.constant 1 : i32
        scf.for %parallel_loop3A_211 = %parallel_loop3A to %parallel_loop3A_202 step %parallel_loop3A_203  : i32 {
          %parallel_loop3A_212 = arith.index_cast %parallel_loop3A_211 : i32 to index
          %parallel_loop3A_213 = arith.constant 0 : index
          %parallel_loop3A_214 = tpu.vector_load %arg8[%parallel_loop3A_212, %parallel_loop3A_213] {strides = array<i32>} : memref<80x128xf32, #tpu.memory_space<vmem>>, vector<1x16xf32>,
          %parallel_loop3A_215 = vector.shape_cast %parallel_loop3A_214 : vector<1x16xf32> to vector<16xf32>
          %parallel_loop3A_216 = arith.index_cast %parallel_loop3A_211 : i32 to index
          %parallel_loop3A_217 = arith.constant 0 : index
          %parallel_loop3A_218 = tpu.vector_load %arg10[%parallel_loop3A_216, %parallel_loop3A_217] {strides = array<i32>} : memref<80x128xf32, #tpu.memory_space<vmem>>, vector<1x16xf32>,
          %parallel_loop3A_219 = vector.shape_cast %parallel_loop3A_218 : vector<1x16xf32> to vector<16xf32>
          %parallel_loop3A_220 = arith.addf %parallel_loop3A_215, %parallel_loop3A_219 : vector<16xf32>
          %parallel_loop3A_221 = arith.constant 0.000000e+00 : f32
          %parallel_loop3A_222 = vector.broadcast %parallel_loop3A_221 : f32 to vector<16xf32>
          %parallel_loop3A_223 = arith.maximumf %parallel_loop3A_220, %parallel_loop3A_222 : vector<16xf32>
          %parallel_loop3A_224 = arith.index_cast %parallel_loop3A_211 : i32 to index
          %parallel_loop3A_225 = arith.constant 0 : index
          %parallel_loop3A_226 = tpu.vector_load %arg8[%parallel_loop3A_224, %parallel_loop3A_225] {strides = array<i32>} : memref<80x128xf32, #tpu.memory_space<vmem>>, vector<1x16xf32>,
          %parallel_loop3A_227 = vector.shape_cast %parallel_loop3A_226 : vector<1x16xf32> to vector<16xf32>
          %parallel_loop3A_228 = vector.shape_cast %parallel_loop3A_223 : vector<16xf32> to vector<1x16xf32>
          tpu.vector_store %arg8[%parallel_loop3A_224, %parallel_loop3A_225], %parallel_loop3A_228 {strides = array<i32>} : memref<80x128xf32, #tpu.memory_space<vmem>>, vector<1x16xf32>,
          %parallel_loop3A_229 = arith.index_cast %parallel_loop3A_211 : i32 to index
          %parallel_loop3A_230 = arith.constant 16 : index
          %parallel_loop3A_231 = tpu.vector_load %arg8[%parallel_loop3A_229, %parallel_loop3A_230] {strides = array<i32>} : memref<80x128xf32, #tpu.memory_space<vmem>>, vector<1x16xf32>,
          %parallel_loop3A_232 = vector.shape_cast %parallel_loop3A_231 : vector<1x16xf32> to vector<16xf32>
          %parallel_loop3A_233 = arith.index_cast %parallel_loop3A_211 : i32 to index
          %parallel_loop3A_234 = arith.constant 16 : index
          %parallel_loop3A_235 = tpu.vector_load %arg10[%parallel_loop3A_233, %parallel_loop3A_234] {strides = array<i32>} : memref<80x128xf32, #tpu.memory_space<vmem>>, vector<1x16xf32>,
          %parallel_loop3A_236 = vector.shape_cast %parallel_loop3A_235 : vector<1x16xf32> to vector<16xf32>
          %parallel_loop3A_237 = arith.addf %parallel_loop3A_232, %parallel_loop3A_236 : vector<16xf32>
          %parallel_loop3A_238 = arith.constant 0.000000e+00 : f32
          %parallel_loop3A_239 = vector.broadcast %parallel_loop3A_238 : f32 to vector<16xf32>
          %parallel_loop3A_240 = arith.maximumf %parallel_loop3A_237, %parallel_loop3A_239 : vector<16xf32>
          %parallel_loop3A_241 = arith.index_cast %parallel_loop3A_211 : i32 to index
          %parallel_loop3A_242 = arith.constant 16 : index
          %parallel_loop3A_243 = tpu.vector_load %arg8[%parallel_loop3A_241, %parallel_loop3A_242] {strides = array<i32>} : memref<80x128xf32, #tpu.memory_space<vmem>>, vector<1x16xf32>,
          %parallel_loop3A_244 = vector.shape_cast %parallel_loop3A_243 : vector<1x16xf32> to vector<16xf32>
          %parallel_loop3A_245 = vector.shape_cast %parallel_loop3A_240 : vector<16xf32> to vector<1x16xf32>
          tpu.vector_store %arg8[%parallel_loop3A_241, %parallel_loop3A_242], %parallel_loop3A_245 {strides = array<i32>} : memref<80x128xf32, #tpu.memory_space<vmem>>, vector<1x16xf32>,
          %parallel_loop3A_246 = arith.index_cast %parallel_loop3A_211 : i32 to index
          %parallel_loop3A_247 = arith.constant 32 : index
          %parallel_loop3A_248 = tpu.vector_load %arg8[%parallel_loop3A_246, %parallel_loop3A_247] {strides = array<i32>} : memref<80x128xf32, #tpu.memory_space<vmem>>, vector<1x16xf32>,
          %parallel_loop3A_249 = vector.shape_cast %parallel_loop3A_248 : vector<1x16xf32> to vector<16xf32>
          %parallel_loop3A_250 = arith.index_cast %parallel_loop3A_211 : i32 to index
          %parallel_loop3A_251 = arith.constant 32 : index
          %parallel_loop3A_252 = tpu.vector_load %arg10[%parallel_loop3A_250, %parallel_loop3A_251] {strides = array<i32>} : memref<80x128xf32, #tpu.memory_space<vmem>>, vector<1x16xf32>,
          %parallel_loop3A_253 = vector.shape_cast %parallel_loop3A_252 : vector<1x16xf32> to vector<16xf32>
          %parallel_loop3A_254 = arith.addf %parallel_loop3A_249, %parallel_loop3A_253 : vector<16xf32>
          %parallel_loop3A_255 = arith.constant 0.000000e+00 : f32
          %parallel_loop3A_256 = vector.broadcast %parallel_loop3A_255 : f32 to vector<16xf32>
          %parallel_loop3A_257 = arith.maximumf %parallel_loop3A_254, %parallel_loop3A_256 : vector<16xf32>
          %parallel_loop3A_258 = arith.index_cast %parallel_loop3A_211 : i32 to index
          %parallel_loop3A_259 = arith.constant 32 : index
          %parallel_loop3A_260 = tpu.vector_load %arg8[%parallel_loop3A_258, %parallel_loop3A_259] {strides = array<i32>} : memref<80x128xf32, #tpu.memory_space<vmem>>, vector<1x16xf32>,
          %parallel_loop3A_261 = vector.shape_cast %parallel_loop3A_260 : vector<1x16xf32> to vector<16xf32>
          %parallel_loop3A_262 = vector.shape_cast %parallel_loop3A_257 : vector<16xf32> to vector<1x16xf32>
          tpu.vector_store %arg8[%parallel_loop3A_258, %parallel_loop3A_259], %parallel_loop3A_262 {strides = array<i32>} : memref<80x128xf32, #tpu.memory_space<vmem>>, vector<1x16xf32>,
          %parallel_loop3A_263 = arith.index_cast %parallel_loop3A_211 : i32 to index
          %parallel_loop3A_264 = arith.constant 48 : index
          %parallel_loop3A_265 = tpu.vector_load %arg8[%parallel_loop3A_263, %parallel_loop3A_264] {strides = array<i32>} : memref<80x128xf32, #tpu.memory_space<vmem>>, vector<1x16xf32>,
          %parallel_loop3A_266 = vector.shape_cast %parallel_loop3A_265 : vector<1x16xf32> to vector<16xf32>
          %parallel_loop3A_267 = arith.index_cast %parallel_loop3A_211 : i32 to index
          %parallel_loop3A_268 = arith.constant 48 : index
          %parallel_loop3A_269 = tpu.vector_load %arg10[%parallel_loop3A_267, %parallel_loop3A_268] {strides = array<i32>} : memref<80x128xf32, #tpu.memory_space<vmem>>, vector<1x16xf32>,
          %parallel_loop3A_270 = vector.shape_cast %parallel_loop3A_269 : vector<1x16xf32> to vector<16xf32>
          %parallel_loop3A_271 = arith.addf %parallel_loop3A_266, %parallel_loop3A_270 : vector<16xf32>
          %parallel_loop3A_272 = arith.constant 0.000000e+00 : f32
          %parallel_loop3A_273 = vector.broadcast %parallel_loop3A_272 : f32 to vector<16xf32>
          %parallel_loop3A_274 = arith.maximumf %parallel_loop3A_271, %parallel_loop3A_273 : vector<16xf32>
          %parallel_loop3A_275 = arith.index_cast %parallel_loop3A_211 : i32 to index
          %parallel_loop3A_276 = arith.constant 48 : index
          %parallel_loop3A_277 = tpu.vector_load %arg8[%parallel_loop3A_275, %parallel_loop3A_276] {strides = array<i32>} : memref<80x128xf32, #tpu.memory_space<vmem>>, vector<1x16xf32>,
          %parallel_loop3A_278 = vector.shape_cast %parallel_loop3A_277 : vector<1x16xf32> to vector<16xf32>
          %parallel_loop3A_279 = vector.shape_cast %parallel_loop3A_274 : vector<16xf32> to vector<1x16xf32>
          tpu.vector_store %arg8[%parallel_loop3A_275, %parallel_loop3A_276], %parallel_loop3A_279 {strides = array<i32>} : memref<80x128xf32, #tpu.memory_space<vmem>>, vector<1x16xf32>,
          %parallel_loop3A_280 = arith.index_cast %parallel_loop3A_211 : i32 to index
          %parallel_loop3A_281 = arith.constant 64 : index
          %parallel_loop3A_282 = tpu.vector_load %arg8[%parallel_loop3A_280, %parallel_loop3A_281] {strides = array<i32>} : memref<80x128xf32, #tpu.memory_space<vmem>>, vector<1x16xf32>,
          %parallel_loop3A_283 = vector.shape_cast %parallel_loop3A_282 : vector<1x16xf32> to vector<16xf32>
          %parallel_loop3A_284 = arith.index_cast %parallel_loop3A_211 : i32 to index
          %parallel_loop3A_285 = arith.constant 64 : index
          %parallel_loop3A_286 = tpu.vector_load %arg10[%parallel_loop3A_284, %parallel_loop3A_285] {strides = array<i32>} : memref<80x128xf32, #tpu.memory_space<vmem>>, vector<1x16xf32>,
          %parallel_loop3A_287 = vector.shape_cast %parallel_loop3A_286 : vector<1x16xf32> to vector<16xf32>
          %parallel_loop3A_288 = arith.addf %parallel_loop3A_283, %parallel_loop3A_287 : vector<16xf32>
          %parallel_loop3A_289 = arith.constant 0.000000e+00 : f32
          %parallel_loop3A_290 = vector.broadcast %parallel_loop3A_289 : f32 to vector<16xf32>
          %parallel_loop3A_291 = arith.maximumf %parallel_loop3A_288, %parallel_loop3A_290 : vector<16xf32>
          %parallel_loop3A_292 = arith.index_cast %parallel_loop3A_211 : i32 to index
          %parallel_loop3A_293 = arith.constant 64 : index
          %parallel_loop3A_294 = tpu.vector_load %arg8[%parallel_loop3A_292, %parallel_loop3A_293] {strides = array<i32>} : memref<80x128xf32, #tpu.memory_space<vmem>>, vector<1x16xf32>,
          %parallel_loop3A_295 = vector.shape_cast %parallel_loop3A_294 : vector<1x16xf32> to vector<16xf32>
          %parallel_loop3A_296 = vector.shape_cast %parallel_loop3A_291 : vector<16xf32> to vector<1x16xf32>
          tpu.vector_store %arg8[%parallel_loop3A_292, %parallel_loop3A_293], %parallel_loop3A_296 {strides = array<i32>} : memref<80x128xf32, #tpu.memory_space<vmem>>, vector<1x16xf32>,
          %parallel_loop3A_297 = arith.index_cast %parallel_loop3A_211 : i32 to index
          %parallel_loop3A_298 = arith.constant 80 : index
          %parallel_loop3A_299 = tpu.vector_load %arg8[%parallel_loop3A_297, %parallel_loop3A_298] {strides = array<i32>} : memref<80x128xf32, #tpu.memory_space<vmem>>, vector<1x16xf32>,
          %parallel_loop3A_300 = vector.shape_cast %parallel_loop3A_299 : vector<1x16xf32> to vector<16xf32>
          %parallel_loop3A_301 = arith.index_cast %parallel_loop3A_211 : i32 to index
          %parallel_loop3A_302 = arith.constant 80 : index
          %parallel_loop3A_303 = tpu.vector_load %arg10[%parallel_loop3A_301, %parallel_loop3A_302] {strides = array<i32>} : memref<80x128xf32, #tpu.memory_space<vmem>>, vector<1x16xf32>,
          %parallel_loop3A_304 = vector.shape_cast %parallel_loop3A_303 : vector<1x16xf32> to vector<16xf32>
          %parallel_loop3A_305 = arith.addf %parallel_loop3A_300, %parallel_loop3A_304 : vector<16xf32>
          %parallel_loop3A_306 = arith.constant 0.000000e+00 : f32
          %parallel_loop3A_307 = vector.broadcast %parallel_loop3A_306 : f32 to vector<16xf32>
          %parallel_loop3A_308 = arith.maximumf %parallel_loop3A_305, %parallel_loop3A_307 : vector<16xf32>
          %parallel_loop3A_309 = arith.index_cast %parallel_loop3A_211 : i32 to index
          %parallel_loop3A_310 = arith.constant 80 : index
          %parallel_loop3A_311 = tpu.vector_load %arg8[%parallel_loop3A_309, %parallel_loop3A_310] {strides = array<i32>} : memref<80x128xf32, #tpu.memory_space<vmem>>, vector<1x16xf32>,
          %parallel_loop3A_312 = vector.shape_cast %parallel_loop3A_311 : vector<1x16xf32> to vector<16xf32>
          %parallel_loop3A_313 = vector.shape_cast %parallel_loop3A_308 : vector<16xf32> to vector<1x16xf32>
          tpu.vector_store %arg8[%parallel_loop3A_309, %parallel_loop3A_310], %parallel_loop3A_313 {strides = array<i32>} : memref<80x128xf32, #tpu.memory_space<vmem>>, vector<1x16xf32>,
          %parallel_loop3A_314 = arith.index_cast %parallel_loop3A_211 : i32 to index
          %parallel_loop3A_315 = arith.constant 96 : index
          %parallel_loop3A_316 = tpu.vector_load %arg8[%parallel_loop3A_314, %parallel_loop3A_315] {strides = array<i32>} : memref<80x128xf32, #tpu.memory_space<vmem>>, vector<1x16xf32>,
          %parallel_loop3A_317 = vector.shape_cast %parallel_loop3A_316 : vector<1x16xf32> to vector<16xf32>
          %parallel_loop3A_318 = arith.index_cast %parallel_loop3A_211 : i32 to index
          %parallel_loop3A_319 = arith.constant 96 : index
          %parallel_loop3A_320 = tpu.vector_load %arg10[%parallel_loop3A_318, %parallel_loop3A_319] {strides = array<i32>} : memref<80x128xf32, #tpu.memory_space<vmem>>, vector<1x16xf32>,
          %parallel_loop3A_321 = vector.shape_cast %parallel_loop3A_320 : vector<1x16xf32> to vector<16xf32>
          %parallel_loop3A_322 = arith.addf %parallel_loop3A_317, %parallel_loop3A_321 : vector<16xf32>
          %parallel_loop3A_323 = arith.constant 0.000000e+00 : f32
          %parallel_loop3A_324 = vector.broadcast %parallel_loop3A_323 : f32 to vector<16xf32>
          %parallel_loop3A_325 = arith.maximumf %parallel_loop3A_322, %parallel_loop3A_324 : vector<16xf32>
          %parallel_loop3A_326 = arith.index_cast %parallel_loop3A_211 : i32 to index
          %parallel_loop3A_327 = arith.constant 96 : index
          %parallel_loop3A_328 = tpu.vector_load %arg8[%parallel_loop3A_326, %parallel_loop3A_327] {strides = array<i32>} : memref<80x128xf32, #tpu.memory_space<vmem>>, vector<1x16xf32>,
          %parallel_loop3A_329 = vector.shape_cast %parallel_loop3A_328 : vector<1x16xf32> to vector<16xf32>
          %parallel_loop3A_330 = vector.shape_cast %parallel_loop3A_325 : vector<16xf32> to vector<1x16xf32>
          tpu.vector_store %arg8[%parallel_loop3A_326, %parallel_loop3A_327], %parallel_loop3A_330 {strides = array<i32>} : memref<80x128xf32, #tpu.memory_space<vmem>>, vector<1x16xf32>,
          %parallel_loop3A_331 = arith.index_cast %parallel_loop3A_211 : i32 to index
          %parallel_loop3A_332 = arith.constant 112 : index
          %parallel_loop3A_333 = tpu.vector_load %arg8[%parallel_loop3A_331, %parallel_loop3A_332] {strides = array<i32>} : memref<80x128xf32, #tpu.memory_space<vmem>>, vector<1x16xf32>,
          %parallel_loop3A_334 = vector.shape_cast %parallel_loop3A_333 : vector<1x16xf32> to vector<16xf32>
          %parallel_loop3A_335 = arith.index_cast %parallel_loop3A_211 : i32 to index
          %parallel_loop3A_336 = arith.constant 112 : index
          %parallel_loop3A_337 = tpu.vector_load %arg10[%parallel_loop3A_335, %parallel_loop3A_336] {strides = array<i32>} : memref<80x128xf32, #tpu.memory_space<vmem>>, vector<1x16xf32>,
          %parallel_loop3A_338 = vector.shape_cast %parallel_loop3A_337 : vector<1x16xf32> to vector<16xf32>
          %parallel_loop3A_339 = arith.addf %parallel_loop3A_334, %parallel_loop3A_338 : vector<16xf32>
          %parallel_loop3A_340 = arith.constant 0.000000e+00 : f32
          %parallel_loop3A_341 = vector.broadcast %parallel_loop3A_340 : f32 to vector<16xf32>
          %parallel_loop3A_342 = arith.maximumf %parallel_loop3A_339, %parallel_loop3A_341 : vector<16xf32>
          %parallel_loop3A_343 = arith.index_cast %parallel_loop3A_211 : i32 to index
          %parallel_loop3A_344 = arith.constant 112 : index
          %parallel_loop3A_345 = tpu.vector_load %arg8[%parallel_loop3A_343, %parallel_loop3A_344] {strides = array<i32>} : memref<80x128xf32, #tpu.memory_space<vmem>>, vector<1x16xf32>,
          %parallel_loop3A_346 = vector.shape_cast %parallel_loop3A_345 : vector<1x16xf32> to vector<16xf32>
          %parallel_loop3A_347 = vector.shape_cast %parallel_loop3A_342 : vector<16xf32> to vector<1x16xf32>
          tpu.vector_store %arg8[%parallel_loop3A_343, %parallel_loop3A_344], %parallel_loop3A_347 {strides = array<i32>} : memref<80x128xf32, #tpu.memory_space<vmem>>, vector<1x16xf32>,
        } {sc.loop_unroll_factor = 4 : i64, sc.parallel_access}
        %dma_wait3A_204 = arith.constant 0 : i32
        %dma_wait3A_205 = tpu.memref_slice %arg5[%dma_wait3A_204] : memref<320000xi32, #tpu.memory_space<hbm>> -> memref<80xi32, #tpu.memory_space<hbm>>
        %dma_wait3A_206 = arith.constant 0 : i32
        %dma_wait3A_207 = tpu.memref_slice %arg5[%dma_wait3A_206] : memref<320000xi32, #tpu.memory_space<hbm>> -> memref<80xi32, #tpu.memory_space<hbm>>
        tpu.wait_dma2 semaphore(%arg34 : memref<!tpu.dma_semaphore, #tpu.memory_space<semaphore_mem>>) src(%dma_wait3A_207 : memref<80xi32, #tpu.memory_space<hbm>>) dst(%arg18 : memref<80xi32, #tpu.memory_space<vmem>>)
        %dma_start3A_208 = arith.constant 0 : i32
        %dma_start3A_209 = arith.constant 0 : i32
        %dma_start3A_210 = tpu.memref_slice %arg20[%dma_start3A_208, %dma_start3A_209] : memref<10000x128xf32, #tpu.memory_space<vmem_shared>> -> memref<10000x128xf32, #tpu.memory_space<vmem_shared>>
        tpu.enqueue_indirect_dma source(%arg8 : memref<80x128xf32, #tpu.memory_space<vmem>>) target(%dma_start3A_210 : memref<10000x128xf32, #tpu.memory_space<vmem_shared>>) offsets(%arg18 : memref<80xi32, #tpu.memory_space<vmem>>) semaphore(%arg26 : memref<!tpu.dma_semaphore, #tpu.memory_space<semaphore_mem>>) {add = true}
      } else {
      }
    }
    %scan3A_62 = arith.constant 32 : i32
    %barrier3A_63 = arith.constant 0 : index
    tpu.barrier barrier_id(%barrier3A_63)
    %mul3A_64 = arith.constant 624 : i32
    %mul3A_65 = arith.muli %arg1, %mul3A_64 : i32
    "tpu.region"() ({
      %run_scoped3A = tpu.sem_alloc : memref<!tpu.dma_semaphore, #tpu.memory_space<semaphore_mem>>
      %dma_start3A_71 = arith.constant 0 : i32
      %dma_start3A_72 = arith.constant 0 : i32
      %dma_start3A_73 = tpu.memref_slice %arg6[%arg0, %dma_start3A_71, %dma_start3A_72] : memref<2x10000x128xf32, #tpu.memory_space<hbm>> -> memref<1x10000x128xf32, #tpu.memory_space<hbm>>
      %dma_start3A_74 = tpu.memref_squeeze %dma_start3A_73 : memref<1x10000x128xf32, #tpu.memory_space<hbm>> -> memref<10000x128xf32, #tpu.memory_space<hbm>>
      %dma_start3A_75 = arith.constant 0 : i32
      %dma_start3A_76 = tpu.memref_slice %dma_start3A_74[%mul3A_65, %dma_start3A_75] : memref<10000x128xf32, #tpu.memory_space<hbm>> -> memref<624x128xf32, #tpu.memory_space<hbm>>
      %dma_start3A_77 = arith.constant 0 : i32
      %dma_start3A_78 = tpu.memref_slice %arg20[%mul3A_65, %dma_start3A_77] : memref<10000x128xf32, #tpu.memory_space<vmem_shared>> -> memref<624x128xf32, #tpu.memory_space<vmem_shared>>
      tpu.enqueue_dma source(%dma_start3A_78 : memref<624x128xf32, #tpu.memory_space<vmem_shared>>) target(%dma_start3A_76 : memref<624x128xf32, #tpu.memory_space<hbm>>) target_semaphore(%run_scoped3A : memref<!tpu.dma_semaphore, #tpu.memory_space<semaphore_mem>>)
      %dma_wait3A_79 = arith.constant 0 : i32
      %dma_wait3A_80 = arith.constant 0 : i32
      %dma_wait3A_81 = tpu.memref_slice %arg6[%arg0, %dma_wait3A_79, %dma_wait3A_80] : memref<2x10000x128xf32, #tpu.memory_space<hbm>> -> memref<1x10000x128xf32, #tpu.memory_space<hbm>>
      %dma_wait3A_82 = tpu.memref_squeeze %dma_wait3A_81 : memref<1x10000x128xf32, #tpu.memory_space<hbm>> -> memref<10000x128xf32, #tpu.memory_space<hbm>>
      %dma_wait3A_83 = arith.constant 0 : i32
      %dma_wait3A_84 = tpu.memref_slice %dma_wait3A_82[%mul3A_65, %dma_wait3A_83] : memref<10000x128xf32, #tpu.memory_space<hbm>> -> memref<624x128xf32, #tpu.memory_space<hbm>>
      %dma_wait3A_85 = arith.constant 0 : i32
      %dma_wait3A_86 = tpu.memref_slice %arg20[%mul3A_65, %dma_wait3A_85] : memref<10000x128xf32, #tpu.memory_space<vmem_shared>> -> memref<624x128xf32, #tpu.memory_space<vmem_shared>>
      tpu.wait_dma2 semaphore(%run_scoped3A : memref<!tpu.dma_semaphore, #tpu.memory_space<semaphore_mem>>) src(%dma_wait3A_86 : memref<624x128xf32, #tpu.memory_space<vmem_shared>>) dst(%dma_wait3A_84 : memref<624x128xf32, #tpu.memory_space<hbm>>)
      tpu.yield
    }) : () -> ()
    %eq3A_66 = arith.constant 15 : i32
    %eq3A_67 = arith.cmpi eq, %arg1, %eq3A_66 : i32
    %convert_element_type3A_68 = arith.extui %eq3A_67 : i1 to i32
    %cond3A_69 = arith.constant 0 : i32
    %cond3A_70 = arith.cmpi ne, %convert_element_type3A_68, %cond3A_69 : i32
    scf.if %cond3A_70 {
      "tpu.region"() ({
        %run_scoped3A = tpu.sem_alloc : memref<!tpu.dma_semaphore, #tpu.memory_space<semaphore_mem>>
        %dma_start3A_71 = arith.constant 0 : i32
        %dma_start3A_72 = arith.constant 0 : i32
        %dma_start3A_73 = tpu.memref_slice %arg6[%arg0, %dma_start3A_71, %dma_start3A_72] : memref<2x10000x128xf32, #tpu.memory_space<hbm>> -> memref<1x10000x128xf32, #tpu.memory_space<hbm>>
        %dma_start3A_74 = tpu.memref_squeeze %dma_start3A_73 : memref<1x10000x128xf32, #tpu.memory_space<hbm>> -> memref<10000x128xf32, #tpu.memory_space<hbm>>
        %dma_start3A_75 = arith.constant 9984 : i32
        %dma_start3A_76 = arith.constant 0 : i32
        %dma_start3A_77 = tpu.memref_slice %dma_start3A_74[%dma_start3A_75, %dma_start3A_76] : memref<10000x128xf32, #tpu.memory_space<hbm>> -> memref<16x128xf32, #tpu.memory_space<hbm>>
        %dma_start3A_78 = arith.constant 9984 : i32
        %dma_start3A_79 = arith.constant 0 : i32
        %dma_start3A_80 = tpu.memref_slice %arg20[%dma_start3A_78, %dma_start3A_79] : memref<10000x128xf32, #tpu.memory_space<vmem_shared>> -> memref<16x128xf32, #tpu.memory_space<vmem_shared>>
        tpu.enqueue_dma source(%dma_start3A_80 : memref<16x128xf32, #tpu.memory_space<vmem_shared>>) target(%dma_start3A_77 : memref<16x128xf32, #tpu.memory_space<hbm>>) target_semaphore(%run_scoped3A : memref<!tpu.dma_semaphore, #tpu.memory_space<semaphore_mem>>)
        %dma_wait3A_81 = arith.constant 0 : i32
        %dma_wait3A_82 = arith.constant 0 : i32
        %dma_wait3A_83 = tpu.memref_slice %arg6[%arg0, %dma_wait3A_81, %dma_wait3A_82] : memref<2x10000x128xf32, #tpu.memory_space<hbm>> -> memref<1x10000x128xf32, #tpu.memory_space<hbm>>
        %dma_wait3A_84 = tpu.memref_squeeze %dma_wait3A_83 : memref<1x10000x128xf32, #tpu.memory_space<hbm>> -> memref<10000x128xf32, #tpu.memory_space<hbm>>
        %dma_wait3A_85 = arith.constant 9984 : i32
        %dma_wait3A_86 = arith.constant 0 : i32
        %dma_wait3A_87 = tpu.memref_slice %dma_wait3A_84[%dma_wait3A_85, %dma_wait3A_86] : memref<10000x128xf32, #tpu.memory_space<hbm>> -> memref<16x128xf32, #tpu.memory_space<hbm>>
        %dma_wait3A_88 = arith.constant 9984 : i32
        %dma_wait3A_89 = arith.constant 0 : i32
        %dma_wait3A_90 = tpu.memref_slice %arg20[%dma_wait3A_88, %dma_wait3A_89] : memref<10000x128xf32, #tpu.memory_space<vmem_shared>> -> memref<16x128xf32, #tpu.memory_space<vmem_shared>>
        tpu.wait_dma2 semaphore(%run_scoped3A : memref<!tpu.dma_semaphore, #tpu.memory_space<semaphore_mem>>) src(%dma_wait3A_90 : memref<16x128xf32, #tpu.memory_space<vmem_shared>>) dst(%dma_wait3A_87 : memref<16x128xf32, #tpu.memory_space<hbm>>)
        tpu.yield
      }) : () -> ()
    } else {
    }
    return
  }
}

module attributes {stable_mosaic.version = 14 : i64} {
  func.func @_edge_body(%arg0: i32, %arg1: memref<7x6400xf32, #tpu.memory_space<vmem>>, %arg2: memref<7x128xf32, #tpu.memory_space<vmem>>, %arg3: memref<1x128xf32, #tpu.memory_space<vmem>>, %arg4: memref<6400x128xf32, #tpu.memory_space<vmem>>) attributes {dimension_semantics = [#tpu.dimension_semantics<arbitrary>], iteration_bounds = array<i64: 50>, scalar_prefetch = 0 : i64, scratch_operands = 0 : i64, tpu.core_type = #tpu.core_type<tc>, window_params = [{transform_indices = @transform_0, window_bounds = array<i64: 7, 6400>}, {pipeline_mode = #tpu.pipeline_mode<synchronous>, transform_indices = @transform_1, window_bounds = array<i64: 7, 128>}, {pipeline_mode = #tpu.pipeline_mode<synchronous>, transform_indices = @transform_2, window_bounds = array<i64: 1, 128>}, {transform_indices = @transform_3, window_bounds = array<i64: 6400, 128>}]} {
    %get3A = arith.constant 0 : index
    %get3A_0 = arith.constant 0 : index
    %get3A_1 = vector.load %arg1[%get3A, %get3A_0] : memref<7x6400xf32, #tpu.memory_space<vmem>>, vector<7x6400xf32>
    %convert_element_type3A = arith.truncf %get3A_1 : vector<7x6400xf32> to vector<7x6400xbf16>
    %get3A_2 = arith.constant 0 : index
    %get3A_3 = arith.constant 0 : index
    %get3A_4 = vector.load %arg2[%get3A_2, %get3A_3] : memref<7x128xf32, #tpu.memory_space<vmem>>, vector<7x128xf32>
    %convert_element_type3A_5 = arith.truncf %get3A_4 : vector<7x128xf32> to vector<7x128xbf16>
    %dot_general3A = arith.constant dense<0.000000e+00> : vector<6400x128xf32>
    %dot_general3A_6 = tpu.matmul %convert_element_type3A, %convert_element_type3A_5, %dot_general3A {dimension_numbers = #tpu.dot_dimension_numbers<[0], [0], [1], [1], [0, 1, 1, 1], [], []>, transpose_lhs_hint = false} : vector<7x6400xbf16>, vector<7x128xbf16>, vector<6400x128xf32> -> vector<6400x128xf32>
    %get3A_7 = arith.constant 0 : index
    %get3A_8 = arith.constant 0 : index
    %get3A_9 = vector.load %arg3[%get3A_7, %get3A_8] : memref<1x128xf32, #tpu.memory_space<vmem>>, vector<1x128xf32>
    %add3A = vector.broadcast %get3A_9 : vector<1x128xf32> to vector<6400x128xf32>
    %add3A_10 = arith.addf %dot_general3A_6, %add3A : vector<6400x128xf32>
    %max3A = arith.constant 0.000000e+00 : f32
    %max3A_11 = vector.broadcast %max3A : f32 to vector<6400x128xf32>
    %max3A_12 = arith.maximumf %add3A_10, %max3A_11 : vector<6400x128xf32>
    %swap3A = arith.constant 0 : index
    %swap3A_13 = arith.constant 0 : index
    %swap3A_14 = vector.load %arg4[%swap3A, %swap3A_13] : memref<6400x128xf32, #tpu.memory_space<vmem>>, vector<6400x128xf32>
    tpu.vector_store %arg4[%swap3A, %swap3A_13], %max3A_12 {strides = array<i32>} : memref<6400x128xf32, #tpu.memory_space<vmem>>, vector<6400x128xf32>,
    return
  }
  func.func @transform_0(%arg0: i32) -> (i32, i32) {
    %c0_i32 = arith.constant 0 : i32
    %c0_i32_0 = arith.constant 0 : i32
    return %c0_i32, %arg0 : i32, i32
  }
  func.func @transform_1(%arg0: i32) -> (i32, i32) {
    %c0_i32 = arith.constant 0 : i32
    %c0_i32_0 = arith.constant 0 : i32
    %c0_i32_1 = arith.constant 0 : i32
    return %c0_i32, %c0_i32_0 : i32, i32
  }
  func.func @transform_2(%arg0: i32) -> (i32, i32) {
    %c0_i32 = arith.constant 0 : i32
    %c0_i32_0 = arith.constant 0 : i32
    %c0_i32_1 = arith.constant 0 : i32
    return %c0_i32, %c0_i32_0 : i32, i32
  }
  func.func @transform_3(%arg0: i32) -> (i32, i32) {
    %c0_i32 = arith.constant 0 : i32
    %c0_i32_0 = arith.constant 0 : i32
    return %arg0, %c0_i32 : i32, i32
  }
}

module attributes {stable_mosaic.version = 14 : i64} {
  func.func @_edge_body(%arg0: i32, %arg1: memref<7x6400xf32, #tpu.memory_space<vmem>>, %arg2: memref<7x128xf32, #tpu.memory_space<vmem>>, %arg3: memref<1x128xf32, #tpu.memory_space<vmem>>, %arg4: memref<6400x128xf32, #tpu.memory_space<vmem>>) attributes {dimension_semantics = [#tpu.dimension_semantics<arbitrary>], iteration_bounds = array<i64: 50>, scalar_prefetch = 0 : i64, scratch_operands = 0 : i64, tpu.core_type = #tpu.core_type<tc>, window_params = [{transform_indices = @transform_0, window_bounds = array<i64: 7, 6400>}, {pipeline_mode = #tpu.pipeline_mode<synchronous>, transform_indices = @transform_1, window_bounds = array<i64: 7, 128>}, {pipeline_mode = #tpu.pipeline_mode<synchronous>, transform_indices = @transform_2, window_bounds = array<i64: 1, 128>}, {transform_indices = @transform_3, window_bounds = array<i64: 6400, 128>}]} {
    %get3A = arith.constant 0 : index
    %get3A_0 = arith.constant 0 : index
    %get3A_1 = vector.load %arg1[%get3A, %get3A_0] : memref<7x6400xf32, #tpu.memory_space<vmem>>, vector<7x6400xf32>
    %convert_element_type3A = arith.truncf %get3A_1 : vector<7x6400xf32> to vector<7x6400xbf16>
    %get3A_2 = arith.constant 0 : index
    %get3A_3 = arith.constant 0 : index
    %get3A_4 = vector.load %arg2[%get3A_2, %get3A_3] : memref<7x128xf32, #tpu.memory_space<vmem>>, vector<7x128xf32>
    %convert_element_type3A_5 = arith.truncf %get3A_4 : vector<7x128xf32> to vector<7x128xbf16>
    %dot_general3A = arith.constant dense<0.000000e+00> : vector<6400x128xf32>
    %dot_general3A_6 = tpu.matmul %convert_element_type3A, %convert_element_type3A_5, %dot_general3A {dimension_numbers = #tpu.dot_dimension_numbers<[0], [0], [1], [1], [0, 1, 1, 1], [], []>, transpose_lhs_hint = false} : vector<7x6400xbf16>, vector<7x128xbf16>, vector<6400x128xf32> -> vector<6400x128xf32>
    %get3A_7 = arith.constant 0 : index
    %get3A_8 = arith.constant 0 : index
    %get3A_9 = vector.load %arg3[%get3A_7, %get3A_8] : memref<1x128xf32, #tpu.memory_space<vmem>>, vector<1x128xf32>
    %add3A = vector.broadcast %get3A_9 : vector<1x128xf32> to vector<6400x128xf32>
    %add3A_10 = arith.addf %dot_general3A_6, %add3A : vector<6400x128xf32>
    %swap3A = arith.constant 0 : index
    %swap3A_11 = arith.constant 0 : index
    %swap3A_12 = vector.load %arg4[%swap3A, %swap3A_11] : memref<6400x128xf32, #tpu.memory_space<vmem>>, vector<6400x128xf32>
    tpu.vector_store %arg4[%swap3A, %swap3A_11], %add3A_10 {strides = array<i32>} : memref<6400x128xf32, #tpu.memory_space<vmem>>, vector<6400x128xf32>,
    return
  }
  func.func @transform_0(%arg0: i32) -> (i32, i32) {
    %c0_i32 = arith.constant 0 : i32
    %c0_i32_0 = arith.constant 0 : i32
    return %c0_i32, %arg0 : i32, i32
  }
  func.func @transform_1(%arg0: i32) -> (i32, i32) {
    %c0_i32 = arith.constant 0 : i32
    %c0_i32_0 = arith.constant 0 : i32
    %c0_i32_1 = arith.constant 0 : i32
    return %c0_i32, %c0_i32_0 : i32, i32
  }
  func.func @transform_2(%arg0: i32) -> (i32, i32) {
    %c0_i32 = arith.constant 0 : i32
    %c0_i32_0 = arith.constant 0 : i32
    %c0_i32_1 = arith.constant 0 : i32
    return %c0_i32, %c0_i32_0 : i32, i32
  }
  func.func @transform_3(%arg0: i32) -> (i32, i32) {
    %c0_i32 = arith.constant 0 : i32
    %c0_i32_0 = arith.constant 0 : i32
    return %arg0, %c0_i32 : i32, i32
  }
}

module attributes {stable_mosaic.version = 14 : i64} {
  func.func @_mlp_body(%arg0: memref<2x10000x128xf32, #tpu.memory_space<vmem>>, %arg1: memref<1x128xf32, #tpu.memory_space<vmem>>, %arg2: memref<1x1xf32, #tpu.memory_space<smem>>, %arg3: memref<128x128xf32, #tpu.memory_space<vmem>>, %arg4: memref<1x128xf32, #tpu.memory_space<vmem>>, %arg5: memref<1x128xf32, #tpu.memory_space<vmem>>, %arg6: memref<1x128xf32, #tpu.memory_space<vmem>>, %arg7: memref<128x128xf32, #tpu.memory_space<vmem>>, %arg8: memref<1x128xf32, #tpu.memory_space<vmem>>, %arg9: memref<1x128xf32, #tpu.memory_space<vmem>>, %arg10: memref<1x128xf32, #tpu.memory_space<vmem>>, %arg11: memref<10000x128xf32, #tpu.memory_space<vmem>>) attributes {dimension_semantics = [], scalar_prefetch = 0 : i64, scratch_operands = 0 : i64, tpu.core_type = #tpu.core_type<tc>} {
    %get3A = arith.constant 0 : index
    %get3A_0 = arith.constant 0 : index
    %get3A_1 = arith.constant 0 : index
    %get3A_2 = vector.load %arg0[%get3A, %get3A_0, %get3A_1] : memref<2x10000x128xf32, #tpu.memory_space<vmem>>, vector<1x10000x128xf32>
    %get3A_3 = vector.shape_cast %get3A_2 : vector<1x10000x128xf32> to vector<10000x128xf32>
    %get3A_4 = arith.constant 1 : index
    %get3A_5 = arith.constant 0 : index
    %get3A_6 = arith.constant 0 : index
    %get3A_7 = vector.load %arg0[%get3A_4, %get3A_5, %get3A_6] : memref<2x10000x128xf32, #tpu.memory_space<vmem>>, vector<1x10000x128xf32>
    %get3A_8 = vector.shape_cast %get3A_7 : vector<1x10000x128xf32> to vector<10000x128xf32>
    %add3A = arith.addf %get3A_3, %get3A_8 : vector<10000x128xf32>
    %get3A_9 = arith.constant 0 : index
    %get3A_10 = arith.constant 0 : index
    %get3A_11 = memref.load %arg2[%get3A_9, %get3A_10] : memref<1x1xf32, #tpu.memory_space<smem>>
    %get3A_12 = arith.constant 0 : index
    %get3A_13 = arith.constant 0 : index
    %get3A_14 = vector.load %arg1[%get3A_12, %get3A_13] : memref<1x128xf32, #tpu.memory_space<vmem>>, vector<1x128xf32>
    %mul3A = vector.broadcast %get3A_11 : f32 to vector<1x128xf32>
    %mul3A_15 = arith.mulf %mul3A, %get3A_14 : vector<1x128xf32>
    %add3A_16 = vector.broadcast %mul3A_15 : vector<1x128xf32> to vector<10000x128xf32>
    %add3A_17 = arith.addf %add3A, %add3A_16 : vector<10000x128xf32>
    %get3A_18 = arith.constant 0 : index
    %get3A_19 = arith.constant 0 : index
    %get3A_20 = vector.load %arg3[%get3A_18, %get3A_19] : memref<128x128xf32, #tpu.memory_space<vmem>>, vector<128x128xf32>
    %dot_general3A = arith.constant dense<0.000000e+00> : vector<10000x128xf32>
    %dot_general3A_21 = tpu.matmul %add3A_17, %get3A_20, %dot_general3A {dimension_numbers = #tpu.dot_dimension_numbers<[1], [0], [0], [1], [0, 0, 1, 1], [], []>, transpose_lhs_hint = false} : vector<10000x128xf32>, vector<128x128xf32>, vector<10000x128xf32> -> vector<10000x128xf32>
    %get3A_22 = arith.constant 0 : index
    %get3A_23 = arith.constant 0 : index
    %get3A_24 = vector.load %arg4[%get3A_22, %get3A_23] : memref<1x128xf32, #tpu.memory_space<vmem>>, vector<1x128xf32>
    %add3A_25 = vector.broadcast %get3A_24 : vector<1x128xf32> to vector<10000x128xf32>
    %add3A_26 = arith.addf %dot_general3A_21, %add3A_25 : vector<10000x128xf32>
    %get3A_27 = arith.constant 0 : index
    %get3A_28 = arith.constant 0 : index
    %get3A_29 = vector.load %arg5[%get3A_27, %get3A_28] : memref<1x128xf32, #tpu.memory_space<vmem>>, vector<1x128xf32>
    %get3A_30 = arith.constant 0 : index
    %get3A_31 = arith.constant 0 : index
    %get3A_32 = vector.load %arg6[%get3A_30, %get3A_31] : memref<1x128xf32, #tpu.memory_space<vmem>>, vector<1x128xf32>
    %reduce_sum3A = arith.constant dense<0.000000e+00> : vector<128xf32>
    %reduce_sum3A_33 = vector.multi_reduction <add>, %add3A_26, %reduce_sum3A [0] : vector<10000x128xf32> to vector<128xf32>
    %broadcast_in_dim3A = vector.shape_cast %reduce_sum3A_33 : vector<128xf32> to vector<1x128xf32>
    %div3A = arith.constant 1.000000e+04 : f32
    %div3A_34 = vector.broadcast %div3A : f32 to vector<1x128xf32>
    %div3A_35 = arith.divf %broadcast_in_dim3A, %div3A_34 : vector<1x128xf32>
    %sub3A = vector.broadcast %div3A_35 : vector<1x128xf32> to vector<10000x128xf32>
    %sub3A_36 = arith.subf %add3A_26, %sub3A : vector<10000x128xf32>
    %mul3A_37 = arith.mulf %sub3A_36, %sub3A_36 : vector<10000x128xf32>
    %reduce_sum3A_38 = arith.constant dense<0.000000e+00> : vector<128xf32>
    %reduce_sum3A_39 = vector.multi_reduction <add>, %mul3A_37, %reduce_sum3A_38 [0] : vector<10000x128xf32> to vector<128xf32>
    %broadcast_in_dim3A_40 = vector.shape_cast %reduce_sum3A_39 : vector<128xf32> to vector<1x128xf32>
    %div3A_41 = arith.constant 1.000000e+04 : f32
    %div3A_42 = vector.broadcast %div3A_41 : f32 to vector<1x128xf32>
    %div3A_43 = arith.divf %broadcast_in_dim3A_40, %div3A_42 : vector<1x128xf32>
    %add3A_44 = arith.constant 9.99999974E-6 : f32
    %add3A_45 = vector.broadcast %add3A_44 : f32 to vector<1x128xf32>
    %add3A_46 = arith.addf %div3A_43, %add3A_45 : vector<1x128xf32>
    %rsqrt3A = math.rsqrt %add3A_46 : vector<1x128xf32>
    %mul3A_47 = vector.broadcast %rsqrt3A : vector<1x128xf32> to vector<10000x128xf32>
    %mul3A_48 = arith.mulf %sub3A_36, %mul3A_47 : vector<10000x128xf32>
    %mul3A_49 = vector.broadcast %get3A_29 : vector<1x128xf32> to vector<10000x128xf32>
    %mul3A_50 = arith.mulf %mul3A_48, %mul3A_49 : vector<10000x128xf32>
    %add3A_51 = vector.broadcast %get3A_32 : vector<1x128xf32> to vector<10000x128xf32>
    %add3A_52 = arith.addf %mul3A_50, %add3A_51 : vector<10000x128xf32>
    %max3A = arith.constant 0.000000e+00 : f32
    %max3A_53 = vector.broadcast %max3A : f32 to vector<10000x128xf32>
    %max3A_54 = arith.maximumf %add3A_52, %max3A_53 : vector<10000x128xf32>
    %get3A_55 = arith.constant 0 : index
    %get3A_56 = arith.constant 0 : index
    %get3A_57 = vector.load %arg7[%get3A_55, %get3A_56] : memref<128x128xf32, #tpu.memory_space<vmem>>, vector<128x128xf32>
    %dot_general3A_58 = arith.constant dense<0.000000e+00> : vector<10000x128xf32>
    %dot_general3A_59 = tpu.matmul %max3A_54, %get3A_57, %dot_general3A_58 {dimension_numbers = #tpu.dot_dimension_numbers<[1], [0], [0], [1], [0, 0, 1, 1], [], []>, transpose_lhs_hint = false} : vector<10000x128xf32>, vector<128x128xf32>, vector<10000x128xf32> -> vector<10000x128xf32>
    %get3A_60 = arith.constant 0 : index
    %get3A_61 = arith.constant 0 : index
    %get3A_62 = vector.load %arg8[%get3A_60, %get3A_61] : memref<1x128xf32, #tpu.memory_space<vmem>>, vector<1x128xf32>
    %add3A_63 = vector.broadcast %get3A_62 : vector<1x128xf32> to vector<10000x128xf32>
    %add3A_64 = arith.addf %dot_general3A_59, %add3A_63 : vector<10000x128xf32>
    %get3A_65 = arith.constant 0 : index
    %get3A_66 = arith.constant 0 : index
    %get3A_67 = vector.load %arg9[%get3A_65, %get3A_66] : memref<1x128xf32, #tpu.memory_space<vmem>>, vector<1x128xf32>
    %get3A_68 = arith.constant 0 : index
    %get3A_69 = arith.constant 0 : index
    %get3A_70 = vector.load %arg10[%get3A_68, %get3A_69] : memref<1x128xf32, #tpu.memory_space<vmem>>, vector<1x128xf32>
    %reduce_sum3A_71 = arith.constant dense<0.000000e+00> : vector<128xf32>
    %reduce_sum3A_72 = vector.multi_reduction <add>, %add3A_64, %reduce_sum3A_71 [0] : vector<10000x128xf32> to vector<128xf32>
    %broadcast_in_dim3A_73 = vector.shape_cast %reduce_sum3A_72 : vector<128xf32> to vector<1x128xf32>
    %div3A_74 = arith.constant 1.000000e+04 : f32
    %div3A_75 = vector.broadcast %div3A_74 : f32 to vector<1x128xf32>
    %div3A_76 = arith.divf %broadcast_in_dim3A_73, %div3A_75 : vector<1x128xf32>
    %sub3A_77 = vector.broadcast %div3A_76 : vector<1x128xf32> to vector<10000x128xf32>
    %sub3A_78 = arith.subf %add3A_64, %sub3A_77 : vector<10000x128xf32>
    %mul3A_79 = arith.mulf %sub3A_78, %sub3A_78 : vector<10000x128xf32>
    %reduce_sum3A_80 = arith.constant dense<0.000000e+00> : vector<128xf32>
    %reduce_sum3A_81 = vector.multi_reduction <add>, %mul3A_79, %reduce_sum3A_80 [0] : vector<10000x128xf32> to vector<128xf32>
    %broadcast_in_dim3A_82 = vector.shape_cast %reduce_sum3A_81 : vector<128xf32> to vector<1x128xf32>
    %div3A_83 = arith.constant 1.000000e+04 : f32
    %div3A_84 = vector.broadcast %div3A_83 : f32 to vector<1x128xf32>
    %div3A_85 = arith.divf %broadcast_in_dim3A_82, %div3A_84 : vector<1x128xf32>
    %add3A_86 = arith.constant 9.99999974E-6 : f32
    %add3A_87 = vector.broadcast %add3A_86 : f32 to vector<1x128xf32>
    %add3A_88 = arith.addf %div3A_85, %add3A_87 : vector<1x128xf32>
    %rsqrt3A_89 = math.rsqrt %add3A_88 : vector<1x128xf32>
    %mul3A_90 = vector.broadcast %rsqrt3A_89 : vector<1x128xf32> to vector<10000x128xf32>
    %mul3A_91 = arith.mulf %sub3A_78, %mul3A_90 : vector<10000x128xf32>
    %mul3A_92 = vector.broadcast %get3A_67 : vector<1x128xf32> to vector<10000x128xf32>
    %mul3A_93 = arith.mulf %mul3A_91, %mul3A_92 : vector<10000x128xf32>
    %add3A_94 = vector.broadcast %get3A_70 : vector<1x128xf32> to vector<10000x128xf32>
    %add3A_95 = arith.addf %mul3A_93, %add3A_94 : vector<10000x128xf32>
    %max3A_96 = arith.constant 0.000000e+00 : f32
    %max3A_97 = vector.broadcast %max3A_96 : f32 to vector<10000x128xf32>
    %max3A_98 = arith.maximumf %add3A_95, %max3A_97 : vector<10000x128xf32>
    %swap3A = arith.constant 0 : index
    %swap3A_99 = arith.constant 0 : index
    %swap3A_100 = vector.load %arg11[%swap3A, %swap3A_99] : memref<10000x128xf32, #tpu.memory_space<vmem>>, vector<10000x128xf32>
    tpu.vector_store %arg11[%swap3A, %swap3A_99], %max3A_98 {strides = array<i32>} : memref<10000x128xf32, #tpu.memory_space<vmem>>, vector<10000x128xf32>,
    return
  }
}

module attributes {stable_mosaic.version = 14 : i64} {
  func.func @_mlp_pool_body(%arg0: memref<2x10000x128xf32, #tpu.memory_space<vmem>>, %arg1: memref<10000x128xf32, #tpu.memory_space<vmem>>, %arg2: memref<1x1xf32, #tpu.memory_space<smem>>, %arg3: memref<128x128xf32, #tpu.memory_space<vmem>>, %arg4: memref<1x128xf32, #tpu.memory_space<vmem>>, %arg5: memref<1x128xf32, #tpu.memory_space<vmem>>, %arg6: memref<1x128xf32, #tpu.memory_space<vmem>>, %arg7: memref<128x128xf32, #tpu.memory_space<vmem>>, %arg8: memref<1x128xf32, #tpu.memory_space<vmem>>, %arg9: memref<1x128xf32, #tpu.memory_space<vmem>>, %arg10: memref<1x128xf32, #tpu.memory_space<vmem>>, %arg11: memref<10000x1xi32, #tpu.memory_space<vmem>>, %arg12: memref<128x128xf32, #tpu.memory_space<vmem>>, %arg13: memref<1x128xf32, #tpu.memory_space<vmem>>, %arg14: memref<128x10xf32, #tpu.memory_space<vmem>>, %arg15: memref<1x10xf32, #tpu.memory_space<vmem>>, %arg16: memref<64x10xf32, #tpu.memory_space<vmem>>, %arg17: memref<64x128xf32, #tpu.memory_space<vmem>>, %arg18: memref<10000x128xf32, #tpu.memory_space<vmem>>) attributes {dimension_semantics = [], scalar_prefetch = 0 : i64, scratch_operands = 0 : i64, tpu.core_type = #tpu.core_type<tc>} {
    %get3A = arith.constant 0 : index
    %get3A_0 = arith.constant 0 : index
    %get3A_1 = arith.constant 0 : index
    %get3A_2 = vector.load %arg0[%get3A, %get3A_0, %get3A_1] : memref<2x10000x128xf32, #tpu.memory_space<vmem>>, vector<1x10000x128xf32>
    %get3A_3 = vector.shape_cast %get3A_2 : vector<1x10000x128xf32> to vector<10000x128xf32>
    %get3A_4 = arith.constant 1 : index
    %get3A_5 = arith.constant 0 : index
    %get3A_6 = arith.constant 0 : index
    %get3A_7 = vector.load %arg0[%get3A_4, %get3A_5, %get3A_6] : memref<2x10000x128xf32, #tpu.memory_space<vmem>>, vector<1x10000x128xf32>
    %get3A_8 = vector.shape_cast %get3A_7 : vector<1x10000x128xf32> to vector<10000x128xf32>
    %add3A = arith.addf %get3A_3, %get3A_8 : vector<10000x128xf32>
    %get3A_9 = arith.constant 0 : index
    %get3A_10 = arith.constant 0 : index
    %get3A_11 = memref.load %arg2[%get3A_9, %get3A_10] : memref<1x1xf32, #tpu.memory_space<smem>>
    %get3A_12 = arith.constant 0 : index
    %get3A_13 = arith.constant 0 : index
    %get3A_14 = vector.load %arg1[%get3A_12, %get3A_13] : memref<10000x128xf32, #tpu.memory_space<vmem>>, vector<10000x128xf32>
    %mul3A = vector.broadcast %get3A_11 : f32 to vector<10000x128xf32>
    %mul3A_15 = arith.mulf %mul3A, %get3A_14 : vector<10000x128xf32>
    %add3A_16 = arith.addf %add3A, %mul3A_15 : vector<10000x128xf32>
    %get3A_17 = arith.constant 0 : index
    %get3A_18 = arith.constant 0 : index
    %get3A_19 = vector.load %arg3[%get3A_17, %get3A_18] : memref<128x128xf32, #tpu.memory_space<vmem>>, vector<128x128xf32>
    %dot_general3A = arith.constant dense<0.000000e+00> : vector<10000x128xf32>
    %dot_general3A_20 = tpu.matmul %add3A_16, %get3A_19, %dot_general3A {dimension_numbers = #tpu.dot_dimension_numbers<[1], [0], [0], [1], [0, 0, 1, 1], [], []>, transpose_lhs_hint = false} : vector<10000x128xf32>, vector<128x128xf32>, vector<10000x128xf32> -> vector<10000x128xf32>
    %get3A_21 = arith.constant 0 : index
    %get3A_22 = arith.constant 0 : index
    %get3A_23 = vector.load %arg4[%get3A_21, %get3A_22] : memref<1x128xf32, #tpu.memory_space<vmem>>, vector<1x128xf32>
    %add3A_24 = vector.broadcast %get3A_23 : vector<1x128xf32> to vector<10000x128xf32>
    %add3A_25 = arith.addf %dot_general3A_20, %add3A_24 : vector<10000x128xf32>
    %get3A_26 = arith.constant 0 : index
    %get3A_27 = arith.constant 0 : index
    %get3A_28 = vector.load %arg5[%get3A_26, %get3A_27] : memref<1x128xf32, #tpu.memory_space<vmem>>, vector<1x128xf32>
    %get3A_29 = arith.constant 0 : index
    %get3A_30 = arith.constant 0 : index
    %get3A_31 = vector.load %arg6[%get3A_29, %get3A_30] : memref<1x128xf32, #tpu.memory_space<vmem>>, vector<1x128xf32>
    %reduce_sum3A = arith.constant dense<0.000000e+00> : vector<128xf32>
    %reduce_sum3A_32 = vector.multi_reduction <add>, %add3A_25, %reduce_sum3A [0] : vector<10000x128xf32> to vector<128xf32>
    %broadcast_in_dim3A = vector.shape_cast %reduce_sum3A_32 : vector<128xf32> to vector<1x128xf32>
    %div3A = arith.constant 1.000000e+04 : f32
    %div3A_33 = vector.broadcast %div3A : f32 to vector<1x128xf32>
    %div3A_34 = arith.divf %broadcast_in_dim3A, %div3A_33 : vector<1x128xf32>
    %sub3A = vector.broadcast %div3A_34 : vector<1x128xf32> to vector<10000x128xf32>
    %sub3A_35 = arith.subf %add3A_25, %sub3A : vector<10000x128xf32>
    %mul3A_36 = arith.mulf %sub3A_35, %sub3A_35 : vector<10000x128xf32>
    %reduce_sum3A_37 = arith.constant dense<0.000000e+00> : vector<128xf32>
    %reduce_sum3A_38 = vector.multi_reduction <add>, %mul3A_36, %reduce_sum3A_37 [0] : vector<10000x128xf32> to vector<128xf32>
    %broadcast_in_dim3A_39 = vector.shape_cast %reduce_sum3A_38 : vector<128xf32> to vector<1x128xf32>
    %div3A_40 = arith.constant 1.000000e+04 : f32
    %div3A_41 = vector.broadcast %div3A_40 : f32 to vector<1x128xf32>
    %div3A_42 = arith.divf %broadcast_in_dim3A_39, %div3A_41 : vector<1x128xf32>
    %add3A_43 = arith.constant 9.99999974E-6 : f32
    %add3A_44 = vector.broadcast %add3A_43 : f32 to vector<1x128xf32>
    %add3A_45 = arith.addf %div3A_42, %add3A_44 : vector<1x128xf32>
    %rsqrt3A = math.rsqrt %add3A_45 : vector<1x128xf32>
    %mul3A_46 = vector.broadcast %rsqrt3A : vector<1x128xf32> to vector<10000x128xf32>
    %mul3A_47 = arith.mulf %sub3A_35, %mul3A_46 : vector<10000x128xf32>
    %mul3A_48 = vector.broadcast %get3A_28 : vector<1x128xf32> to vector<10000x128xf32>
    %mul3A_49 = arith.mulf %mul3A_47, %mul3A_48 : vector<10000x128xf32>
    %add3A_50 = vector.broadcast %get3A_31 : vector<1x128xf32> to vector<10000x128xf32>
    %add3A_51 = arith.addf %mul3A_49, %add3A_50 : vector<10000x128xf32>
    %max3A = arith.constant 0.000000e+00 : f32
    %max3A_52 = vector.broadcast %max3A : f32 to vector<10000x128xf32>
    %max3A_53 = arith.maximumf %add3A_51, %max3A_52 : vector<10000x128xf32>
    %get3A_54 = arith.constant 0 : index
    %get3A_55 = arith.constant 0 : index
    %get3A_56 = vector.load %arg7[%get3A_54, %get3A_55] : memref<128x128xf32, #tpu.memory_space<vmem>>, vector<128x128xf32>
    %dot_general3A_57 = arith.constant dense<0.000000e+00> : vector<10000x128xf32>
    %dot_general3A_58 = tpu.matmul %max3A_53, %get3A_56, %dot_general3A_57 {dimension_numbers = #tpu.dot_dimension_numbers<[1], [0], [0], [1], [0, 0, 1, 1], [], []>, transpose_lhs_hint = false} : vector<10000x128xf32>, vector<128x128xf32>, vector<10000x128xf32> -> vector<10000x128xf32>
    %get3A_59 = arith.constant 0 : index
    %get3A_60 = arith.constant 0 : index
    %get3A_61 = vector.load %arg8[%get3A_59, %get3A_60] : memref<1x128xf32, #tpu.memory_space<vmem>>, vector<1x128xf32>
    %add3A_62 = vector.broadcast %get3A_61 : vector<1x128xf32> to vector<10000x128xf32>
    %add3A_63 = arith.addf %dot_general3A_58, %add3A_62 : vector<10000x128xf32>
    %get3A_64 = arith.constant 0 : index
    %get3A_65 = arith.constant 0 : index
    %get3A_66 = vector.load %arg9[%get3A_64, %get3A_65] : memref<1x128xf32, #tpu.memory_space<vmem>>, vector<1x128xf32>
    %get3A_67 = arith.constant 0 : index
    %get3A_68 = arith.constant 0 : index
    %get3A_69 = vector.load %arg10[%get3A_67, %get3A_68] : memref<1x128xf32, #tpu.memory_space<vmem>>, vector<1x128xf32>
    %reduce_sum3A_70 = arith.constant dense<0.000000e+00> : vector<128xf32>
    %reduce_sum3A_71 = vector.multi_reduction <add>, %add3A_63, %reduce_sum3A_70 [0] : vector<10000x128xf32> to vector<128xf32>
    %broadcast_in_dim3A_72 = vector.shape_cast %reduce_sum3A_71 : vector<128xf32> to vector<1x128xf32>
    %div3A_73 = arith.constant 1.000000e+04 : f32
    %div3A_74 = vector.broadcast %div3A_73 : f32 to vector<1x128xf32>
    %div3A_75 = arith.divf %broadcast_in_dim3A_72, %div3A_74 : vector<1x128xf32>
    %sub3A_76 = vector.broadcast %div3A_75 : vector<1x128xf32> to vector<10000x128xf32>
    %sub3A_77 = arith.subf %add3A_63, %sub3A_76 : vector<10000x128xf32>
    %mul3A_78 = arith.mulf %sub3A_77, %sub3A_77 : vector<10000x128xf32>
    %reduce_sum3A_79 = arith.constant dense<0.000000e+00> : vector<128xf32>
    %reduce_sum3A_80 = vector.multi_reduction <add>, %mul3A_78, %reduce_sum3A_79 [0] : vector<10000x128xf32> to vector<128xf32>
    %broadcast_in_dim3A_81 = vector.shape_cast %reduce_sum3A_80 : vector<128xf32> to vector<1x128xf32>
    %div3A_82 = arith.constant 1.000000e+04 : f32
    %div3A_83 = vector.broadcast %div3A_82 : f32 to vector<1x128xf32>
    %div3A_84 = arith.divf %broadcast_in_dim3A_81, %div3A_83 : vector<1x128xf32>
    %add3A_85 = arith.constant 9.99999974E-6 : f32
    %add3A_86 = vector.broadcast %add3A_85 : f32 to vector<1x128xf32>
    %add3A_87 = arith.addf %div3A_84, %add3A_86 : vector<1x128xf32>
    %rsqrt3A_88 = math.rsqrt %add3A_87 : vector<1x128xf32>
    %mul3A_89 = vector.broadcast %rsqrt3A_88 : vector<1x128xf32> to vector<10000x128xf32>
    %mul3A_90 = arith.mulf %sub3A_77, %mul3A_89 : vector<10000x128xf32>
    %mul3A_91 = vector.broadcast %get3A_66 : vector<1x128xf32> to vector<10000x128xf32>
    %mul3A_92 = arith.mulf %mul3A_90, %mul3A_91 : vector<10000x128xf32>
    %add3A_93 = vector.broadcast %get3A_69 : vector<1x128xf32> to vector<10000x128xf32>
    %add3A_94 = arith.addf %mul3A_92, %add3A_93 : vector<10000x128xf32>
    %swap3A = arith.constant 0 : index
    %swap3A_95 = arith.constant 0 : index
    %swap3A_96 = vector.load %arg18[%swap3A, %swap3A_95] : memref<10000x128xf32, #tpu.memory_space<vmem>>, vector<10000x128xf32>
    tpu.vector_store %arg18[%swap3A, %swap3A_95], %add3A_94 {strides = array<i32>} : memref<10000x128xf32, #tpu.memory_space<vmem>>, vector<10000x128xf32>,
    %iota3A = tpu.iota {dimensions = array<i32: 1>} : vector<10000x64xi32>
    %get3A_97 = arith.constant 0 : index
    %get3A_98 = arith.constant 0 : index
    %get3A_99 = vector.load %arg11[%get3A_97, %get3A_98] : memref<10000x1xi32, #tpu.memory_space<vmem>>, vector<10000x1xi32>
    %eq3A = vector.broadcast %get3A_99 : vector<10000x1xi32> to vector<10000x64xi32>
    %eq3A_100 = arith.cmpi eq, %eq3A, %iota3A : vector<10000x64xi32>
    %convert_element_type3A = arith.extui %eq3A_100 : vector<10000x64xi1> to vector<10000x64xi32>
    %convert_element_type3A_101 = arith.sitofp %convert_element_type3A : vector<10000x64xi32> to vector<10000x64xf32>
    %dot_general3A_102 = arith.constant dense<0.000000e+00> : vector<64x128xf32>
    %dot_general3A_103 = tpu.matmul %convert_element_type3A_101, %add3A_94, %dot_general3A_102 {dimension_numbers = #tpu.dot_dimension_numbers<[0], [0], [1], [1], [0, 1, 1, 1], [], []>, transpose_lhs_hint = false} : vector<10000x64xf32>, vector<10000x128xf32>, vector<64x128xf32> -> vector<64x128xf32>
    %broadcast_in_dim3A_104 = arith.constant 1.000000e+00 : f32
    %broadcast_in_dim3A_105 = vector.broadcast %broadcast_in_dim3A_104 : f32 to vector<10000x1xf32>
    %dot_general3A_106 = arith.constant dense<0.000000e+00> : vector<64x1xf32>
    %dot_general3A_107 = tpu.matmul %convert_element_type3A_101, %broadcast_in_dim3A_105, %dot_general3A_106 {dimension_numbers = #tpu.dot_dimension_numbers<[0], [0], [1], [1], [0, 1, 1, 1], [], []>, transpose_lhs_hint = false} : vector<10000x64xf32>, vector<10000x1xf32>, vector<64x1xf32> -> vector<64x1xf32>
    %max3A_108 = arith.constant 1.000000e+00 : f32
    %max3A_109 = vector.broadcast %max3A_108 : f32 to vector<64x1xf32>
    %max3A_110 = arith.maximumf %dot_general3A_107, %max3A_109 : vector<64x1xf32>
    %div3A_111 = vector.broadcast %max3A_110 : vector<64x1xf32> to vector<64x128xf32>
    %div3A_112 = arith.divf %dot_general3A_103, %div3A_111 : vector<64x128xf32>
    %max3A_113 = arith.constant 0.000000e+00 : f32
    %max3A_114 = vector.broadcast %max3A_113 : f32 to vector<64x128xf32>
    %max3A_115 = arith.maximumf %div3A_112, %max3A_114 : vector<64x128xf32>
    %get3A_116 = arith.constant 0 : index
    %get3A_117 = arith.constant 0 : index
    %get3A_118 = vector.load %arg12[%get3A_116, %get3A_117] : memref<128x128xf32, #tpu.memory_space<vmem>>, vector<128x128xf32>
    %dot_general3A_119 = arith.constant dense<0.000000e+00> : vector<64x128xf32>
    %dot_general3A_120 = tpu.matmul %max3A_115, %get3A_118, %dot_general3A_119 {dimension_numbers = #tpu.dot_dimension_numbers<[1], [0], [0], [1], [0, 0, 1, 1], [], []>, transpose_lhs_hint = false} : vector<64x128xf32>, vector<128x128xf32>, vector<64x128xf32> -> vector<64x128xf32>
    %get3A_121 = arith.constant 0 : index
    %get3A_122 = arith.constant 0 : index
    %get3A_123 = vector.load %arg13[%get3A_121, %get3A_122] : memref<1x128xf32, #tpu.memory_space<vmem>>, vector<1x128xf32>
    %add3A_124 = vector.broadcast %get3A_123 : vector<1x128xf32> to vector<64x128xf32>
    %add3A_125 = arith.addf %dot_general3A_120, %add3A_124 : vector<64x128xf32>
    %max3A_126 = arith.constant 0.000000e+00 : f32
    %max3A_127 = vector.broadcast %max3A_126 : f32 to vector<64x128xf32>
    %max3A_128 = arith.maximumf %add3A_125, %max3A_127 : vector<64x128xf32>
    %swap3A_129 = arith.constant 0 : index
    %swap3A_130 = arith.constant 0 : index
    %swap3A_131 = vector.load %arg17[%swap3A_129, %swap3A_130] : memref<64x128xf32, #tpu.memory_space<vmem>>, vector<64x128xf32>
    tpu.vector_store %arg17[%swap3A_129, %swap3A_130], %max3A_128 {strides = array<i32>} : memref<64x128xf32, #tpu.memory_space<vmem>>, vector<64x128xf32>,
    %get3A_132 = arith.constant 0 : index
    %get3A_133 = arith.constant 0 : index
    %get3A_134 = vector.load %arg14[%get3A_132, %get3A_133] : memref<128x10xf32, #tpu.memory_space<vmem>>, vector<128x10xf32>
    %dot_general3A_135 = arith.constant dense<0.000000e+00> : vector<64x10xf32>
    %dot_general3A_136 = tpu.matmul %max3A_128, %get3A_134, %dot_general3A_135 {dimension_numbers = #tpu.dot_dimension_numbers<[1], [0], [0], [1], [0, 0, 1, 1], [], []>, transpose_lhs_hint = false} : vector<64x128xf32>, vector<128x10xf32>, vector<64x10xf32> -> vector<64x10xf32>
    %get3A_137 = arith.constant 0 : index
    %get3A_138 = arith.constant 0 : index
    %get3A_139 = vector.load %arg15[%get3A_137, %get3A_138] : memref<1x10xf32, #tpu.memory_space<vmem>>, vector<1x10xf32>
    %add3A_140 = vector.broadcast %get3A_139 : vector<1x10xf32> to vector<64x10xf32>
    %add3A_141 = arith.addf %dot_general3A_136, %add3A_140 : vector<64x10xf32>
    %swap3A_142 = arith.constant 0 : index
    %swap3A_143 = arith.constant 0 : index
    %swap3A_144 = vector.load %arg16[%swap3A_142, %swap3A_143] : memref<64x10xf32, #tpu.memory_space<vmem>>, vector<64x10xf32>
    tpu.vector_store %arg16[%swap3A_142, %swap3A_143], %add3A_141 {strides = array<i32>} : memref<64x10xf32, #tpu.memory_space<vmem>>, vector<64x10xf32>,
    return
  }
}

</mosaic_0001>

<sc_bundles>
// kernel: kernel.11.cloned.1.call-start
scs
__scs_entry_jumppad:
0x0: {  	(pc) =	sbr.rel $0x88, $3  }
0x1: {  	(tag) =	ssettag $0x0;
	lr =	simm.s32 $0x1  }
0x2: {  	[smem:$0x3F8E] =	sst lr;
	_ =	strace $0xD0000000  }
0x3: {  	_ = 	snop  }
0x4: {  	_ = 	snop  }
0x5: {  	_ = 	snop  }
0x6: {  	_ = 	snop  }
0x7: {  	_ = 	snop  }
__scs_overlays_trampoline_lowered:
0x8: {  	[smem:$0x3F9D] =	sst s0  }
0x9: {  	[smem:$0x3F9E] =	sst s1  }
0xa: {  	[smem:$0x3F9F] =	sst s2  }
0xb: {  	[smem:$0x3FA0] =	sst s3  }
0xc: {  	[smem:$0x3FA1] =	sst s4  }
0xd: {  	[smem:$0x3FA2] =	sst s5  }
0xe: {  	[smem:$0x3FA3] =	sst s6  }
0xf: {  	[smem:$0x3FA4] =	sst s7  }
0x10: {  	[smem:$0x3FA5] =	sst s8  }
0x11: {  	[smem:$0x3FA6] =	sst s9;
	s0 =	simm.s32 @!p0 $0x0  }
0x12: {  	s1 =	sld [smem:$0x3F8C];
	s0 =	simm.s32 @p0 $0x1  }
0x13: {  	[smem:$0x3FA7] =	sst s0;
	s0 =	simm.s32 @!p1 $0x0  }
0x14: {  	s2 =	sld [smem:$0x3F8B];
	s0 =	simm.s32 @p1 $0x1  }
0x15: {  	[smem:$0x3FA8] =	sst s0;
	s0 =	simm.s32 @!p2 $0x0  }
0x16: {  	s3 =	sld [smem:$0x3FDB];
	s0 =	simm.s32 @p2 $0x1  }
0x17: {  	s4 =	simm.s32 $0x1BF5;
	[smem:$0x3FAA] =	sst s0  }
0x18: {  	s0 =	sld [smem:$0x3F8D];
	_ =	swait.ge [sflag:s4], $0x0  }
0x19: {  	s7 =	sld [smem:$0x3F8E]  }
0x1a: {  	s8 =	sadd.s32 $0xFFFFE003, lr  }
0x1b: {  	s9 =	sadd.s32 $0xFFFFFEF7, lr;
	s5 =	simm.s32 $0xFFFFFFFF;
	p2 =	slt.u32 s8, $0xFFFFF086  }
0x1c: {  	p1 =	slt.u32 s9, $0xF7A;
	s5 =	simm.s32 @!p2 $0x0  }
0x1d: {  	s5 =	simm.s32 @p1 $0x1;
	p0 =	seq.s32 s7, s2  }
0x1e: {  	s7 =	smul.u32 @!p0 $0xF7A, s2;
	p2 =	seq.s32 @!p0 s5, $0x0  }
0x1f: {  	s9 =	smul.u32 $0xF7A, s1;
	s8 =	simm.s32 @!p0 $0x1BF5;
	p2 =	por !p2, p0  }
0x20: {  	[sflag:s8] =	ssyncset.s32 @!p0 $0xFFFFF086;
	s6 =	sadd.s32 @!p0 s3, s7;
	s7 =	simm.s32 @!p0 $0x108  }
0x21: {  	s3 =	sadd.s32 s3, s9;
	s6 =	sadd.s32 @!p0 $0x88, s6;
	s7 =	simm.s32 @p2 $0x1082  }
0x22: {  	[simem:s7], [sflag:s8] =	dma.local @!p0 [hbm:s6], $0xF7A  }
0x23: {  	s9 =	sor.u32 $0xD0000000, s2;
	s6 =	simm.s32 $0x108;
	_ =	swait.ge @!p0 [sflag:s8], $0x0  }
0x24: {  	s3 =	sadd.s32 $0x88, s3;
	s6 =	simm.s32 @!p1 $0x1082;
	[sflag:s4] =	ssyncset.s32 $0xFFFFF086  }
0x25: {  	[simem:s6], [sflag:s4] =	dma.local [hbm:s3], $0xF7A  }
0x26: {  	[smem:$0x3F8E] =	sst s1;
	(tag) =	ssettag s2;
	_ =	strace s9  }
0x27: {  	s1 =	sld [smem:$0x3F9E]  }
0x28: {  	s2 =	sld [smem:$0x3F9F]  }
0x29: {  	s4 =	sld [smem:$0x3FA1]  }
0x2a: {  	p0 =	seq.s32 s5, $0x0;
	s5 =	sld [smem:$0x3FA2]  }
0x2b: {  	s6 =	sld [smem:$0x3FA3]  }
0x2c: {  	s7 =	sld [smem:$0x3FA4]  }
0x2d: {  	s3 =	simm.s32 $0x108;
	s8 =	sld [smem:$0x3FA5]  }
0x2e: {  	s3 =	simm.s32 @!p0 $0x1082;
	s9 =	sld [smem:$0x3FA6]  }
0x2f: {  	lr =	sadd.s32 s0, s3;
	s0 =	sld [smem:$0x3F9D]  }
0x30: {  	s3 =	sld [smem:$0x3FA0]  }
0x31: {  	[smem:$0x3FA9] =	sst s10  }
0x32: {  	s10 =	sld [smem:$0x3FA7];
	_ =	sdelay $0x3  }
0x33: {  	p0 =	seq.s32 s10, $0x1;
	s10 =	sld [smem:$0x3FA9];
	_ =	sdelay $0x3  }
0x34: {  	[smem:$0x3FA9] =	sst s10  }
0x35: {  	s10 =	sld [smem:$0x3FA8];
	_ =	sdelay $0x3  }
0x36: {  	p1 =	seq.s32 s10, $0x1;
	s10 =	sld [smem:$0x3FA9];
	_ =	sdelay $0x3  }
0x37: {  	[smem:$0x3FA9] =	sst s10  }
0x38: {  	s10 =	sld [smem:$0x3FAA]  }
0x39: {  	_ = 	snop;
	(pc) =	sbr.ind lr, $3  }
0x3a: {  	_ = 	snop  }
0x3b: {  	_ = 	snop  }
0x3c: {  	p2 =	seq.s32 s10, $0x1;
	s10 =	sld [smem:$0x3FA9]  }
0x3d: {  	_ =	shalt  }
0x3e: {  	_ =	shalt  }
0x3f: {  	_ =	shalt  }
0x40: {  	_ =	shalt  }
0x41: {  	_ =	shalt  }
0x42: {  	_ =	shalt  }
0x43: {  	_ =	shalt  }
0x44: {  	_ =	shalt  }
0x45: {  	_ =	shalt  }
0x46: {  	_ =	shalt  }
0x47: {  	_ =	shalt  }
0x48: {  	_ =	shalt  }
0x49: {  	_ =	shalt  }
0x4a: {  	_ =	shalt  }
0x4b: {  	_ =	shalt  }
0x4c: {  	_ =	shalt  }
0x4d: {  	_ =	shalt  }
0x4e: {  	_ =	shalt  }
0x4f: {  	_ =	shalt  }
0x50: {  	_ =	shalt  }
0x51: {  	_ =	shalt  }
0x52: {  	_ =	shalt  }
0x53: {  	_ =	shalt  }
0x54: {  	_ =	shalt  }
0x55: {  	_ =	shalt  }
0x56: {  	_ =	shalt  }
0x57: {  	_ =	shalt  }
0x58: {  	_ =	shalt  }
0x59: {  	_ =	shalt  }
0x5a: {  	_ =	shalt  }
0x5b: {  	_ =	shalt  }
0x5c: {  	_ =	shalt  }
0x5d: {  	_ =	shalt  }
0x5e: {  	_ =	shalt  }
0x5f: {  	_ =	shalt  }
0x60: {  	_ =	shalt  }
0x61: {  	_ =	shalt  }
0x62: {  	_ =	shalt  }
0x63: {  	_ =	shalt  }
0x64: {  	_ =	shalt  }
0x65: {  	_ =	shalt  }
0x66: {  	_ =	shalt  }
0x67: {  	_ =	shalt  }
0x68: {  	_ =	shalt  }
0x69: {  	_ =	shalt  }
0x6a: {  	_ =	shalt  }
0x6b: {  	_ =	shalt  }
0x6c: {  	_ =	shalt  }
0x6d: {  	_ =	shalt  }
0x6e: {  	_ =	shalt  }
0x6f: {  	_ =	shalt  }
0x70: {  	_ =	shalt  }
0x71: {  	_ =	shalt  }
0x72: {  	_ =	shalt  }
0x73: {  	_ =	shalt  }
0x74: {  	_ =	shalt  }
0x75: {  	_ =	shalt  }
0x76: {  	_ =	shalt  }
0x77: {  	_ =	shalt  }
0x78: {  	_ =	shalt  }
0x79: {  	_ =	shalt  }
0x7a: {  	_ =	shalt  }
0x7b: {  	_ =	shalt  }
0x7c: {  	_ =	shalt  }
0x7d: {  	_ =	shalt  }
0x7e: {  	_ =	shalt  }
0x7f: {  	_ =	shalt  }
0x80: {  	_ =	shalt  }
0x81: {  	_ =	shalt  }
0x82: {  	_ =	shalt  }
0x83: {  	_ =	shalt  }
0x84: {  	_ =	shalt  }
0x85: {  	_ =	shalt  }
0x86: {  	_ =	shalt  }
0x87: {  	_ =	shalt  }
.Lfunc_end0:
.L_simem_size_0:
called_computation.1_lowered:
.L_overlay_start_0:
0x88: {  	s2 =	sld [smem:$0x3FD9]  }
0x89: {  	s3 =	sld [smem:$0x3FFE];
	_ =	sdelay $0x1  }
0x8a: {  	s1 =	srdreg.scid  }
0x8b: {  	s0 =	sand.u32 $0x1, s1  }
0x8c: {  	s14 =	sshll.u32 s0, $0xA;
	s2 =	sadd.s32 s3, s2  }
0x8d: {  	s2 =	sadd.s32 s2, s14  }
0x8e: {  	[smem:$0x3FB5] =	sst s2  }
0x8f: {  	_ = 	snop  }
0x90: {  	s2 =	sld [smem:$0x3FD0];
	_ =	sdelay $0x2  }
0x91: {  	s15 =	simm.s32 $0xA;
	s4 =	simm.s32 $0x10  }
0x92: {  	[smem:s4], [sflag:s15] =	dma.local [hbm:s2], $0x1  }
0x93: {  	_ =	swait.eq [sflag:s15], $0x1  }
0x94: {  	[sflag:s15] =	ssyncset.done $0x0  }
0x95: {  	[sflag:s15] =	ssyncadd.s32 $0xFFFFFFFF  }
0x96: {  	s16 =	sld [smem:$0x12];
	(tm) =	ssettm $0x1  }
0x97: {  	s17 =	sld [smem:$0x3FFB];
	_ =	sdelay $0x3  }
0x98: {  	_ =	strace s17  }
0x99: {  	s3 =	sld [smem:$0x3FFC];
	_ =	sdelay $0x3  }
0x9a: {  	_ =	strace s3  }
0x9b: {  	s3 =	sld [smem:$0x3FFD];
	_ =	sdelay $0x3  }
0x9c: {  	_ =	strace s3  }
0x9d: {  	_ =	strace $0x8FFFFFFF  }
0x9e: {  	s18 =	sld [smem:$0x3FDB];
	_ =	sdelay $0x1  }
0x9f: {  	s19 =	simm.s32 $_scs_section_size  }
0xa0: {  	s5 =	simm.s32 $_size__tile_overlayer_lowered;
	s6 =	simm.s32 $_tile_overlayer_lowered  }
0xa1: {  	s22 =	simm.s32 $0x1BFF;
	s21 =	sshll.u32 s6, $0x1;
	s3 =	sadd.s32 s19, s18  }
0xa2: {  	s7 =	simm.s32 $0x0;
	s20 =	sshll.u32 s5, $0x1;
	s5 =	sadd.s32 s21, s3  }
0xa3: {  	[timem:s7], [sflag:s22] =	dma.local [hbm:s5], s20  }
0xa4: {  	_ =	swait.ge [sflag:s22], s20  }
0xa5: {  	s4 =	ssub.s32 $0x0, s20;
	[sflag:s22] =	ssyncset.done $0x0  }
0xa6: {  	[sflag:s22] =	ssyncadd.s32 s4;
	_ =	sdelay $0x1  }
0xa7: {  	s23 =	simm.s32 $0x1B8B  }
0xa8: {  	_ =	swait.ge [sflag:s23], $0x1  }
0xa9: {  	[sflag:s23] =	ssyncset.done $0x0  }
0xaa: {  	s25 =	simm.s32 $0x1B8E;
	s24 =	sld [smem:$0x3FFE];
	[sflag:s23] =	ssyncadd.s32 $0xFFFFFFFF  }
0xab: {  	s26 =	simm.s32 $execute0_lowered;
	[smem:$0x3FD2] =	sst s25  }
0xac: {  	s5 =	sshll.u32 s26, $0x1;
	_ =	strace $0x80000049;
	[dreg:$0x1] =	wrdreg $0xFFFFFFFF  }
0xad: {  	s28 =	simm.s32 $_size_execute0_lowered;
	s3 =	sadd.s32 s3, s5;
	[dreg:$0x0] =	wrdreg $0x0  }
0xae: {  	s5 =	sshll.u32 s28, $0x1;
	[dreg:$0x2] =	wrdreg s3  }
0xaf: {  	[dreg:$0x3] =	wrdreg s5  }
0xb0: {  	[dreg:$0x4] =	wrdreg $0xC0  }
0xb1: {  	_ =	task [dreg:s7], $0x5FFFF  }
0xb2: {  	[dreg:$0x1] =	wrdreg $0xFFFFFFFF  }
0xb3: {  	[dreg:$0x0] =	wrdreg $0x60  }
0xb4: {  	[dreg:$0x2] =	wrdreg s16  }
0xb5: {  	[dreg:$0x3] =	wrdreg s24  }
0xb6: {  	[dreg:$0x4] =	wrdreg $0xBC000  }
0xb7: {  	[dreg:$0x5] =	wrdreg $0x9  }
0xb8: {  	_ =	task.clear_ibuf [dreg:s7], $0x6FFFF;
	_ =	strace $0x90000049  }
0xb9: {  	s29 =	simm.s32 $0x9;
	_ =	strace $0x8000004B  }
0xba: {  	_ =	swait.ge [sflag:s29], $0x1  }
0xbb: {  	[sflag:s29] =	ssyncadd.s32 $0xFFFFFFFF  }
0xbc: {  	_ =	strace $0x9000004B  }
0xbd: {  	_ =	sfence  }
0xbe: {  	s30 =	sld [smem:$0x0];
	_ =	sdelay $0x2  }
0xbf: {  	s31 =	sshll.u32 s1, $0xD;
	s1 =	sshrl.u32 s1, $0x2  }
0xc0: {  	s3 =	sand.u32 $0x4000, s31;
	s1 =	sadd.s32 s1, s30  }
0xc1: {  	s0 =	sor.u32 s3, s0;
	s1 =	sshll.u32 s1, $0x11  }
0xc2: {  	s0 =	sor.u32 s1, s0  }
0xc3: {  	s0 =	sadd.s32 $0x8F2B, s0  }
0xc4: {  	[sflag:s0] =	ssyncadd.remote.s32 $0x1  }
0xc5: {  	_ =	sfence.sel $0xFFFF  }
0xc6: {  	[dreg:$0x0] =	wrdreg $0xFFFFFFFF;
	(pc) =	sbr.abs _section_cstart, $3  }
0xc7: {  	[dreg:$0x1] =	wrdreg $0xFFFFFFFF  }
0xc8: {  	_ =	task.clear_ibuf [dreg:s7], $0x2FFFF;
	_ =	strace $0x9FFFFFFF  }
0xc9: {  	(tm) =	ssettm $0x7FFFFFFF  }
tec
execute0_lowered:
.L_overlay_start_1:
0x0: {  	(tag) =	ssettag $0x1  }
0x1: {  	s1 =	rddreg [dreg:$0x0]  }
0x2: {  	s0 =	rddreg [dreg:$0x1]  }
0x3: {  	s2 =	rddreg [dreg:$0x2];
	s3 =	simm.s32 $0x0;
	s4 =	srdreg.scid  }
0x4: {  	s12 =	stileid.u32;
	s28 =	simm.s32 $0x4;
	s29 =	simm.s32 $0xC  }
0x5: {  	s30 =	simm.s32 $0xD;
	[smem:$0x7FF] =	sst s3;
	s9 =	smul.u32 $0x4E000, s12  }
0x6: {  	s4 =	sand.u32 $0x1, s4;
	s5 =	sadd.s32 $0x549000, s0;
	s6 =	sadd.s32 $0x5000, s0  }
0x7: {  	s7 =	sadd.s32 $0xEE00, s0;
	s10 =	sshll.u32 s12, $0x1;
	s9 =	sshrl.u32 s9, $0x2  }
0x8: {  	s8 =	smul.u32 $0x27100, s4;
	_ =	strace $0x8000004A;
	s13 =	sadd.s32 s9, s2  }
0x9: {  	s25 =	ssub.s32 $0x2, s4;
	s9 =	sadd.s32 $0x1800, s13;
	[dreg:$0x4] =	wrdreg s13  }
0xa: {  	s11 =	sshrl.u32 s25, $0x1;
	s26 =	sadd.s32 $0x3000, s13;
	[dreg:$0x5] =	wrdreg s9  }
0xb: {  	s0 =	sadd.s32 s8, s0;
	s31 =	sadd.s32 $0x4800, s13;
	[dreg:$0x6] =	wrdreg s26  }
0xc: {  	s8 =	ssub.s32 s25, s11;
	s11 =	sadd.s32 $0x6000, s13;
	[dreg:$0x7] =	wrdreg s31  }
0xd: {  	s4 =	sor.u32 s4, s10;
	s14 =	sadd.s32 $0x7800, s13;
	[dreg:$0x8] =	wrdreg s11  }
0xe: {  	s10 =	smul.u32 $0x2710, s4;
	s15 =	sadd.s32 $0x9000, s13;
	[dreg:$0x9] =	wrdreg s14  }
0xf: {  	s4 =	smul.u32 $0x27100, s4;
	s17 =	sadd.s32 $0xA800, s13;
	[dreg:$0xa] =	wrdreg s15  }
0x10: {  	s22 =	smul.u32 $0x2700, s12;
	s18 =	sadd.s32 $0xC000, s13;
	[dreg:$0xb] =	wrdreg s17  }
0x11: {  	p0 =	sne.s32 s12, $0xF;
	s4 =	sadd.s32 s5, s4;
	[dreg:$0xc] =	wrdreg s18  }
0x12: {  	s16 =	sshrl.u32 s10, $0x3;
	s23 =	smax.u32 s8, $0x1;
	[dreg:$0x11] =	wrdreg s4  }
0x13: {  	s0 =	sadd.s32 $0x18C00, s0;
	s24 =	sadd.s32 $0xD800, s13;
	[dreg:$0x13] =	wrdreg s23  }
0x14: {  	s25 =	sadd.s32 $0xF000, s13;
	s19 =	sadd.s32 s6, s16;
	[dreg:$0x12] =	wrdreg s0  }
0x15: {  	s20 =	sadd.s32 s7, s16;
	s9 =	sadd.s32 $0xA, s16;
	[dreg:$0x15] =	wrdreg s24  }
0x16: {  	s0 =	sadd.s32 s22, s0;
	[dreg:$0x16] =	wrdreg s25;
	s26 =	sadd.s32 $0x10800, s13  }
0x17: {  	s31 =	sadd.s32 $0x12000, s13;
	s11 =	sadd.s32 $0x138000, s2;
	[dreg:$0xd] =	wrdreg s19  }
0x18: {  	s15 =	simm.s32 $0x50;
	s16 =	simm.s32 $0x1;
	[dreg:$0xe] =	wrdreg s20  }
0x19: {  	s22 =	simm.s32 $0x3;
	s24 =	simm.s32 $0xB;
	[dreg:$0x14] =	wrdreg s0  }
.Ltmp0:
0x1a: {  	s25 =	simm.s32 $0x5;
	[dreg:$0x17] =	wrdreg s26;
	(pc) =	sbr.rel .LBB2_1-.Ltmp0, $4  }
0x1b: {  	s23 =	simm.s32 $0xE;
	s21 =	sadd.s32 s6, s9;
	[dreg:$0x18] =	wrdreg s31  }
0x1c: {  	s9 =	sadd.s32 s7, s9;
	s0 =	sadd.s32 $0x190, s10;
	[dreg:$0x19] =	wrdreg s11  }
0x1d: {  	s19 =	simm.s32 $0x2800;
	s26 =	simm.s32 $0x2;
	[dreg:$0xf] =	wrdreg s21  }
0x1e: {  	v0 =	vimm.f32 $0.0e+00;
	[dreg:$0x10] =	wrdreg s9;
	s21 =	simm.s32 $0xA200;
	s9 =	simm.s32 $0x0  }
.LBB2_22:
0x1f: {  	s4 =	stileid.u32;
	[bflag:$0x0] =	sbarrier.arrive $0xFFFF  }
0x20: {  	s18 =	simm.s32 $0xF;
	s4 =	sshll.u32 s4, $0x6;
	s8 =	rddreg [dreg:$0x4]  }
0x21: {  	s9 =	rddreg [dreg:$0x14];
	s4 =	sor.u32 $0x1C0F, s4;
	s8 =	sshrl.u32 s8, $0x3  }
0x22: {  	[hbm:s9], [sflag:s4] =	dma.local [spmem:s8], $0x2700  }
0x23: {  	_ =	swait.ge [sflag:s18], $0x2700  }
0x24: {  	s8 =	rddreg [dreg:$0x12]  }
0x25: {  	[sflag:s18] =	ssyncset.done $0x0;
	s11 =	rddreg [dreg:$0x19]  }
0x26: {  	[sflag:s18] =	ssyncadd.s32 $0xFFFFD900;
	s8 =	sadd.s32 @!p0 $0x27000, s8;
	s9 =	sshrl.u32 @!p0 s11, $0x3  }
0x27: {  	[hbm:s8], [sflag:s4] =	dma.local @!p0 [spmem:s9], $0x100  }
0x28: {  	s4 =	simm.s32 @!p0 $0xF  }
0x29: {  	_ =	swait.ge @!p0 [sflag:s4], $0x100  }
0x2a: {  	s20 =	rddreg [dreg:$0x1a]  }
0x2b: {  	s31 =	rddreg [dreg:$0x13];
	s9 =	sadd.s32 $0x1, s20  }
0x2c: {  	p1 =	sne.s32 s9, s31  }
.Ltmp1:
0x2d: {  	_ = 	snop;
	(pc) =	sbr.rel @!p1 .LBB2_23-.Ltmp1, $3  }
0x2e: {  	_ =	sdelay $0x1  }
0x2f: {  	[sflag:s4] =	ssyncset.done @!p0 $0x0  }
0x30: {  	[sflag:s4] =	ssyncadd.s32 @!p0 $0xFFFFFF00  }
.LBB2_1:
0x31: {  	[dreg:$0x1a] =	wrdreg s9;
	s4 =	simm.s32 $0x0;
	s8 =	simm.s32 $0x200  }
.LBB2_2:
0x32: {  	p1 =	sne.s32 s8, $0x5E00;
	[tilespmem:s4+$0xA470] =	vst v0  }
0x33: {  	[tilespmem:s4+$0xA400] =	vst v0  }
0x34: {  	[tilespmem:s4+$0xA410] =	vst v0  }
.Ltmp2:
0x35: {  	[tilespmem:s4+$0xA420] =	vst v0;
	(pc) =	sbr.rel @p1 .LBB2_2-.Ltmp2, $4  }
0x36: {  	[tilespmem:s4+$0xA430] =	vst v0  }
0x37: {  	[tilespmem:s4+$0xA440] =	vst v0  }
0x38: {  	[tilespmem:s4+$0xA450] =	vst v0  }
0x39: {  	[tilespmem:s4+$0xA460] =	vst v0;
	s4 =	sshra.s32 s8, $0x2;
	s8 =	sadd.s32 $0x200, s8  }
0x3a: {  	[tilespmem:s4+$0xA470] =	vst v0  }
0x3b: {  	[tilespmem:s4+$0xA400] =	vst v0  }
0x3c: {  	[tilespmem:s4+$0xA410] =	vst v0  }
0x3d: {  	[tilespmem:s4+$0xA420] =	vst v0  }
0x3e: {  	[tilespmem:s4+$0xA430] =	vst v0  }
0x3f: {  	[tilespmem:s4+$0xA440] =	vst v0  }
0x40: {  	[tilespmem:s4+$0xA450] =	vst v0  }
0x41: {  	[tilespmem:s4+$0xA460] =	vst v0;
	s12 =	rddreg [dreg:$0x4];
	s8 =	simm.s32 $0xA400;
	s9 =	simm.s32 $0xF  }
0x42: {  	[spmem:s12] =	stream.linear.scatter [tilespmem:s8], [sflag:$0xF], $0x1800, $0x38;
	[tilespmem:$0x1F480] =	vst v63  }
0x43: {  	_ =	swait.ge [sflag:s9], $0x1800  }
0x44: {  	[sflag:s9] =	ssyncset.done $0x0  }
0x45: {  	s13 =	rddreg [dreg:$0x5];
	[sflag:s9] =	ssyncadd.s32 $0xFFFFE800  }
0x46: {  	[spmem:s13] =	stream.linear.scatter [tilespmem:s8], [sflag:$0xF], $0x1800, $0x38;
	[tilespmem:$0x1F480] =	vst v63  }
0x47: {  	_ =	swait.ge [sflag:s9], $0x1800  }
0x48: {  	[sflag:s9] =	ssyncset.done $0x0  }
0x49: {  	s14 =	rddreg [dreg:$0x6];
	[sflag:s9] =	ssyncadd.s32 $0xFFFFE800  }
0x4a: {  	[spmem:s14] =	stream.linear.scatter [tilespmem:s8], [sflag:$0xF], $0x1800, $0x38;
	[tilespmem:$0x1F480] =	vst v63  }
0x4b: {  	_ =	swait.ge [sflag:s9], $0x1800  }
0x4c: {  	[sflag:s9] =	ssyncset.done $0x0  }
0x4d: {  	s17 =	rddreg [dreg:$0x7];
	[sflag:s9] =	ssyncadd.s32 $0xFFFFE800  }
0x4e: {  	[spmem:s17] =	stream.linear.scatter [tilespmem:s8], [sflag:$0xF], $0x1800, $0x38;
	[tilespmem:$0x1F480] =	vst v63  }
0x4f: {  	_ =	swait.ge [sflag:s9], $0x1800  }
0x50: {  	[sflag:s9] =	ssyncset.done $0x0  }
0x51: {  	s18 =	rddreg [dreg:$0x8];
	[sflag:s9] =	ssyncadd.s32 $0xFFFFE800  }
0x52: {  	[spmem:s18] =	stream.linear.scatter [tilespmem:s8], [sflag:$0xF], $0x1800, $0x38;
	[tilespmem:$0x1F480] =	vst v63  }
0x53: {  	_ =	swait.ge [sflag:s9], $0x1800  }
0x54: {  	[sflag:s9] =	ssyncset.done $0x0  }
0x55: {  	s20 =	rddreg [dreg:$0x9];
	[sflag:s9] =	ssyncadd.s32 $0xFFFFE800  }
0x56: {  	[spmem:s20] =	stream.linear.scatter [tilespmem:s8], [sflag:$0xF], $0x1800, $0x38;
	[tilespmem:$0x1F480] =	vst v63  }
0x57: {  	_ =	swait.ge [sflag:s9], $0x1800  }
0x58: {  	[sflag:s9] =	ssyncset.done $0x0  }
0x59: {  	s31 =	rddreg [dreg:$0xa];
	[sflag:s9] =	ssyncadd.s32 $0xFFFFE800  }
0x5a: {  	[spmem:s31] =	stream.linear.scatter [tilespmem:s8], [sflag:$0xF], $0x1800, $0x38;
	[tilespmem:$0x1F480] =	vst v63  }
0x5b: {  	_ =	swait.ge [sflag:s9], $0x1800  }
0x5c: {  	[sflag:s9] =	ssyncset.done $0x0  }
0x5d: {  	s12 =	rddreg [dreg:$0xb];
	[sflag:s9] =	ssyncadd.s32 $0xFFFFE800  }
0x5e: {  	[spmem:s12] =	stream.linear.scatter [tilespmem:s8], [sflag:$0xF], $0x1800, $0x38;
	[tilespmem:$0x1F480] =	vst v63  }
0x5f: {  	_ =	swait.ge [sflag:s9], $0x1800  }
0x60: {  	[sflag:s9] =	ssyncset.done $0x0  }
0x61: {  	s13 =	rddreg [dreg:$0xc];
	[sflag:s9] =	ssyncadd.s32 $0xFFFFE800  }
0x62: {  	[spmem:s13] =	stream.linear.scatter [tilespmem:s8], [sflag:$0xF], $0x1800, $0x38;
	[tilespmem:$0x1F480] =	vst v63  }
0x63: {  	_ =	swait.ge [sflag:s9], $0x1800  }
0x64: {  	[sflag:s9] =	ssyncset.done $0x0  }
0x65: {  	s14 =	rddreg [dreg:$0x15];
	[sflag:s9] =	ssyncadd.s32 $0xFFFFE800  }
0x66: {  	[spmem:s14] =	stream.linear.scatter [tilespmem:s8], [sflag:$0xF], $0x1800, $0x38;
	[tilespmem:$0x1F480] =	vst v63  }
0x67: {  	_ =	swait.ge [sflag:s9], $0x1800  }
0x68: {  	[sflag:s9] =	ssyncset.done $0x0  }
0x69: {  	s17 =	rddreg [dreg:$0x16];
	[sflag:s9] =	ssyncadd.s32 $0xFFFFE800  }
0x6a: {  	[spmem:s17] =	stream.linear.scatter [tilespmem:s8], [sflag:$0xF], $0x1800, $0x38;
	[tilespmem:$0x1F480] =	vst v63  }
0x6b: {  	_ =	swait.ge [sflag:s9], $0x1800  }
0x6c: {  	[sflag:s9] =	ssyncset.done $0x0  }
0x6d: {  	s18 =	rddreg [dreg:$0x17];
	[sflag:s9] =	ssyncadd.s32 $0xFFFFE800  }
0x6e: {  	[spmem:s18] =	stream.linear.scatter [tilespmem:s8], [sflag:$0xF], $0x1800, $0x38;
	[tilespmem:$0x1F480] =	vst v63  }
0x6f: {  	_ =	swait.ge [sflag:s9], $0x1800  }
0x70: {  	[sflag:s9] =	ssyncset.done $0x0  }
0x71: {  	s20 =	rddreg [dreg:$0x18];
	[sflag:s9] =	ssyncadd.s32 $0xFFFFE800  }
0x72: {  	[spmem:s20] =	stream.linear.scatter [tilespmem:s8], [sflag:$0xF], $0x1800, $0x38;
	[tilespmem:$0x1F480] =	vst v63  }
0x73: {  	_ =	swait.ge [sflag:s9], $0x1800  }
0x74: {  	[sflag:s9] =	ssyncset.done $0x0  }
0x75: {  	s4 =	simm.s32 @!p0 $0xA400;
	[sflag:s9] =	ssyncadd.s32 $0xFFFFE800  }
0x76: {  	[spmem:s11] =	stream.linear.scatter @!p0 [tilespmem:s4], [sflag:$0xF], $0x800, $0x38;
	[tilespmem:$0x1F480] =	vst v63  }
0x77: {  	s4 =	simm.s32 @!p0 $0xF  }
0x78: {  	_ =	swait.ge @!p0 [sflag:s4], $0x800  }
0x79: {  	[sflag:s4] =	ssyncset.done @!p0 $0x0  }
0x7a: {  	[sflag:s4] =	ssyncadd.s32 @!p0 $0xFFFFF800  }
0x7b: {  	[bflag:$0x0] =	sbarrier.arrive $0xFFFF  }
0x7c: {  	s8 =	simm.s32 $0x0;
	s9 =	simm.s32 $0xA000;
	s31 =	rddreg [dreg:$0xd]  }
0x7d: {  	[tilespmem:s9], [sflag:$0x7] =	stream.linear.gather [hbm4b:s31+s8], $0x50, $0x38;
	[tilespmem:$0x1F480] =	vst v63  }
0x7e: {  	s11 =	rddreg [dreg:$0xe]  }
0x7f: {  	[tilespmem:s21], [sflag:$0xB] =	stream.linear.gather [hbm4b:s11+s8], $0x50, $0x38;
	[tilespmem:$0x1F480] =	vst v63  }
0x80: {  	s13 =	simm.s32 $0xA080;
	s12 =	rddreg [dreg:$0xf]  }
0x81: {  	[tilespmem:s13], [sflag:$0x8] =	stream.linear.gather [hbm4b:s12+s8], $0x50, $0x38;
	[tilespmem:$0x1F480] =	vst v63  }
0x82: {  	s17 =	simm.s32 $0xA280;
	s14 =	rddreg [dreg:$0x10]  }
0x83: {  	[tilespmem:s17], [sflag:$0xC] =	stream.linear.gather [hbm4b:s14+s8], $0x50, $0x38;
	[tilespmem:$0x1F480] =	vst v63  }
0x84: {  	s18 =	rddreg [dreg:$0x11]  }
0x85: {  	[tilespmem:s8], [sflag:$0x1] =	stream.linear.gather [hbm4b:s18+s8], $0x2800, $0x38;
	[tilespmem:$0x1F480] =	vst v63  }
.Ltmp3:
0x86: {  	s20 =	simm.s32 $0x7;
	(pc) =	sbr.rel .LBB2_4-.Ltmp3, $4  }
0x87: {  	_ =	swait.ge [sflag:s20], $0x50  }
0x88: {  	[sflag:s20] =	ssyncset.done $0x0  }
0x89: {  	s31 =	simm.s32 $0x5000;
	[sflag:s20] =	ssyncadd.s32 $0xFFFFFFB0  }
0x8a: {  	[tilespmem:s31], [sflag:$0x3] =	stream.indirect.gather [hbm4b:s1+s15], $0x80, s9, s15, $0xb8;
	[tilespmem:$0x1F480] =	vst v63  }
.LBB2_21:
0x8b: {  	s8 =	sadd.s32 $0x1, s8  }
0x8c: {  	p1 =	sne.s32 s8, $0x20  }
.Ltmp4:
0x8d: {  	_ = 	snop;
	(pc) =	sbr.rel @!p1 .LBB2_22-.Ltmp4, $1  }
0x8e: {  	_ =	sdelay $0x3  }
.LBB2_4:
0x8f: {  	s4 =	sshll.u32 s8, $0x2  }
0x90: {  	s9 =	sadd.s32 $0xFFFFFFFF, s4  }
0x91: {  	p1 =	sgt.u32 s9, $0x7C  }
0x92: {  	s9 =	sor.u32 @!p1 $0x1, s4  }
0x93: {  	p2 =	sgt.u32 @!p1 s9, $0x7C  }
0x94: {  	p2 =	por p1, !p2  }
.Ltmp5:
0x95: {  	_ = 	snop;
	(pc) =	sbr.rel @!p2 .LBB2_5-.Ltmp5, $4  }
0x96: {  	s11 =	simm.s32 @!p1 $0x6  }
0x97: {  	_ =	swait.ge @!p1 [sflag:s11], $0x2800  }
0x98: {  	[sflag:s11] =	ssyncset.done @!p1 $0x0  }
0x99: {  	[sflag:s11] =	ssyncadd.s32 @!p1 $0xFFFFD800  }
0x9a: {  	s11 =	simm.s32 $0x8;
	s9 =	simm.s32 @p1 $0x1  }
0x9b: {  	s31 =	simm.s32 $0xA080;
	_ =	swait.ge [sflag:s11], $0x50;
	s9 =	smul.u32 $0x50, s9  }
0x9c: {  	s12 =	simm.s32 $0x7800;
	s18 =	sor.u32 $0x2, s4;
	[sflag:s11] =	ssyncset.done $0x0  }
0x9d: {  	s13 =	smul.u32 $0x50, s18;
	[sflag:s11] =	ssyncadd.s32 $0xFFFFFFB0;
	s9 =	sadd.s32 s10, s9  }
0x9e: {  	[tilespmem:s12], [sflag:$0x4] =	stream.indirect.gather [hbm4b:s1+s15], $0x80, s31, s15, $0xb8;
	[tilespmem:$0x1F480] =	vst v63  }
0x9f: {  	s9 =	sshll.u32 s9, $0x4  }
0xa0: {  	s14 =	sadd.s32 s10, s13;
	s9 =	sadd.s32 s5, s9  }
0xa1: {  	[tilespmem:s19], [sflag:$0x2] =	stream.linear.gather [hbm4b:s9+s3], $0x2800, $0x38;
	[tilespmem:$0x1F480] =	vst v63  }
.Ltmp6:
0xa2: {  	s9 =	sshrl.u32 s14, $0x3;
	(pc) =	sbr.rel .LBB2_7-.Ltmp6, $4  }
0xa3: {  	s20 =	simm.s32 $0xA100;
	s17 =	sadd.s32 s6, s9  }
0xa4: {  	[tilespmem:s20], [sflag:$0x9] =	stream.linear.gather [hbm4b:s17+s3], $0x50, $0x38;
	[tilespmem:$0x1F480] =	vst v63  }
0xa5: {  	p2 =	por $0x1, $0x1;
	s31 =	simm.s32 $0xA300;
	s9 =	sadd.s32 s7, s9  }
0xa6: {  	[tilespmem:s31], [sflag:$0xD] =	stream.linear.gather [hbm4b:s9+s3], $0x50, $0x38;
	[tilespmem:$0x1F480] =	vst v63  }
.LBB2_5:
0xa7: {  	p2 =	por @!p1 $0x0, $0x0;
	s18 =	simm.s32 @!p1 $0x7E  }
.LBB2_7:
0xa8: {  	_ =	swait.ge [sflag:s16], $0x2800  }
0xa9: {  	[sflag:s16] =	ssyncset.done $0x0  }
0xaa: {  	[sflag:s16] =	ssyncadd.s32 $0xFFFFD800  }
0xab: {  	_ =	swait.ge [sflag:s22], $0x2800  }
0xac: {  	[sflag:s22] =	ssyncset.done $0x0  }
0xad: {  	s12 =	simm.s32 $0x100;
	[sflag:s22] =	ssyncadd.s32 $0xFFFFD800  }
0xae: {  	s13 =	simm.s32 $0x5100;
	v1 =	vld [tilespmem:s12+$0x80]  }
0xaf: {  	v2 =	vld [tilespmem:s13+$0x80]  }
0xb0: {  	v3 =	vld [tilespmem:s13+$0xFFFFFF00]  }
0xb1: {  	v4 =	vld [tilespmem:s12+$0xFFFFFF80]  }
0xb2: {  	v5 =	vld [tilespmem:s13+$0xFFFFFF80]  }
0xb3: {  	v6 =	vld [tilespmem:s13+$0x0]  }
0xb4: {  	v1 =	vadd.f32 v2, v1;
	v2 =	vld [tilespmem:s12+$0x0]  }
0xb5: {  	v7 =	vld [tilespmem:s12+$0xFFFFFF00]  }
0xb6: {  	v1 =	vmax.f32 v1, $0.0e+00  }
0xb7: {  	v4 =	vadd.f32 v5, v4;
	[tilespmem:s12+$0x80] =	vst v1;
	v1 =	vld [tilespmem:s12+$0x90]  }
0xb8: {  	v8 =	vld [tilespmem:s13+$0x90]  }
0xb9: {  	v9 =	vld [tilespmem:s12+$0xFFFFFF90];
	v4 =	vmax.f32 v4, $0.0e+00;
	v2 =	vadd.f32 v6, v2  }
0xba: {  	v5 =	vld [tilespmem:s12+$0xFFFFFF10];
	v3 =	vadd.f32 v3, v7;
	[tilespmem:s12+$0xFFFFFF80] =	vst v4  }
0xbb: {  	v6 =	vld [tilespmem:s13+$0xFFFFFF90];
	v2 =	vmax.f32 v2, $0.0e+00  }
0xbc: {  	v3 =	vmax.f32 v3, $0.0e+00;
	v4 =	vld [tilespmem:s12+$0x10];
	[tilespmem:s12+$0x0] =	vst v2  }
0xbd: {  	[tilespmem:s12+$0xFFFFFF00] =	vst v3;
	v1 =	vadd.f32 v8, v1;
	v2 =	vld [tilespmem:s13+$0x10]  }
0xbe: {  	v3 =	vld [tilespmem:s13+$0xFFFFFF10]  }
0xbf: {  	v1 =	vmax.f32 v1, $0.0e+00  }
0xc0: {  	v6 =	vadd.f32 v6, v9;
	[tilespmem:s12+$0x90] =	vst v1;
	v1 =	vld [tilespmem:s12+$0xA0]  }
0xc1: {  	v8 =	vld [tilespmem:s13+$0xA0]  }
0xc2: {  	v7 =	vld [tilespmem:s12+$0xFFFFFF20];
	v6 =	vmax.f32 v6, $0.0e+00;
	v2 =	vadd.f32 v2, v4  }
0xc3: {  	v3 =	vadd.f32 v3, v5;
	v9 =	vld [tilespmem:s12+$0xFFFFFFA0];
	[tilespmem:s12+$0xFFFFFF90] =	vst v6  }
0xc4: {  	v5 =	vld [tilespmem:s13+$0xFFFFFFA0];
	v2 =	vmax.f32 v2, $0.0e+00  }
0xc5: {  	v3 =	vmax.f32 v3, $0.0e+00;
	v4 =	vld [tilespmem:s12+$0x20];
	[tilespmem:s12+$0x10] =	vst v2  }
0xc6: {  	[tilespmem:s12+$0xFFFFFF10] =	vst v3;
	v1 =	vadd.f32 v8, v1;
	v2 =	vld [tilespmem:s13+$0x20]  }
0xc7: {  	v3 =	vld [tilespmem:s13+$0xFFFFFF20]  }
0xc8: {  	v1 =	vmax.f32 v1, $0.0e+00  }
0xc9: {  	v5 =	vadd.f32 v5, v9;
	[tilespmem:s12+$0xA0] =	vst v1;
	v1 =	vld [tilespmem:s12+$0xB0]  }
0xca: {  	v8 =	vld [tilespmem:s13+$0xB0]  }
0xcb: {  	v10 =	vld [tilespmem:s12+$0x30];
	v5 =	vmax.f32 v5, $0.0e+00;
	v2 =	vadd.f32 v2, v4  }
0xcc: {  	v3 =	vadd.f32 v3, v7;
	v9 =	vld [tilespmem:s12+$0xFFFFFFB0];
	[tilespmem:s12+$0xFFFFFFA0] =	vst v5  }
0xcd: {  	v4 =	vld [tilespmem:s13+$0xFFFFFFB0];
	v2 =	vmax.f32 v2, $0.0e+00  }
0xce: {  	v6 =	vld [tilespmem:s12+$0xFFFFFF30];
	[tilespmem:s12+$0x20] =	vst v2;
	v2 =	vmax.f32 v3, $0.0e+00  }
0xcf: {  	v1 =	vadd.f32 v8, v1;
	[tilespmem:s12+$0xFFFFFF20] =	vst v2;
	v2 =	vld [tilespmem:s13+$0x30]  }
0xd0: {  	v7 =	vld [tilespmem:s13+$0xFFFFFF30]  }
0xd1: {  	v11 =	vld [tilespmem:s12+$0xFFFFFF40];
	v1 =	vmax.f32 v1, $0.0e+00  }
0xd2: {  	v4 =	vadd.f32 v4, v9;
	[tilespmem:s12+$0xB0] =	vst v1;
	v1 =	vld [tilespmem:s12+$0xC0]  }
0xd3: {  	v8 =	vld [tilespmem:s13+$0xC0]  }
0xd4: {  	v12 =	vld [tilespmem:s12+$0xFFFFFFD0];
	v4 =	vmax.f32 v4, $0.0e+00;
	v2 =	vadd.f32 v2, v10  }
0xd5: {  	v5 =	vld [tilespmem:s12+$0xFFFFFFC0];
	[tilespmem:s12+$0xFFFFFFB0] =	vst v4;
	v6 =	vadd.f32 v7, v6  }
0xd6: {  	v7 =	vld [tilespmem:s13+$0xFFFFFFC0];
	v2 =	vmax.f32 v2, $0.0e+00  }
0xd7: {  	v3 =	vld [tilespmem:s12+$0x40];
	[tilespmem:s12+$0x30] =	vst v2;
	v2 =	vmax.f32 v6, $0.0e+00  }
0xd8: {  	v1 =	vadd.f32 v8, v1;
	v6 =	vld [tilespmem:s13+$0x40];
	[tilespmem:s12+$0xFFFFFF30] =	vst v2  }
0xd9: {  	v2 =	vld [tilespmem:s13+$0xFFFFFF40]  }
0xda: {  	v9 =	vld [tilespmem:s12+$0xFFFFFF50];
	v1 =	vmax.f32 v1, $0.0e+00  }
0xdb: {  	[tilespmem:s12+$0xC0] =	vst v1;
	v1 =	vadd.f32 v7, v5;
	v7 =	vld [tilespmem:s12+$0xD0]  }
0xdc: {  	v8 =	vld [tilespmem:s13+$0xD0]  }
0xdd: {  	v4 =	vld [tilespmem:s12+$0xFFFFFF60];
	v1 =	vmax.f32 v1, $0.0e+00;
	v3 =	vadd.f32 v6, v3  }
0xde: {  	v10 =	vld [tilespmem:s12+$0x50];
	[tilespmem:s12+$0xFFFFFFC0] =	vst v1;
	v1 =	vadd.f32 v2, v11  }
0xdf: {  	v2 =	vld [tilespmem:s13+$0xFFFFFFD0];
	v3 =	vmax.f32 v3, $0.0e+00  }
0xe0: {  	v5 =	vld [tilespmem:s12+$0xFFFFFFE0];
	[tilespmem:s12+$0x40] =	vst v3;
	v1 =	vmax.f32 v1, $0.0e+00  }
0xe1: {  	v3 =	vld [tilespmem:s13+$0x50];
	v7 =	vadd.f32 v8, v7;
	[tilespmem:s12+$0xFFFFFF40] =	vst v1  }
0xe2: {  	v1 =	vld [tilespmem:s13+$0xFFFFFF50]  }
0xe3: {  	v6 =	vld [tilespmem:s12+$0x60];
	v7 =	vmax.f32 v7, $0.0e+00  }
0xe4: {  	v2 =	vadd.f32 v2, v12;
	[tilespmem:s12+$0xD0] =	vst v7;
	v7 =	vld [tilespmem:s12+$0xE0]  }
0xe5: {  	v11 =	vld [tilespmem:s13+$0xE0]  }
0xe6: {  	v2 =	vmax.f32 v2, $0.0e+00;
	v8 =	vadd.f32 v3, v10;
	v3 =	vld [tilespmem:s12+$0xFFFFFF70]  }
0xe7: {  	[tilespmem:s12+$0xFFFFFFD0] =	vst v2;
	v1 =	vadd.f32 v1, v9;
	v2 =	vld [tilespmem:s12+$0xFFFFFFF0]  }
0xe8: {  	v9 =	vmax.f32 v8, $0.0e+00;
	v8 =	vld [tilespmem:s13+$0xFFFFFFE0]  }
0xe9: {  	[tilespmem:s12+$0x50] =	vst v9;
	v9 =	vmax.f32 v1, $0.0e+00;
	v1 =	vld [tilespmem:s12+$0x70]  }
0xea: {  	[tilespmem:s12+$0xFFFFFF50] =	vst v9;
	v9 =	vld [tilespmem:s13+$0x60];
	v7 =	vadd.f32 v11, v7  }
0xeb: {  	v10 =	vld [tilespmem:s13+$0xFFFFFF60]  }
0xec: {  	s14 =	simm.s32 $0x0;
	s11 =	simm.s32 $0x300;
	s9 =	simm.s32 $0x5100;
	v11 =	vmax.f32 v7, $0.0e+00;
	v7 =	vld [tilespmem:s12+$0xF0]  }
.LBB2_8:
0xed: {  	v12 =	vld [tilespmem:s11+$0x80];
	v5 =	vadd.f32 v8, v5;
	[tilespmem:s12+$0xE0] =	vst v11  }
0xee: {  	s9 =	sadd.s32 $0x200, s9;
	v8 =	vld [tilespmem:s13+$0xF0]  }
0xef: {  	s14 =	sadd.s32 $0x4, s14;
	v11 =	vld [tilespmem:s9+$0x80];
	v5 =	vmax.f32 v5, $0.0e+00;
	v6 =	vadd.f32 v9, v6  }
0xf0: {  	p1 =	slt.u32 s14, $0x4C;
	v9 =	vld [tilespmem:s9+$0xFFFFFF00];
	v4 =	vadd.f32 v10, v4;
	[tilespmem:s12+$0xFFFFFFE0] =	vst v5  }
0xf1: {  	v5 =	vld [tilespmem:s11+$0xFFFFFF80];
	v6 =	vmax.f32 v6, $0.0e+00  }
0xf2: {  	v10 =	vld [tilespmem:s9+$0xFFFFFF80];
	v4 =	vmax.f32 v4, $0.0e+00;
	[tilespmem:s12+$0x60] =	vst v6  }
0xf3: {  	v6 =	vld [tilespmem:s11+$0x0];
	[tilespmem:s12+$0xFFFFFF60] =	vst v4;
	v4 =	vadd.f32 v8, v7  }
0xf4: {  	v7 =	vld [tilespmem:s9+$0x0];
	v8 =	vadd.f32 v11, v12  }
0xf5: {  	v11 =	vld [tilespmem:s11+$0xFFFFFF00];
	v4 =	vmax.f32 v4, $0.0e+00  }
0xf6: {  	v12 =	vld [tilespmem:s11+$0xFFFFFF10];
	v8 =	vmax.f32 v8, $0.0e+00;
	[tilespmem:s12+$0xF0] =	vst v4  }
0xf7: {  	v4 =	vadd.f32 v10, v5;
	[tilespmem:s11+$0x80] =	vst v8;
	v5 =	vld [tilespmem:s11+$0x90]  }
0xf8: {  	v8 =	vld [tilespmem:s9+$0x90]  }
0xf9: {  	v4 =	vmax.f32 v4, $0.0e+00;
	v10 =	vld [tilespmem:s11+$0xFFFFFF90];
	v6 =	vadd.f32 v7, v6  }
0xfa: {  	v7 =	vadd.f32 v9, v11;
	[tilespmem:s11+$0xFFFFFF80] =	vst v4;
	v4 =	vld [tilespmem:s11+$0x10]  }
0xfb: {  	v9 =	vld [tilespmem:s9+$0xFFFFFF90];
	v6 =	vmax.f32 v6, $0.0e+00  }
0xfc: {  	v7 =	vmax.f32 v7, $0.0e+00;
	v11 =	vld [tilespmem:s11+$0xFFFFFF20];
	[tilespmem:s11+$0x0] =	vst v6  }
0xfd: {  	[tilespmem:s11+$0xFFFFFF00] =	vst v7;
	v6 =	vld [tilespmem:s9+$0x10];
	v5 =	vadd.f32 v8, v5  }
0xfe: {  	v7 =	vld [tilespmem:s9+$0xFFFFFF10]  }
0xff: {  	v8 =	vld [tilespmem:s11+$0xFFFFFFA0];
	v5 =	vmax.f32 v5, $0.0e+00  }
0x100: {  	v9 =	vadd.f32 v9, v10;
	[tilespmem:s11+$0x90] =	vst v5;
	v5 =	vld [tilespmem:s11+$0xA0]  }
0x101: {  	v10 =	vld [tilespmem:s9+$0xA0]  }
0x102: {  	v9 =	vmax.f32 v9, $0.0e+00;
	v4 =	vadd.f32 v6, v4;
	v6 =	vld [tilespmem:s11+$0x20]  }
0x103: {  	v7 =	vadd.f32 v7, v12;
	v12 =	vld [tilespmem:s11+$0xFFFFFF30];
	[tilespmem:s11+$0xFFFFFF90] =	vst v9  }
0x104: {  	v9 =	vld [tilespmem:s9+$0xFFFFFFA0];
	v4 =	vmax.f32 v4, $0.0e+00  }
0x105: {  	v7 =	vmax.f32 v7, $0.0e+00;
	v13 =	vld [tilespmem:s11+$0xFFFFFFB0];
	[tilespmem:s11+$0x10] =	vst v4  }
0x106: {  	[tilespmem:s11+$0xFFFFFF10] =	vst v7;
	v4 =	vld [tilespmem:s9+$0x20];
	v5 =	vadd.f32 v10, v5  }
0x107: {  	v7 =	vld [tilespmem:s9+$0xFFFFFF20]  }
0x108: {  	v10 =	vld [tilespmem:s11+$0x30];
	v5 =	vmax.f32 v5, $0.0e+00  }
0x109: {  	v8 =	vadd.f32 v9, v8;
	[tilespmem:s11+$0xA0] =	vst v5;
	v5 =	vld [tilespmem:s11+$0xB0]  }
0x10a: {  	v9 =	vld [tilespmem:s9+$0xB0]  }
0x10b: {  	v14 =	vld [tilespmem:s11+$0xFFFFFF40];
	v8 =	vmax.f32 v8, $0.0e+00;
	v4 =	vadd.f32 v4, v6  }
0x10c: {  	v6 =	vadd.f32 v7, v11;
	[tilespmem:s11+$0xFFFFFFA0] =	vst v8;
	v7 =	vld [tilespmem:s11+$0xFFFFFFC0]  }
0x10d: {  	v8 =	vld [tilespmem:s9+$0xFFFFFFB0];
	v4 =	vmax.f32 v4, $0.0e+00  }
0x10e: {  	v6 =	vmax.f32 v6, $0.0e+00;
	[tilespmem:s11+$0x20] =	vst v4;
	v11 =	vld [tilespmem:s11+$0x40]  }
0x10f: {  	[tilespmem:s11+$0xFFFFFF20] =	vst v6;
	v4 =	vld [tilespmem:s9+$0x30];
	v5 =	vadd.f32 v9, v5  }
0x110: {  	v6 =	vld [tilespmem:s9+$0xFFFFFF30]  }
0x111: {  	v9 =	vld [tilespmem:s11+$0xFFFFFF50];
	v5 =	vmax.f32 v5, $0.0e+00  }
0x112: {  	v8 =	vadd.f32 v8, v13;
	[tilespmem:s11+$0xB0] =	vst v5;
	v5 =	vld [tilespmem:s11+$0xC0]  }
0x113: {  	v13 =	vld [tilespmem:s9+$0xC0]  }
0x114: {  	v8 =	vmax.f32 v8, $0.0e+00;
	v15 =	vld [tilespmem:s11+$0xFFFFFFD0];
	v4 =	vadd.f32 v4, v10  }
0x115: {  	v6 =	vadd.f32 v6, v12;
	[tilespmem:s11+$0xFFFFFFB0] =	vst v8;
	v8 =	vld [tilespmem:s11+$0x50]  }
0x116: {  	v10 =	vld [tilespmem:s9+$0xFFFFFFC0];
	v12 =	vmax.f32 v4, $0.0e+00  }
0x117: {  	v6 =	vmax.f32 v6, $0.0e+00;
	v4 =	vld [tilespmem:s11+$0xFFFFFF60];
	[tilespmem:s11+$0x30] =	vst v12  }
0x118: {  	[tilespmem:s11+$0xFFFFFF30] =	vst v6;
	v6 =	vld [tilespmem:s9+$0x40];
	v12 =	vadd.f32 v13, v5  }
0x119: {  	v13 =	vld [tilespmem:s9+$0xFFFFFF40]  }
0x11a: {  	v5 =	vld [tilespmem:s11+$0xFFFFFFE0];
	v12 =	vmax.f32 v12, $0.0e+00  }
0x11b: {  	v7 =	vadd.f32 v10, v7;
	[tilespmem:s11+$0xC0] =	vst v12;
	v10 =	vld [tilespmem:s11+$0xD0]  }
0x11c: {  	v12 =	vld [tilespmem:s9+$0xD0]  }
0x11d: {  	v7 =	vmax.f32 v7, $0.0e+00;
	v11 =	vadd.f32 v6, v11;
	v6 =	vld [tilespmem:s11+$0x60]  }
0x11e: {  	v13 =	vadd.f32 v13, v14;
	[tilespmem:s11+$0xFFFFFFC0] =	vst v7;
	v7 =	vld [tilespmem:s13+$0xFFFFFF70]  }
0x11f: {  	v14 =	vld [tilespmem:s9+$0xFFFFFFD0];
	v11 =	vmax.f32 v11, $0.0e+00  }
0x120: {  	v13 =	vmax.f32 v13, $0.0e+00;
	[tilespmem:s11+$0x40] =	vst v11;
	v11 =	vld [tilespmem:s13+$0xFFFFFFF0]  }
0x121: {  	[tilespmem:s11+$0xFFFFFF40] =	vst v13;
	v13 =	vld [tilespmem:s9+$0x50];
	v10 =	vadd.f32 v12, v10  }
0x122: {  	v12 =	vld [tilespmem:s9+$0xFFFFFF50]  }
0x123: {  	v10 =	vmax.f32 v10, $0.0e+00;
	v3 =	vadd.f32 v7, v3;
	v7 =	vld [tilespmem:s13+$0x70];
	s13 =	smov.u32 s9  }
0x124: {  	v14 =	vadd.f32 v14, v15;
	[tilespmem:s11+$0xD0] =	vst v10;
	v10 =	vld [tilespmem:s11+$0xE0]  }
0x125: {  	v15 =	vld [tilespmem:s9+$0xE0];
	v16 =	vmax.f32 v3, $0.0e+00;
	v11 =	vadd.f32 v11, v2  }
0x126: {  	v3 =	vld [tilespmem:s11+$0xFFFFFF70];
	v2 =	vmax.f32 v14, $0.0e+00;
	v13 =	vadd.f32 v13, v8;
	[tilespmem:s12+$0xFFFFFF70] =	vst v16  }
0x127: {  	v9 =	vadd.f32 v12, v9;
	[tilespmem:s11+$0xFFFFFFD0] =	vst v2;
	v2 =	vld [tilespmem:s11+$0xFFFFFFF0];
	v11 =	vmax.f32 v11, $0.0e+00  }
.Ltmp7:
0x128: {  	v8 =	vld [tilespmem:s9+$0xFFFFFFE0];
	v12 =	vmax.f32 v13, $0.0e+00;
	[tilespmem:s12+$0xFFFFFFF0] =	vst v11;
	v7 =	vadd.f32 v7, v1;
	(pc) =	sbr.rel @p1 .LBB2_8-.Ltmp7, $4  }
0x129: {  	v9 =	vmax.f32 v9, $0.0e+00;
	[tilespmem:s11+$0x50] =	vst v12;
	v1 =	vld [tilespmem:s11+$0x70]  }
0x12a: {  	[tilespmem:s11+$0xFFFFFF50] =	vst v9;
	v9 =	vld [tilespmem:s9+$0x60];
	v11 =	vadd.f32 v15, v10;
	v7 =	vmax.f32 v7, $0.0e+00  }
0x12b: {  	v10 =	vld [tilespmem:s9+$0xFFFFFF60];
	[tilespmem:s12+$0x70] =	vst v7;
	s12 =	smov.u32 s11  }
0x12c: {  	s11 =	sadd.s32 $0x200, s11;
	v11 =	vmax.f32 v11, $0.0e+00;
	v7 =	vld [tilespmem:s12+$0xF0]  }
0x12d: {  	_ = 	snop  }
0x12e: {  	v5 =	vadd.f32 v8, v5  }
0x12f: {  	v6 =	vadd.f32 v9, v6  }
0x130: {  	[tilespmem:s12+$0xE0] =	vst v11;
	v5 =	vmax.f32 v5, $0.0e+00;
	v4 =	vadd.f32 v10, v4  }
0x131: {  	v58 =	vld [tilespmem:s13+$0xF0];
	[tilespmem:s12+$0xFFFFFFE0] =	vst v5;
	v59 =	vmax.f32 v6, $0.0e+00  }
0x132: {  	v61 =	vld [tilespmem:s13+$0xFFFFFFF0];
	v4 =	vmax.f32 v4, $0.0e+00;
	[tilespmem:s12+$0x60] =	vst v59  }
0x133: {  	[tilespmem:s12+$0xFFFFFF60] =	vst v4;
	v62 =	vld [tilespmem:s13+$0x70]  }
0x134: {  	v60 =	vld [tilespmem:s13+$0xFFFFFF70];
	_ =	sdelay $0x1  }
0x135: {  	v7 =	vadd.f32 v58, v7  }
0x136: {  	v2 =	vadd.f32 v61, v2  }
0x137: {  	v63 =	vmax.f32 v7, $0.0e+00;
	v1 =	vadd.f32 v62, v1  }
0x138: {  	[tilespmem:s12+$0xF0] =	vst v63;
	v2 =	vmax.f32 v2, $0.0e+00;
	v3 =	vadd.f32 v60, v3  }
0x139: {  	[tilespmem:s12+$0xFFFFFFF0] =	vst v2;
	v1 =	vmax.f32 v1, $0.0e+00  }
0x13a: {  	v3 =	vmax.f32 v3, $0.0e+00;
	[tilespmem:s12+$0x70] =	vst v1  }
0x13b: {  	[tilespmem:s12+$0xFFFFFF70] =	vst v3  }
0x13c: {  	_ =	swait.ge [sflag:s24], $0x50  }
0x13d: {  	[sflag:s24] =	ssyncset.done $0x0  }
0x13e: {  	[sflag:s24] =	ssyncadd.s32 $0xFFFFFFB0  }
0x13f: {  	[spmem:s2] =	stream.indirect.scatter.add.f32 [tilespmem:s3], [sflag:$0x5], $0x80, s21, s15, $0xb8;
	[tilespmem:$0x1F480] =	vst v63  }
0x140: {  	_ =	swait.ge [sflag:s25], $0x2800  }
0x141: {  	[sflag:s25] =	ssyncset.done $0x0  }
0x142: {  	s9 =	simm.s32 @p2 $0x9;
	[sflag:s25] =	ssyncadd.s32 $0xFFFFD800  }
0x143: {  	s11 =	simm.s32 @p2 $0xA100;
	s31 =	sor.u32 $0x3, s4;
	_ =	swait.ge @p2 [sflag:s9], $0x50  }
0x144: {  	p1 =	sgt.u32 s31, $0x7C;
	s13 =	smul.u32 @p2 $0x50, s18;
	[sflag:s9] =	ssyncset.done @p2 $0x0  }
0x145: {  	s12 =	simm.s32 @p2 $0x5000;
	[sflag:s9] =	ssyncadd.s32 @p2 $0xFFFFFFB0;
	s9 =	simm.s32 @p2 $0x50  }
0x146: {  	[tilespmem:s12], [sflag:$0x3] =	stream.indirect.gather @p2 [hbm4b:s1+s9], $0x80, s11, s9, $0xb8;
	[tilespmem:$0x1F480] =	vst v63  }
0x147: {  	s9 =	sadd.s32 @p2 s10, s13;
	s12 =	smul.u32 @!p1 $0x50, s31  }
0x148: {  	s9 =	sshll.u32 @p2 s9, $0x4  }
0x149: {  	s11 =	simm.s32 @p2 $0x0;
	s9 =	sadd.s32 @p2 s5, s9;
	s14 =	sadd.s32 @!p1 s10, s12  }
0x14a: {  	[tilespmem:s11], [sflag:$0x1] =	stream.linear.gather @p2 [hbm4b:s9+s11], $0x2800, $0x38;
	[tilespmem:$0x1F480] =	vst v63  }
.Ltmp8:
0x14b: {  	s9 =	sshrl.u32 @!p1 s14, $0x3;
	(pc) =	sbr.rel @!p2 .LBB2_13-.Ltmp8, $4  }
0x14c: {  	s20 =	simm.s32 @!p1 $0x0;
	s12 =	simm.s32 @!p1 $0xA180;
	s11 =	sadd.s32 @!p1 s6, s9  }
0x14d: {  	[tilespmem:s12], [sflag:$0xA] =	stream.linear.gather @!p1 [hbm4b:s11+s20], $0x50, $0x38;
	[tilespmem:$0x1F480] =	vst v63  }
0x14e: {  	s9 =	sadd.s32 @!p1 s7, s9;
	s11 =	simm.s32 @!p1 $0xA380  }
0x14f: {  	[tilespmem:s11], [sflag:$0xE] =	stream.linear.gather @!p1 [hbm4b:s9+s20], $0x50, $0x38;
	[tilespmem:$0x1F480] =	vst v63  }
0x150: {  	_ =	swait.ge [sflag:s26], $0x2800  }
0x151: {  	[sflag:s26] =	ssyncset.done $0x0  }
0x152: {  	[sflag:s26] =	ssyncadd.s32 $0xFFFFD800  }
0x153: {  	_ =	swait.ge [sflag:s28], $0x2800  }
0x154: {  	[sflag:s28] =	ssyncset.done $0x0  }
0x155: {  	s13 =	simm.s32 $0x2900;
	[sflag:s28] =	ssyncadd.s32 $0xFFFFD800  }
0x156: {  	s21 =	simm.s32 $0x7900;
	v1 =	vld [tilespmem:s13+$0x80]  }
0x157: {  	v2 =	vld [tilespmem:s21+$0x80]  }
0x158: {  	v3 =	vld [tilespmem:s21+$0xFFFFFF00]  }
0x159: {  	v4 =	vld [tilespmem:s13+$0xFFFFFF80]  }
0x15a: {  	v5 =	vld [tilespmem:s21+$0xFFFFFF80]  }
0x15b: {  	v6 =	vld [tilespmem:s21+$0x0]  }
0x15c: {  	v1 =	vadd.f32 v2, v1;
	v2 =	vld [tilespmem:s13+$0x0]  }
0x15d: {  	v7 =	vld [tilespmem:s13+$0xFFFFFF00]  }
0x15e: {  	v1 =	vmax.f32 v1, $0.0e+00  }
0x15f: {  	v4 =	vadd.f32 v5, v4;
	[tilespmem:s13+$0x80] =	vst v1;
	v1 =	vld [tilespmem:s13+$0x90]  }
0x160: {  	v8 =	vld [tilespmem:s21+$0x90]  }
0x161: {  	v9 =	vld [tilespmem:s13+$0xFFFFFF90];
	v4 =	vmax.f32 v4, $0.0e+00;
	v2 =	vadd.f32 v6, v2  }
0x162: {  	v5 =	vld [tilespmem:s13+$0xFFFFFF10];
	v3 =	vadd.f32 v3, v7;
	[tilespmem:s13+$0xFFFFFF80] =	vst v4  }
0x163: {  	v6 =	vld [tilespmem:s21+$0xFFFFFF90];
	v2 =	vmax.f32 v2, $0.0e+00  }
0x164: {  	v3 =	vmax.f32 v3, $0.0e+00;
	v4 =	vld [tilespmem:s13+$0x10];
	[tilespmem:s13+$0x0] =	vst v2  }
0x165: {  	[tilespmem:s13+$0xFFFFFF00] =	vst v3;
	v1 =	vadd.f32 v8, v1;
	v2 =	vld [tilespmem:s21+$0x10]  }
0x166: {  	v3 =	vld [tilespmem:s21+$0xFFFFFF10]  }
0x167: {  	v1 =	vmax.f32 v1, $0.0e+00  }
0x168: {  	v6 =	vadd.f32 v6, v9;
	[tilespmem:s13+$0x90] =	vst v1;
	v1 =	vld [tilespmem:s13+$0xA0]  }
0x169: {  	v8 =	vld [tilespmem:s21+$0xA0]  }
0x16a: {  	v7 =	vld [tilespmem:s13+$0xFFFFFF20];
	v6 =	vmax.f32 v6, $0.0e+00;
	v2 =	vadd.f32 v2, v4  }
0x16b: {  	v3 =	vadd.f32 v3, v5;
	v9 =	vld [tilespmem:s13+$0xFFFFFFA0];
	[tilespmem:s13+$0xFFFFFF90] =	vst v6  }
0x16c: {  	v5 =	vld [tilespmem:s21+$0xFFFFFFA0];
	v2 =	vmax.f32 v2, $0.0e+00  }
0x16d: {  	v3 =	vmax.f32 v3, $0.0e+00;
	v4 =	vld [tilespmem:s13+$0x20];
	[tilespmem:s13+$0x10] =	vst v2  }
0x16e: {  	[tilespmem:s13+$0xFFFFFF10] =	vst v3;
	v1 =	vadd.f32 v8, v1;
	v2 =	vld [tilespmem:s21+$0x20]  }
0x16f: {  	v3 =	vld [tilespmem:s21+$0xFFFFFF20]  }
0x170: {  	v1 =	vmax.f32 v1, $0.0e+00  }
0x171: {  	v5 =	vadd.f32 v5, v9;
	[tilespmem:s13+$0xA0] =	vst v1;
	v1 =	vld [tilespmem:s13+$0xB0]  }
0x172: {  	v8 =	vld [tilespmem:s21+$0xB0]  }
0x173: {  	v10 =	vld [tilespmem:s13+$0x30];
	v5 =	vmax.f32 v5, $0.0e+00;
	v2 =	vadd.f32 v2, v4  }
0x174: {  	v3 =	vadd.f32 v3, v7;
	v9 =	vld [tilespmem:s13+$0xFFFFFFB0];
	[tilespmem:s13+$0xFFFFFFA0] =	vst v5  }
0x175: {  	v4 =	vld [tilespmem:s21+$0xFFFFFFB0];
	v2 =	vmax.f32 v2, $0.0e+00  }
0x176: {  	v6 =	vld [tilespmem:s13+$0xFFFFFF30];
	[tilespmem:s13+$0x20] =	vst v2;
	v2 =	vmax.f32 v3, $0.0e+00  }
0x177: {  	v1 =	vadd.f32 v8, v1;
	[tilespmem:s13+$0xFFFFFF20] =	vst v2;
	v2 =	vld [tilespmem:s21+$0x30]  }
0x178: {  	v7 =	vld [tilespmem:s21+$0xFFFFFF30]  }
0x179: {  	v11 =	vld [tilespmem:s13+$0xFFFFFF40];
	v1 =	vmax.f32 v1, $0.0e+00  }
0x17a: {  	v4 =	vadd.f32 v4, v9;
	[tilespmem:s13+$0xB0] =	vst v1;
	v1 =	vld [tilespmem:s13+$0xC0]  }
0x17b: {  	v8 =	vld [tilespmem:s21+$0xC0]  }
0x17c: {  	v12 =	vld [tilespmem:s13+$0xFFFFFFD0];
	v4 =	vmax.f32 v4, $0.0e+00;
	v2 =	vadd.f32 v2, v10  }
0x17d: {  	v5 =	vld [tilespmem:s13+$0xFFFFFFC0];
	[tilespmem:s13+$0xFFFFFFB0] =	vst v4;
	v6 =	vadd.f32 v7, v6  }
0x17e: {  	v7 =	vld [tilespmem:s21+$0xFFFFFFC0];
	v2 =	vmax.f32 v2, $0.0e+00  }
0x17f: {  	v3 =	vld [tilespmem:s13+$0x40];
	[tilespmem:s13+$0x30] =	vst v2;
	v2 =	vmax.f32 v6, $0.0e+00  }
0x180: {  	v1 =	vadd.f32 v8, v1;
	v6 =	vld [tilespmem:s21+$0x40];
	[tilespmem:s13+$0xFFFFFF30] =	vst v2  }
0x181: {  	v2 =	vld [tilespmem:s21+$0xFFFFFF40]  }
0x182: {  	v9 =	vld [tilespmem:s13+$0xFFFFFF50];
	v1 =	vmax.f32 v1, $0.0e+00  }
0x183: {  	[tilespmem:s13+$0xC0] =	vst v1;
	v1 =	vadd.f32 v7, v5;
	v7 =	vld [tilespmem:s13+$0xD0]  }
0x184: {  	v8 =	vld [tilespmem:s21+$0xD0]  }
0x185: {  	v4 =	vld [tilespmem:s13+$0xFFFFFF60];
	v1 =	vmax.f32 v1, $0.0e+00;
	v3 =	vadd.f32 v6, v3  }
0x186: {  	v10 =	vld [tilespmem:s13+$0x50];
	[tilespmem:s13+$0xFFFFFFC0] =	vst v1;
	v1 =	vadd.f32 v2, v11  }
0x187: {  	v2 =	vld [tilespmem:s21+$0xFFFFFFD0];
	v3 =	vmax.f32 v3, $0.0e+00  }
0x188: {  	v5 =	vld [tilespmem:s13+$0xFFFFFFE0];
	[tilespmem:s13+$0x40] =	vst v3;
	v1 =	vmax.f32 v1, $0.0e+00  }
0x189: {  	v3 =	vld [tilespmem:s21+$0x50];
	v7 =	vadd.f32 v8, v7;
	[tilespmem:s13+$0xFFFFFF40] =	vst v1  }
0x18a: {  	v1 =	vld [tilespmem:s21+$0xFFFFFF50]  }
0x18b: {  	v6 =	vld [tilespmem:s13+$0x60];
	v7 =	vmax.f32 v7, $0.0e+00  }
0x18c: {  	v2 =	vadd.f32 v2, v12;
	[tilespmem:s13+$0xD0] =	vst v7;
	v7 =	vld [tilespmem:s13+$0xE0]  }
0x18d: {  	v11 =	vld [tilespmem:s21+$0xE0]  }
0x18e: {  	v2 =	vmax.f32 v2, $0.0e+00;
	v8 =	vadd.f32 v3, v10;
	v3 =	vld [tilespmem:s13+$0xFFFFFF70]  }
0x18f: {  	[tilespmem:s13+$0xFFFFFFD0] =	vst v2;
	v1 =	vadd.f32 v1, v9;
	v2 =	vld [tilespmem:s13+$0xFFFFFFF0]  }
0x190: {  	v9 =	vmax.f32 v8, $0.0e+00;
	v8 =	vld [tilespmem:s21+$0xFFFFFFE0]  }
0x191: {  	[tilespmem:s13+$0x50] =	vst v9;
	v9 =	vmax.f32 v1, $0.0e+00;
	v1 =	vld [tilespmem:s13+$0x70]  }
0x192: {  	[tilespmem:s13+$0xFFFFFF50] =	vst v9;
	v9 =	vld [tilespmem:s21+$0x60];
	v7 =	vadd.f32 v11, v7  }
0x193: {  	v10 =	vld [tilespmem:s21+$0xFFFFFF60]  }
0x194: {  	s11 =	simm.s32 $0x0;
	s9 =	simm.s32 $0x2B00;
	s17 =	simm.s32 $0x7900;
	v11 =	vmax.f32 v7, $0.0e+00;
	v7 =	vld [tilespmem:s13+$0xF0]  }
.LBB2_11:
0x195: {  	v12 =	vld [tilespmem:s9+$0x80];
	v5 =	vadd.f32 v8, v5;
	[tilespmem:s13+$0xE0] =	vst v11  }
0x196: {  	s17 =	sadd.s32 $0x200, s17;
	v8 =	vld [tilespmem:s21+$0xF0]  }
0x197: {  	s11 =	sadd.s32 $0x4, s11;
	v11 =	vld [tilespmem:s17+$0x80];
	v5 =	vmax.f32 v5, $0.0e+00;
	v6 =	vadd.f32 v9, v6  }
0x198: {  	p3 =	slt.u32 s11, $0x4C;
	v9 =	vld [tilespmem:s17+$0xFFFFFF00];
	v4 =	vadd.f32 v10, v4;
	[tilespmem:s13+$0xFFFFFFE0] =	vst v5  }
0x199: {  	v5 =	vld [tilespmem:s9+$0xFFFFFF80];
	v6 =	vmax.f32 v6, $0.0e+00  }
0x19a: {  	v10 =	vld [tilespmem:s17+$0xFFFFFF80];
	v4 =	vmax.f32 v4, $0.0e+00;
	[tilespmem:s13+$0x60] =	vst v6  }
0x19b: {  	v6 =	vld [tilespmem:s9+$0x0];
	[tilespmem:s13+$0xFFFFFF60] =	vst v4;
	v4 =	vadd.f32 v8, v7  }
0x19c: {  	v7 =	vld [tilespmem:s17+$0x0];
	v8 =	vadd.f32 v11, v12  }
0x19d: {  	v11 =	vld [tilespmem:s9+$0xFFFFFF00];
	v4 =	vmax.f32 v4, $0.0e+00  }
0x19e: {  	v12 =	vld [tilespmem:s9+$0xFFFFFF10];
	v8 =	vmax.f32 v8, $0.0e+00;
	[tilespmem:s13+$0xF0] =	vst v4  }
0x19f: {  	v4 =	vadd.f32 v10, v5;
	[tilespmem:s9+$0x80] =	vst v8;
	v5 =	vld [tilespmem:s9+$0x90]  }
0x1a0: {  	v8 =	vld [tilespmem:s17+$0x90]  }
0x1a1: {  	v4 =	vmax.f32 v4, $0.0e+00;
	v10 =	vld [tilespmem:s9+$0xFFFFFF90];
	v6 =	vadd.f32 v7, v6  }
0x1a2: {  	v7 =	vadd.f32 v9, v11;
	[tilespmem:s9+$0xFFFFFF80] =	vst v4;
	v4 =	vld [tilespmem:s9+$0x10]  }
0x1a3: {  	v9 =	vld [tilespmem:s17+$0xFFFFFF90];
	v6 =	vmax.f32 v6, $0.0e+00  }
0x1a4: {  	v7 =	vmax.f32 v7, $0.0e+00;
	v11 =	vld [tilespmem:s9+$0xFFFFFF20];
	[tilespmem:s9+$0x0] =	vst v6  }
0x1a5: {  	[tilespmem:s9+$0xFFFFFF00] =	vst v7;
	v6 =	vld [tilespmem:s17+$0x10];
	v5 =	vadd.f32 v8, v5  }
0x1a6: {  	v7 =	vld [tilespmem:s17+$0xFFFFFF10]  }
0x1a7: {  	v8 =	vld [tilespmem:s9+$0xFFFFFFA0];
	v5 =	vmax.f32 v5, $0.0e+00  }
0x1a8: {  	v9 =	vadd.f32 v9, v10;
	[tilespmem:s9+$0x90] =	vst v5;
	v5 =	vld [tilespmem:s9+$0xA0]  }
0x1a9: {  	v10 =	vld [tilespmem:s17+$0xA0]  }
0x1aa: {  	v9 =	vmax.f32 v9, $0.0e+00;
	v4 =	vadd.f32 v6, v4;
	v6 =	vld [tilespmem:s9+$0x20]  }
0x1ab: {  	v7 =	vadd.f32 v7, v12;
	v12 =	vld [tilespmem:s9+$0xFFFFFF30];
	[tilespmem:s9+$0xFFFFFF90] =	vst v9  }
0x1ac: {  	v9 =	vld [tilespmem:s17+$0xFFFFFFA0];
	v4 =	vmax.f32 v4, $0.0e+00  }
0x1ad: {  	v7 =	vmax.f32 v7, $0.0e+00;
	v13 =	vld [tilespmem:s9+$0xFFFFFFB0];
	[tilespmem:s9+$0x10] =	vst v4  }
0x1ae: {  	[tilespmem:s9+$0xFFFFFF10] =	vst v7;
	v4 =	vld [tilespmem:s17+$0x20];
	v5 =	vadd.f32 v10, v5  }
0x1af: {  	v7 =	vld [tilespmem:s17+$0xFFFFFF20]  }
0x1b0: {  	v10 =	vld [tilespmem:s9+$0x30];
	v5 =	vmax.f32 v5, $0.0e+00  }
0x1b1: {  	v8 =	vadd.f32 v9, v8;
	[tilespmem:s9+$0xA0] =	vst v5;
	v5 =	vld [tilespmem:s9+$0xB0]  }
0x1b2: {  	v9 =	vld [tilespmem:s17+$0xB0]  }
0x1b3: {  	v14 =	vld [tilespmem:s9+$0xFFFFFF40];
	v8 =	vmax.f32 v8, $0.0e+00;
	v4 =	vadd.f32 v4, v6  }
0x1b4: {  	v6 =	vadd.f32 v7, v11;
	[tilespmem:s9+$0xFFFFFFA0] =	vst v8;
	v7 =	vld [tilespmem:s9+$0xFFFFFFC0]  }
0x1b5: {  	v8 =	vld [tilespmem:s17+$0xFFFFFFB0];
	v4 =	vmax.f32 v4, $0.0e+00  }
0x1b6: {  	v6 =	vmax.f32 v6, $0.0e+00;
	[tilespmem:s9+$0x20] =	vst v4;
	v11 =	vld [tilespmem:s9+$0x40]  }
0x1b7: {  	[tilespmem:s9+$0xFFFFFF20] =	vst v6;
	v4 =	vld [tilespmem:s17+$0x30];
	v5 =	vadd.f32 v9, v5  }
0x1b8: {  	v6 =	vld [tilespmem:s17+$0xFFFFFF30]  }
0x1b9: {  	v9 =	vld [tilespmem:s9+$0xFFFFFF50];
	v5 =	vmax.f32 v5, $0.0e+00  }
0x1ba: {  	v8 =	vadd.f32 v8, v13;
	[tilespmem:s9+$0xB0] =	vst v5;
	v5 =	vld [tilespmem:s9+$0xC0]  }
0x1bb: {  	v13 =	vld [tilespmem:s17+$0xC0]  }
0x1bc: {  	v8 =	vmax.f32 v8, $0.0e+00;
	v15 =	vld [tilespmem:s9+$0xFFFFFFD0];
	v4 =	vadd.f32 v4, v10  }
0x1bd: {  	v6 =	vadd.f32 v6, v12;
	[tilespmem:s9+$0xFFFFFFB0] =	vst v8;
	v8 =	vld [tilespmem:s9+$0x50]  }
0x1be: {  	v10 =	vld [tilespmem:s17+$0xFFFFFFC0];
	v12 =	vmax.f32 v4, $0.0e+00  }
0x1bf: {  	v6 =	vmax.f32 v6, $0.0e+00;
	v4 =	vld [tilespmem:s9+$0xFFFFFF60];
	[tilespmem:s9+$0x30] =	vst v12  }
0x1c0: {  	[tilespmem:s9+$0xFFFFFF30] =	vst v6;
	v6 =	vld [tilespmem:s17+$0x40];
	v12 =	vadd.f32 v13, v5  }
0x1c1: {  	v13 =	vld [tilespmem:s17+$0xFFFFFF40]  }
0x1c2: {  	v5 =	vld [tilespmem:s9+$0xFFFFFFE0];
	v12 =	vmax.f32 v12, $0.0e+00  }
0x1c3: {  	v7 =	vadd.f32 v10, v7;
	[tilespmem:s9+$0xC0] =	vst v12;
	v10 =	vld [tilespmem:s9+$0xD0]  }
0x1c4: {  	v12 =	vld [tilespmem:s17+$0xD0]  }
0x1c5: {  	v7 =	vmax.f32 v7, $0.0e+00;
	v11 =	vadd.f32 v6, v11;
	v6 =	vld [tilespmem:s9+$0x60]  }
0x1c6: {  	v13 =	vadd.f32 v13, v14;
	[tilespmem:s9+$0xFFFFFFC0] =	vst v7;
	v7 =	vld [tilespmem:s21+$0xFFFFFF70]  }
0x1c7: {  	v14 =	vld [tilespmem:s17+$0xFFFFFFD0];
	v11 =	vmax.f32 v11, $0.0e+00  }
0x1c8: {  	v13 =	vmax.f32 v13, $0.0e+00;
	[tilespmem:s9+$0x40] =	vst v11;
	v11 =	vld [tilespmem:s21+$0xFFFFFFF0]  }
0x1c9: {  	[tilespmem:s9+$0xFFFFFF40] =	vst v13;
	v13 =	vld [tilespmem:s17+$0x50];
	v10 =	vadd.f32 v12, v10  }
0x1ca: {  	v12 =	vld [tilespmem:s17+$0xFFFFFF50]  }
0x1cb: {  	v10 =	vmax.f32 v10, $0.0e+00;
	v3 =	vadd.f32 v7, v3;
	v7 =	vld [tilespmem:s21+$0x70];
	s21 =	smov.u32 s17  }
0x1cc: {  	v14 =	vadd.f32 v14, v15;
	[tilespmem:s9+$0xD0] =	vst v10;
	v10 =	vld [tilespmem:s9+$0xE0]  }
0x1cd: {  	v15 =	vld [tilespmem:s17+$0xE0];
	v16 =	vmax.f32 v3, $0.0e+00;
	v11 =	vadd.f32 v11, v2  }
0x1ce: {  	v3 =	vld [tilespmem:s9+$0xFFFFFF70];
	v2 =	vmax.f32 v14, $0.0e+00;
	v13 =	vadd.f32 v13, v8;
	[tilespmem:s13+$0xFFFFFF70] =	vst v16  }
0x1cf: {  	v9 =	vadd.f32 v12, v9;
	[tilespmem:s9+$0xFFFFFFD0] =	vst v2;
	v2 =	vld [tilespmem:s9+$0xFFFFFFF0];
	v11 =	vmax.f32 v11, $0.0e+00  }
.Ltmp9:
0x1d0: {  	v8 =	vld [tilespmem:s17+$0xFFFFFFE0];
	v12 =	vmax.f32 v13, $0.0e+00;
	[tilespmem:s13+$0xFFFFFFF0] =	vst v11;
	v7 =	vadd.f32 v7, v1;
	(pc) =	sbr.rel @p3 .LBB2_11-.Ltmp9, $4  }
0x1d1: {  	v9 =	vmax.f32 v9, $0.0e+00;
	[tilespmem:s9+$0x50] =	vst v12;
	v1 =	vld [tilespmem:s9+$0x70]  }
0x1d2: {  	[tilespmem:s9+$0xFFFFFF50] =	vst v9;
	v9 =	vld [tilespmem:s17+$0x60];
	v11 =	vadd.f32 v15, v10;
	v7 =	vmax.f32 v7, $0.0e+00  }
0x1d3: {  	v10 =	vld [tilespmem:s17+$0xFFFFFF60];
	[tilespmem:s13+$0x70] =	vst v7;
	s13 =	smov.u32 s9  }
0x1d4: {  	s9 =	sadd.s32 $0x200, s9;
	v11 =	vmax.f32 v11, $0.0e+00;
	v7 =	vld [tilespmem:s13+$0xF0]  }
0x1d5: {  	_ = 	snop  }
0x1d6: {  	v5 =	vadd.f32 v8, v5  }
0x1d7: {  	v6 =	vadd.f32 v9, v6  }
0x1d8: {  	[tilespmem:s13+$0xE0] =	vst v11;
	v5 =	vmax.f32 v5, $0.0e+00;
	v4 =	vadd.f32 v10, v4  }
0x1d9: {  	v58 =	vld [tilespmem:s21+$0xF0];
	[tilespmem:s13+$0xFFFFFFE0] =	vst v5;
	v59 =	vmax.f32 v6, $0.0e+00  }
0x1da: {  	v61 =	vld [tilespmem:s21+$0xFFFFFFF0];
	v4 =	vmax.f32 v4, $0.0e+00;
	[tilespmem:s13+$0x60] =	vst v59  }
0x1db: {  	[tilespmem:s13+$0xFFFFFF60] =	vst v4;
	v62 =	vld [tilespmem:s21+$0x70]  }
0x1dc: {  	v60 =	vld [tilespmem:s21+$0xFFFFFF70];
	_ =	sdelay $0x1  }
0x1dd: {  	v7 =	vadd.f32 v58, v7  }
0x1de: {  	v2 =	vadd.f32 v61, v2  }
0x1df: {  	v63 =	vmax.f32 v7, $0.0e+00;
	v1 =	vadd.f32 v62, v1  }
0x1e0: {  	[tilespmem:s13+$0xF0] =	vst v63;
	v2 =	vmax.f32 v2, $0.0e+00;
	v3 =	vadd.f32 v60, v3  }
0x1e1: {  	[tilespmem:s13+$0xFFFFFFF0] =	vst v2;
	v1 =	vmax.f32 v1, $0.0e+00  }
0x1e2: {  	v3 =	vmax.f32 v3, $0.0e+00;
	[tilespmem:s13+$0x70] =	vst v1  }
0x1e3: {  	[tilespmem:s13+$0xFFFFFF70] =	vst v3  }
0x1e4: {  	_ =	swait.ge [sflag:s29], $0x50  }
0x1e5: {  	[sflag:s29] =	ssyncset.done $0x0  }
0x1e6: {  	s9 =	simm.s32 $0xA280;
	s21 =	simm.s32 $0xA200;
	[sflag:s29] =	ssyncadd.s32 $0xFFFFFFB0  }
0x1e7: {  	[spmem:s2] =	stream.indirect.scatter.add.f32 [tilespmem:s19], [sflag:$0x6], $0x80, s9, s15, $0xb8;
	[tilespmem:$0x1F480] =	vst v63  }
.LBB2_13:
0x1e8: {  	p3 =	sgt.u32 s18, $0x7D  }
0x1e9: {  	s9 =	simm.s32 @!p3 $0x6  }
0x1ea: {  	_ =	swait.ge @!p3 [sflag:s9], $0x2800  }
0x1eb: {  	[sflag:s9] =	ssyncset.done @!p3 $0x0  }
0x1ec: {  	[sflag:s9] =	ssyncadd.s32 @!p3 $0xFFFFD800;
	s9 =	simm.s32 @!p1 $0xA  }
0x1ed: {  	s11 =	simm.s32 @!p1 $0x7800;
	_ =	swait.ge @!p1 [sflag:s9], $0x50  }
0x1ee: {  	s4 =	sadd.s32 $0x4, s4;
	p3 =	seq.s32 s8, $0x1F;
	[sflag:s9] =	ssyncset.done @!p1 $0x0  }
0x1ef: {  	s4 =	smul.u32 @!p3 $0x50, s4;
	[sflag:s9] =	ssyncadd.s32 @!p1 $0xFFFFFFB0;
	s9 =	simm.s32 @!p1 $0x50  }
0x1f0: {  	[tilespmem:s11], [sflag:$0x4] =	stream.indirect.gather @!p1 [hbm4b:s1+s9], $0x80, s12, s9, $0xb8;
	[tilespmem:$0x1F480] =	vst v63  }
0x1f1: {  	s9 =	sshll.u32 @!p1 s14, $0x4  }
0x1f2: {  	s18 =	sadd.s32 @!p3 s10, s4;
	s11 =	simm.s32 @!p1 $0x2800;
	s9 =	sadd.s32 @!p1 s5, s9  }
0x1f3: {  	[tilespmem:s11], [sflag:$0x2] =	stream.linear.gather @!p1 [hbm4b:s9+s20], $0x2800, $0x38;
	[tilespmem:$0x1F480] =	vst v63  }
.Ltmp10:
0x1f4: {  	s9 =	sshrl.u32 @!p3 s18, $0x3;
	(pc) =	sbr.rel @!p2 .LBB2_17-.Ltmp10, $4  }
0x1f5: {  	s4 =	simm.s32 @!p3 $0x0;
	s12 =	simm.s32 @!p3 $0xA000;
	s11 =	sadd.s32 @!p3 s6, s9  }
0x1f6: {  	[tilespmem:s12], [sflag:$0x7] =	stream.linear.gather @!p3 [hbm4b:s11+s4], $0x50, $0x38;
	[tilespmem:$0x1F480] =	vst v63  }
0x1f7: {  	s9 =	sadd.s32 @!p3 s7, s9;
	s11 =	simm.s32 @!p3 $0xA200  }
0x1f8: {  	[tilespmem:s11], [sflag:$0xB] =	stream.linear.gather @!p3 [hbm4b:s9+s4], $0x50, $0x38;
	[tilespmem:$0x1F480] =	vst v63  }
0x1f9: {  	_ =	swait.ge [sflag:s16], $0x2800  }
0x1fa: {  	[sflag:s16] =	ssyncset.done $0x0  }
0x1fb: {  	[sflag:s16] =	ssyncadd.s32 $0xFFFFD800  }
0x1fc: {  	_ =	swait.ge [sflag:s22], $0x2800  }
0x1fd: {  	[sflag:s22] =	ssyncset.done $0x0  }
0x1fe: {  	s13 =	simm.s32 $0x100;
	[sflag:s22] =	ssyncadd.s32 $0xFFFFD800  }
0x1ff: {  	s14 =	simm.s32 $0x5100;
	v1 =	vld [tilespmem:s13+$0x80]  }
0x200: {  	v2 =	vld [tilespmem:s14+$0x80]  }
0x201: {  	v3 =	vld [tilespmem:s14+$0xFFFFFF00]  }
0x202: {  	v4 =	vld [tilespmem:s13+$0xFFFFFF80]  }
0x203: {  	v5 =	vld [tilespmem:s14+$0xFFFFFF80]  }
0x204: {  	v6 =	vld [tilespmem:s14+$0x0]  }
0x205: {  	v1 =	vadd.f32 v2, v1;
	v2 =	vld [tilespmem:s13+$0x0]  }
0x206: {  	v7 =	vld [tilespmem:s13+$0xFFFFFF00]  }
0x207: {  	v1 =	vmax.f32 v1, $0.0e+00  }
0x208: {  	v4 =	vadd.f32 v5, v4;
	[tilespmem:s13+$0x80] =	vst v1;
	v1 =	vld [tilespmem:s13+$0x90]  }
0x209: {  	v8 =	vld [tilespmem:s14+$0x90]  }
0x20a: {  	v9 =	vld [tilespmem:s13+$0xFFFFFF90];
	v4 =	vmax.f32 v4, $0.0e+00;
	v2 =	vadd.f32 v6, v2  }
0x20b: {  	v5 =	vld [tilespmem:s13+$0xFFFFFF10];
	v3 =	vadd.f32 v3, v7;
	[tilespmem:s13+$0xFFFFFF80] =	vst v4  }
0x20c: {  	v6 =	vld [tilespmem:s14+$0xFFFFFF90];
	v2 =	vmax.f32 v2, $0.0e+00  }
0x20d: {  	v3 =	vmax.f32 v3, $0.0e+00;
	v4 =	vld [tilespmem:s13+$0x10];
	[tilespmem:s13+$0x0] =	vst v2  }
0x20e: {  	[tilespmem:s13+$0xFFFFFF00] =	vst v3;
	v1 =	vadd.f32 v8, v1;
	v2 =	vld [tilespmem:s14+$0x10]  }
0x20f: {  	v3 =	vld [tilespmem:s14+$0xFFFFFF10]  }
0x210: {  	v1 =	vmax.f32 v1, $0.0e+00  }
0x211: {  	v6 =	vadd.f32 v6, v9;
	[tilespmem:s13+$0x90] =	vst v1;
	v1 =	vld [tilespmem:s13+$0xA0]  }
0x212: {  	v8 =	vld [tilespmem:s14+$0xA0]  }
0x213: {  	v7 =	vld [tilespmem:s13+$0xFFFFFF20];
	v6 =	vmax.f32 v6, $0.0e+00;
	v2 =	vadd.f32 v2, v4  }
0x214: {  	v3 =	vadd.f32 v3, v5;
	v9 =	vld [tilespmem:s13+$0xFFFFFFA0];
	[tilespmem:s13+$0xFFFFFF90] =	vst v6  }
0x215: {  	v5 =	vld [tilespmem:s14+$0xFFFFFFA0];
	v2 =	vmax.f32 v2, $0.0e+00  }
0x216: {  	v3 =	vmax.f32 v3, $0.0e+00;
	v4 =	vld [tilespmem:s13+$0x20];
	[tilespmem:s13+$0x10] =	vst v2  }
0x217: {  	[tilespmem:s13+$0xFFFFFF10] =	vst v3;
	v1 =	vadd.f32 v8, v1;
	v2 =	vld [tilespmem:s14+$0x20]  }
0x218: {  	v3 =	vld [tilespmem:s14+$0xFFFFFF20]  }
0x219: {  	v1 =	vmax.f32 v1, $0.0e+00  }
0x21a: {  	v5 =	vadd.f32 v5, v9;
	[tilespmem:s13+$0xA0] =	vst v1;
	v1 =	vld [tilespmem:s13+$0xB0]  }
0x21b: {  	v8 =	vld [tilespmem:s14+$0xB0]  }
0x21c: {  	v10 =	vld [tilespmem:s13+$0x30];
	v5 =	vmax.f32 v5, $0.0e+00;
	v2 =	vadd.f32 v2, v4  }
0x21d: {  	v3 =	vadd.f32 v3, v7;
	v9 =	vld [tilespmem:s13+$0xFFFFFFB0];
	[tilespmem:s13+$0xFFFFFFA0] =	vst v5  }
0x21e: {  	v4 =	vld [tilespmem:s14+$0xFFFFFFB0];
	v2 =	vmax.f32 v2, $0.0e+00  }
0x21f: {  	v6 =	vld [tilespmem:s13+$0xFFFFFF30];
	[tilespmem:s13+$0x20] =	vst v2;
	v2 =	vmax.f32 v3, $0.0e+00  }
0x220: {  	v1 =	vadd.f32 v8, v1;
	[tilespmem:s13+$0xFFFFFF20] =	vst v2;
	v2 =	vld [tilespmem:s14+$0x30]  }
0x221: {  	v7 =	vld [tilespmem:s14+$0xFFFFFF30]  }
0x222: {  	v11 =	vld [tilespmem:s13+$0xFFFFFF40];
	v1 =	vmax.f32 v1, $0.0e+00  }
0x223: {  	v4 =	vadd.f32 v4, v9;
	[tilespmem:s13+$0xB0] =	vst v1;
	v1 =	vld [tilespmem:s13+$0xC0]  }
0x224: {  	v8 =	vld [tilespmem:s14+$0xC0]  }
0x225: {  	v12 =	vld [tilespmem:s13+$0xFFFFFFD0];
	v4 =	vmax.f32 v4, $0.0e+00;
	v2 =	vadd.f32 v2, v10  }
0x226: {  	v5 =	vld [tilespmem:s13+$0xFFFFFFC0];
	[tilespmem:s13+$0xFFFFFFB0] =	vst v4;
	v6 =	vadd.f32 v7, v6  }
0x227: {  	v7 =	vld [tilespmem:s14+$0xFFFFFFC0];
	v2 =	vmax.f32 v2, $0.0e+00  }
0x228: {  	v3 =	vld [tilespmem:s13+$0x40];
	[tilespmem:s13+$0x30] =	vst v2;
	v2 =	vmax.f32 v6, $0.0e+00  }
0x229: {  	v1 =	vadd.f32 v8, v1;
	v6 =	vld [tilespmem:s14+$0x40];
	[tilespmem:s13+$0xFFFFFF30] =	vst v2  }
0x22a: {  	v2 =	vld [tilespmem:s14+$0xFFFFFF40]  }
0x22b: {  	v9 =	vld [tilespmem:s13+$0xFFFFFF50];
	v1 =	vmax.f32 v1, $0.0e+00  }
0x22c: {  	[tilespmem:s13+$0xC0] =	vst v1;
	v1 =	vadd.f32 v7, v5;
	v7 =	vld [tilespmem:s13+$0xD0]  }
0x22d: {  	v8 =	vld [tilespmem:s14+$0xD0]  }
0x22e: {  	v4 =	vld [tilespmem:s13+$0xFFFFFF60];
	v1 =	vmax.f32 v1, $0.0e+00;
	v3 =	vadd.f32 v6, v3  }
0x22f: {  	v10 =	vld [tilespmem:s13+$0x50];
	[tilespmem:s13+$0xFFFFFFC0] =	vst v1;
	v1 =	vadd.f32 v2, v11  }
0x230: {  	v2 =	vld [tilespmem:s14+$0xFFFFFFD0];
	v3 =	vmax.f32 v3, $0.0e+00  }
0x231: {  	v5 =	vld [tilespmem:s13+$0xFFFFFFE0];
	[tilespmem:s13+$0x40] =	vst v3;
	v1 =	vmax.f32 v1, $0.0e+00  }
0x232: {  	v3 =	vld [tilespmem:s14+$0x50];
	v7 =	vadd.f32 v8, v7;
	[tilespmem:s13+$0xFFFFFF40] =	vst v1  }
0x233: {  	v1 =	vld [tilespmem:s14+$0xFFFFFF50]  }
0x234: {  	v6 =	vld [tilespmem:s13+$0x60];
	v7 =	vmax.f32 v7, $0.0e+00  }
0x235: {  	v2 =	vadd.f32 v2, v12;
	[tilespmem:s13+$0xD0] =	vst v7;
	v7 =	vld [tilespmem:s13+$0xE0]  }
0x236: {  	v11 =	vld [tilespmem:s14+$0xE0]  }
0x237: {  	v2 =	vmax.f32 v2, $0.0e+00;
	v8 =	vadd.f32 v3, v10;
	v3 =	vld [tilespmem:s13+$0xFFFFFF70]  }
0x238: {  	[tilespmem:s13+$0xFFFFFFD0] =	vst v2;
	v1 =	vadd.f32 v1, v9;
	v2 =	vld [tilespmem:s13+$0xFFFFFFF0]  }
0x239: {  	v9 =	vmax.f32 v8, $0.0e+00;
	v8 =	vld [tilespmem:s14+$0xFFFFFFE0]  }
0x23a: {  	[tilespmem:s13+$0x50] =	vst v9;
	v9 =	vmax.f32 v1, $0.0e+00;
	v1 =	vld [tilespmem:s13+$0x70]  }
0x23b: {  	[tilespmem:s13+$0xFFFFFF50] =	vst v9;
	v9 =	vld [tilespmem:s14+$0x60];
	v7 =	vadd.f32 v11, v7  }
0x23c: {  	v10 =	vld [tilespmem:s14+$0xFFFFFF60]  }
0x23d: {  	s11 =	simm.s32 $0x0;
	s9 =	simm.s32 $0x300;
	s17 =	simm.s32 $0x5100;
	v11 =	vmax.f32 v7, $0.0e+00;
	v7 =	vld [tilespmem:s13+$0xF0]  }
.LBB2_15:
0x23e: {  	v12 =	vld [tilespmem:s9+$0x80];
	v5 =	vadd.f32 v8, v5;
	[tilespmem:s13+$0xE0] =	vst v11  }
0x23f: {  	s17 =	sadd.s32 $0x200, s17;
	v8 =	vld [tilespmem:s14+$0xF0]  }
0x240: {  	s11 =	sadd.s32 $0x4, s11;
	v11 =	vld [tilespmem:s17+$0x80];
	v5 =	vmax.f32 v5, $0.0e+00;
	v6 =	vadd.f32 v9, v6  }
0x241: {  	p2 =	slt.u32 s11, $0x4C;
	v9 =	vld [tilespmem:s17+$0xFFFFFF00];
	v4 =	vadd.f32 v10, v4;
	[tilespmem:s13+$0xFFFFFFE0] =	vst v5  }
0x242: {  	v5 =	vld [tilespmem:s9+$0xFFFFFF80];
	v6 =	vmax.f32 v6, $0.0e+00  }
0x243: {  	v10 =	vld [tilespmem:s17+$0xFFFFFF80];
	v4 =	vmax.f32 v4, $0.0e+00;
	[tilespmem:s13+$0x60] =	vst v6  }
0x244: {  	v6 =	vld [tilespmem:s9+$0x0];
	[tilespmem:s13+$0xFFFFFF60] =	vst v4;
	v4 =	vadd.f32 v8, v7  }
0x245: {  	v7 =	vld [tilespmem:s17+$0x0];
	v8 =	vadd.f32 v11, v12  }
0x246: {  	v11 =	vld [tilespmem:s9+$0xFFFFFF00];
	v4 =	vmax.f32 v4, $0.0e+00  }
0x247: {  	v12 =	vld [tilespmem:s9+$0xFFFFFF10];
	v8 =	vmax.f32 v8, $0.0e+00;
	[tilespmem:s13+$0xF0] =	vst v4  }
0x248: {  	v4 =	vadd.f32 v10, v5;
	[tilespmem:s9+$0x80] =	vst v8;
	v5 =	vld [tilespmem:s9+$0x90]  }
0x249: {  	v8 =	vld [tilespmem:s17+$0x90]  }
0x24a: {  	v4 =	vmax.f32 v4, $0.0e+00;
	v10 =	vld [tilespmem:s9+$0xFFFFFF90];
	v6 =	vadd.f32 v7, v6  }
0x24b: {  	v7 =	vadd.f32 v9, v11;
	[tilespmem:s9+$0xFFFFFF80] =	vst v4;
	v4 =	vld [tilespmem:s9+$0x10]  }
0x24c: {  	v9 =	vld [tilespmem:s17+$0xFFFFFF90];
	v6 =	vmax.f32 v6, $0.0e+00  }
0x24d: {  	v7 =	vmax.f32 v7, $0.0e+00;
	v11 =	vld [tilespmem:s9+$0xFFFFFF20];
	[tilespmem:s9+$0x0] =	vst v6  }
0x24e: {  	[tilespmem:s9+$0xFFFFFF00] =	vst v7;
	v6 =	vld [tilespmem:s17+$0x10];
	v5 =	vadd.f32 v8, v5  }
0x24f: {  	v7 =	vld [tilespmem:s17+$0xFFFFFF10]  }
0x250: {  	v8 =	vld [tilespmem:s9+$0xFFFFFFA0];
	v5 =	vmax.f32 v5, $0.0e+00  }
0x251: {  	v9 =	vadd.f32 v9, v10;
	[tilespmem:s9+$0x90] =	vst v5;
	v5 =	vld [tilespmem:s9+$0xA0]  }
0x252: {  	v10 =	vld [tilespmem:s17+$0xA0]  }
0x253: {  	v9 =	vmax.f32 v9, $0.0e+00;
	v4 =	vadd.f32 v6, v4;
	v6 =	vld [tilespmem:s9+$0x20]  }
0x254: {  	v7 =	vadd.f32 v7, v12;
	v12 =	vld [tilespmem:s9+$0xFFFFFF30];
	[tilespmem:s9+$0xFFFFFF90] =	vst v9  }
0x255: {  	v9 =	vld [tilespmem:s17+$0xFFFFFFA0];
	v4 =	vmax.f32 v4, $0.0e+00  }
0x256: {  	v7 =	vmax.f32 v7, $0.0e+00;
	v13 =	vld [tilespmem:s9+$0xFFFFFFB0];
	[tilespmem:s9+$0x10] =	vst v4  }
0x257: {  	[tilespmem:s9+$0xFFFFFF10] =	vst v7;
	v4 =	vld [tilespmem:s17+$0x20];
	v5 =	vadd.f32 v10, v5  }
0x258: {  	v7 =	vld [tilespmem:s17+$0xFFFFFF20]  }
0x259: {  	v10 =	vld [tilespmem:s9+$0x30];
	v5 =	vmax.f32 v5, $0.0e+00  }
0x25a: {  	v8 =	vadd.f32 v9, v8;
	[tilespmem:s9+$0xA0] =	vst v5;
	v5 =	vld [tilespmem:s9+$0xB0]  }
0x25b: {  	v9 =	vld [tilespmem:s17+$0xB0]  }
0x25c: {  	v14 =	vld [tilespmem:s9+$0xFFFFFF40];
	v8 =	vmax.f32 v8, $0.0e+00;
	v4 =	vadd.f32 v4, v6  }
0x25d: {  	v6 =	vadd.f32 v7, v11;
	[tilespmem:s9+$0xFFFFFFA0] =	vst v8;
	v7 =	vld [tilespmem:s9+$0xFFFFFFC0]  }
0x25e: {  	v8 =	vld [tilespmem:s17+$0xFFFFFFB0];
	v4 =	vmax.f32 v4, $0.0e+00  }
0x25f: {  	v6 =	vmax.f32 v6, $0.0e+00;
	[tilespmem:s9+$0x20] =	vst v4;
	v11 =	vld [tilespmem:s9+$0x40]  }
0x260: {  	[tilespmem:s9+$0xFFFFFF20] =	vst v6;
	v4 =	vld [tilespmem:s17+$0x30];
	v5 =	vadd.f32 v9, v5  }
0x261: {  	v6 =	vld [tilespmem:s17+$0xFFFFFF30]  }
0x262: {  	v9 =	vld [tilespmem:s9+$0xFFFFFF50];
	v5 =	vmax.f32 v5, $0.0e+00  }
0x263: {  	v8 =	vadd.f32 v8, v13;
	[tilespmem:s9+$0xB0] =	vst v5;
	v5 =	vld [tilespmem:s9+$0xC0]  }
0x264: {  	v13 =	vld [tilespmem:s17+$0xC0]  }
0x265: {  	v8 =	vmax.f32 v8, $0.0e+00;
	v15 =	vld [tilespmem:s9+$0xFFFFFFD0];
	v4 =	vadd.f32 v4, v10  }
0x266: {  	v6 =	vadd.f32 v6, v12;
	[tilespmem:s9+$0xFFFFFFB0] =	vst v8;
	v8 =	vld [tilespmem:s9+$0x50]  }
0x267: {  	v10 =	vld [tilespmem:s17+$0xFFFFFFC0];
	v12 =	vmax.f32 v4, $0.0e+00  }
0x268: {  	v6 =	vmax.f32 v6, $0.0e+00;
	v4 =	vld [tilespmem:s9+$0xFFFFFF60];
	[tilespmem:s9+$0x30] =	vst v12  }
0x269: {  	[tilespmem:s9+$0xFFFFFF30] =	vst v6;
	v6 =	vld [tilespmem:s17+$0x40];
	v12 =	vadd.f32 v13, v5  }
0x26a: {  	v13 =	vld [tilespmem:s17+$0xFFFFFF40]  }
0x26b: {  	v5 =	vld [tilespmem:s9+$0xFFFFFFE0];
	v12 =	vmax.f32 v12, $0.0e+00  }
0x26c: {  	v7 =	vadd.f32 v10, v7;
	[tilespmem:s9+$0xC0] =	vst v12;
	v10 =	vld [tilespmem:s9+$0xD0]  }
0x26d: {  	v12 =	vld [tilespmem:s17+$0xD0]  }
0x26e: {  	v7 =	vmax.f32 v7, $0.0e+00;
	v11 =	vadd.f32 v6, v11;
	v6 =	vld [tilespmem:s9+$0x60]  }
0x26f: {  	v13 =	vadd.f32 v13, v14;
	[tilespmem:s9+$0xFFFFFFC0] =	vst v7;
	v7 =	vld [tilespmem:s14+$0xFFFFFF70]  }
0x270: {  	v14 =	vld [tilespmem:s17+$0xFFFFFFD0];
	v11 =	vmax.f32 v11, $0.0e+00  }
0x271: {  	v13 =	vmax.f32 v13, $0.0e+00;
	[tilespmem:s9+$0x40] =	vst v11;
	v11 =	vld [tilespmem:s14+$0xFFFFFFF0]  }
0x272: {  	[tilespmem:s9+$0xFFFFFF40] =	vst v13;
	v13 =	vld [tilespmem:s17+$0x50];
	v10 =	vadd.f32 v12, v10  }
0x273: {  	v12 =	vld [tilespmem:s17+$0xFFFFFF50]  }
0x274: {  	v10 =	vmax.f32 v10, $0.0e+00;
	v3 =	vadd.f32 v7, v3;
	v7 =	vld [tilespmem:s14+$0x70];
	s14 =	smov.u32 s17  }
0x275: {  	v14 =	vadd.f32 v14, v15;
	[tilespmem:s9+$0xD0] =	vst v10;
	v10 =	vld [tilespmem:s9+$0xE0]  }
0x276: {  	v15 =	vld [tilespmem:s17+$0xE0];
	v16 =	vmax.f32 v3, $0.0e+00;
	v11 =	vadd.f32 v11, v2  }
0x277: {  	v3 =	vld [tilespmem:s9+$0xFFFFFF70];
	v2 =	vmax.f32 v14, $0.0e+00;
	v13 =	vadd.f32 v13, v8;
	[tilespmem:s13+$0xFFFFFF70] =	vst v16  }
0x278: {  	v9 =	vadd.f32 v12, v9;
	[tilespmem:s9+$0xFFFFFFD0] =	vst v2;
	v2 =	vld [tilespmem:s9+$0xFFFFFFF0];
	v11 =	vmax.f32 v11, $0.0e+00  }
.Ltmp11:
0x279: {  	v8 =	vld [tilespmem:s17+$0xFFFFFFE0];
	v12 =	vmax.f32 v13, $0.0e+00;
	[tilespmem:s13+$0xFFFFFFF0] =	vst v11;
	v7 =	vadd.f32 v7, v1;
	(pc) =	sbr.rel @p2 .LBB2_15-.Ltmp11, $4  }
0x27a: {  	v9 =	vmax.f32 v9, $0.0e+00;
	[tilespmem:s9+$0x50] =	vst v12;
	v1 =	vld [tilespmem:s9+$0x70]  }
0x27b: {  	[tilespmem:s9+$0xFFFFFF50] =	vst v9;
	v9 =	vld [tilespmem:s17+$0x60];
	v11 =	vadd.f32 v15, v10;
	v7 =	vmax.f32 v7, $0.0e+00  }
0x27c: {  	v10 =	vld [tilespmem:s17+$0xFFFFFF60];
	[tilespmem:s13+$0x70] =	vst v7;
	s13 =	smov.u32 s9  }
0x27d: {  	s9 =	sadd.s32 $0x200, s9;
	v11 =	vmax.f32 v11, $0.0e+00;
	v7 =	vld [tilespmem:s13+$0xF0]  }
0x27e: {  	_ = 	snop  }
0x27f: {  	v5 =	vadd.f32 v8, v5  }
0x280: {  	v6 =	vadd.f32 v9, v6  }
0x281: {  	[tilespmem:s13+$0xE0] =	vst v11;
	v5 =	vmax.f32 v5, $0.0e+00;
	v4 =	vadd.f32 v10, v4  }
0x282: {  	v58 =	vld [tilespmem:s14+$0xF0];
	[tilespmem:s13+$0xFFFFFFE0] =	vst v5;
	v59 =	vmax.f32 v6, $0.0e+00  }
0x283: {  	v61 =	vld [tilespmem:s14+$0xFFFFFFF0];
	v4 =	vmax.f32 v4, $0.0e+00;
	[tilespmem:s13+$0x60] =	vst v59  }
0x284: {  	[tilespmem:s13+$0xFFFFFF60] =	vst v4;
	v62 =	vld [tilespmem:s14+$0x70]  }
0x285: {  	v60 =	vld [tilespmem:s14+$0xFFFFFF70];
	_ =	sdelay $0x1  }
0x286: {  	v7 =	vadd.f32 v58, v7  }
0x287: {  	v2 =	vadd.f32 v61, v2  }
0x288: {  	v63 =	vmax.f32 v7, $0.0e+00;
	v1 =	vadd.f32 v62, v1  }
0x289: {  	[tilespmem:s13+$0xF0] =	vst v63;
	v2 =	vmax.f32 v2, $0.0e+00;
	v3 =	vadd.f32 v60, v3  }
0x28a: {  	[tilespmem:s13+$0xFFFFFFF0] =	vst v2;
	v1 =	vmax.f32 v1, $0.0e+00  }
0x28b: {  	v3 =	vmax.f32 v3, $0.0e+00;
	[tilespmem:s13+$0x70] =	vst v1  }
0x28c: {  	[tilespmem:s13+$0xFFFFFF70] =	vst v3  }
0x28d: {  	_ =	swait.ge [sflag:s30], $0x50  }
0x28e: {  	[sflag:s30] =	ssyncset.done $0x0  }
0x28f: {  	s9 =	simm.s32 $0xA300;
	[sflag:s30] =	ssyncadd.s32 $0xFFFFFFB0  }
0x290: {  	[spmem:s2] =	stream.indirect.scatter.add.f32 [tilespmem:s3], [sflag:$0x5], $0x80, s9, s15, $0xb8;
	[tilespmem:$0x1F480] =	vst v63  }
.LBB2_17:
0x291: {  	p2 =	sgt.u32 s31, $0x7D  }
0x292: {  	s9 =	simm.s32 @!p2 $0x5  }
0x293: {  	_ =	swait.ge @!p2 [sflag:s9], $0x2800  }
0x294: {  	[sflag:s9] =	ssyncset.done @!p2 $0x0  }
0x295: {  	[sflag:s9] =	ssyncadd.s32 @!p2 $0xFFFFD800;
	s9 =	simm.s32 @!p3 $0x7  }
0x296: {  	_ =	swait.ge @!p3 [sflag:s9], $0x50  }
0x297: {  	s11 =	simm.s32 @!p3 $0x5000;
	[sflag:s9] =	ssyncset.done @!p3 $0x0  }
0x298: {  	p2 =	sgt.u32 @!p3 s8, $0x1D;
	[sflag:s9] =	ssyncadd.s32 @!p3 $0xFFFFFFB0;
	s9 =	simm.s32 @!p3 $0x50  }
0x299: {  	[tilespmem:s11], [sflag:$0x3] =	stream.indirect.gather @!p3 [hbm4b:s1+s9], $0x80, s12, s9, $0xb8;
	[tilespmem:$0x1F480] =	vst v63  }
0x29a: {  	p2 =	por p2, p3;
	s9 =	sshll.u32 @!p3 s18, $0x4  }
0x29b: {  	s11 =	smul.u32 @!p2 $0x140, s8;
	s9 =	sadd.s32 @!p3 s5, s9  }
0x29c: {  	[tilespmem:s4], [sflag:$0x1] =	stream.linear.gather @!p3 [hbm4b:s9+s4], $0x2800, $0x38;
	[tilespmem:$0x1F480] =	vst v63  }
0x29d: {  	s4 =	sadd.s32 @!p2 s11, s0  }
.Ltmp12:
0x29e: {  	s4 =	sshrl.u32 @!p2 s4, $0x3;
	(pc) =	sbr.rel @p1 .LBB2_21-.Ltmp12, $4  }
0x29f: {  	s12 =	simm.s32 @!p2 $0xA080;
	s11 =	simm.s32 @!p2 $0x0;
	s9 =	sadd.s32 @!p2 s6, s4  }
0x2a0: {  	[tilespmem:s12], [sflag:$0x8] =	stream.linear.gather @!p2 [hbm4b:s9+s11], $0x50, $0x38;
	[tilespmem:$0x1F480] =	vst v63  }
0x2a1: {  	s4 =	sadd.s32 @!p2 s7, s4;
	s9 =	simm.s32 @!p2 $0xA280  }
0x2a2: {  	[tilespmem:s9], [sflag:$0xC] =	stream.linear.gather @!p2 [hbm4b:s4+s11], $0x50, $0x38;
	[tilespmem:$0x1F480] =	vst v63  }
0x2a3: {  	_ =	swait.ge [sflag:s26], $0x2800  }
0x2a4: {  	[sflag:s26] =	ssyncset.done $0x0  }
0x2a5: {  	[sflag:s26] =	ssyncadd.s32 $0xFFFFD800  }
0x2a6: {  	_ =	swait.ge [sflag:s28], $0x2800  }
0x2a7: {  	[sflag:s28] =	ssyncset.done $0x0  }
0x2a8: {  	s4 =	simm.s32 $0x2900;
	[sflag:s28] =	ssyncadd.s32 $0xFFFFD800  }
0x2a9: {  	s12 =	simm.s32 $0x7900;
	v1 =	vld [tilespmem:s4+$0x80]  }
0x2aa: {  	v2 =	vld [tilespmem:s12+$0x80]  }
0x2ab: {  	v3 =	vld [tilespmem:s12+$0xFFFFFF00]  }
0x2ac: {  	v4 =	vld [tilespmem:s4+$0xFFFFFF80]  }
0x2ad: {  	v5 =	vld [tilespmem:s12+$0xFFFFFF80]  }
0x2ae: {  	v6 =	vld [tilespmem:s12+$0x0]  }
0x2af: {  	v1 =	vadd.f32 v2, v1;
	v2 =	vld [tilespmem:s4+$0x0]  }
0x2b0: {  	v7 =	vld [tilespmem:s4+$0xFFFFFF00]  }
0x2b1: {  	v1 =	vmax.f32 v1, $0.0e+00  }
0x2b2: {  	v4 =	vadd.f32 v5, v4;
	[tilespmem:s4+$0x80] =	vst v1;
	v1 =	vld [tilespmem:s4+$0x90]  }
0x2b3: {  	v8 =	vld [tilespmem:s12+$0x90]  }
0x2b4: {  	v9 =	vld [tilespmem:s4+$0xFFFFFF90];
	v4 =	vmax.f32 v4, $0.0e+00;
	v2 =	vadd.f32 v6, v2  }
0x2b5: {  	v5 =	vld [tilespmem:s4+$0xFFFFFF10];
	v3 =	vadd.f32 v3, v7;
	[tilespmem:s4+$0xFFFFFF80] =	vst v4  }
0x2b6: {  	v6 =	vld [tilespmem:s12+$0xFFFFFF90];
	v2 =	vmax.f32 v2, $0.0e+00  }
0x2b7: {  	v3 =	vmax.f32 v3, $0.0e+00;
	v4 =	vld [tilespmem:s4+$0x10];
	[tilespmem:s4+$0x0] =	vst v2  }
0x2b8: {  	[tilespmem:s4+$0xFFFFFF00] =	vst v3;
	v1 =	vadd.f32 v8, v1;
	v2 =	vld [tilespmem:s12+$0x10]  }
0x2b9: {  	v3 =	vld [tilespmem:s12+$0xFFFFFF10]  }
0x2ba: {  	v1 =	vmax.f32 v1, $0.0e+00  }
0x2bb: {  	v6 =	vadd.f32 v6, v9;
	[tilespmem:s4+$0x90] =	vst v1;
	v1 =	vld [tilespmem:s4+$0xA0]  }
0x2bc: {  	v8 =	vld [tilespmem:s12+$0xA0]  }
0x2bd: {  	v7 =	vld [tilespmem:s4+$0xFFFFFF20];
	v6 =	vmax.f32 v6, $0.0e+00;
	v2 =	vadd.f32 v2, v4  }
0x2be: {  	v3 =	vadd.f32 v3, v5;
	v9 =	vld [tilespmem:s4+$0xFFFFFFA0];
	[tilespmem:s4+$0xFFFFFF90] =	vst v6  }
0x2bf: {  	v5 =	vld [tilespmem:s12+$0xFFFFFFA0];
	v2 =	vmax.f32 v2, $0.0e+00  }
0x2c0: {  	v3 =	vmax.f32 v3, $0.0e+00;
	v4 =	vld [tilespmem:s4+$0x20];
	[tilespmem:s4+$0x10] =	vst v2  }
0x2c1: {  	[tilespmem:s4+$0xFFFFFF10] =	vst v3;
	v1 =	vadd.f32 v8, v1;
	v2 =	vld [tilespmem:s12+$0x20]  }
0x2c2: {  	v3 =	vld [tilespmem:s12+$0xFFFFFF20]  }
0x2c3: {  	v1 =	vmax.f32 v1, $0.0e+00  }
0x2c4: {  	v5 =	vadd.f32 v5, v9;
	[tilespmem:s4+$0xA0] =	vst v1;
	v1 =	vld [tilespmem:s4+$0xB0]  }
0x2c5: {  	v8 =	vld [tilespmem:s12+$0xB0]  }
0x2c6: {  	v10 =	vld [tilespmem:s4+$0x30];
	v5 =	vmax.f32 v5, $0.0e+00;
	v2 =	vadd.f32 v2, v4  }
0x2c7: {  	v3 =	vadd.f32 v3, v7;
	v9 =	vld [tilespmem:s4+$0xFFFFFFB0];
	[tilespmem:s4+$0xFFFFFFA0] =	vst v5  }
0x2c8: {  	v4 =	vld [tilespmem:s12+$0xFFFFFFB0];
	v2 =	vmax.f32 v2, $0.0e+00  }
0x2c9: {  	v6 =	vld [tilespmem:s4+$0xFFFFFF30];
	[tilespmem:s4+$0x20] =	vst v2;
	v2 =	vmax.f32 v3, $0.0e+00  }
0x2ca: {  	v1 =	vadd.f32 v8, v1;
	[tilespmem:s4+$0xFFFFFF20] =	vst v2;
	v2 =	vld [tilespmem:s12+$0x30]  }
0x2cb: {  	v7 =	vld [tilespmem:s12+$0xFFFFFF30]  }
0x2cc: {  	v11 =	vld [tilespmem:s4+$0xFFFFFF40];
	v1 =	vmax.f32 v1, $0.0e+00  }
0x2cd: {  	v4 =	vadd.f32 v4, v9;
	[tilespmem:s4+$0xB0] =	vst v1;
	v1 =	vld [tilespmem:s4+$0xC0]  }
0x2ce: {  	v8 =	vld [tilespmem:s12+$0xC0]  }
0x2cf: {  	v12 =	vld [tilespmem:s4+$0xFFFFFFD0];
	v4 =	vmax.f32 v4, $0.0e+00;
	v2 =	vadd.f32 v2, v10  }
0x2d0: {  	v5 =	vld [tilespmem:s4+$0xFFFFFFC0];
	[tilespmem:s4+$0xFFFFFFB0] =	vst v4;
	v6 =	vadd.f32 v7, v6  }
0x2d1: {  	v7 =	vld [tilespmem:s12+$0xFFFFFFC0];
	v2 =	vmax.f32 v2, $0.0e+00  }
0x2d2: {  	v3 =	vld [tilespmem:s4+$0x40];
	[tilespmem:s4+$0x30] =	vst v2;
	v2 =	vmax.f32 v6, $0.0e+00  }
0x2d3: {  	v1 =	vadd.f32 v8, v1;
	v6 =	vld [tilespmem:s12+$0x40];
	[tilespmem:s4+$0xFFFFFF30] =	vst v2  }
0x2d4: {  	v2 =	vld [tilespmem:s12+$0xFFFFFF40]  }
0x2d5: {  	v9 =	vld [tilespmem:s4+$0xFFFFFF50];
	v1 =	vmax.f32 v1, $0.0e+00  }
0x2d6: {  	[tilespmem:s4+$0xC0] =	vst v1;
	v1 =	vadd.f32 v7, v5;
	v7 =	vld [tilespmem:s4+$0xD0]  }
0x2d7: {  	v8 =	vld [tilespmem:s12+$0xD0]  }
0x2d8: {  	v4 =	vld [tilespmem:s4+$0xFFFFFF60];
	v1 =	vmax.f32 v1, $0.0e+00;
	v3 =	vadd.f32 v6, v3  }
0x2d9: {  	v10 =	vld [tilespmem:s4+$0x50];
	[tilespmem:s4+$0xFFFFFFC0] =	vst v1;
	v1 =	vadd.f32 v2, v11  }
0x2da: {  	v2 =	vld [tilespmem:s12+$0xFFFFFFD0];
	v3 =	vmax.f32 v3, $0.0e+00  }
0x2db: {  	v5 =	vld [tilespmem:s4+$0xFFFFFFE0];
	[tilespmem:s4+$0x40] =	vst v3;
	v1 =	vmax.f32 v1, $0.0e+00  }
0x2dc: {  	v3 =	vld [tilespmem:s12+$0x50];
	v7 =	vadd.f32 v8, v7;
	[tilespmem:s4+$0xFFFFFF40] =	vst v1  }
0x2dd: {  	v1 =	vld [tilespmem:s12+$0xFFFFFF50]  }
0x2de: {  	v6 =	vld [tilespmem:s4+$0x60];
	v7 =	vmax.f32 v7, $0.0e+00  }
0x2df: {  	v2 =	vadd.f32 v2, v12;
	[tilespmem:s4+$0xD0] =	vst v7;
	v7 =	vld [tilespmem:s4+$0xE0]  }
0x2e0: {  	v11 =	vld [tilespmem:s12+$0xE0]  }
0x2e1: {  	v2 =	vmax.f32 v2, $0.0e+00;
	v8 =	vadd.f32 v3, v10;
	v3 =	vld [tilespmem:s4+$0xFFFFFF70]  }
0x2e2: {  	[tilespmem:s4+$0xFFFFFFD0] =	vst v2;
	v1 =	vadd.f32 v1, v9;
	v2 =	vld [tilespmem:s4+$0xFFFFFFF0]  }
0x2e3: {  	v9 =	vmax.f32 v8, $0.0e+00;
	v8 =	vld [tilespmem:s12+$0xFFFFFFE0]  }
0x2e4: {  	[tilespmem:s4+$0x50] =	vst v9;
	v9 =	vmax.f32 v1, $0.0e+00;
	v1 =	vld [tilespmem:s4+$0x70]  }
0x2e5: {  	[tilespmem:s4+$0xFFFFFF50] =	vst v9;
	v9 =	vld [tilespmem:s12+$0x60];
	v7 =	vadd.f32 v11, v7  }
0x2e6: {  	v10 =	vld [tilespmem:s12+$0xFFFFFF60]  }
0x2e7: {  	s11 =	simm.s32 $0x0;
	s9 =	simm.s32 $0x2B00;
	s13 =	simm.s32 $0x7900;
	v11 =	vmax.f32 v7, $0.0e+00;
	v7 =	vld [tilespmem:s4+$0xF0]  }
.LBB2_19:
0x2e8: {  	v12 =	vld [tilespmem:s9+$0x80];
	v5 =	vadd.f32 v8, v5;
	[tilespmem:s4+$0xE0] =	vst v11  }
0x2e9: {  	s13 =	sadd.s32 $0x200, s13;
	v8 =	vld [tilespmem:s12+$0xF0]  }
0x2ea: {  	s11 =	sadd.s32 $0x4, s11;
	v11 =	vld [tilespmem:s13+$0x80];
	v5 =	vmax.f32 v5, $0.0e+00;
	v6 =	vadd.f32 v9, v6  }
0x2eb: {  	p1 =	slt.u32 s11, $0x4C;
	v9 =	vld [tilespmem:s13+$0xFFFFFF00];
	v4 =	vadd.f32 v10, v4;
	[tilespmem:s4+$0xFFFFFFE0] =	vst v5  }
0x2ec: {  	v5 =	vld [tilespmem:s9+$0xFFFFFF80];
	v6 =	vmax.f32 v6, $0.0e+00  }
0x2ed: {  	v10 =	vld [tilespmem:s13+$0xFFFFFF80];
	v4 =	vmax.f32 v4, $0.0e+00;
	[tilespmem:s4+$0x60] =	vst v6  }
0x2ee: {  	v6 =	vld [tilespmem:s9+$0x0];
	[tilespmem:s4+$0xFFFFFF60] =	vst v4;
	v4 =	vadd.f32 v8, v7  }
0x2ef: {  	v7 =	vld [tilespmem:s13+$0x0];
	v8 =	vadd.f32 v11, v12  }
0x2f0: {  	v11 =	vld [tilespmem:s9+$0xFFFFFF00];
	v4 =	vmax.f32 v4, $0.0e+00  }
0x2f1: {  	v12 =	vld [tilespmem:s9+$0xFFFFFF10];
	v8 =	vmax.f32 v8, $0.0e+00;
	[tilespmem:s4+$0xF0] =	vst v4  }
0x2f2: {  	v4 =	vadd.f32 v10, v5;
	[tilespmem:s9+$0x80] =	vst v8;
	v5 =	vld [tilespmem:s9+$0x90]  }
0x2f3: {  	v8 =	vld [tilespmem:s13+$0x90]  }
0x2f4: {  	v4 =	vmax.f32 v4, $0.0e+00;
	v10 =	vld [tilespmem:s9+$0xFFFFFF90];
	v6 =	vadd.f32 v7, v6  }
0x2f5: {  	v7 =	vadd.f32 v9, v11;
	[tilespmem:s9+$0xFFFFFF80] =	vst v4;
	v4 =	vld [tilespmem:s9+$0x10]  }
0x2f6: {  	v9 =	vld [tilespmem:s13+$0xFFFFFF90];
	v6 =	vmax.f32 v6, $0.0e+00  }
0x2f7: {  	v7 =	vmax.f32 v7, $0.0e+00;
	v11 =	vld [tilespmem:s9+$0xFFFFFF20];
	[tilespmem:s9+$0x0] =	vst v6  }
0x2f8: {  	[tilespmem:s9+$0xFFFFFF00] =	vst v7;
	v6 =	vld [tilespmem:s13+$0x10];
	v5 =	vadd.f32 v8, v5  }
0x2f9: {  	v7 =	vld [tilespmem:s13+$0xFFFFFF10]  }
0x2fa: {  	v8 =	vld [tilespmem:s9+$0xFFFFFFA0];
	v5 =	vmax.f32 v5, $0.0e+00  }
0x2fb: {  	v9 =	vadd.f32 v9, v10;
	[tilespmem:s9+$0x90] =	vst v5;
	v5 =	vld [tilespmem:s9+$0xA0]  }
0x2fc: {  	v10 =	vld [tilespmem:s13+$0xA0]  }
0x2fd: {  	v9 =	vmax.f32 v9, $0.0e+00;
	v4 =	vadd.f32 v6, v4;
	v6 =	vld [tilespmem:s9+$0x20]  }
0x2fe: {  	v7 =	vadd.f32 v7, v12;
	v12 =	vld [tilespmem:s9+$0xFFFFFF30];
	[tilespmem:s9+$0xFFFFFF90] =	vst v9  }
0x2ff: {  	v9 =	vld [tilespmem:s13+$0xFFFFFFA0];
	v4 =	vmax.f32 v4, $0.0e+00  }
0x300: {  	v7 =	vmax.f32 v7, $0.0e+00;
	v13 =	vld [tilespmem:s9+$0xFFFFFFB0];
	[tilespmem:s9+$0x10] =	vst v4  }
0x301: {  	[tilespmem:s9+$0xFFFFFF10] =	vst v7;
	v4 =	vld [tilespmem:s13+$0x20];
	v5 =	vadd.f32 v10, v5  }
0x302: {  	v7 =	vld [tilespmem:s13+$0xFFFFFF20]  }
0x303: {  	v10 =	vld [tilespmem:s9+$0x30];
	v5 =	vmax.f32 v5, $0.0e+00  }
0x304: {  	v8 =	vadd.f32 v9, v8;
	[tilespmem:s9+$0xA0] =	vst v5;
	v5 =	vld [tilespmem:s9+$0xB0]  }
0x305: {  	v9 =	vld [tilespmem:s13+$0xB0]  }
0x306: {  	v14 =	vld [tilespmem:s9+$0xFFFFFF40];
	v8 =	vmax.f32 v8, $0.0e+00;
	v4 =	vadd.f32 v4, v6  }
0x307: {  	v6 =	vadd.f32 v7, v11;
	[tilespmem:s9+$0xFFFFFFA0] =	vst v8;
	v7 =	vld [tilespmem:s9+$0xFFFFFFC0]  }
0x308: {  	v8 =	vld [tilespmem:s13+$0xFFFFFFB0];
	v4 =	vmax.f32 v4, $0.0e+00  }
0x309: {  	v6 =	vmax.f32 v6, $0.0e+00;
	[tilespmem:s9+$0x20] =	vst v4;
	v11 =	vld [tilespmem:s9+$0x40]  }
0x30a: {  	[tilespmem:s9+$0xFFFFFF20] =	vst v6;
	v4 =	vld [tilespmem:s13+$0x30];
	v5 =	vadd.f32 v9, v5  }
0x30b: {  	v6 =	vld [tilespmem:s13+$0xFFFFFF30]  }
0x30c: {  	v9 =	vld [tilespmem:s9+$0xFFFFFF50];
	v5 =	vmax.f32 v5, $0.0e+00  }
0x30d: {  	v8 =	vadd.f32 v8, v13;
	[tilespmem:s9+$0xB0] =	vst v5;
	v5 =	vld [tilespmem:s9+$0xC0]  }
0x30e: {  	v13 =	vld [tilespmem:s13+$0xC0]  }
0x30f: {  	v8 =	vmax.f32 v8, $0.0e+00;
	v15 =	vld [tilespmem:s9+$0xFFFFFFD0];
	v4 =	vadd.f32 v4, v10  }
0x310: {  	v6 =	vadd.f32 v6, v12;
	[tilespmem:s9+$0xFFFFFFB0] =	vst v8;
	v8 =	vld [tilespmem:s9+$0x50]  }
0x311: {  	v10 =	vld [tilespmem:s13+$0xFFFFFFC0];
	v12 =	vmax.f32 v4, $0.0e+00  }
0x312: {  	v6 =	vmax.f32 v6, $0.0e+00;
	v4 =	vld [tilespmem:s9+$0xFFFFFF60];
	[tilespmem:s9+$0x30] =	vst v12  }
0x313: {  	[tilespmem:s9+$0xFFFFFF30] =	vst v6;
	v6 =	vld [tilespmem:s13+$0x40];
	v12 =	vadd.f32 v13, v5  }
0x314: {  	v13 =	vld [tilespmem:s13+$0xFFFFFF40]  }
0x315: {  	v5 =	vld [tilespmem:s9+$0xFFFFFFE0];
	v12 =	vmax.f32 v12, $0.0e+00  }
0x316: {  	v7 =	vadd.f32 v10, v7;
	[tilespmem:s9+$0xC0] =	vst v12;
	v10 =	vld [tilespmem:s9+$0xD0]  }
0x317: {  	v12 =	vld [tilespmem:s13+$0xD0]  }
0x318: {  	v7 =	vmax.f32 v7, $0.0e+00;
	v11 =	vadd.f32 v6, v11;
	v6 =	vld [tilespmem:s9+$0x60]  }
0x319: {  	v13 =	vadd.f32 v13, v14;
	[tilespmem:s9+$0xFFFFFFC0] =	vst v7;
	v7 =	vld [tilespmem:s12+$0xFFFFFF70]  }
0x31a: {  	v14 =	vld [tilespmem:s13+$0xFFFFFFD0];
	v11 =	vmax.f32 v11, $0.0e+00  }
0x31b: {  	v13 =	vmax.f32 v13, $0.0e+00;
	[tilespmem:s9+$0x40] =	vst v11;
	v11 =	vld [tilespmem:s12+$0xFFFFFFF0]  }
0x31c: {  	[tilespmem:s9+$0xFFFFFF40] =	vst v13;
	v13 =	vld [tilespmem:s13+$0x50];
	v10 =	vadd.f32 v12, v10  }
0x31d: {  	v12 =	vld [tilespmem:s13+$0xFFFFFF50]  }
0x31e: {  	v10 =	vmax.f32 v10, $0.0e+00;
	v3 =	vadd.f32 v7, v3;
	v7 =	vld [tilespmem:s12+$0x70];
	s12 =	smov.u32 s13  }
0x31f: {  	v14 =	vadd.f32 v14, v15;
	[tilespmem:s9+$0xD0] =	vst v10;
	v10 =	vld [tilespmem:s9+$0xE0]  }
0x320: {  	v15 =	vld [tilespmem:s13+$0xE0];
	v16 =	vmax.f32 v3, $0.0e+00;
	v11 =	vadd.f32 v11, v2  }
0x321: {  	v3 =	vld [tilespmem:s9+$0xFFFFFF70];
	v2 =	vmax.f32 v14, $0.0e+00;
	v13 =	vadd.f32 v13, v8;
	[tilespmem:s4+$0xFFFFFF70] =	vst v16  }
0x322: {  	v9 =	vadd.f32 v12, v9;
	[tilespmem:s9+$0xFFFFFFD0] =	vst v2;
	v2 =	vld [tilespmem:s9+$0xFFFFFFF0];
	v11 =	vmax.f32 v11, $0.0e+00  }
.Ltmp13:
0x323: {  	v8 =	vld [tilespmem:s13+$0xFFFFFFE0];
	v12 =	vmax.f32 v13, $0.0e+00;
	[tilespmem:s4+$0xFFFFFFF0] =	vst v11;
	v7 =	vadd.f32 v7, v1;
	(pc) =	sbr.rel @p1 .LBB2_19-.Ltmp13, $4  }
0x324: {  	v9 =	vmax.f32 v9, $0.0e+00;
	[tilespmem:s9+$0x50] =	vst v12;
	v1 =	vld [tilespmem:s9+$0x70]  }
0x325: {  	[tilespmem:s9+$0xFFFFFF50] =	vst v9;
	v9 =	vld [tilespmem:s13+$0x60];
	v11 =	vadd.f32 v15, v10;
	v7 =	vmax.f32 v7, $0.0e+00  }
0x326: {  	v10 =	vld [tilespmem:s13+$0xFFFFFF60];
	[tilespmem:s4+$0x70] =	vst v7;
	s4 =	smov.u32 s9  }
0x327: {  	s9 =	sadd.s32 $0x200, s9;
	v11 =	vmax.f32 v11, $0.0e+00;
	v7 =	vld [tilespmem:s4+$0xF0]  }
0x328: {  	_ = 	snop  }
0x329: {  	v5 =	vadd.f32 v8, v5  }
0x32a: {  	v6 =	vadd.f32 v9, v6  }
0x32b: {  	[tilespmem:s4+$0xE0] =	vst v11;
	v5 =	vmax.f32 v5, $0.0e+00;
	v4 =	vadd.f32 v10, v4  }
0x32c: {  	v58 =	vld [tilespmem:s12+$0xF0];
	[tilespmem:s4+$0xFFFFFFE0] =	vst v5;
	v59 =	vmax.f32 v6, $0.0e+00  }
0x32d: {  	v61 =	vld [tilespmem:s12+$0xFFFFFFF0];
	v4 =	vmax.f32 v4, $0.0e+00;
	[tilespmem:s4+$0x60] =	vst v59  }
0x32e: {  	[tilespmem:s4+$0xFFFFFF60] =	vst v4;
	v62 =	vld [tilespmem:s12+$0x70]  }
0x32f: {  	v60 =	vld [tilespmem:s12+$0xFFFFFF70];
	_ =	sdelay $0x1  }
0x330: {  	v7 =	vadd.f32 v58, v7  }
0x331: {  	v2 =	vadd.f32 v61, v2  }
0x332: {  	v63 =	vmax.f32 v7, $0.0e+00;
	v1 =	vadd.f32 v62, v1  }
0x333: {  	[tilespmem:s4+$0xF0] =	vst v63;
	v2 =	vmax.f32 v2, $0.0e+00;
	v3 =	vadd.f32 v60, v3  }
0x334: {  	[tilespmem:s4+$0xFFFFFFF0] =	vst v2;
	v1 =	vmax.f32 v1, $0.0e+00  }
0x335: {  	v3 =	vmax.f32 v3, $0.0e+00;
	[tilespmem:s4+$0x70] =	vst v1  }
.Ltmp14:
0x336: {  	[tilespmem:s4+$0xFFFFFF70] =	vst v3;
	(pc) =	sbr.rel .LBB2_21-.Ltmp14, $4  }
0x337: {  	_ =	swait.ge [sflag:s23], $0x50  }
0x338: {  	[sflag:s23] =	ssyncset.done $0x0  }
0x339: {  	s31 =	simm.s32 $0xA380;
	[sflag:s23] =	ssyncadd.s32 $0xFFFFFFB0  }
0x33a: {  	[spmem:s2] =	stream.indirect.scatter.add.f32 [tilespmem:s19], [sflag:$0x6], $0x80, s31, s15, $0xb8;
	[tilespmem:$0x1F480] =	vst v63  }
.LBB2_23:
0x33b: {  	_ =	sfence.sel $0x180000  }
0x33c: {  	[bflag:$0x0] =	sbarrier.arrive $0xFFFF  }
0x33d: {  	_ =	strace $0x9000004A  }
0x33e: {  	s0 =	stileid.u32;
	[bflag:$0x2] =	sbarrier.arrive $0xFFFF  }
0x33f: {  	p0 =	sne.s32 s0, $0x0;
	s0 =	rddreg [dreg:$0x3]  }
0x340: {  	s0 =	sadd.s32 @!p0 $0x100000, s0  }
0x341: {  	[sflag:s0] =	ssyncadd.tile.s32 @!p0 $0x1;
	_ =	shalt  }
.Lfunc_end2:
_tile_overlayer_lowered:
.L_overlay_start_2:
0x342: {  	(tag) =	ssettag $0x2  }
0x343: {  	s0 =	rddreg [dreg:$0x0];
	s2 =	stileid.u32  }
0x344: {  	s1 =	rddreg [dreg:$0x1];
	p0 =	sne.s32 s2, $0x0  }
0x345: {  	s3 =	rddreg [dreg:$0x2];
	[bflag:$0x3] =	sbarrier.arrive $0xFFFF;
	s2 =	simm.s32 @!p0 $0x1C0F  }
0x346: {  	[timem:s3], [sflag:s2] =	dma.local @!p0 [hbm:s0], s1  }
0x347: {  	s0 =	simm.s32 @!p0 $0xF  }
0x348: {  	_ =	swait.ge @!p0 [sflag:s0], s1  }
0x349: {  	s1 =	ssub.s32 @!p0 $0x0, s1;
	[sflag:s0] =	ssyncset.done @!p0 $0x0  }
0x34a: {  	[sflag:s0] =	ssyncadd.s32 @!p0 s1  }
0x34b: {  	[bflag:$0x3] =	sbarrier.arrive $0xFFFF  }
0x34c: {  	_ =	shalt  }

// kernel: kernel.8.cloned.1.call-start
scs
__scs_entry_jumppad:
0x0: {  	(pc) =	sbr.rel $0x88, $3  }
0x1: {  	(tag) =	ssettag $0x0;
	lr =	simm.s32 $0x1  }
0x2: {  	[smem:$0x3F8E] =	sst lr;
	_ =	strace $0xD0000000  }
0x3: {  	_ = 	snop  }
0x4: {  	_ = 	snop  }
0x5: {  	_ = 	snop  }
0x6: {  	_ = 	snop  }
0x7: {  	_ = 	snop  }
__scs_overlays_trampoline_lowered:
0x8: {  	[smem:$0x3F9D] =	sst s0  }
0x9: {  	[smem:$0x3F9E] =	sst s1  }
0xa: {  	[smem:$0x3F9F] =	sst s2  }
0xb: {  	[smem:$0x3FA0] =	sst s3  }
0xc: {  	[smem:$0x3FA1] =	sst s4  }
0xd: {  	[smem:$0x3FA2] =	sst s5  }
0xe: {  	[smem:$0x3FA3] =	sst s6  }
0xf: {  	[smem:$0x3FA4] =	sst s7  }
0x10: {  	[smem:$0x3FA5] =	sst s8  }
0x11: {  	[smem:$0x3FA6] =	sst s9;
	s0 =	simm.s32 @!p0 $0x0  }
0x12: {  	s1 =	sld [smem:$0x3F8C];
	s0 =	simm.s32 @p0 $0x1  }
0x13: {  	[smem:$0x3FA7] =	sst s0;
	s0 =	simm.s32 @!p1 $0x0  }
0x14: {  	s2 =	sld [smem:$0x3F8B];
	s0 =	simm.s32 @p1 $0x1  }
0x15: {  	[smem:$0x3FA8] =	sst s0;
	s0 =	simm.s32 @!p2 $0x0  }
0x16: {  	s3 =	sld [smem:$0x3FDB];
	s0 =	simm.s32 @p2 $0x1  }
0x17: {  	s4 =	simm.s32 $0x1BF5;
	[smem:$0x3FAA] =	sst s0  }
0x18: {  	s0 =	sld [smem:$0x3F8D];
	_ =	swait.ge [sflag:s4], $0x0  }
0x19: {  	s7 =	sld [smem:$0x3F8E]  }
0x1a: {  	s8 =	sadd.s32 $0xFFFFE003, lr  }
0x1b: {  	s9 =	sadd.s32 $0xFFFFFEF7, lr;
	s5 =	simm.s32 $0xFFFFFFFF;
	p2 =	slt.u32 s8, $0xFFFFF086  }
0x1c: {  	p1 =	slt.u32 s9, $0xF7A;
	s5 =	simm.s32 @!p2 $0x0  }
0x1d: {  	s5 =	simm.s32 @p1 $0x1;
	p0 =	seq.s32 s7, s2  }
0x1e: {  	s7 =	smul.u32 @!p0 $0xF7A, s2;
	p2 =	seq.s32 @!p0 s5, $0x0  }
0x1f: {  	s9 =	smul.u32 $0xF7A, s1;
	s8 =	simm.s32 @!p0 $0x1BF5;
	p2 =	por !p2, p0  }
0x20: {  	[sflag:s8] =	ssyncset.s32 @!p0 $0xFFFFF086;
	s6 =	sadd.s32 @!p0 s3, s7;
	s7 =	simm.s32 @!p0 $0x108  }
0x21: {  	s3 =	sadd.s32 s3, s9;
	s6 =	sadd.s32 @!p0 $0x88, s6;
	s7 =	simm.s32 @p2 $0x1082  }
0x22: {  	[simem:s7], [sflag:s8] =	dma.local @!p0 [hbm:s6], $0xF7A  }
0x23: {  	s9 =	sor.u32 $0xD0000000, s2;
	s6 =	simm.s32 $0x108;
	_ =	swait.ge @!p0 [sflag:s8], $0x0  }
0x24: {  	s3 =	sadd.s32 $0x88, s3;
	s6 =	simm.s32 @!p1 $0x1082;
	[sflag:s4] =	ssyncset.s32 $0xFFFFF086  }
0x25: {  	[simem:s6], [sflag:s4] =	dma.local [hbm:s3], $0xF7A  }
0x26: {  	[smem:$0x3F8E] =	sst s1;
	(tag) =	ssettag s2;
	_ =	strace s9  }
0x27: {  	s1 =	sld [smem:$0x3F9E]  }
0x28: {  	s2 =	sld [smem:$0x3F9F]  }
0x29: {  	s4 =	sld [smem:$0x3FA1]  }
0x2a: {  	p0 =	seq.s32 s5, $0x0;
	s5 =	sld [smem:$0x3FA2]  }
0x2b: {  	s6 =	sld [smem:$0x3FA3]  }
0x2c: {  	s7 =	sld [smem:$0x3FA4]  }
0x2d: {  	s3 =	simm.s32 $0x108;
	s8 =	sld [smem:$0x3FA5]  }
0x2e: {  	s3 =	simm.s32 @!p0 $0x1082;
	s9 =	sld [smem:$0x3FA6]  }
0x2f: {  	lr =	sadd.s32 s0, s3;
	s0 =	sld [smem:$0x3F9D]  }
0x30: {  	s3 =	sld [smem:$0x3FA0]  }
0x31: {  	[smem:$0x3FA9] =	sst s10  }
0x32: {  	s10 =	sld [smem:$0x3FA7];
	_ =	sdelay $0x3  }
0x33: {  	p0 =	seq.s32 s10, $0x1;
	s10 =	sld [smem:$0x3FA9];
	_ =	sdelay $0x3  }
0x34: {  	[smem:$0x3FA9] =	sst s10  }
0x35: {  	s10 =	sld [smem:$0x3FA8];
	_ =	sdelay $0x3  }
0x36: {  	p1 =	seq.s32 s10, $0x1;
	s10 =	sld [smem:$0x3FA9];
	_ =	sdelay $0x3  }
0x37: {  	[smem:$0x3FA9] =	sst s10  }
0x38: {  	s10 =	sld [smem:$0x3FAA]  }
0x39: {  	_ = 	snop;
	(pc) =	sbr.ind lr, $3  }
0x3a: {  	_ = 	snop  }
0x3b: {  	_ = 	snop  }
0x3c: {  	p2 =	seq.s32 s10, $0x1;
	s10 =	sld [smem:$0x3FA9]  }
0x3d: {  	_ =	shalt  }
0x3e: {  	_ =	shalt  }
0x3f: {  	_ =	shalt  }
0x40: {  	_ =	shalt  }
0x41: {  	_ =	shalt  }
0x42: {  	_ =	shalt  }
0x43: {  	_ =	shalt  }
0x44: {  	_ =	shalt  }
0x45: {  	_ =	shalt  }
0x46: {  	_ =	shalt  }
0x47: {  	_ =	shalt  }
0x48: {  	_ =	shalt  }
0x49: {  	_ =	shalt  }
0x4a: {  	_ =	shalt  }
0x4b: {  	_ =	shalt  }
0x4c: {  	_ =	shalt  }
0x4d: {  	_ =	shalt  }
0x4e: {  	_ =	shalt  }
0x4f: {  	_ =	shalt  }
0x50: {  	_ =	shalt  }
0x51: {  	_ =	shalt  }
0x52: {  	_ =	shalt  }
0x53: {  	_ =	shalt  }
0x54: {  	_ =	shalt  }
0x55: {  	_ =	shalt  }
0x56: {  	_ =	shalt  }
0x57: {  	_ =	shalt  }
0x58: {  	_ =	shalt  }
0x59: {  	_ =	shalt  }
0x5a: {  	_ =	shalt  }
0x5b: {  	_ =	shalt  }
0x5c: {  	_ =	shalt  }
0x5d: {  	_ =	shalt  }
0x5e: {  	_ =	shalt  }
0x5f: {  	_ =	shalt  }
0x60: {  	_ =	shalt  }
0x61: {  	_ =	shalt  }
0x62: {  	_ =	shalt  }
0x63: {  	_ =	shalt  }
0x64: {  	_ =	shalt  }
0x65: {  	_ =	shalt  }
0x66: {  	_ =	shalt  }
0x67: {  	_ =	shalt  }
0x68: {  	_ =	shalt  }
0x69: {  	_ =	shalt  }
0x6a: {  	_ =	shalt  }
0x6b: {  	_ =	shalt  }
0x6c: {  	_ =	shalt  }
0x6d: {  	_ =	shalt  }
0x6e: {  	_ =	shalt  }
0x6f: {  	_ =	shalt  }
0x70: {  	_ =	shalt  }
0x71: {  	_ =	shalt  }
0x72: {  	_ =	shalt  }
0x73: {  	_ =	shalt  }
0x74: {  	_ =	shalt  }
0x75: {  	_ =	shalt  }
0x76: {  	_ =	shalt  }
0x77: {  	_ =	shalt  }
0x78: {  	_ =	shalt  }
0x79: {  	_ =	shalt  }
0x7a: {  	_ =	shalt  }
0x7b: {  	_ =	shalt  }
0x7c: {  	_ =	shalt  }
0x7d: {  	_ =	shalt  }
0x7e: {  	_ =	shalt  }
0x7f: {  	_ =	shalt  }
0x80: {  	_ =	shalt  }
0x81: {  	_ =	shalt  }
0x82: {  	_ =	shalt  }
0x83: {  	_ =	shalt  }
0x84: {  	_ =	shalt  }
0x85: {  	_ =	shalt  }
0x86: {  	_ =	shalt  }
0x87: {  	_ =	shalt  }
.Lfunc_end0:
.L_simem_size_0:
called_computation_lowered:
.L_overlay_start_0:
0x88: {  	s2 =	sld [smem:$0x3FD9]  }
0x89: {  	s3 =	sld [smem:$0x3FFE];
	_ =	sdelay $0x1  }
0x8a: {  	s1 =	srdreg.scid  }
0x8b: {  	s0 =	sand.u32 $0x1, s1  }
0x8c: {  	s16 =	sshll.u32 s0, $0xA;
	s2 =	sadd.s32 s3, s2  }
0x8d: {  	s2 =	sadd.s32 s2, s16  }
0x8e: {  	[smem:$0x3FB5] =	sst s2  }
0x8f: {  	_ = 	snop  }
0x90: {  	(tm) =	ssettm $0x1  }
0x91: {  	s17 =	sld [smem:$0x3FFB];
	_ =	sdelay $0x3  }
0x92: {  	_ =	strace s17  }
0x93: {  	s2 =	sld [smem:$0x3FFC];
	_ =	sdelay $0x3  }
0x94: {  	_ =	strace s2  }
0x95: {  	s2 =	sld [smem:$0x3FFD];
	_ =	sdelay $0x3  }
0x96: {  	_ =	strace s2  }
0x97: {  	_ =	strace $0x8FFFFFFF  }
0x98: {  	s18 =	sld [smem:$0x3FDB];
	_ =	sdelay $0x1  }
0x99: {  	s19 =	simm.s32 $_scs_section_size  }
0x9a: {  	s4 =	simm.s32 $_size__tile_overlayer_lowered;
	s5 =	simm.s32 $_tile_overlayer_lowered  }
0x9b: {  	s22 =	simm.s32 $0x1BFF;
	s21 =	sshll.u32 s5, $0x1;
	s2 =	sadd.s32 s19, s18  }
0x9c: {  	s6 =	simm.s32 $0x0;
	s20 =	sshll.u32 s4, $0x1;
	s4 =	sadd.s32 s21, s2  }
0x9d: {  	[timem:s6], [sflag:s22] =	dma.local [hbm:s4], s20  }
0x9e: {  	_ =	swait.ge [sflag:s22], s20  }
0x9f: {  	s3 =	ssub.s32 $0x0, s20;
	[sflag:s22] =	ssyncset.done $0x0  }
0xa0: {  	[sflag:s22] =	ssyncadd.s32 s3;
	_ =	sdelay $0x1  }
0xa1: {  	s23 =	simm.s32 $0x1B8B  }
0xa2: {  	_ =	swait.ge [sflag:s23], $0x1  }
0xa3: {  	[sflag:s23] =	ssyncset.done $0x0  }
0xa4: {  	s25 =	simm.s32 $0x1B8E;
	s24 =	sld [smem:$0x3FFE];
	[sflag:s23] =	ssyncadd.s32 $0xFFFFFFFF  }
0xa5: {  	s26 =	simm.s32 $execute0_lowered;
	[smem:$0x3FD2] =	sst s25  }
0xa6: {  	s4 =	sshll.u32 s26, $0x1;
	_ =	strace $0x80000046;
	[dreg:$0x1] =	wrdreg $0xFFFFFFFF  }
0xa7: {  	s28 =	simm.s32 $_size_execute0_lowered;
	s2 =	sadd.s32 s2, s4;
	[dreg:$0x0] =	wrdreg $0x0  }
0xa8: {  	s4 =	sshll.u32 s28, $0x1;
	[dreg:$0x2] =	wrdreg s2  }
0xa9: {  	[dreg:$0x3] =	wrdreg s4  }
0xaa: {  	[dreg:$0x4] =	wrdreg $0xC0  }
0xab: {  	_ =	task [dreg:s6], $0x5FFFF  }
0xac: {  	[dreg:$0x1] =	wrdreg $0xFFFFFFFF  }
0xad: {  	[dreg:$0x0] =	wrdreg $0x60  }
0xae: {  	[dreg:$0x2] =	wrdreg s24  }
0xaf: {  	[dreg:$0x3] =	wrdreg $0xBA000  }
0xb0: {  	[dreg:$0x4] =	wrdreg $0x9  }
0xb1: {  	_ =	task.clear_ibuf [dreg:s6], $0x5FFFF;
	_ =	strace $0x90000046  }
0xb2: {  	s29 =	simm.s32 $0x9;
	_ =	strace $0x80000048  }
0xb3: {  	_ =	swait.ge [sflag:s29], $0x1  }
0xb4: {  	[sflag:s29] =	ssyncadd.s32 $0xFFFFFFFF  }
0xb5: {  	_ =	strace $0x90000048  }
0xb6: {  	_ =	sfence  }
0xb7: {  	s30 =	sld [smem:$0x0];
	_ =	sdelay $0x2  }
0xb8: {  	s31 =	sshll.u32 s1, $0xD;
	s1 =	sshrl.u32 s1, $0x2  }
0xb9: {  	s3 =	sand.u32 $0x4000, s31;
	s1 =	sadd.s32 s1, s30  }
0xba: {  	s0 =	sor.u32 s3, s0;
	s1 =	sshll.u32 s1, $0x11  }
0xbb: {  	s0 =	sor.u32 s1, s0  }
0xbc: {  	s0 =	sadd.s32 $0x8F2B, s0  }
0xbd: {  	[sflag:s0] =	ssyncadd.remote.s32 $0x1  }
0xbe: {  	_ =	sfence.sel $0xFFFF  }
0xbf: {  	[dreg:$0x0] =	wrdreg $0xFFFFFFFF;
	(pc) =	sbr.abs _section_cstart, $3  }
0xc0: {  	[dreg:$0x1] =	wrdreg $0xFFFFFFFF  }
0xc1: {  	_ =	task.clear_ibuf [dreg:s6], $0x2FFFF;
	_ =	strace $0x9FFFFFFF  }
0xc2: {  	(tm) =	ssettm $0x7FFFFFFF  }
0xc3: {  	_ =	shalt  }
tec
execute0_lowered:
.L_overlay_start_1:
0x0: {  	(tag) =	ssettag $0x1  }
0x1: {  	s0 =	rddreg [dreg:$0x0]  }
0x2: {  	s1 =	rddreg [dreg:$0x1]  }
0x3: {  	s2 =	simm.s32 $0x0;
	s3 =	srdreg.scid;
	s14 =	stileid.u32  }
0x4: {  	[smem:$0x7FF] =	sst s2;
	s6 =	smul.u32 $0x4E000, s14  }
0x5: {  	s3 =	sand.u32 $0x1, s3;
	s4 =	sadd.s32 $0x18C00, s0;
	s17 =	smul.u32 $0x4E200, s14  }
0x6: {  	s5 =	sadd.s32 $0xEE00, s0;
	s10 =	sshll.u32 s14, $0x1;
	s20 =	smul.u32 $0x2700, s14  }
0x7: {  	p0 =	sne.s32 s14, $0xF;
	s7 =	smul.u32 $0x27100, s3;
	_ =	strace $0x80000047  }
0x8: {  	s8 =	ssub.s32 $0x2, s3;
	s10 =	sor.u32 s3, s10;
	s6 =	sshrl.u32 s6, $0x2  }
0x9: {  	s3 =	smul.u32 $0x2710, s3;
	s9 =	sshrl.u32 s8, $0x1;
	s6 =	sadd.s32 s6, s1  }
0xa: {  	s21 =	sadd.s32 s17, s4;
	s0 =	sadd.s32 s7, s0;
	s26 =	sadd.s32 $0x1800, s6  }
0xb: {  	s8 =	ssub.s32 s8, s9;
	s28 =	sadd.s32 $0x3000, s6;
	[dreg:$0x3] =	wrdreg s26  }
0xc: {  	s9 =	smul.u32 $0x2710, s10;
	s11 =	sadd.s32 $0x4800, s6;
	[dreg:$0x4] =	wrdreg s28  }
0xd: {  	s10 =	smul.u32 $0x27100, s10;
	s29 =	sadd.s32 $0x6000, s6;
	[dreg:$0x5] =	wrdreg s11  }
0xe: {  	s7 =	sadd.s32 s7, s21;
	s12 =	sadd.s32 $0x7800, s6;
	[dreg:$0x6] =	wrdreg s29  }
0xf: {  	s13 =	sadd.s32 $0x9000, s6;
	s15 =	sadd.s32 $0xA800, s6;
	[dreg:$0x7] =	wrdreg s12  }
0x10: {  	s19 =	sadd.s32 $0x4FAC00, s0;
	s8 =	smax.u32 s8, $0x1;
	[dreg:$0x8] =	wrdreg s13  }
0x11: {  	s7 =	sadd.s32 $0x1900, s7;
	s30 =	sadd.s32 $0x10800, s6;
	[dreg:$0x9] =	wrdreg s15  }
0x12: {  	s31 =	sadd.s32 $0x12000, s6;
	s10 =	sadd.s32 s4, s10;
	[dreg:$0xf] =	wrdreg s8  }
0x13: {  	s16 =	sshrl.u32 s9, $0x3;
	s18 =	sadd.s32 $0x50, s9;
	[dreg:$0x10] =	wrdreg s7  }
0x14: {  	s12 =	smul.u32 $0x4E20, s14;
	[dreg:$0xe] =	wrdreg s19;
	s0 =	sadd.s32 s20, s19  }
0x15: {  	s26 =	sadd.s32 $0xC000, s6;
	s28 =	sadd.s32 $0xD800, s6;
	[dreg:$0xa] =	wrdreg s10  }
0x16: {  	s29 =	sadd.s32 $0xF000, s6;
	s8 =	simm.s32 $0xA000;
	[dreg:$0x14] =	wrdreg s0  }
0x17: {  	s11 =	simm.s32 $0x5;
	s14 =	simm.s32 $0xA180;
	[dreg:$0x15] =	wrdreg s26  }
0x18: {  	s15 =	simm.s32 $0x9;
	s10 =	sadd.s32 s5, s16;
	[dreg:$0x16] =	wrdreg s28  }
0x19: {  	s13 =	sshll.u32 s18, $0x4;
	[dreg:$0x17] =	wrdreg s29;
	s0 =	sadd.s32 $0x138000, s1  }
0x1a: {  	s16 =	simm.s32 $0x0;
	[dreg:$0xb] =	wrdreg s10;
	s10 =	sshrl.u32 s18, $0x3  }
0x1b: {  	s13 =	sadd.s32 s4, s13;
	s3 =	sadd.s32 s3, s12;
	s12 =	simm.s32 $0x50  }
0x1c: {  	[dreg:$0xc] =	wrdreg s13;
	s10 =	sadd.s32 s5, s10;
	s22 =	sadd.s32 $0x190, s3  }
.Ltmp0:
0x1d: {  	s24 =	sadd.s32 $0xA0, s3;
	s3 =	sadd.s32 $0x140, s3;
	(pc) =	sbr.rel .LBB2_1-.Ltmp0, $4  }
0x1e: {  	s13 =	simm.s32 $0x7800;
	[dreg:$0xd] =	wrdreg s10;
	s23 =	sshrl.u32 s22, $0x3  }
0x1f: {  	[dreg:$0x12] =	wrdreg s3;
	s25 =	sshrl.u32 s24, $0x3;
	s7 =	sadd.s32 s23, s5  }
0x20: {  	s10 =	simm.s32 $0x1;
	s3 =	sadd.s32 s25, s5;
	[dreg:$0x11] =	wrdreg s7  }
0x21: {  	v0 =	vimm.f32 $0.0e+00;
	[dreg:$0x13] =	wrdreg s3;
	s3 =	simm.s32 $0xA200;
	s7 =	simm.s32 $0xD  }
.LBB2_7:
0x22: {  	s17 =	stileid.u32  }
0x23: {  	[bflag:$0x0] =	sbarrier.arrive $0xFFFF;
	s17 =	sshll.u32 s17, $0x6  }
0x24: {  	s18 =	sshrl.u32 s6, $0x3;
	s19 =	rddreg [dreg:$0x14];
	s17 =	sor.u32 $0x1C0D, s17  }
0x25: {  	[hbm:s19], [sflag:s17] =	dma.local [spmem:s18], $0x2700  }
0x26: {  	_ =	swait.ge [sflag:s7], $0x2700  }
0x27: {  	[sflag:s7] =	ssyncset.done $0x0;
	s18 =	rddreg [dreg:$0xe]  }
0x28: {  	s19 =	sshrl.u32 @!p0 s0, $0x3;
	[sflag:s7] =	ssyncadd.s32 $0xFFFFD900;
	s18 =	sadd.s32 @!p0 $0x27000, s18  }
0x29: {  	[hbm:s18], [sflag:s17] =	dma.local @!p0 [spmem:s19], $0x100  }
0x2a: {  	s17 =	simm.s32 @!p0 $0xD  }
0x2b: {  	_ =	swait.ge @!p0 [sflag:s17], $0x100  }
0x2c: {  	s16 =	sadd.s32 $0x1, s16;
	s29 =	rddreg [dreg:$0xf]  }
0x2d: {  	p1 =	sne.s32 s16, s29  }
.Ltmp1:
0x2e: {  	_ = 	snop;
	(pc) =	sbr.rel @!p1 .LBB2_8-.Ltmp1, $3  }
0x2f: {  	_ =	sdelay $0x1  }
0x30: {  	[sflag:s17] =	ssyncset.done @!p0 $0x0  }
0x31: {  	[sflag:s17] =	ssyncadd.s32 @!p0 $0xFFFFFF00  }
.LBB2_1:
0x32: {  	s17 =	simm.s32 $0x0;
	s18 =	simm.s32 $0x200  }
.LBB2_2:
0x33: {  	p1 =	sne.s32 s18, $0x5E00;
	[tilespmem:s17+$0xA270] =	vst v0  }
0x34: {  	[tilespmem:s17+$0xA200] =	vst v0  }
0x35: {  	[tilespmem:s17+$0xA210] =	vst v0  }
.Ltmp2:
0x36: {  	[tilespmem:s17+$0xA220] =	vst v0;
	(pc) =	sbr.rel @p1 .LBB2_2-.Ltmp2, $4  }
0x37: {  	[tilespmem:s17+$0xA230] =	vst v0  }
0x38: {  	[tilespmem:s17+$0xA240] =	vst v0  }
0x39: {  	[tilespmem:s17+$0xA250] =	vst v0  }
0x3a: {  	[tilespmem:s17+$0xA260] =	vst v0;
	s17 =	sshra.s32 s18, $0x2;
	s18 =	sadd.s32 $0x200, s18  }
0x3b: {  	[tilespmem:s17+$0xA270] =	vst v0  }
0x3c: {  	[tilespmem:s17+$0xA200] =	vst v0  }
0x3d: {  	[tilespmem:s17+$0xA210] =	vst v0  }
0x3e: {  	[tilespmem:s17+$0xA220] =	vst v0  }
0x3f: {  	[tilespmem:s17+$0xA230] =	vst v0  }
0x40: {  	[tilespmem:s17+$0xA240] =	vst v0  }
0x41: {  	[tilespmem:s17+$0xA250] =	vst v0  }
0x42: {  	[tilespmem:s17+$0xA260] =	vst v0  }
0x43: {  	[spmem:s6] =	stream.linear.scatter [tilespmem:s3], [sflag:$0xD], $0x1800, $0x38;
	[tilespmem:$0x1F280] =	vst v63  }
0x44: {  	_ =	swait.ge [sflag:s7], $0x1800  }
0x45: {  	[sflag:s7] =	ssyncset.done $0x0  }
0x46: {  	s26 =	rddreg [dreg:$0x3];
	[sflag:s7] =	ssyncadd.s32 $0xFFFFE800  }
0x47: {  	[spmem:s26] =	stream.linear.scatter [tilespmem:s3], [sflag:$0xD], $0x1800, $0x38;
	[tilespmem:$0x1F280] =	vst v63  }
0x48: {  	_ =	swait.ge [sflag:s7], $0x1800  }
0x49: {  	[sflag:s7] =	ssyncset.done $0x0  }
0x4a: {  	s28 =	rddreg [dreg:$0x4];
	[sflag:s7] =	ssyncadd.s32 $0xFFFFE800  }
0x4b: {  	[spmem:s28] =	stream.linear.scatter [tilespmem:s3], [sflag:$0xD], $0x1800, $0x38;
	[tilespmem:$0x1F280] =	vst v63  }
0x4c: {  	_ =	swait.ge [sflag:s7], $0x1800  }
0x4d: {  	[sflag:s7] =	ssyncset.done $0x0  }
0x4e: {  	s29 =	rddreg [dreg:$0x5];
	[sflag:s7] =	ssyncadd.s32 $0xFFFFE800  }
0x4f: {  	[spmem:s29] =	stream.linear.scatter [tilespmem:s3], [sflag:$0xD], $0x1800, $0x38;
	[tilespmem:$0x1F280] =	vst v63  }
0x50: {  	_ =	swait.ge [sflag:s7], $0x1800  }
0x51: {  	[sflag:s7] =	ssyncset.done $0x0  }
0x52: {  	s18 =	rddreg [dreg:$0x6];
	[sflag:s7] =	ssyncadd.s32 $0xFFFFE800  }
0x53: {  	[spmem:s18] =	stream.linear.scatter [tilespmem:s3], [sflag:$0xD], $0x1800, $0x38;
	[tilespmem:$0x1F280] =	vst v63  }
0x54: {  	_ =	swait.ge [sflag:s7], $0x1800  }
0x55: {  	[sflag:s7] =	ssyncset.done $0x0  }
0x56: {  	s19 =	rddreg [dreg:$0x7];
	[sflag:s7] =	ssyncadd.s32 $0xFFFFE800  }
0x57: {  	[spmem:s19] =	stream.linear.scatter [tilespmem:s3], [sflag:$0xD], $0x1800, $0x38;
	[tilespmem:$0x1F280] =	vst v63  }
0x58: {  	_ =	swait.ge [sflag:s7], $0x1800  }
0x59: {  	[sflag:s7] =	ssyncset.done $0x0  }
0x5a: {  	s20 =	rddreg [dreg:$0x8];
	[sflag:s7] =	ssyncadd.s32 $0xFFFFE800  }
0x5b: {  	[spmem:s20] =	stream.linear.scatter [tilespmem:s3], [sflag:$0xD], $0x1800, $0x38;
	[tilespmem:$0x1F280] =	vst v63  }
0x5c: {  	_ =	swait.ge [sflag:s7], $0x1800  }
0x5d: {  	[sflag:s7] =	ssyncset.done $0x0  }
0x5e: {  	s21 =	rddreg [dreg:$0x9];
	[sflag:s7] =	ssyncadd.s32 $0xFFFFE800  }
0x5f: {  	[spmem:s21] =	stream.linear.scatter [tilespmem:s3], [sflag:$0xD], $0x1800, $0x38;
	[tilespmem:$0x1F280] =	vst v63  }
0x60: {  	_ =	swait.ge [sflag:s7], $0x1800  }
0x61: {  	[sflag:s7] =	ssyncset.done $0x0  }
0x62: {  	s22 =	rddreg [dreg:$0x15];
	[sflag:s7] =	ssyncadd.s32 $0xFFFFE800  }
0x63: {  	[spmem:s22] =	stream.linear.scatter [tilespmem:s3], [sflag:$0xD], $0x1800, $0x38;
	[tilespmem:$0x1F280] =	vst v63  }
0x64: {  	_ =	swait.ge [sflag:s7], $0x1800  }
0x65: {  	[sflag:s7] =	ssyncset.done $0x0  }
0x66: {  	s23 =	rddreg [dreg:$0x16];
	[sflag:s7] =	ssyncadd.s32 $0xFFFFE800  }
0x67: {  	[spmem:s23] =	stream.linear.scatter [tilespmem:s3], [sflag:$0xD], $0x1800, $0x38;
	[tilespmem:$0x1F280] =	vst v63  }
0x68: {  	_ =	swait.ge [sflag:s7], $0x1800  }
0x69: {  	[sflag:s7] =	ssyncset.done $0x0  }
0x6a: {  	s24 =	rddreg [dreg:$0x17];
	[sflag:s7] =	ssyncadd.s32 $0xFFFFE800  }
0x6b: {  	[spmem:s24] =	stream.linear.scatter [tilespmem:s3], [sflag:$0xD], $0x1800, $0x38;
	[tilespmem:$0x1F280] =	vst v63  }
0x6c: {  	_ =	swait.ge [sflag:s7], $0x1800  }
0x6d: {  	[sflag:s7] =	ssyncset.done $0x0  }
0x6e: {  	[sflag:s7] =	ssyncadd.s32 $0xFFFFE800  }
0x6f: {  	[spmem:s30] =	stream.linear.scatter [tilespmem:s3], [sflag:$0xD], $0x1800, $0x38;
	[tilespmem:$0x1F280] =	vst v63  }
0x70: {  	_ =	swait.ge [sflag:s7], $0x1800  }
0x71: {  	[sflag:s7] =	ssyncset.done $0x0  }
0x72: {  	[sflag:s7] =	ssyncadd.s32 $0xFFFFE800  }
0x73: {  	[spmem:s31] =	stream.linear.scatter [tilespmem:s3], [sflag:$0xD], $0x1800, $0x38;
	[tilespmem:$0x1F280] =	vst v63  }
0x74: {  	_ =	swait.ge [sflag:s7], $0x1800  }
0x75: {  	[sflag:s7] =	ssyncset.done $0x0  }
0x76: {  	s17 =	simm.s32 @!p0 $0xA200;
	[sflag:s7] =	ssyncadd.s32 $0xFFFFE800  }
0x77: {  	[spmem:s0] =	stream.linear.scatter @!p0 [tilespmem:s17], [sflag:$0xD], $0x800, $0x38;
	[tilespmem:$0x1F280] =	vst v63  }
0x78: {  	s17 =	simm.s32 @!p0 $0xD  }
0x79: {  	_ =	swait.ge @!p0 [sflag:s17], $0x800  }
0x7a: {  	[sflag:s17] =	ssyncset.done @!p0 $0x0  }
0x7b: {  	[sflag:s17] =	ssyncadd.s32 @!p0 $0xFFFFF800  }
0x7c: {  	[bflag:$0x0] =	sbarrier.arrive $0xFFFF  }
0x7d: {  	s18 =	rddreg [dreg:$0xa]  }
0x7e: {  	s25 =	rddreg [dreg:$0xb]  }
0x7f: {  	s26 =	rddreg [dreg:$0xc]  }
0x80: {  	s17 =	simm.s32 $0x0;
	s28 =	rddreg [dreg:$0xd]  }
0x81: {  	[tilespmem:s17], [sflag:$0x1] =	stream.linear.gather [hbm4b:s18+s17], $0x2800, $0x38;
	[tilespmem:$0x1F280] =	vst v63  }
0x82: {  	s24 =	rddreg [dreg:$0x13]  }
0x83: {  	[tilespmem:s8], [sflag:$0x5] =	stream.linear.gather [hbm4b:s25+s17], $0x50, $0x38;
	[tilespmem:$0x1F280] =	vst v63  }
.Ltmp3:
0x84: {  	s23 =	rddreg [dreg:$0x12];
	(pc) =	sbr.rel .LBB2_4-.Ltmp3, $4  }
0x85: {  	s19 =	simm.s32 $0x2800;
	s22 =	rddreg [dreg:$0x11]  }
0x86: {  	[tilespmem:s19], [sflag:$0x2] =	stream.linear.gather [hbm4b:s26+s17], $0x2800, $0x38;
	[tilespmem:$0x1F280] =	vst v63  }
0x87: {  	s29 =	simm.s32 $0xA080;
	s21 =	rddreg [dreg:$0x10];
	s18 =	simm.s32 $0x3  }
0x88: {  	[tilespmem:s29], [sflag:$0x6] =	stream.linear.gather [hbm4b:s28+s17], $0x50, $0x38;
	[tilespmem:$0x1F280] =	vst v63  }
.LBB2_6:
0x89: {  	p3 =	sgt.u32 s17, $0x1E  }
0x8a: {  	s26 =	simm.s32 @!p3 $0x2  }
0x8b: {  	_ =	swait.ge @!p3 [sflag:s26], $0x2800  }
0x8c: {  	[sflag:s26] =	ssyncset.done @!p3 $0x0  }
0x8d: {  	[sflag:s26] =	ssyncadd.s32 @!p3 $0xFFFFD800;
	s26 =	simm.s32 @!p3 $0x6  }
0x8e: {  	_ =	swait.ge @!p3 [sflag:s26], $0x50  }
0x8f: {  	s28 =	simm.s32 @!p3 $0xA080;
	[sflag:s26] =	ssyncset.done @!p3 $0x0  }
0x90: {  	s29 =	simm.s32 @!p3 $0x2800;
	[sflag:s26] =	ssyncadd.s32 @!p3 $0xFFFFFFB0;
	s26 =	simm.s32 @!p3 $0x50  }
0x91: {  	[spmem:s1] =	stream.indirect.scatter.add.f32 @!p3 [tilespmem:s29], [sflag:$0xA], $0x80, s28, s26, $0xb8;
	[tilespmem:$0x1F280] =	vst v63  }
0x92: {  	_ =	swait.ge [sflag:s15], $0x2800  }
0x93: {  	p3 =	seq.s32 s18, $0x7F;
	[sflag:s15] =	ssyncset.done $0x0  }
0x94: {  	s26 =	sadd.s32 @!p3 $0xFFFFFB00, s21;
	s28 =	simm.s32 @!p3 $0x0;
	[sflag:s15] =	ssyncadd.s32 $0xFFFFD800  }
0x95: {  	[tilespmem:s28], [sflag:$0x1] =	stream.linear.gather @!p3 [hbm4b:s26+s28], $0x2800, $0x38;
	[tilespmem:$0x1F280] =	vst v63  }
0x96: {  	s26 =	sshrl.u32 @!p3 s23, $0x3  }
0x97: {  	s29 =	simm.s32 @!p3 $0xA000;
	s26 =	sadd.s32 @!p3 s5, s26  }
0x98: {  	[tilespmem:s29], [sflag:$0x5] =	stream.linear.gather @!p3 [hbm4b:s26+s28], $0x50, $0x38;
	[tilespmem:$0x1F280] =	vst v63  }
0x99: {  	s26 =	simm.s32 @!p1 $0x3  }
0x9a: {  	_ =	swait.ge @!p1 [sflag:s26], $0x2800  }
0x9b: {  	[sflag:s26] =	ssyncset.done @!p1 $0x0  }
0x9c: {  	[sflag:s26] =	ssyncadd.s32 @!p1 $0xFFFFD800;
	s26 =	simm.s32 @!p1 $0x7  }
0x9d: {  	_ =	swait.ge @!p1 [sflag:s26], $0x50  }
0x9e: {  	[sflag:s26] =	ssyncset.done @!p1 $0x0  }
0x9f: {  	[sflag:s26] =	ssyncadd.s32 @!p1 $0xFFFFFFB0;
	s26 =	simm.s32 @!p1 $0x50  }
0xa0: {  	[spmem:s1] =	stream.indirect.scatter.add.f32 @!p1 [tilespmem:s19], [sflag:$0xB], $0x80, s25, s26, $0xb8;
	[tilespmem:$0x1F280] =	vst v63  }
0xa1: {  	p1 =	sgt.u32 s20, $0x7E  }
0xa2: {  	s19 =	simm.s32 @!p1 $0xA  }
0xa3: {  	_ =	swait.ge @!p1 [sflag:s19], $0x2800  }
0xa4: {  	p3 =	sgt.u32 s17, $0x1D;
	[sflag:s19] =	ssyncset.done @!p1 $0x0  }
0xa5: {  	s20 =	simm.s32 @!p3 $0x2800;
	[sflag:s19] =	ssyncadd.s32 @!p1 $0xFFFFD800;
	s19 =	simm.s32 @!p3 $0x0  }
0xa6: {  	[tilespmem:s20], [sflag:$0x2] =	stream.linear.gather @!p3 [hbm4b:s21+s19], $0x2800, $0x38;
	[tilespmem:$0x1F280] =	vst v63  }
0xa7: {  	s20 =	simm.s32 @!p3 $0xA080  }
0xa8: {  	[tilespmem:s20], [sflag:$0x6] =	stream.linear.gather @!p3 [hbm4b:s22+s19], $0x50, $0x38;
	[tilespmem:$0x1F280] =	vst v63  }
0xa9: {  	s19 =	simm.s32 @p2 $0x4  }
0xaa: {  	s24 =	sadd.s32 $0x28, s24;
	s18 =	sadd.s32 $0x4, s18;
	_ =	swait.ge @p2 [sflag:s19], $0x2800  }
0xab: {  	s23 =	sadd.s32 $0x140, s23;
	p1 =	sne.s32 s18, $0x83;
	[sflag:s19] =	ssyncset.done @p2 $0x0  }
.Ltmp4:
0xac: {  	[sflag:s19] =	ssyncadd.s32 @p2 $0xFFFFD800;
	s19 =	simm.s32 @p2 $0x8;
	(pc) =	sbr.rel @!p1 .LBB2_7-.Ltmp4, $4  }
0xad: {  	s17 =	sadd.s32 $0x1, s17;
	s25 =	simm.s32 @p2 $0x7800;
	_ =	swait.ge @p2 [sflag:s19], $0x50  }
0xae: {  	s21 =	sadd.s32 $0x1400, s21;
	s20 =	simm.s32 @p2 $0xA180;
	[sflag:s19] =	ssyncset.done @p2 $0x0  }
0xaf: {  	s22 =	sadd.s32 $0x28, s22;
	[sflag:s19] =	ssyncadd.s32 @p2 $0xFFFFFFB0;
	s19 =	simm.s32 @p2 $0x50  }
0xb0: {  	[spmem:s1] =	stream.indirect.scatter.add.f32 @p2 [tilespmem:s25], [sflag:$0xC], $0x80, s20, s19, $0xb8;
	[tilespmem:$0x1F280] =	vst v63  }
.LBB2_4:
0xb1: {  	s19 =	sadd.s32 $0xFFFFFFFB, s18  }
0xb2: {  	p1 =	sgt.u32 s19, $0x7C  }
0xb3: {  	s19 =	simm.s32 @!p1 $0xB  }
0xb4: {  	_ =	swait.ge @!p1 [sflag:s19], $0x2800  }
0xb5: {  	s20 =	sadd.s32 $0xFFFFFFFF, s18;
	[sflag:s19] =	ssyncset.done @!p1 $0x0  }
0xb6: {  	[sflag:s19] =	ssyncadd.s32 @!p1 $0xFFFFD800;
	p1 =	sgt.u32 s20, $0x7C  }
0xb7: {  	s20 =	sadd.s32 @!p1 $0xFFFFF100, s21;
	s26 =	simm.s32 @!p1 $0x0;
	s19 =	simm.s32 @!p1 $0x5000  }
0xb8: {  	[tilespmem:s19], [sflag:$0x3] =	stream.linear.gather @!p1 [hbm4b:s20+s26], $0x2800, $0x38;
	[tilespmem:$0x1F280] =	vst v63  }
0xb9: {  	s25 =	simm.s32 @!p1 $0xA100  }
0xba: {  	[tilespmem:s25], [sflag:$0x7] =	stream.linear.gather @!p1 [hbm4b:s24+s26], $0x50, $0x38;
	[tilespmem:$0x1F280] =	vst v63  }
0xbb: {  	_ =	swait.ge [sflag:s10], $0x2800  }
0xbc: {  	[sflag:s10] =	ssyncset.done $0x0  }
0xbd: {  	p3 =	seq.s32 s18, $0x3;
	[sflag:s10] =	ssyncadd.s32 $0xFFFFD800  }
0xbe: {  	p2 =	sgt.u32 @!p3 s18, $0x7C;
	_ =	swait.ge [sflag:s11], $0x50  }
0xbf: {  	p4 =	por p3, !p2;
	[sflag:s11] =	ssyncset.done $0x0  }
.Ltmp5:
0xc0: {  	s20 =	simm.s32 @!p3 $0xC;
	[sflag:s11] =	ssyncadd.s32 $0xFFFFFFB0;
	(pc) =	sbr.rel @!p4 .LBB2_6-.Ltmp5, $4  }
0xc1: {  	[spmem:s1] =	stream.indirect.scatter.add.f32 [tilespmem:s2], [sflag:$0x9], $0x80, s8, s12, $0xb8;
	[tilespmem:$0x1F280] =	vst v63  }
0xc2: {  	_ =	swait.ge @!p3 [sflag:s20], $0x2800  }
0xc3: {  	[sflag:s20] =	ssyncset.done @!p3 $0x0  }
0xc4: {  	p2 =	por @!p3 $0x0, $0x0;
	[sflag:s20] =	ssyncadd.s32 @!p3 $0xFFFFD800;
	s20 =	smov.u32 s18  }
0xc5: {  	s20 =	smov.u32 s18  }
0xc6: {  	s20 =	simm.s32 @p3 $0x3  }
0xc7: {  	s26 =	smul.u32 $0x50, s20;
	_ =	sdelay $0x1  }
0xc8: {  	s26 =	sadd.s32 s9, s26  }
.Ltmp6:
0xc9: {  	s28 =	sshll.u32 s26, $0x4;
	(pc) =	sbr.rel .LBB2_6-.Ltmp6, $4  }
0xca: {  	s26 =	sshrl.u32 s26, $0x3;
	s28 =	sadd.s32 s4, s28  }
0xcb: {  	[tilespmem:s13], [sflag:$0x4] =	stream.linear.gather [hbm4b:s28+s2], $0x2800, $0x38;
	[tilespmem:$0x1F280] =	vst v63  }
0xcc: {  	p2 =	por $0x1, $0x1;
	s26 =	sadd.s32 s5, s26  }
0xcd: {  	[tilespmem:s14], [sflag:$0x8] =	stream.linear.gather [hbm4b:s26+s2], $0x50, $0x38;
	[tilespmem:$0x1F280] =	vst v63  }
.LBB2_8:
0xce: {  	_ =	sfence.sel $0x180000  }
0xcf: {  	[bflag:$0x0] =	sbarrier.arrive $0xFFFF  }
0xd0: {  	_ =	strace $0x90000047  }
0xd1: {  	s0 =	stileid.u32;
	[bflag:$0x2] =	sbarrier.arrive $0xFFFF  }
0xd2: {  	p0 =	sne.s32 s0, $0x0;
	s0 =	rddreg [dreg:$0x2]  }
0xd3: {  	s0 =	sadd.s32 @!p0 $0x100000, s0  }
0xd4: {  	[sflag:s0] =	ssyncadd.tile.s32 @!p0 $0x1;
	_ =	shalt  }
.Lfunc_end2:
_tile_overlayer_lowered:
.L_overlay_start_2:
0xd5: {  	(tag) =	ssettag $0x2  }
0xd6: {  	s0 =	rddreg [dreg:$0x0];
	s2 =	stileid.u32  }
0xd7: {  	s1 =	rddreg [dreg:$0x1];
	p0 =	sne.s32 s2, $0x0  }
0xd8: {  	s3 =	rddreg [dreg:$0x2];
	[bflag:$0x3] =	sbarrier.arrive $0xFFFF;
	s2 =	simm.s32 @!p0 $0x1C0D  }
0xd9: {  	[timem:s3], [sflag:s2] =	dma.local @!p0 [hbm:s0], s1  }
0xda: {  	s0 =	simm.s32 @!p0 $0xD  }
0xdb: {  	_ =	swait.ge @!p0 [sflag:s0], s1  }
0xdc: {  	s1 =	ssub.s32 @!p0 $0x0, s1;
	[sflag:s0] =	ssyncset.done @!p0 $0x0  }
0xdd: {  	[sflag:s0] =	ssyncadd.s32 @!p0 s1  }
0xde: {  	[bflag:$0x3] =	sbarrier.arrive $0xFFFF  }
0xdf: {  	_ =	shalt  }

</sc_bundles>
